<compile_context>
chip_gen: v7x
topology: tpu7x:2x2x1
jax: 0.10.2.dev20260603
libtpu: 0.0.44.dev20260713+nightly
codegen_flags: <defaults>
</compile_context>

<pallas_src>
import functools

import jax
import jax.numpy as jnp
from jax import lax
from jax.experimental import pallas as pl
from jax.experimental.pallas import tpu as pltpu
from jax.experimental.pallas import tpu_sc as plsc

BATCH = 1024
NCLS = 100000
CHUNK = 20000
NCHUNK = NCLS // CHUNK
GROUP = 10
SG = 25
NGROUP = CHUNK // (16 * GROUP)
NSG = NGROUP // SG
NBUF = 4
NEG = float("-inf")

_info = plsc.get_sparse_core_info()
_NC, _NS = _info.num_cores, _info.num_subcores
NWORK = _NC * _NS
ROWS_PER_W = BATCH // NWORK


def _iota16():
    return lax.iota(jnp.int32, 16)


def _splat(x):
    return jnp.full((16,), x, dtype=jnp.float32)


def _sort_asc(v):
    return plsc.sort_key_val(v, v)[0]


def _sort_desc(v):
    return plsc.sort_key_val(v, v, descending=True)[0]


def _scalar(v):
    return jnp.squeeze(lax.slice(v, (0,), (1,)))


def _lane(v, i):
    return _splat(lax.reduce_max(jnp.where(_iota16() == i, v, NEG), axes=(0,)))


def _any_ge(v, thr):
    return _scalar(plsc.all_reduce_population_count(v >= thr)) > 0


def _tree_max(vs):
    while len(vs) > 1:
        vs = [jnp.maximum(a, b) for a, b in zip(vs[::2], vs[1::2])] + (
            [vs[-1]] if len(vs) % 2 else [])
    return vs[0]


def _merge(t_asc, v):
    vd = _sort_desc(v)
    t_new = _sort_asc(jnp.maximum(t_asc, vd))
    return t_new, _lane(t_new, 6)


def _sc_body(results_hbm, labels_hbm, out_hbm,
             buf_a, buf_b, buf_c, buf_d, mbuf, labels_v, out_v,
             sem_a, sem_b, sem_c, sem_d):
    wid = lax.axis_index("s") * _NC + lax.axis_index("c")
    base = wid * ROWS_PER_W

    pltpu.sync_copy(labels_hbm.at[pl.ds(base, ROWS_PER_W)], labels_v)

    def start(buf, sem, ch):
        row = base + ch // NCHUNK
        col = (ch % NCHUNK) * CHUNK
        pltpu.make_async_copy(
            results_hbm.at[row, pl.ds(col, CHUNK)], buf, sem).start()

    def wait(buf, sem, ch):
        row = base + ch // NCHUNK
        col = (ch % NCHUNK) * CHUNK
        pltpu.make_async_copy(
            results_hbm.at[row, pl.ds(col, CHUNK)], buf, sem).wait()

    def label_of(row_local):
        q = pl.multiple_of((row_local // 16) * 16, 16)
        lv = labels_v[pl.ds(q, 16)]
        lane = row_local - q
        return lax.reduce_max(
            jnp.where(_iota16() == lane, lv, 0), axes=(0,))

    def compute_chunk(buf, ch, carry):
        t, tvf = carry
        c = ch % NCHUNK
        row_local = ch // NCHUNK
        is_start = c == 0
        t = jnp.where(is_start, _splat(NEG), t)
        tvf = jnp.where(is_start, _splat(NEG), tvf)

        j = label_of(row_local)
        cj = j // CHUNK
        off = j - cj * CHUNK

        @pl.when(c == cj)
        def _():
            a = pl.multiple_of((off // 16) * 16, 16)
            lane = off - a
            v = buf[pl.ds(a, 16)]
            buf[pl.ds(a, 16)] = jnp.where(_iota16() == lane, -v, v)

        @plsc.parallel_loop(0, NGROUP, unroll=5, carry=_splat(NEG))
        def M(g, acc):
            vs = [buf[pl.ds(g * (16 * GROUP) + k * 16, 16)]
                  for k in range(GROUP)]
            m = _tree_max(vs)
            mbuf[pl.ds(g * 16, 16)] = m
            return jnp.maximum(acc, m)

        tvf = jnp.maximum(tvf, _lane(_sort_asc(M), 6))

        def sg_step(s, carry):
            t, tvf = carry
            ms = [mbuf[pl.ds((s * SG + i) * 16, 16)] for i in range(SG)]
            sgm = _tree_max(ms)

            def descend():
                def grp(g2, carry):
                    t, tvf = carry
                    gbase = (s * SG + g2) * GROUP * 16
                    m = mbuf[pl.ds((s * SG + g2) * 16, 16)]

                    def grp_descend():
                        tt, tw = t, tvf
                        for k in range(GROUP):
                            v = mbuf[pl.ds((s * SG + g2) * 16, 16)]
                            tt, tw = lax.cond(
                                _any_ge(v, tw),
                                lambda tt=tt, tw=tw, v=v: _do_merge(tt, tw, v),
                                lambda tt=tt, tw=tw: (tt, tw))
                        return tt, tw

                    def _do_merge(tt, tw, v):
                        tn, tenth = _merge(tt, v)
                        return tn, jnp.maximum(tw, tenth)

                    return lax.cond(
                        _any_ge(m, tvf), grp_descend, lambda: (t, tvf))

                return lax.fori_loop(0, SG, grp, (t, tvf))

            return lax.cond(_any_ge(sgm, tvf), descend, lambda: (t, tvf))

        t, tvf = lax.fori_loop(0, NSG, sg_step, (t, tvf))

        @pl.when(c == NCHUNK - 1)
        def _():
            out_v[row_local, :] = t

        return t, tvf

    carry0 = (_splat(NEG), _splat(NEG))
    total = ROWS_PER_W * NCHUNK
    bufs = [buf_a, buf_b, buf_c, buf_d]
    sems = [sem_a, sem_b, sem_c, sem_d]
    for i in range(NBUF):
        start(bufs[i], sems[i], i)

    def ring(g, carry):
        ch0 = NBUF * g
        for i in range(NBUF):
            ch = ch0 + i
            wait(bufs[i], sems[i], ch)
            carry = compute_chunk(bufs[i], ch, carry)

            @pl.when(ch + NBUF < total)
            def _(i=i, ch=ch):
                start(bufs[i], sems[i], ch + NBUF)
        return carry

    lax.fori_loop(0, total // NBUF, ring, carry0)
    pltpu.sync_copy(out_v, out_hbm.at[pl.ds(base, ROWS_PER_W), :])


_sc_topk = functools.partial(
    pl.kernel,
    out_type=jax.ShapeDtypeStruct((BATCH, 16), jnp.float32),
    mesh=plsc.VectorSubcoreMesh(core_axis_name="c", subcore_axis_name="s"),
    scratch_types=[
        pltpu.VMEM((CHUNK,), jnp.float32),
        pltpu.VMEM((CHUNK,), jnp.float32),
        pltpu.VMEM((CHUNK,), jnp.float32),
        pltpu.VMEM((CHUNK,), jnp.float32),
        pltpu.VMEM((NGROUP * 16,), jnp.float32),
        pltpu.VMEM((ROWS_PER_W,), jnp.int32),
        pltpu.VMEM((ROWS_PER_W, 16), jnp.float32),
        pltpu.SemaphoreType.DMA,
        pltpu.SemaphoreType.DMA,
        pltpu.SemaphoreType.DMA,
        pltpu.SemaphoreType.DMA,
    ],
    compiler_params=pltpu.CompilerParams(
        use_tc_tiling_on_sc=False, needs_layout_passes=False),
)(_sc_body)


def _loss_body(x_ref, o_ref):
    x = x_ref[...]
    col = lax.broadcasted_iota(jnp.int32, (BATCH, 16), 1)
    sp = jnp.logaddexp(jnp.float32(0.0), x)
    s = jnp.sum(jnp.where(col >= 6, sp, jnp.float32(0.0))) / (BATCH * 10.0)
    o_ref[...] = s.reshape(1, 1)


def kernel(results, labels):
    top16 = _sc_topk(results, labels)
    loss = pl.pallas_call(
        _loss_body,
        out_shape=jax.ShapeDtypeStruct((1, 1), jnp.float32),
    )(top16)
    return loss[0, 0]

# --- scband reference (transcript-rebuilt; emitter-appended) ---
"""Pipeline reference for scband-sigmoid-loss-10591389352108 (READ-ONLY COPY).

The authoritative reference and input builder live on the scoring server;
editing this copy changes nothing except your own understanding.
"""

import jax, jax.numpy as jnp
import numpy as np

TOPK = 10
BATCH = 1024
NUM_CLASSES = 100000


def setup_inputs(seed: int = 0) -> dict:
    key = jax.random.key(seed)
    k1, k2 = jax.random.split(key)
    results = jax.random.normal(k1, (BATCH, NUM_CLASSES), dtype=jnp.float32)
    labels = jax.random.randint(k2, (BATCH,), 0, NUM_CLASSES, dtype=jnp.int32)
    return {"results": results, "labels": labels}


def reference(results, labels):
    # Faithful translation of sigmoid_loss.forward
    if results.ndim == 1:
        results = results.reshape(1, -1)
    batch_size, class_num = results.shape
    labels = labels.reshape(-1)
    # one_hot via scatter-overwrite (torch scatter_(1, labels, 1))
    one_hot_target = jnp.zeros((batch_size, class_num), dtype=results.dtype)
    one_hot_target = one_hot_target.at[jnp.arange(batch_size), labels].set(1.0)
    error = jnp.abs(one_hot_target - jax.nn.sigmoid(results))
    # topk along class dim (values only, sorted)
    error, _ = jax.lax.top_k(error, TOPK)
    # torch.logit
    error = jnp.log(error) - jnp.log1p(-error)
    # BCEWithLogitsLoss with zero targets, mean reduction:
    # loss = mean(softplus(x)) = mean(log(1 + exp(x)))
    error_loss = jnp.mean(jnp.logaddexp(0.0, error))
    return error_loss

if __name__ == "__main__":
    import jax
    _d = setup_inputs()
    print(jax.jit(kernel)(*tuple(_d.values())))

</pallas_src>

<mosaic_0001>
#map = affine_map<(d0, d1) -> (0, 0)>
#map1 = affine_map<(d0, d1) -> (0)>
module attributes {stable_mosaic.version = 14 : i64} {
  func.func @_sc_body(%arg0: i32, %arg1: i32, %arg2: memref<1024x100000xf32, #tpu.memory_space<hbm>>, %arg3: memref<1024xi32, #tpu.memory_space<hbm>>, %arg4: memref<1024x16xf32, #tpu.memory_space<hbm>>, %arg5: memref<20000xf32, #tpu.memory_space<vmem>>, %arg6: memref<20000xf32, #tpu.memory_space<vmem>>, %arg7: memref<20000xf32, #tpu.memory_space<vmem>>, %arg8: memref<20000xf32, #tpu.memory_space<vmem>>, %arg9: memref<2000xf32, #tpu.memory_space<vmem>>, %arg10: memref<32xi32, #tpu.memory_space<vmem>>, %arg11: memref<32x16xf32, #tpu.memory_space<vmem>>, %arg12: memref<!tpu.dma_semaphore, #tpu.memory_space<semaphore_mem>>, %arg13: memref<!tpu.dma_semaphore, #tpu.memory_space<semaphore_mem>>, %arg14: memref<!tpu.dma_semaphore, #tpu.memory_space<semaphore_mem>>, %arg15: memref<!tpu.dma_semaphore, #tpu.memory_space<semaphore_mem>>) attributes {dimension_semantics = [#tpu.dimension_semantics<core_parallel>, #tpu.dimension_semantics<subcore_parallel>], iteration_bounds = array<i64: 2, 16>, scalar_prefetch = 0 : i64, scratch_operands = 11 : i64, tpu.core_type = #tpu.core_type<sc_vector_subcore>, window_params = [{transform_indices = #map}, {transform_indices = #map1}, {transform_indices = #map}]} {
    %mul3A = arith.constant 2 : i32
    %mul3A_0 = arith.muli %arg1, %mul3A : i32
    %add3A = arith.addi %mul3A_0, %arg0 : i32
    %mul3A_1 = arith.constant 32 : i32
    %mul3A_2 = arith.muli %add3A, %mul3A_1 : i32
    "tpu.region"() ({
      %run_scoped3A = tpu.sem_alloc : memref<!tpu.dma_semaphore, #tpu.memory_space<semaphore_mem>>
      %dma_start3A_42 = tpu.memref_slice %arg3[%mul3A_2] : memref<1024xi32, #tpu.memory_space<hbm>> -> memref<32xi32, #tpu.memory_space<hbm>>
      %dma_start3A_43 = tpu.memref_slice %arg3[%mul3A_2] : memref<1024xi32, #tpu.memory_space<hbm>> -> memref<32xi32, #tpu.memory_space<hbm>>
      tpu.enqueue_dma source(%dma_start3A_43 : memref<32xi32, #tpu.memory_space<hbm>>) target(%arg10 : memref<32xi32, #tpu.memory_space<vmem>>) target_semaphore(%run_scoped3A : memref<!tpu.dma_semaphore, #tpu.memory_space<semaphore_mem>>)
      %dma_wait3A = tpu.memref_slice %arg3[%mul3A_2] : memref<1024xi32, #tpu.memory_space<hbm>> -> memref<32xi32, #tpu.memory_space<hbm>>
      %dma_wait3A_44 = tpu.memref_slice %arg3[%mul3A_2] : memref<1024xi32, #tpu.memory_space<hbm>> -> memref<32xi32, #tpu.memory_space<hbm>>
      tpu.wait_dma2 semaphore(%run_scoped3A : memref<!tpu.dma_semaphore, #tpu.memory_space<semaphore_mem>>) src(%dma_wait3A_44 : memref<32xi32, #tpu.memory_space<hbm>>) dst(%arg10 : memref<32xi32, #tpu.memory_space<vmem>>)
      tpu.yield
    }) : () -> ()
    %broadcast_in_dim3A = arith.constant 0xFF800000 : f32
    %broadcast_in_dim3A_3 = vector.broadcast %broadcast_in_dim3A : f32 to vector<16xf32>
    %broadcast_in_dim3A_4 = arith.constant 0xFF800000 : f32
    %broadcast_in_dim3A_5 = vector.broadcast %broadcast_in_dim3A_4 : f32 to vector<16xf32>
    %add3A_6 = arith.constant 0 : i32
    %add3A_7 = arith.addi %mul3A_2, %add3A_6 : i32
    %dma_start3A = arith.constant 0 : i32
    %dma_start3A_8 = tpu.memref_slice %arg2[%add3A_7, %dma_start3A] : memref<1024x100000xf32, #tpu.memory_space<hbm>> -> memref<1x20000xf32, #tpu.memory_space<hbm>>
    %dma_start3A_9 = tpu.memref_squeeze %dma_start3A_8 : memref<1x20000xf32, #tpu.memory_space<hbm>> -> memref<20000xf32, #tpu.memory_space<hbm>>
    %dma_start3A_10 = arith.constant 0 : i32
    %dma_start3A_11 = tpu.memref_slice %arg2[%add3A_7, %dma_start3A_10] : memref<1024x100000xf32, #tpu.memory_space<hbm>> -> memref<1x20000xf32, #tpu.memory_space<hbm>>
    %dma_start3A_12 = tpu.memref_squeeze %dma_start3A_11 : memref<1x20000xf32, #tpu.memory_space<hbm>> -> memref<20000xf32, #tpu.memory_space<hbm>>
    tpu.enqueue_dma source(%dma_start3A_12 : memref<20000xf32, #tpu.memory_space<hbm>>) target(%arg5 : memref<20000xf32, #tpu.memory_space<vmem>>) target_semaphore(%arg12 : memref<!tpu.dma_semaphore, #tpu.memory_space<semaphore_mem>>)
    %add3A_13 = arith.constant 0 : i32
    %add3A_14 = arith.addi %mul3A_2, %add3A_13 : i32
    %dma_start3A_15 = arith.constant 20000 : i32
    %dma_start3A_16 = tpu.memref_slice %arg2[%add3A_14, %dma_start3A_15] : memref<1024x100000xf32, #tpu.memory_space<hbm>> -> memref<1x20000xf32, #tpu.memory_space<hbm>>
    %dma_start3A_17 = tpu.memref_squeeze %dma_start3A_16 : memref<1x20000xf32, #tpu.memory_space<hbm>> -> memref<20000xf32, #tpu.memory_space<hbm>>
    %dma_start3A_18 = arith.constant 20000 : i32
    %dma_start3A_19 = tpu.memref_slice %arg2[%add3A_14, %dma_start3A_18] : memref<1024x100000xf32, #tpu.memory_space<hbm>> -> memref<1x20000xf32, #tpu.memory_space<hbm>>
    %dma_start3A_20 = tpu.memref_squeeze %dma_start3A_19 : memref<1x20000xf32, #tpu.memory_space<hbm>> -> memref<20000xf32, #tpu.memory_space<hbm>>
    tpu.enqueue_dma source(%dma_start3A_20 : memref<20000xf32, #tpu.memory_space<hbm>>) target(%arg6 : memref<20000xf32, #tpu.memory_space<vmem>>) target_semaphore(%arg13 : memref<!tpu.dma_semaphore, #tpu.memory_space<semaphore_mem>>)
    %add3A_21 = arith.constant 0 : i32
    %add3A_22 = arith.addi %mul3A_2, %add3A_21 : i32
    %dma_start3A_23 = arith.constant 40000 : i32
    %dma_start3A_24 = tpu.memref_slice %arg2[%add3A_22, %dma_start3A_23] : memref<1024x100000xf32, #tpu.memory_space<hbm>> -> memref<1x20000xf32, #tpu.memory_space<hbm>>
    %dma_start3A_25 = tpu.memref_squeeze %dma_start3A_24 : memref<1x20000xf32, #tpu.memory_space<hbm>> -> memref<20000xf32, #tpu.memory_space<hbm>>
    %dma_start3A_26 = arith.constant 40000 : i32
    %dma_start3A_27 = tpu.memref_slice %arg2[%add3A_22, %dma_start3A_26] : memref<1024x100000xf32, #tpu.memory_space<hbm>> -> memref<1x20000xf32, #tpu.memory_space<hbm>>
    %dma_start3A_28 = tpu.memref_squeeze %dma_start3A_27 : memref<1x20000xf32, #tpu.memory_space<hbm>> -> memref<20000xf32, #tpu.memory_space<hbm>>
    tpu.enqueue_dma source(%dma_start3A_28 : memref<20000xf32, #tpu.memory_space<hbm>>) target(%arg7 : memref<20000xf32, #tpu.memory_space<vmem>>) target_semaphore(%arg14 : memref<!tpu.dma_semaphore, #tpu.memory_space<semaphore_mem>>)
    %add3A_29 = arith.constant 0 : i32
    %add3A_30 = arith.addi %mul3A_2, %add3A_29 : i32
    %dma_start3A_31 = arith.constant 60000 : i32
    %dma_start3A_32 = tpu.memref_slice %arg2[%add3A_30, %dma_start3A_31] : memref<1024x100000xf32, #tpu.memory_space<hbm>> -> memref<1x20000xf32, #tpu.memory_space<hbm>>
    %dma_start3A_33 = tpu.memref_squeeze %dma_start3A_32 : memref<1x20000xf32, #tpu.memory_space<hbm>> -> memref<20000xf32, #tpu.memory_space<hbm>>
    %dma_start3A_34 = arith.constant 60000 : i32
    %dma_start3A_35 = tpu.memref_slice %arg2[%add3A_30, %dma_start3A_34] : memref<1024x100000xf32, #tpu.memory_space<hbm>> -> memref<1x20000xf32, #tpu.memory_space<hbm>>
    %dma_start3A_36 = tpu.memref_squeeze %dma_start3A_35 : memref<1x20000xf32, #tpu.memory_space<hbm>> -> memref<20000xf32, #tpu.memory_space<hbm>>
    tpu.enqueue_dma source(%dma_start3A_36 : memref<20000xf32, #tpu.memory_space<hbm>>) target(%arg8 : memref<20000xf32, #tpu.memory_space<vmem>>) target_semaphore(%arg15 : memref<!tpu.dma_semaphore, #tpu.memory_space<semaphore_mem>>)
    %scan3A = arith.constant 0 : i32
    %scan3A_37 = arith.constant 40 : i32
    %scan3A_38 = arith.addi %scan3A, %scan3A_37 : i32
    %scan3A_39 = arith.constant 1 : i32
    %scan3A_40:2 = scf.for %scan3A_42 = %scan3A to %scan3A_38 step %scan3A_39 iter_args(%scan3A_43 = %broadcast_in_dim3A_3, %scan3A_44 = %broadcast_in_dim3A_5) -> (vector<16xf32>, vector<16xf32>)  : i32 {
      %mul3A_45 = arith.constant 4 : i32
      %mul3A_46 = arith.muli %mul3A_45, %scan3A_42 : i32
      %add3A_47 = arith.constant 0 : i32
      %add3A_48 = arith.addi %mul3A_46, %add3A_47 : i32
      %jit3A = arith.constant 5 : i32
      %div3A = arith.divsi %add3A_48, %jit3A : i32
      %sign3A = arith.constant 0 : i32
      %sign3A_49 = arith.cmpi sgt, %add3A_48, %sign3A : i32
      %sign3A_50 = arith.extui %sign3A_49 : i1 to i32
      %sign3A_51 = arith.constant 0 : i32
      %sign3A_52 = arith.cmpi slt, %add3A_48, %sign3A_51 : i32
      %sign3A_53 = arith.extui %sign3A_52 : i1 to i32
      %sign3A_54 = arith.subi %sign3A_50, %sign3A_53 : i32
      %sign3A_55 = arith.constant 0 : i32
      %sign3A_56 = arith.cmpi sgt, %jit3A, %sign3A_55 : i32
      %sign3A_57 = arith.extui %sign3A_56 : i1 to i32
      %sign3A_58 = arith.constant 0 : i32
      %sign3A_59 = arith.cmpi slt, %jit3A, %sign3A_58 : i32
      %sign3A_60 = arith.extui %sign3A_59 : i1 to i32
      %sign3A_61 = arith.subi %sign3A_57, %sign3A_60 : i32
      %ne3A = arith.cmpi ne, %sign3A_54, %sign3A_61 : i32
      %rem3A = arith.remsi %add3A_48, %jit3A : i32
      %ne3A_62 = arith.constant 0 : i32
      %ne3A_63 = arith.cmpi ne, %rem3A, %ne3A_62 : i32
      %and3A = arith.andi %ne3A, %ne3A_63 : i1
      %sub3A = arith.constant 1 : i32
      %sub3A_64 = arith.subi %div3A, %sub3A : i32
      %select_n3A = arith.select %and3A, %sub3A_64, %div3A : i32
      %add3A_65 = arith.addi %mul3A_2, %select_n3A : i32
      %jit3A_66 = arith.constant 5 : i32
      %eq3A = arith.constant 0 : i32
      %eq3A_67 = arith.cmpi eq, %jit3A_66, %eq3A : i32
      %jit3A_68 = arith.constant 1 : i32
      %select_n3A_69 = arith.select %eq3A_67, %jit3A_68, %jit3A_66 : i32
      %rem3A_70 = arith.remsi %add3A_48, %select_n3A_69 : i32
      %ne3A_71 = arith.constant 0 : i32
      %ne3A_72 = arith.cmpi ne, %rem3A_70, %ne3A_71 : i32
      %lt3A = arith.constant 0 : i32
      %lt3A_73 = arith.cmpi slt, %rem3A_70, %lt3A : i32
      %lt3A_74 = arith.constant 0 : i32
      %lt3A_75 = arith.cmpi slt, %select_n3A_69, %lt3A_74 : i32
      %ne3A_76 = arith.xori %lt3A_73, %lt3A_75 : i1
      %and3A_77 = arith.andi %ne3A_76, %ne3A_72 : i1
      %add3A_78 = arith.addi %rem3A_70, %select_n3A_69 : i32
      %select_n3A_79 = arith.select %and3A_77, %add3A_78, %rem3A_70 : i32
      %mul3A_80 = arith.constant 20000 : i32
      %mul3A_81 = arith.muli %select_n3A_79, %mul3A_80 : i32
      %dma_wait3A = tpu.memref_slice %arg2[%add3A_65, %mul3A_81] : memref<1024x100000xf32, #tpu.memory_space<hbm>> -> memref<1x20000xf32, #tpu.memory_space<hbm>>
      %dma_wait3A_82 = tpu.memref_squeeze %dma_wait3A : memref<1x20000xf32, #tpu.memory_space<hbm>> -> memref<20000xf32, #tpu.memory_space<hbm>>
      %dma_wait3A_83 = tpu.memref_slice %arg2[%add3A_65, %mul3A_81] : memref<1024x100000xf32, #tpu.memory_space<hbm>> -> memref<1x20000xf32, #tpu.memory_space<hbm>>
      %dma_wait3A_84 = tpu.memref_squeeze %dma_wait3A_83 : memref<1x20000xf32, #tpu.memory_space<hbm>> -> memref<20000xf32, #tpu.memory_space<hbm>>
      tpu.wait_dma2 semaphore(%arg12 : memref<!tpu.dma_semaphore, #tpu.memory_space<semaphore_mem>>) src(%dma_wait3A_84 : memref<20000xf32, #tpu.memory_space<hbm>>) dst(%arg5 : memref<20000xf32, #tpu.memory_space<vmem>>)
      %jit3A_85 = arith.constant 5 : i32
      %eq3A_86 = arith.constant 0 : i32
      %eq3A_87 = arith.cmpi eq, %jit3A_85, %eq3A_86 : i32
      %jit3A_88 = arith.constant 1 : i32
      %select_n3A_89 = arith.select %eq3A_87, %jit3A_88, %jit3A_85 : i32
      %rem3A_90 = arith.remsi %add3A_48, %select_n3A_89 : i32
      %ne3A_91 = arith.constant 0 : i32
      %ne3A_92 = arith.cmpi ne, %rem3A_90, %ne3A_91 : i32
      %lt3A_93 = arith.constant 0 : i32
      %lt3A_94 = arith.cmpi slt, %rem3A_90, %lt3A_93 : i32
      %lt3A_95 = arith.constant 0 : i32
      %lt3A_96 = arith.cmpi slt, %select_n3A_89, %lt3A_95 : i32
      %ne3A_97 = arith.xori %lt3A_94, %lt3A_96 : i1
      %and3A_98 = arith.andi %ne3A_97, %ne3A_92 : i1
      %add3A_99 = arith.addi %rem3A_90, %select_n3A_89 : i32
      %select_n3A_100 = arith.select %and3A_98, %add3A_99, %rem3A_90 : i32
      %jit3A_101 = arith.constant 5 : i32
      %div3A_102 = arith.divsi %add3A_48, %jit3A_101 : i32
      %sign3A_103 = arith.constant 0 : i32
      %sign3A_104 = arith.cmpi sgt, %add3A_48, %sign3A_103 : i32
      %sign3A_105 = arith.extui %sign3A_104 : i1 to i32
      %sign3A_106 = arith.constant 0 : i32
      %sign3A_107 = arith.cmpi slt, %add3A_48, %sign3A_106 : i32
      %sign3A_108 = arith.extui %sign3A_107 : i1 to i32
      %sign3A_109 = arith.subi %sign3A_105, %sign3A_108 : i32
      %sign3A_110 = arith.constant 0 : i32
      %sign3A_111 = arith.cmpi sgt, %jit3A_101, %sign3A_110 : i32
      %sign3A_112 = arith.extui %sign3A_111 : i1 to i32
      %sign3A_113 = arith.constant 0 : i32
      %sign3A_114 = arith.cmpi slt, %jit3A_101, %sign3A_113 : i32
      %sign3A_115 = arith.extui %sign3A_114 : i1 to i32
      %sign3A_116 = arith.subi %sign3A_112, %sign3A_115 : i32
      %ne3A_117 = arith.cmpi ne, %sign3A_109, %sign3A_116 : i32
      %rem3A_118 = arith.remsi %add3A_48, %jit3A_101 : i32
      %ne3A_119 = arith.constant 0 : i32
      %ne3A_120 = arith.cmpi ne, %rem3A_118, %ne3A_119 : i32
      %and3A_121 = arith.andi %ne3A_117, %ne3A_120 : i1
      %sub3A_122 = arith.constant 1 : i32
      %sub3A_123 = arith.subi %div3A_102, %sub3A_122 : i32
      %select_n3A_124 = arith.select %and3A_121, %sub3A_123, %div3A_102 : i32
      %eq3A_125 = arith.constant 0 : i32
      %eq3A_126 = arith.cmpi eq, %select_n3A_100, %eq3A_125 : i32
      %broadcast_in_dim3A_127 = arith.constant 0xFF800000 : f32
      %broadcast_in_dim3A_128 = vector.broadcast %broadcast_in_dim3A_127 : f32 to vector<16xf32>
      %select_n3A_129 = arith.select %eq3A_126, %broadcast_in_dim3A_128, %scan3A_43 : vector<16xf32>
      %broadcast_in_dim3A_130 = arith.constant 0xFF800000 : f32
      %broadcast_in_dim3A_131 = vector.broadcast %broadcast_in_dim3A_130 : f32 to vector<16xf32>
      %select_n3A_132 = arith.select %eq3A_126, %broadcast_in_dim3A_131, %scan3A_44 : vector<16xf32>
      %jit3A_133 = arith.constant 16 : i32
      %div3A_134 = arith.divsi %select_n3A_124, %jit3A_133 : i32
      %sign3A_135 = arith.constant 0 : i32
      %sign3A_136 = arith.cmpi sgt, %select_n3A_124, %sign3A_135 : i32
      %sign3A_137 = arith.extui %sign3A_136 : i1 to i32
      %sign3A_138 = arith.constant 0 : i32
      %sign3A_139 = arith.cmpi slt, %select_n3A_124, %sign3A_138 : i32
      %sign3A_140 = arith.extui %sign3A_139 : i1 to i32
      %sign3A_141 = arith.subi %sign3A_137, %sign3A_140 : i32
      %sign3A_142 = arith.constant 0 : i32
      %sign3A_143 = arith.cmpi sgt, %jit3A_133, %sign3A_142 : i32
      %sign3A_144 = arith.extui %sign3A_143 : i1 to i32
      %sign3A_145 = arith.constant 0 : i32
      %sign3A_146 = arith.cmpi slt, %jit3A_133, %sign3A_145 : i32
      %sign3A_147 = arith.extui %sign3A_146 : i1 to i32
      %sign3A_148 = arith.subi %sign3A_144, %sign3A_147 : i32
      %ne3A_149 = arith.cmpi ne, %sign3A_141, %sign3A_148 : i32
      %rem3A_150 = arith.remsi %select_n3A_124, %jit3A_133 : i32
      %ne3A_151 = arith.constant 0 : i32
      %ne3A_152 = arith.cmpi ne, %rem3A_150, %ne3A_151 : i32
      %and3A_153 = arith.andi %ne3A_149, %ne3A_152 : i1
      %sub3A_154 = arith.constant 1 : i32
      %sub3A_155 = arith.subi %div3A_134, %sub3A_154 : i32
      %select_n3A_156 = arith.select %and3A_153, %sub3A_155, %div3A_134 : i32
      %mul3A_157 = arith.constant 16 : i32
      %mul3A_158 = arith.muli %select_n3A_156, %mul3A_157 : i32
      %multiple_of3A = tpu.assume_multiple %mul3A_158, 16 : i32
      %get3A = arith.index_cast %multiple_of3A : i32 to index
      %get3A_159 = tpu.vector_load %arg10[%get3A] {strides = array<i32>} : memref<32xi32, #tpu.memory_space<vmem>>, vector<16xi32>,
      %sub3A_160 = arith.subi %select_n3A_124, %multiple_of3A : i32
      %iota3A = tpu.iota {dimensions = array<i32: 0>} : vector<16xi32>
      %eq3A_161 = vector.broadcast %sub3A_160 : i32 to vector<16xi32>
      %eq3A_162 = arith.cmpi eq, %iota3A, %eq3A_161 : vector<16xi32>
      %jit3A_163 = arith.constant 0 : i32
      %broadcast_in_dim3A_164 = vector.broadcast %jit3A_163 : i32 to vector<16xi32>
      %select_n3A_165 = arith.select %eq3A_162, %get3A_159, %broadcast_in_dim3A_164 : vector<16xi1>, vector<16xi32>
      %reduce_max3A = arith.constant true
      %reduce_max3A_166 = vector.broadcast %reduce_max3A : i1 to vector<16xi1>
      %reduce_max3A_167 = arith.constant -2147483648 : i32
      %reduce_max3A_168 = vector.broadcast %reduce_max3A_167 : i32 to vector<16xi32>
      %reduce_max3A_169 = arith.xori %select_n3A_165, %reduce_max3A_168 : vector<16xi32>
      %reduce_max3A_170 = tpu.scan <max>, %reduce_max3A_169 masked %reduce_max3A_166 : vector<16xi32>, vector<16xi1> -> vector<16xi32>
      %reduce_max3A_171 = arith.xori %reduce_max3A_170, %reduce_max3A_168 : vector<16xi32>
      %reduce_max3A_172 = vector.extract %reduce_max3A_171[15] : i32 from vector<16xi32>
      %jit3A_173 = arith.constant 20000 : i32
      %div3A_174 = arith.divsi %reduce_max3A_172, %jit3A_173 : i32
      %sign3A_175 = arith.constant 0 : i32
      %sign3A_176 = arith.cmpi sgt, %reduce_max3A_172, %sign3A_175 : i32
      %sign3A_177 = arith.extui %sign3A_176 : i1 to i32
      %sign3A_178 = arith.constant 0 : i32
      %sign3A_179 = arith.cmpi slt, %reduce_max3A_172, %sign3A_178 : i32
      %sign3A_180 = arith.extui %sign3A_179 : i1 to i32
      %sign3A_181 = arith.subi %sign3A_177, %sign3A_180 : i32
      %sign3A_182 = arith.constant 0 : i32
      %sign3A_183 = arith.cmpi sgt, %jit3A_173, %sign3A_182 : i32
      %sign3A_184 = arith.extui %sign3A_183 : i1 to i32
      %sign3A_185 = arith.constant 0 : i32
      %sign3A_186 = arith.cmpi slt, %jit3A_173, %sign3A_185 : i32
      %sign3A_187 = arith.extui %sign3A_186 : i1 to i32
      %sign3A_188 = arith.subi %sign3A_184, %sign3A_187 : i32
      %ne3A_189 = arith.cmpi ne, %sign3A_181, %sign3A_188 : i32
      %rem3A_190 = arith.remsi %reduce_max3A_172, %jit3A_173 : i32
      %ne3A_191 = arith.constant 0 : i32
      %ne3A_192 = arith.cmpi ne, %rem3A_190, %ne3A_191 : i32
      %and3A_193 = arith.andi %ne3A_189, %ne3A_192 : i1
      %sub3A_194 = arith.constant 1 : i32
      %sub3A_195 = arith.subi %div3A_174, %sub3A_194 : i32
      %select_n3A_196 = arith.select %and3A_193, %sub3A_195, %div3A_174 : i32
      %mul3A_197 = arith.constant 20000 : i32
      %mul3A_198 = arith.muli %select_n3A_196, %mul3A_197 : i32
      %sub3A_199 = arith.subi %reduce_max3A_172, %mul3A_198 : i32
      %eq3A_200 = arith.cmpi eq, %select_n3A_100, %select_n3A_196 : i32
      %convert_element_type3A = arith.extui %eq3A_200 : i1 to i32
      %cond3A = arith.constant 0 : i32
      %cond3A_201 = arith.cmpi ne, %convert_element_type3A, %cond3A : i32
      scf.if %cond3A_201 {
        %jit3A_879 = arith.constant 16 : i32
        %div3A_880 = arith.divsi %sub3A_199, %jit3A_879 : i32
        %sign3A_881 = arith.constant 0 : i32
        %sign3A_882 = arith.cmpi sgt, %sub3A_199, %sign3A_881 : i32
        %sign3A_883 = arith.extui %sign3A_882 : i1 to i32
        %sign3A_884 = arith.constant 0 : i32
        %sign3A_885 = arith.cmpi slt, %sub3A_199, %sign3A_884 : i32
        %sign3A_886 = arith.extui %sign3A_885 : i1 to i32
        %sign3A_887 = arith.subi %sign3A_883, %sign3A_886 : i32
        %sign3A_888 = arith.constant 0 : i32
        %sign3A_889 = arith.cmpi sgt, %jit3A_879, %sign3A_888 : i32
        %sign3A_890 = arith.extui %sign3A_889 : i1 to i32
        %sign3A_891 = arith.constant 0 : i32
        %sign3A_892 = arith.cmpi slt, %jit3A_879, %sign3A_891 : i32
        %sign3A_893 = arith.extui %sign3A_892 : i1 to i32
        %sign3A_894 = arith.subi %sign3A_890, %sign3A_893 : i32
        %ne3A_895 = arith.cmpi ne, %sign3A_887, %sign3A_894 : i32
        %rem3A_896 = arith.remsi %sub3A_199, %jit3A_879 : i32
        %ne3A_897 = arith.constant 0 : i32
        %ne3A_898 = arith.cmpi ne, %rem3A_896, %ne3A_897 : i32
        %and3A_899 = arith.andi %ne3A_895, %ne3A_898 : i1
        %sub3A_900 = arith.constant 1 : i32
        %sub3A_901 = arith.subi %div3A_880, %sub3A_900 : i32
        %select_n3A_902 = arith.select %and3A_899, %sub3A_901, %div3A_880 : i32
        %mul3A_903 = arith.constant 16 : i32
        %mul3A_904 = arith.muli %select_n3A_902, %mul3A_903 : i32
        %multiple_of3A_905 = tpu.assume_multiple %mul3A_904, 16 : i32
        %sub3A_906 = arith.subi %sub3A_199, %multiple_of3A_905 : i32
        %get3A_907 = arith.index_cast %multiple_of3A_905 : i32 to index
        %get3A_908 = tpu.vector_load %arg5[%get3A_907] {strides = array<i32>} : memref<20000xf32, #tpu.memory_space<vmem>>, vector<16xf32>,
        %iota3A_909 = tpu.iota {dimensions = array<i32: 0>} : vector<16xi32>
        %eq3A_910 = vector.broadcast %sub3A_906 : i32 to vector<16xi32>
        %eq3A_911 = arith.cmpi eq, %iota3A_909, %eq3A_910 : vector<16xi32>
        %neg3A = arith.constant 0.000000e+00 : f32
        %neg3A_912 = vector.broadcast %neg3A : f32 to vector<16xf32>
        %neg3A_913 = arith.subf %neg3A_912, %get3A_908 : vector<16xf32>
        %select_n3A_914 = arith.select %eq3A_911, %neg3A_913, %get3A_908 : vector<16xi1>, vector<16xf32>
        %swap3A = arith.index_cast %multiple_of3A_905 : i32 to index
        %swap3A_915 = tpu.vector_load %arg5[%swap3A] {strides = array<i32>} : memref<20000xf32, #tpu.memory_space<vmem>>, vector<16xf32>,
        tpu.vector_store %arg5[%swap3A], %select_n3A_914 {strides = array<i32>} : memref<20000xf32, #tpu.memory_space<vmem>>, vector<16xf32>,
      } else {
      }
      %broadcast_in_dim3A_202 = arith.constant 0xFF800000 : f32
      %broadcast_in_dim3A_203 = vector.broadcast %broadcast_in_dim3A_202 : f32 to vector<16xf32>
      %parallel_loop3A = arith.constant 0 : i32
      %parallel_loop3A_204 = arith.constant 125 : i32
      %parallel_loop3A_205 = arith.constant 1 : i32
      %parallel_loop3A_206 = scf.for %parallel_loop3A_879 = %parallel_loop3A to %parallel_loop3A_204 step %parallel_loop3A_205 iter_args(%parallel_loop3A_880 = %broadcast_in_dim3A_203) -> (vector<16xf32>)  : i32 {
        %parallel_loop3A_881 = arith.constant 160 : i32
        %parallel_loop3A_882 = arith.muli %parallel_loop3A_879, %parallel_loop3A_881 : i32
        %parallel_loop3A_883 = arith.constant 0 : i32
        %parallel_loop3A_884 = arith.addi %parallel_loop3A_882, %parallel_loop3A_883 : i32
        %parallel_loop3A_885 = arith.index_cast %parallel_loop3A_884 : i32 to index
        %parallel_loop3A_886 = tpu.vector_load %arg5[%parallel_loop3A_885] {strides = array<i32>} : memref<20000xf32, #tpu.memory_space<vmem>>, vector<16xf32>,
        %parallel_loop3A_887 = arith.constant 160 : i32
        %parallel_loop3A_888 = arith.muli %parallel_loop3A_879, %parallel_loop3A_887 : i32
        %parallel_loop3A_889 = arith.constant 16 : i32
        %parallel_loop3A_890 = arith.addi %parallel_loop3A_888, %parallel_loop3A_889 : i32
        %parallel_loop3A_891 = arith.index_cast %parallel_loop3A_890 : i32 to index
        %parallel_loop3A_892 = tpu.vector_load %arg5[%parallel_loop3A_891] {strides = array<i32>} : memref<20000xf32, #tpu.memory_space<vmem>>, vector<16xf32>,
        %parallel_loop3A_893 = arith.constant 160 : i32
        %parallel_loop3A_894 = arith.muli %parallel_loop3A_879, %parallel_loop3A_893 : i32
        %parallel_loop3A_895 = arith.constant 32 : i32
        %parallel_loop3A_896 = arith.addi %parallel_loop3A_894, %parallel_loop3A_895 : i32
        %parallel_loop3A_897 = arith.index_cast %parallel_loop3A_896 : i32 to index
        %parallel_loop3A_898 = tpu.vector_load %arg5[%parallel_loop3A_897] {strides = array<i32>} : memref<20000xf32, #tpu.memory_space<vmem>>, vector<16xf32>,
        %parallel_loop3A_899 = arith.constant 160 : i32
        %parallel_loop3A_900 = arith.muli %parallel_loop3A_879, %parallel_loop3A_899 : i32
        %parallel_loop3A_901 = arith.constant 48 : i32
        %parallel_loop3A_902 = arith.addi %parallel_loop3A_900, %parallel_loop3A_901 : i32
        %parallel_loop3A_903 = arith.index_cast %parallel_loop3A_902 : i32 to index
        %parallel_loop3A_904 = tpu.vector_load %arg5[%parallel_loop3A_903] {strides = array<i32>} : memref<20000xf32, #tpu.memory_space<vmem>>, vector<16xf32>,
        %parallel_loop3A_905 = arith.constant 160 : i32
        %parallel_loop3A_906 = arith.muli %parallel_loop3A_879, %parallel_loop3A_905 : i32
        %parallel_loop3A_907 = arith.constant 64 : i32
        %parallel_loop3A_908 = arith.addi %parallel_loop3A_906, %parallel_loop3A_907 : i32
        %parallel_loop3A_909 = arith.index_cast %parallel_loop3A_908 : i32 to index
        %parallel_loop3A_910 = tpu.vector_load %arg5[%parallel_loop3A_909] {strides = array<i32>} : memref<20000xf32, #tpu.memory_space<vmem>>, vector<16xf32>,
        %parallel_loop3A_911 = arith.constant 160 : i32
        %parallel_loop3A_912 = arith.muli %parallel_loop3A_879, %parallel_loop3A_911 : i32
        %parallel_loop3A_913 = arith.constant 80 : i32
        %parallel_loop3A_914 = arith.addi %parallel_loop3A_912, %parallel_loop3A_913 : i32
        %parallel_loop3A_915 = arith.index_cast %parallel_loop3A_914 : i32 to index
        %parallel_loop3A_916 = tpu.vector_load %arg5[%parallel_loop3A_915] {strides = array<i32>} : memref<20000xf32, #tpu.memory_space<vmem>>, vector<16xf32>,
        %parallel_loop3A_917 = arith.constant 160 : i32
        %parallel_loop3A_918 = arith.muli %parallel_loop3A_879, %parallel_loop3A_917 : i32
        %parallel_loop3A_919 = arith.constant 96 : i32
        %parallel_loop3A_920 = arith.addi %parallel_loop3A_918, %parallel_loop3A_919 : i32
        %parallel_loop3A_921 = arith.index_cast %parallel_loop3A_920 : i32 to index
        %parallel_loop3A_922 = tpu.vector_load %arg5[%parallel_loop3A_921] {strides = array<i32>} : memref<20000xf32, #tpu.memory_space<vmem>>, vector<16xf32>,
        %parallel_loop3A_923 = arith.constant 160 : i32
        %parallel_loop3A_924 = arith.muli %parallel_loop3A_879, %parallel_loop3A_923 : i32
        %parallel_loop3A_925 = arith.constant 112 : i32
        %parallel_loop3A_926 = arith.addi %parallel_loop3A_924, %parallel_loop3A_925 : i32
        %parallel_loop3A_927 = arith.index_cast %parallel_loop3A_926 : i32 to index
        %parallel_loop3A_928 = tpu.vector_load %arg5[%parallel_loop3A_927] {strides = array<i32>} : memref<20000xf32, #tpu.memory_space<vmem>>, vector<16xf32>,
        %parallel_loop3A_929 = arith.constant 160 : i32
        %parallel_loop3A_930 = arith.muli %parallel_loop3A_879, %parallel_loop3A_929 : i32
        %parallel_loop3A_931 = arith.constant 128 : i32
        %parallel_loop3A_932 = arith.addi %parallel_loop3A_930, %parallel_loop3A_931 : i32
        %parallel_loop3A_933 = arith.index_cast %parallel_loop3A_932 : i32 to index
        %parallel_loop3A_934 = tpu.vector_load %arg5[%parallel_loop3A_933] {strides = array<i32>} : memref<20000xf32, #tpu.memory_space<vmem>>, vector<16xf32>,
        %parallel_loop3A_935 = arith.constant 160 : i32
        %parallel_loop3A_936 = arith.muli %parallel_loop3A_879, %parallel_loop3A_935 : i32
        %parallel_loop3A_937 = arith.constant 144 : i32
        %parallel_loop3A_938 = arith.addi %parallel_loop3A_936, %parallel_loop3A_937 : i32
        %parallel_loop3A_939 = arith.index_cast %parallel_loop3A_938 : i32 to index
        %parallel_loop3A_940 = tpu.vector_load %arg5[%parallel_loop3A_939] {strides = array<i32>} : memref<20000xf32, #tpu.memory_space<vmem>>, vector<16xf32>,
        %parallel_loop3A_941 = arith.maximumf %parallel_loop3A_886, %parallel_loop3A_892 : vector<16xf32>
        %parallel_loop3A_942 = arith.maximumf %parallel_loop3A_898, %parallel_loop3A_904 : vector<16xf32>
        %parallel_loop3A_943 = arith.maximumf %parallel_loop3A_910, %parallel_loop3A_916 : vector<16xf32>
        %parallel_loop3A_944 = arith.maximumf %parallel_loop3A_922, %parallel_loop3A_928 : vector<16xf32>
        %parallel_loop3A_945 = arith.maximumf %parallel_loop3A_934, %parallel_loop3A_940 : vector<16xf32>
        %parallel_loop3A_946 = arith.maximumf %parallel_loop3A_941, %parallel_loop3A_942 : vector<16xf32>
        %parallel_loop3A_947 = arith.maximumf %parallel_loop3A_943, %parallel_loop3A_944 : vector<16xf32>
        %parallel_loop3A_948 = arith.maximumf %parallel_loop3A_946, %parallel_loop3A_947 : vector<16xf32>
        %parallel_loop3A_949 = arith.maximumf %parallel_loop3A_948, %parallel_loop3A_945 : vector<16xf32>
        %parallel_loop3A_950 = arith.constant 16 : i32
        %parallel_loop3A_951 = arith.muli %parallel_loop3A_879, %parallel_loop3A_950 : i32
        %parallel_loop3A_952 = arith.index_cast %parallel_loop3A_951 : i32 to index
        %parallel_loop3A_953 = tpu.vector_load %arg9[%parallel_loop3A_952] {strides = array<i32>} : memref<2000xf32, #tpu.memory_space<vmem>>, vector<16xf32>,
        tpu.vector_store %arg9[%parallel_loop3A_952], %parallel_loop3A_949 {strides = array<i32>} : memref<2000xf32, #tpu.memory_space<vmem>>, vector<16xf32>,
        %parallel_loop3A_954 = arith.maximumf %parallel_loop3A_880, %parallel_loop3A_949 : vector<16xf32>
        scf.yield %parallel_loop3A_954 : vector<16xf32>
      } {sc.loop_unroll_factor = 5 : i64, sc.parallel_access}
      %masked_sort3A = arith.constant dense<true> : vector<16xi1>
      %masked_sort3A_207, %masked_sort3A_208, %masked_sort3A_209 = tpu.sort %parallel_loop3A_206, %parallel_loop3A_206 masked %masked_sort3A : (vector<16xf32>, vector<16xf32>, vector<16xi1>) -> (vector<16xi1>, vector<16xf32>, vector<16xf32>)
      %iota3A_210 = tpu.iota {dimensions = array<i32: 0>} : vector<16xi32>
      %eq3A_211 = arith.constant 6 : i32
      %eq3A_212 = vector.broadcast %eq3A_211 : i32 to vector<16xi32>
      %eq3A_213 = arith.cmpi eq, %iota3A_210, %eq3A_212 : vector<16xi32>
      %jit3A_214 = arith.constant 0xFF800000 : f32
      %broadcast_in_dim3A_215 = vector.broadcast %jit3A_214 : f32 to vector<16xf32>
      %select_n3A_216 = arith.select %eq3A_213, %masked_sort3A_208, %broadcast_in_dim3A_215 : vector<16xi1>, vector<16xf32>
      %reduce_max3A_217 = arith.constant true
      %reduce_max3A_218 = vector.broadcast %reduce_max3A_217 : i1 to vector<16xi1>
      %reduce_max3A_219 = tpu.scan <max>, %select_n3A_216 masked %reduce_max3A_218 : vector<16xf32>, vector<16xi1> -> vector<16xf32>
      %reduce_max3A_220 = vector.extract %reduce_max3A_219[15] : f32 from vector<16xf32>
      %broadcast_in_dim3A_221 = vector.broadcast %reduce_max3A_220 : f32 to vector<16xf32>
      %max3A = arith.maximumf %select_n3A_132, %broadcast_in_dim3A_221 : vector<16xf32>
      %scan3A_222 = arith.constant 0 : i32
      %scan3A_223 = arith.constant 5 : i32
      %scan3A_224 = arith.addi %scan3A_222, %scan3A_223 : i32
      %scan3A_225 = arith.constant 1 : i32
      %scan3A_226:2 = scf.for %scan3A_879 = %scan3A_222 to %scan3A_224 step %scan3A_225 iter_args(%scan3A_880 = %select_n3A_129, %scan3A_881 = %max3A) -> (vector<16xf32>, vector<16xf32>)  : i32 {
        %mul3A_882 = arith.constant 25 : i32
        %mul3A_883 = arith.muli %scan3A_879, %mul3A_882 : i32
        %add3A_884 = arith.constant 0 : i32
        %add3A_885 = arith.addi %mul3A_883, %add3A_884 : i32
        %mul3A_886 = arith.constant 16 : i32
        %mul3A_887 = arith.muli %add3A_885, %mul3A_886 : i32
        %get3A_888 = arith.index_cast %mul3A_887 : i32 to index
        %get3A_889 = tpu.vector_load %arg9[%get3A_888] {strides = array<i32>} : memref<2000xf32, #tpu.memory_space<vmem>>, vector<16xf32>,
        %mul3A_890 = arith.constant 25 : i32
        %mul3A_891 = arith.muli %scan3A_879, %mul3A_890 : i32
        %add3A_892 = arith.constant 1 : i32
        %add3A_893 = arith.addi %mul3A_891, %add3A_892 : i32
        %mul3A_894 = arith.constant 16 : i32
        %mul3A_895 = arith.muli %add3A_893, %mul3A_894 : i32
        %get3A_896 = arith.index_cast %mul3A_895 : i32 to index
        %get3A_897 = tpu.vector_load %arg9[%get3A_896] {strides = array<i32>} : memref<2000xf32, #tpu.memory_space<vmem>>, vector<16xf32>,
        %mul3A_898 = arith.constant 25 : i32
        %mul3A_899 = arith.muli %scan3A_879, %mul3A_898 : i32
        %add3A_900 = arith.constant 2 : i32
        %add3A_901 = arith.addi %mul3A_899, %add3A_900 : i32
        %mul3A_902 = arith.constant 16 : i32
        %mul3A_903 = arith.muli %add3A_901, %mul3A_902 : i32
        %get3A_904 = arith.index_cast %mul3A_903 : i32 to index
        %get3A_905 = tpu.vector_load %arg9[%get3A_904] {strides = array<i32>} : memref<2000xf32, #tpu.memory_space<vmem>>, vector<16xf32>,
        %mul3A_906 = arith.constant 25 : i32
        %mul3A_907 = arith.muli %scan3A_879, %mul3A_906 : i32
        %add3A_908 = arith.constant 3 : i32
        %add3A_909 = arith.addi %mul3A_907, %add3A_908 : i32
        %mul3A_910 = arith.constant 16 : i32
        %mul3A_911 = arith.muli %add3A_909, %mul3A_910 : i32
        %get3A_912 = arith.index_cast %mul3A_911 : i32 to index
        %get3A_913 = tpu.vector_load %arg9[%get3A_912] {strides = array<i32>} : memref<2000xf32, #tpu.memory_space<vmem>>, vector<16xf32>,
        %mul3A_914 = arith.constant 25 : i32
        %mul3A_915 = arith.muli %scan3A_879, %mul3A_914 : i32
        %add3A_916 = arith.constant 4 : i32
        %add3A_917 = arith.addi %mul3A_915, %add3A_916 : i32
        %mul3A_918 = arith.constant 16 : i32
        %mul3A_919 = arith.muli %add3A_917, %mul3A_918 : i32
        %get3A_920 = arith.index_cast %mul3A_919 : i32 to index
        %get3A_921 = tpu.vector_load %arg9[%get3A_920] {strides = array<i32>} : memref<2000xf32, #tpu.memory_space<vmem>>, vector<16xf32>,
        %mul3A_922 = arith.constant 25 : i32
        %mul3A_923 = arith.muli %scan3A_879, %mul3A_922 : i32
        %add3A_924 = arith.constant 5 : i32
        %add3A_925 = arith.addi %mul3A_923, %add3A_924 : i32
        %mul3A_926 = arith.constant 16 : i32
        %mul3A_927 = arith.muli %add3A_925, %mul3A_926 : i32
        %get3A_928 = arith.index_cast %mul3A_927 : i32 to index
        %get3A_929 = tpu.vector_load %arg9[%get3A_928] {strides = array<i32>} : memref<2000xf32, #tpu.memory_space<vmem>>, vector<16xf32>,
        %mul3A_930 = arith.constant 25 : i32
        %mul3A_931 = arith.muli %scan3A_879, %mul3A_930 : i32
        %add3A_932 = arith.constant 6 : i32
        %add3A_933 = arith.addi %mul3A_931, %add3A_932 : i32
        %mul3A_934 = arith.constant 16 : i32
        %mul3A_935 = arith.muli %add3A_933, %mul3A_934 : i32
        %get3A_936 = arith.index_cast %mul3A_935 : i32 to index
        %get3A_937 = tpu.vector_load %arg9[%get3A_936] {strides = array<i32>} : memref<2000xf32, #tpu.memory_space<vmem>>, vector<16xf32>,
        %mul3A_938 = arith.constant 25 : i32
        %mul3A_939 = arith.muli %scan3A_879, %mul3A_938 : i32
        %add3A_940 = arith.constant 7 : i32
        %add3A_941 = arith.addi %mul3A_939, %add3A_940 : i32
        %mul3A_942 = arith.constant 16 : i32
        %mul3A_943 = arith.muli %add3A_941, %mul3A_942 : i32
        %get3A_944 = arith.index_cast %mul3A_943 : i32 to index
        %get3A_945 = tpu.vector_load %arg9[%get3A_944] {strides = array<i32>} : memref<2000xf32, #tpu.memory_space<vmem>>, vector<16xf32>,
        %mul3A_946 = arith.constant 25 : i32
        %mul3A_947 = arith.muli %scan3A_879, %mul3A_946 : i32
        %add3A_948 = arith.constant 8 : i32
        %add3A_949 = arith.addi %mul3A_947, %add3A_948 : i32
        %mul3A_950 = arith.constant 16 : i32
        %mul3A_951 = arith.muli %add3A_949, %mul3A_950 : i32
        %get3A_952 = arith.index_cast %mul3A_951 : i32 to index
        %get3A_953 = tpu.vector_load %arg9[%get3A_952] {strides = array<i32>} : memref<2000xf32, #tpu.memory_space<vmem>>, vector<16xf32>,
        %mul3A_954 = arith.constant 25 : i32
        %mul3A_955 = arith.muli %scan3A_879, %mul3A_954 : i32
        %add3A_956 = arith.constant 9 : i32
        %add3A_957 = arith.addi %mul3A_955, %add3A_956 : i32
        %mul3A_958 = arith.constant 16 : i32
        %mul3A_959 = arith.muli %add3A_957, %mul3A_958 : i32
        %get3A_960 = arith.index_cast %mul3A_959 : i32 to index
        %get3A_961 = tpu.vector_load %arg9[%get3A_960] {strides = array<i32>} : memref<2000xf32, #tpu.memory_space<vmem>>, vector<16xf32>,
        %mul3A_962 = arith.constant 25 : i32
        %mul3A_963 = arith.muli %scan3A_879, %mul3A_962 : i32
        %add3A_964 = arith.constant 10 : i32
        %add3A_965 = arith.addi %mul3A_963, %add3A_964 : i32
        %mul3A_966 = arith.constant 16 : i32
        %mul3A_967 = arith.muli %add3A_965, %mul3A_966 : i32
        %get3A_968 = arith.index_cast %mul3A_967 : i32 to index
        %get3A_969 = tpu.vector_load %arg9[%get3A_968] {strides = array<i32>} : memref<2000xf32, #tpu.memory_space<vmem>>, vector<16xf32>,
        %mul3A_970 = arith.constant 25 : i32
        %mul3A_971 = arith.muli %scan3A_879, %mul3A_970 : i32
        %add3A_972 = arith.constant 11 : i32
        %add3A_973 = arith.addi %mul3A_971, %add3A_972 : i32
        %mul3A_974 = arith.constant 16 : i32
        %mul3A_975 = arith.muli %add3A_973, %mul3A_974 : i32
        %get3A_976 = arith.index_cast %mul3A_975 : i32 to index
        %get3A_977 = tpu.vector_load %arg9[%get3A_976] {strides = array<i32>} : memref<2000xf32, #tpu.memory_space<vmem>>, vector<16xf32>,
        %mul3A_978 = arith.constant 25 : i32
        %mul3A_979 = arith.muli %scan3A_879, %mul3A_978 : i32
        %add3A_980 = arith.constant 12 : i32
        %add3A_981 = arith.addi %mul3A_979, %add3A_980 : i32
        %mul3A_982 = arith.constant 16 : i32
        %mul3A_983 = arith.muli %add3A_981, %mul3A_982 : i32
        %get3A_984 = arith.index_cast %mul3A_983 : i32 to index
        %get3A_985 = tpu.vector_load %arg9[%get3A_984] {strides = array<i32>} : memref<2000xf32, #tpu.memory_space<vmem>>, vector<16xf32>,
        %mul3A_986 = arith.constant 25 : i32
        %mul3A_987 = arith.muli %scan3A_879, %mul3A_986 : i32
        %add3A_988 = arith.constant 13 : i32
        %add3A_989 = arith.addi %mul3A_987, %add3A_988 : i32
        %mul3A_990 = arith.constant 16 : i32
        %mul3A_991 = arith.muli %add3A_989, %mul3A_990 : i32
        %get3A_992 = arith.index_cast %mul3A_991 : i32 to index
        %get3A_993 = tpu.vector_load %arg9[%get3A_992] {strides = array<i32>} : memref<2000xf32, #tpu.memory_space<vmem>>, vector<16xf32>,
        %mul3A_994 = arith.constant 25 : i32
        %mul3A_995 = arith.muli %scan3A_879, %mul3A_994 : i32
        %add3A_996 = arith.constant 14 : i32
        %add3A_997 = arith.addi %mul3A_995, %add3A_996 : i32
        %mul3A_998 = arith.constant 16 : i32
        %mul3A_999 = arith.muli %add3A_997, %mul3A_998 : i32
        %get3A_1000 = arith.index_cast %mul3A_999 : i32 to index
        %get3A_1001 = tpu.vector_load %arg9[%get3A_1000] {strides = array<i32>} : memref<2000xf32, #tpu.memory_space<vmem>>, vector<16xf32>,
        %mul3A_1002 = arith.constant 25 : i32
        %mul3A_1003 = arith.muli %scan3A_879, %mul3A_1002 : i32
        %add3A_1004 = arith.constant 15 : i32
        %add3A_1005 = arith.addi %mul3A_1003, %add3A_1004 : i32
        %mul3A_1006 = arith.constant 16 : i32
        %mul3A_1007 = arith.muli %add3A_1005, %mul3A_1006 : i32
        %get3A_1008 = arith.index_cast %mul3A_1007 : i32 to index
        %get3A_1009 = tpu.vector_load %arg9[%get3A_1008] {strides = array<i32>} : memref<2000xf32, #tpu.memory_space<vmem>>, vector<16xf32>,
        %mul3A_1010 = arith.constant 25 : i32
        %mul3A_1011 = arith.muli %scan3A_879, %mul3A_1010 : i32
        %add3A_1012 = arith.constant 16 : i32
        %add3A_1013 = arith.addi %mul3A_1011, %add3A_1012 : i32
        %mul3A_1014 = arith.constant 16 : i32
        %mul3A_1015 = arith.muli %add3A_1013, %mul3A_1014 : i32
        %get3A_1016 = arith.index_cast %mul3A_1015 : i32 to index
        %get3A_1017 = tpu.vector_load %arg9[%get3A_1016] {strides = array<i32>} : memref<2000xf32, #tpu.memory_space<vmem>>, vector<16xf32>,
        %mul3A_1018 = arith.constant 25 : i32
        %mul3A_1019 = arith.muli %scan3A_879, %mul3A_1018 : i32
        %add3A_1020 = arith.constant 17 : i32
        %add3A_1021 = arith.addi %mul3A_1019, %add3A_1020 : i32
        %mul3A_1022 = arith.constant 16 : i32
        %mul3A_1023 = arith.muli %add3A_1021, %mul3A_1022 : i32
        %get3A_1024 = arith.index_cast %mul3A_1023 : i32 to index
        %get3A_1025 = tpu.vector_load %arg9[%get3A_1024] {strides = array<i32>} : memref<2000xf32, #tpu.memory_space<vmem>>, vector<16xf32>,
        %mul3A_1026 = arith.constant 25 : i32
        %mul3A_1027 = arith.muli %scan3A_879, %mul3A_1026 : i32
        %add3A_1028 = arith.constant 18 : i32
        %add3A_1029 = arith.addi %mul3A_1027, %add3A_1028 : i32
        %mul3A_1030 = arith.constant 16 : i32
        %mul3A_1031 = arith.muli %add3A_1029, %mul3A_1030 : i32
        %get3A_1032 = arith.index_cast %mul3A_1031 : i32 to index
        %get3A_1033 = tpu.vector_load %arg9[%get3A_1032] {strides = array<i32>} : memref<2000xf32, #tpu.memory_space<vmem>>, vector<16xf32>,
        %mul3A_1034 = arith.constant 25 : i32
        %mul3A_1035 = arith.muli %scan3A_879, %mul3A_1034 : i32
        %add3A_1036 = arith.constant 19 : i32
        %add3A_1037 = arith.addi %mul3A_1035, %add3A_1036 : i32
        %mul3A_1038 = arith.constant 16 : i32
        %mul3A_1039 = arith.muli %add3A_1037, %mul3A_1038 : i32
        %get3A_1040 = arith.index_cast %mul3A_1039 : i32 to index
        %get3A_1041 = tpu.vector_load %arg9[%get3A_1040] {strides = array<i32>} : memref<2000xf32, #tpu.memory_space<vmem>>, vector<16xf32>,
        %mul3A_1042 = arith.constant 25 : i32
        %mul3A_1043 = arith.muli %scan3A_879, %mul3A_1042 : i32
        %add3A_1044 = arith.constant 20 : i32
        %add3A_1045 = arith.addi %mul3A_1043, %add3A_1044 : i32
        %mul3A_1046 = arith.constant 16 : i32
        %mul3A_1047 = arith.muli %add3A_1045, %mul3A_1046 : i32
        %get3A_1048 = arith.index_cast %mul3A_1047 : i32 to index
        %get3A_1049 = tpu.vector_load %arg9[%get3A_1048] {strides = array<i32>} : memref<2000xf32, #tpu.memory_space<vmem>>, vector<16xf32>,
        %mul3A_1050 = arith.constant 25 : i32
        %mul3A_1051 = arith.muli %scan3A_879, %mul3A_1050 : i32
        %add3A_1052 = arith.constant 21 : i32
        %add3A_1053 = arith.addi %mul3A_1051, %add3A_1052 : i32
        %mul3A_1054 = arith.constant 16 : i32
        %mul3A_1055 = arith.muli %add3A_1053, %mul3A_1054 : i32
        %get3A_1056 = arith.index_cast %mul3A_1055 : i32 to index
        %get3A_1057 = tpu.vector_load %arg9[%get3A_1056] {strides = array<i32>} : memref<2000xf32, #tpu.memory_space<vmem>>, vector<16xf32>,
        %mul3A_1058 = arith.constant 25 : i32
        %mul3A_1059 = arith.muli %scan3A_879, %mul3A_1058 : i32
        %add3A_1060 = arith.constant 22 : i32
        %add3A_1061 = arith.addi %mul3A_1059, %add3A_1060 : i32
        %mul3A_1062 = arith.constant 16 : i32
        %mul3A_1063 = arith.muli %add3A_1061, %mul3A_1062 : i32
        %get3A_1064 = arith.index_cast %mul3A_1063 : i32 to index
        %get3A_1065 = tpu.vector_load %arg9[%get3A_1064] {strides = array<i32>} : memref<2000xf32, #tpu.memory_space<vmem>>, vector<16xf32>,
        %mul3A_1066 = arith.constant 25 : i32
        %mul3A_1067 = arith.muli %scan3A_879, %mul3A_1066 : i32
        %add3A_1068 = arith.constant 23 : i32
        %add3A_1069 = arith.addi %mul3A_1067, %add3A_1068 : i32
        %mul3A_1070 = arith.constant 16 : i32
        %mul3A_1071 = arith.muli %add3A_1069, %mul3A_1070 : i32
        %get3A_1072 = arith.index_cast %mul3A_1071 : i32 to index
        %get3A_1073 = tpu.vector_load %arg9[%get3A_1072] {strides = array<i32>} : memref<2000xf32, #tpu.memory_space<vmem>>, vector<16xf32>,
        %mul3A_1074 = arith.constant 25 : i32
        %mul3A_1075 = arith.muli %scan3A_879, %mul3A_1074 : i32
        %add3A_1076 = arith.constant 24 : i32
        %add3A_1077 = arith.addi %mul3A_1075, %add3A_1076 : i32
        %mul3A_1078 = arith.constant 16 : i32
        %mul3A_1079 = arith.muli %add3A_1077, %mul3A_1078 : i32
        %get3A_1080 = arith.index_cast %mul3A_1079 : i32 to index
        %get3A_1081 = tpu.vector_load %arg9[%get3A_1080] {strides = array<i32>} : memref<2000xf32, #tpu.memory_space<vmem>>, vector<16xf32>,
        %max3A_1082 = arith.maximumf %get3A_889, %get3A_897 : vector<16xf32>
        %max3A_1083 = arith.maximumf %get3A_905, %get3A_913 : vector<16xf32>
        %max3A_1084 = arith.maximumf %get3A_921, %get3A_929 : vector<16xf32>
        %max3A_1085 = arith.maximumf %get3A_937, %get3A_945 : vector<16xf32>
        %max3A_1086 = arith.maximumf %get3A_953, %get3A_961 : vector<16xf32>
        %max3A_1087 = arith.maximumf %get3A_969, %get3A_977 : vector<16xf32>
        %max3A_1088 = arith.maximumf %get3A_985, %get3A_993 : vector<16xf32>
        %max3A_1089 = arith.maximumf %get3A_1001, %get3A_1009 : vector<16xf32>
        %max3A_1090 = arith.maximumf %get3A_1017, %get3A_1025 : vector<16xf32>
        %max3A_1091 = arith.maximumf %get3A_1033, %get3A_1041 : vector<16xf32>
        %max3A_1092 = arith.maximumf %get3A_1049, %get3A_1057 : vector<16xf32>
        %max3A_1093 = arith.maximumf %get3A_1065, %get3A_1073 : vector<16xf32>
        %max3A_1094 = arith.maximumf %max3A_1082, %max3A_1083 : vector<16xf32>
        %max3A_1095 = arith.maximumf %max3A_1084, %max3A_1085 : vector<16xf32>
        %max3A_1096 = arith.maximumf %max3A_1086, %max3A_1087 : vector<16xf32>
        %max3A_1097 = arith.maximumf %max3A_1088, %max3A_1089 : vector<16xf32>
        %max3A_1098 = arith.maximumf %max3A_1090, %max3A_1091 : vector<16xf32>
        %max3A_1099 = arith.maximumf %max3A_1092, %max3A_1093 : vector<16xf32>
        %max3A_1100 = arith.maximumf %max3A_1094, %max3A_1095 : vector<16xf32>
        %max3A_1101 = arith.maximumf %max3A_1096, %max3A_1097 : vector<16xf32>
        %max3A_1102 = arith.maximumf %max3A_1098, %max3A_1099 : vector<16xf32>
        %max3A_1103 = arith.maximumf %max3A_1100, %max3A_1101 : vector<16xf32>
        %max3A_1104 = arith.maximumf %max3A_1102, %get3A_1081 : vector<16xf32>
        %max3A_1105 = arith.maximumf %max3A_1103, %max3A_1104 : vector<16xf32>
        %ge3A = arith.cmpf oge, %max3A_1105, %scan3A_881 : vector<16xf32>
        %all_reduce_population_count3A = tpu.all_reduce %ge3A {dim = 0 : i64, kind = #tpu.reduction_kind<sum>} : vector<16xi1> -> vector<16xi32>
        %slice3A = vector.extract_strided_slice %all_reduce_population_count3A {offsets = [0], sizes = [1], strides = [1]} : vector<16xi32> to vector<1xi32>
        %squeeze3A = vector.extract %slice3A[0] : i32 from vector<1xi32>
        %gt3A = arith.constant 0 : i32
        %gt3A_1106 = arith.cmpi sgt, %squeeze3A, %gt3A : i32
        %convert_element_type3A_1107 = arith.extui %gt3A_1106 : i1 to i32
        %cond3A_1108 = arith.constant 0 : i32
        %cond3A_1109 = arith.cmpi ne, %convert_element_type3A_1107, %cond3A_1108 : i32
        %cond3A_1110:2 = scf.if %cond3A_1109 -> (vector<16xf32>, vector<16xf32>) {
          %scan3A_1111 = arith.constant 0 : i32
          %scan3A_1112 = arith.constant 25 : i32
          %scan3A_1113 = arith.addi %scan3A_1111, %scan3A_1112 : i32
          %scan3A_1114 = arith.constant 1 : i32
          %scan3A_1115:2 = scf.for %scan3A_1117 = %scan3A_1111 to %scan3A_1113 step %scan3A_1114 iter_args(%scan3A_1118 = %scan3A_880, %scan3A_1119 = %scan3A_881) -> (vector<16xf32>, vector<16xf32>)  : i32 {
            %mul3A_1120 = arith.constant 25 : i32
            %mul3A_1121 = arith.muli %scan3A_879, %mul3A_1120 : i32
            %add3A_1122 = arith.addi %mul3A_1121, %scan3A_1117 : i32
            %mul3A_1123 = arith.constant 10 : i32
            %mul3A_1124 = arith.muli %add3A_1122, %mul3A_1123 : i32
            %mul3A_1125 = arith.constant 16 : i32
            %mul3A_1126 = arith.muli %mul3A_1124, %mul3A_1125 : i32
            %mul3A_1127 = arith.constant 25 : i32
            %mul3A_1128 = arith.muli %scan3A_879, %mul3A_1127 : i32
            %add3A_1129 = arith.addi %mul3A_1128, %scan3A_1117 : i32
            %mul3A_1130 = arith.constant 16 : i32
            %mul3A_1131 = arith.muli %add3A_1129, %mul3A_1130 : i32
            %get3A_1132 = arith.index_cast %mul3A_1131 : i32 to index
            %get3A_1133 = tpu.vector_load %arg9[%get3A_1132] {strides = array<i32>} : memref<2000xf32, #tpu.memory_space<vmem>>, vector<16xf32>,
            %ge3A_1134 = arith.cmpf oge, %get3A_1133, %scan3A_1119 : vector<16xf32>
            %all_reduce_population_count3A_1135 = tpu.all_reduce %ge3A_1134 {dim = 0 : i64, kind = #tpu.reduction_kind<sum>} : vector<16xi1> -> vector<16xi32>
            %slice3A_1136 = vector.extract_strided_slice %all_reduce_population_count3A_1135 {offsets = [0], sizes = [1], strides = [1]} : vector<16xi32> to vector<1xi32>
            %squeeze3A_1137 = vector.extract %slice3A_1136[0] : i32 from vector<1xi32>
            %gt3A_1138 = arith.constant 0 : i32
            %gt3A_1139 = arith.cmpi sgt, %squeeze3A_1137, %gt3A_1138 : i32
            %convert_element_type3A_1140 = arith.extui %gt3A_1139 : i1 to i32
            %cond3A_1141 = arith.constant 0 : i32
            %cond3A_1142 = arith.cmpi ne, %convert_element_type3A_1140, %cond3A_1141 : i32
            %cond3A_1143:2 = scf.if %cond3A_1142 -> (vector<16xf32>, vector<16xf32>) {
              %mul3A_1144 = arith.constant 25 : i32
              %mul3A_1145 = arith.muli %scan3A_879, %mul3A_1144 : i32
              %add3A_1146 = arith.addi %mul3A_1145, %scan3A_1117 : i32
              %mul3A_1147 = arith.constant 16 : i32
              %mul3A_1148 = arith.muli %add3A_1146, %mul3A_1147 : i32
              %get3A_1149 = arith.index_cast %mul3A_1148 : i32 to index
              %get3A_1150 = tpu.vector_load %arg9[%get3A_1149] {strides = array<i32>} : memref<2000xf32, #tpu.memory_space<vmem>>, vector<16xf32>,
              %ge3A_1151 = arith.cmpf oge, %get3A_1150, %scan3A_1119 : vector<16xf32>
              %all_reduce_population_count3A_1152 = tpu.all_reduce %ge3A_1151 {dim = 0 : i64, kind = #tpu.reduction_kind<sum>} : vector<16xi1> -> vector<16xi32>
              %slice3A_1153 = vector.extract_strided_slice %all_reduce_population_count3A_1152 {offsets = [0], sizes = [1], strides = [1]} : vector<16xi32> to vector<1xi32>
              %squeeze3A_1154 = vector.extract %slice3A_1153[0] : i32 from vector<1xi32>
              %gt3A_1155 = arith.constant 0 : i32
              %gt3A_1156 = arith.cmpi sgt, %squeeze3A_1154, %gt3A_1155 : i32
              %convert_element_type3A_1157 = arith.extui %gt3A_1156 : i1 to i32
              %cond3A_1158 = arith.constant 0 : i32
              %cond3A_1159 = arith.cmpi ne, %convert_element_type3A_1157, %cond3A_1158 : i32
              %cond3A_1160:2 = scf.if %cond3A_1159 -> (vector<16xf32>, vector<16xf32>) {
                %masked_sort3A_1314 = arith.constant dense<true> : vector<16xi1>
                %masked_sort3A_1315, %masked_sort3A_1316, %masked_sort3A_1317 = tpu.sort %get3A_1150, %get3A_1150 masked %masked_sort3A_1314 {descending = true} : (vector<16xf32>, vector<16xf32>, vector<16xi1>) -> (vector<16xi1>, vector<16xf32>, vector<16xf32>)
                %max3A_1318 = arith.maximumf %scan3A_1118, %masked_sort3A_1316 : vector<16xf32>
                %masked_sort3A_1319 = arith.constant dense<true> : vector<16xi1>
                %masked_sort3A_1320, %masked_sort3A_1321, %masked_sort3A_1322 = tpu.sort %max3A_1318, %max3A_1318 masked %masked_sort3A_1319 : (vector<16xf32>, vector<16xf32>, vector<16xi1>) -> (vector<16xi1>, vector<16xf32>, vector<16xf32>)
                %iota3A_1323 = tpu.iota {dimensions = array<i32: 0>} : vector<16xi32>
                %eq3A_1324 = arith.constant 6 : i32
                %eq3A_1325 = vector.broadcast %eq3A_1324 : i32 to vector<16xi32>
                %eq3A_1326 = arith.cmpi eq, %iota3A_1323, %eq3A_1325 : vector<16xi32>
                %jit3A_1327 = arith.constant 0xFF800000 : f32
                %broadcast_in_dim3A_1328 = vector.broadcast %jit3A_1327 : f32 to vector<16xf32>
                %select_n3A_1329 = arith.select %eq3A_1326, %masked_sort3A_1321, %broadcast_in_dim3A_1328 : vector<16xi1>, vector<16xf32>
                %reduce_max3A_1330 = arith.constant true
                %reduce_max3A_1331 = vector.broadcast %reduce_max3A_1330 : i1 to vector<16xi1>
                %reduce_max3A_1332 = tpu.scan <max>, %select_n3A_1329 masked %reduce_max3A_1331 : vector<16xf32>, vector<16xi1> -> vector<16xf32>
                %reduce_max3A_1333 = vector.extract %reduce_max3A_1332[15] : f32 from vector<16xf32>
                %broadcast_in_dim3A_1334 = vector.broadcast %reduce_max3A_1333 : f32 to vector<16xf32>
                %max3A_1335 = arith.maximumf %scan3A_1119, %broadcast_in_dim3A_1334 : vector<16xf32>
                scf.yield %masked_sort3A_1321, %max3A_1335 : vector<16xf32>, vector<16xf32>
              } else {
                scf.yield %scan3A_1118, %scan3A_1119 : vector<16xf32>, vector<16xf32>
              }
              %mul3A_1161 = arith.constant 25 : i32
              %mul3A_1162 = arith.muli %scan3A_879, %mul3A_1161 : i32
              %add3A_1163 = arith.addi %mul3A_1162, %scan3A_1117 : i32
              %mul3A_1164 = arith.constant 16 : i32
              %mul3A_1165 = arith.muli %add3A_1163, %mul3A_1164 : i32
              %get3A_1166 = arith.index_cast %mul3A_1165 : i32 to index
              %get3A_1167 = tpu.vector_load %arg9[%get3A_1166] {strides = array<i32>} : memref<2000xf32, #tpu.memory_space<vmem>>, vector<16xf32>,
              %ge3A_1168 = arith.cmpf oge, %get3A_1167, %cond3A_1160#1 : vector<16xf32>
              %all_reduce_population_count3A_1169 = tpu.all_reduce %ge3A_1168 {dim = 0 : i64, kind = #tpu.reduction_kind<sum>} : vector<16xi1> -> vector<16xi32>
              %slice3A_1170 = vector.extract_strided_slice %all_reduce_population_count3A_1169 {offsets = [0], sizes = [1], strides = [1]} : vector<16xi32> to vector<1xi32>
              %squeeze3A_1171 = vector.extract %slice3A_1170[0] : i32 from vector<1xi32>
              %gt3A_1172 = arith.constant 0 : i32
              %gt3A_1173 = arith.cmpi sgt, %squeeze3A_1171, %gt3A_1172 : i32
              %convert_element_type3A_1174 = arith.extui %gt3A_1173 : i1 to i32
              %cond3A_1175 = arith.constant 0 : i32
              %cond3A_1176 = arith.cmpi ne, %convert_element_type3A_1174, %cond3A_1175 : i32
              %cond3A_1177:2 = scf.if %cond3A_1176 -> (vector<16xf32>, vector<16xf32>) {
                %masked_sort3A_1314 = arith.constant dense<true> : vector<16xi1>
                %masked_sort3A_1315, %masked_sort3A_1316, %masked_sort3A_1317 = tpu.sort %get3A_1167, %get3A_1167 masked %masked_sort3A_1314 {descending = true} : (vector<16xf32>, vector<16xf32>, vector<16xi1>) -> (vector<16xi1>, vector<16xf32>, vector<16xf32>)
                %max3A_1318 = arith.maximumf %cond3A_1160#0, %masked_sort3A_1316 : vector<16xf32>
                %masked_sort3A_1319 = arith.constant dense<true> : vector<16xi1>
                %masked_sort3A_1320, %masked_sort3A_1321, %masked_sort3A_1322 = tpu.sort %max3A_1318, %max3A_1318 masked %masked_sort3A_1319 : (vector<16xf32>, vector<16xf32>, vector<16xi1>) -> (vector<16xi1>, vector<16xf32>, vector<16xf32>)
                %iota3A_1323 = tpu.iota {dimensions = array<i32: 0>} : vector<16xi32>
                %eq3A_1324 = arith.constant 6 : i32
                %eq3A_1325 = vector.broadcast %eq3A_1324 : i32 to vector<16xi32>
                %eq3A_1326 = arith.cmpi eq, %iota3A_1323, %eq3A_1325 : vector<16xi32>
                %jit3A_1327 = arith.constant 0xFF800000 : f32
                %broadcast_in_dim3A_1328 = vector.broadcast %jit3A_1327 : f32 to vector<16xf32>
                %select_n3A_1329 = arith.select %eq3A_1326, %masked_sort3A_1321, %broadcast_in_dim3A_1328 : vector<16xi1>, vector<16xf32>
                %reduce_max3A_1330 = arith.constant true
                %reduce_max3A_1331 = vector.broadcast %reduce_max3A_1330 : i1 to vector<16xi1>
                %reduce_max3A_1332 = tpu.scan <max>, %select_n3A_1329 masked %reduce_max3A_1331 : vector<16xf32>, vector<16xi1> -> vector<16xf32>
                %reduce_max3A_1333 = vector.extract %reduce_max3A_1332[15] : f32 from vector<16xf32>
                %broadcast_in_dim3A_1334 = vector.broadcast %reduce_max3A_1333 : f32 to vector<16xf32>
                %max3A_1335 = arith.maximumf %cond3A_1160#1, %broadcast_in_dim3A_1334 : vector<16xf32>
                scf.yield %masked_sort3A_1321, %max3A_1335 : vector<16xf32>, vector<16xf32>
              } else {
                scf.yield %cond3A_1160#0, %cond3A_1160#1 : vector<16xf32>, vector<16xf32>
              }
              %mul3A_1178 = arith.constant 25 : i32
              %mul3A_1179 = arith.muli %scan3A_879, %mul3A_1178 : i32
              %add3A_1180 = arith.addi %mul3A_1179, %scan3A_1117 : i32
              %mul3A_1181 = arith.constant 16 : i32
              %mul3A_1182 = arith.muli %add3A_1180, %mul3A_1181 : i32
              %get3A_1183 = arith.index_cast %mul3A_1182 : i32 to index
              %get3A_1184 = tpu.vector_load %arg9[%get3A_1183] {strides = array<i32>} : memref<2000xf32, #tpu.memory_space<vmem>>, vector<16xf32>,
              %ge3A_1185 = arith.cmpf oge, %get3A_1184, %cond3A_1177#1 : vector<16xf32>
              %all_reduce_population_count3A_1186 = tpu.all_reduce %ge3A_1185 {dim = 0 : i64, kind = #tpu.reduction_kind<sum>} : vector<16xi1> -> vector<16xi32>
              %slice3A_1187 = vector.extract_strided_slice %all_reduce_population_count3A_1186 {offsets = [0], sizes = [1], strides = [1]} : vector<16xi32> to vector<1xi32>
              %squeeze3A_1188 = vector.extract %slice3A_1187[0] : i32 from vector<1xi32>
              %gt3A_1189 = arith.constant 0 : i32
              %gt3A_1190 = arith.cmpi sgt, %squeeze3A_1188, %gt3A_1189 : i32
              %convert_element_type3A_1191 = arith.extui %gt3A_1190 : i1 to i32
              %cond3A_1192 = arith.constant 0 : i32
              %cond3A_1193 = arith.cmpi ne, %convert_element_type3A_1191, %cond3A_1192 : i32
              %cond3A_1194:2 = scf.if %cond3A_1193 -> (vector<16xf32>, vector<16xf32>) {
                %masked_sort3A_1314 = arith.constant dense<true> : vector<16xi1>
                %masked_sort3A_1315, %masked_sort3A_1316, %masked_sort3A_1317 = tpu.sort %get3A_1184, %get3A_1184 masked %masked_sort3A_1314 {descending = true} : (vector<16xf32>, vector<16xf32>, vector<16xi1>) -> (vector<16xi1>, vector<16xf32>, vector<16xf32>)
                %max3A_1318 = arith.maximumf %cond3A_1177#0, %masked_sort3A_1316 : vector<16xf32>
                %masked_sort3A_1319 = arith.constant dense<true> : vector<16xi1>
                %masked_sort3A_1320, %masked_sort3A_1321, %masked_sort3A_1322 = tpu.sort %max3A_1318, %max3A_1318 masked %masked_sort3A_1319 : (vector<16xf32>, vector<16xf32>, vector<16xi1>) -> (vector<16xi1>, vector<16xf32>, vector<16xf32>)
                %iota3A_1323 = tpu.iota {dimensions = array<i32: 0>} : vector<16xi32>
                %eq3A_1324 = arith.constant 6 : i32
                %eq3A_1325 = vector.broadcast %eq3A_1324 : i32 to vector<16xi32>
                %eq3A_1326 = arith.cmpi eq, %iota3A_1323, %eq3A_1325 : vector<16xi32>
                %jit3A_1327 = arith.constant 0xFF800000 : f32
                %broadcast_in_dim3A_1328 = vector.broadcast %jit3A_1327 : f32 to vector<16xf32>
                %select_n3A_1329 = arith.select %eq3A_1326, %masked_sort3A_1321, %broadcast_in_dim3A_1328 : vector<16xi1>, vector<16xf32>
                %reduce_max3A_1330 = arith.constant true
                %reduce_max3A_1331 = vector.broadcast %reduce_max3A_1330 : i1 to vector<16xi1>
                %reduce_max3A_1332 = tpu.scan <max>, %select_n3A_1329 masked %reduce_max3A_1331 : vector<16xf32>, vector<16xi1> -> vector<16xf32>
                %reduce_max3A_1333 = vector.extract %reduce_max3A_1332[15] : f32 from vector<16xf32>
                %broadcast_in_dim3A_1334 = vector.broadcast %reduce_max3A_1333 : f32 to vector<16xf32>
                %max3A_1335 = arith.maximumf %cond3A_1177#1, %broadcast_in_dim3A_1334 : vector<16xf32>
                scf.yield %masked_sort3A_1321, %max3A_1335 : vector<16xf32>, vector<16xf32>
              } else {
                scf.yield %cond3A_1177#0, %cond3A_1177#1 : vector<16xf32>, vector<16xf32>
              }
              %mul3A_1195 = arith.constant 25 : i32
              %mul3A_1196 = arith.muli %scan3A_879, %mul3A_1195 : i32
              %add3A_1197 = arith.addi %mul3A_1196, %scan3A_1117 : i32
              %mul3A_1198 = arith.constant 16 : i32
              %mul3A_1199 = arith.muli %add3A_1197, %mul3A_1198 : i32
              %get3A_1200 = arith.index_cast %mul3A_1199 : i32 to index
              %get3A_1201 = tpu.vector_load %arg9[%get3A_1200] {strides = array<i32>} : memref<2000xf32, #tpu.memory_space<vmem>>, vector<16xf32>,
              %ge3A_1202 = arith.cmpf oge, %get3A_1201, %cond3A_1194#1 : vector<16xf32>
              %all_reduce_population_count3A_1203 = tpu.all_reduce %ge3A_1202 {dim = 0 : i64, kind = #tpu.reduction_kind<sum>} : vector<16xi1> -> vector<16xi32>
              %slice3A_1204 = vector.extract_strided_slice %all_reduce_population_count3A_1203 {offsets = [0], sizes = [1], strides = [1]} : vector<16xi32> to vector<1xi32>
              %squeeze3A_1205 = vector.extract %slice3A_1204[0] : i32 from vector<1xi32>
              %gt3A_1206 = arith.constant 0 : i32
              %gt3A_1207 = arith.cmpi sgt, %squeeze3A_1205, %gt3A_1206 : i32
              %convert_element_type3A_1208 = arith.extui %gt3A_1207 : i1 to i32
              %cond3A_1209 = arith.constant 0 : i32
              %cond3A_1210 = arith.cmpi ne, %convert_element_type3A_1208, %cond3A_1209 : i32
              %cond3A_1211:2 = scf.if %cond3A_1210 -> (vector<16xf32>, vector<16xf32>) {
                %masked_sort3A_1314 = arith.constant dense<true> : vector<16xi1>
                %masked_sort3A_1315, %masked_sort3A_1316, %masked_sort3A_1317 = tpu.sort %get3A_1201, %get3A_1201 masked %masked_sort3A_1314 {descending = true} : (vector<16xf32>, vector<16xf32>, vector<16xi1>) -> (vector<16xi1>, vector<16xf32>, vector<16xf32>)
                %max3A_1318 = arith.maximumf %cond3A_1194#0, %masked_sort3A_1316 : vector<16xf32>
                %masked_sort3A_1319 = arith.constant dense<true> : vector<16xi1>
                %masked_sort3A_1320, %masked_sort3A_1321, %masked_sort3A_1322 = tpu.sort %max3A_1318, %max3A_1318 masked %masked_sort3A_1319 : (vector<16xf32>, vector<16xf32>, vector<16xi1>) -> (vector<16xi1>, vector<16xf32>, vector<16xf32>)
                %iota3A_1323 = tpu.iota {dimensions = array<i32: 0>} : vector<16xi32>
                %eq3A_1324 = arith.constant 6 : i32
                %eq3A_1325 = vector.broadcast %eq3A_1324 : i32 to vector<16xi32>
                %eq3A_1326 = arith.cmpi eq, %iota3A_1323, %eq3A_1325 : vector<16xi32>
                %jit3A_1327 = arith.constant 0xFF800000 : f32
                %broadcast_in_dim3A_1328 = vector.broadcast %jit3A_1327 : f32 to vector<16xf32>
                %select_n3A_1329 = arith.select %eq3A_1326, %masked_sort3A_1321, %broadcast_in_dim3A_1328 : vector<16xi1>, vector<16xf32>
                %reduce_max3A_1330 = arith.constant true
                %reduce_max3A_1331 = vector.broadcast %reduce_max3A_1330 : i1 to vector<16xi1>
                %reduce_max3A_1332 = tpu.scan <max>, %select_n3A_1329 masked %reduce_max3A_1331 : vector<16xf32>, vector<16xi1> -> vector<16xf32>
                %reduce_max3A_1333 = vector.extract %reduce_max3A_1332[15] : f32 from vector<16xf32>
                %broadcast_in_dim3A_1334 = vector.broadcast %reduce_max3A_1333 : f32 to vector<16xf32>
                %max3A_1335 = arith.maximumf %cond3A_1194#1, %broadcast_in_dim3A_1334 : vector<16xf32>
                scf.yield %masked_sort3A_1321, %max3A_1335 : vector<16xf32>, vector<16xf32>
              } else {
                scf.yield %cond3A_1194#0, %cond3A_1194#1 : vector<16xf32>, vector<16xf32>
              }
              %mul3A_1212 = arith.constant 25 : i32
              %mul3A_1213 = arith.muli %scan3A_879, %mul3A_1212 : i32
              %add3A_1214 = arith.addi %mul3A_1213, %scan3A_1117 : i32
              %mul3A_1215 = arith.constant 16 : i32
              %mul3A_1216 = arith.muli %add3A_1214, %mul3A_1215 : i32
              %get3A_1217 = arith.index_cast %mul3A_1216 : i32 to index
              %get3A_1218 = tpu.vector_load %arg9[%get3A_1217] {strides = array<i32>} : memref<2000xf32, #tpu.memory_space<vmem>>, vector<16xf32>,
              %ge3A_1219 = arith.cmpf oge, %get3A_1218, %cond3A_1211#1 : vector<16xf32>
              %all_reduce_population_count3A_1220 = tpu.all_reduce %ge3A_1219 {dim = 0 : i64, kind = #tpu.reduction_kind<sum>} : vector<16xi1> -> vector<16xi32>
              %slice3A_1221 = vector.extract_strided_slice %all_reduce_population_count3A_1220 {offsets = [0], sizes = [1], strides = [1]} : vector<16xi32> to vector<1xi32>
              %squeeze3A_1222 = vector.extract %slice3A_1221[0] : i32 from vector<1xi32>
              %gt3A_1223 = arith.constant 0 : i32
              %gt3A_1224 = arith.cmpi sgt, %squeeze3A_1222, %gt3A_1223 : i32
              %convert_element_type3A_1225 = arith.extui %gt3A_1224 : i1 to i32
              %cond3A_1226 = arith.constant 0 : i32
              %cond3A_1227 = arith.cmpi ne, %convert_element_type3A_1225, %cond3A_1226 : i32
              %cond3A_1228:2 = scf.if %cond3A_1227 -> (vector<16xf32>, vector<16xf32>) {
                %masked_sort3A_1314 = arith.constant dense<true> : vector<16xi1>
                %masked_sort3A_1315, %masked_sort3A_1316, %masked_sort3A_1317 = tpu.sort %get3A_1218, %get3A_1218 masked %masked_sort3A_1314 {descending = true} : (vector<16xf32>, vector<16xf32>, vector<16xi1>) -> (vector<16xi1>, vector<16xf32>, vector<16xf32>)
                %max3A_1318 = arith.maximumf %cond3A_1211#0, %masked_sort3A_1316 : vector<16xf32>
                %masked_sort3A_1319 = arith.constant dense<true> : vector<16xi1>
                %masked_sort3A_1320, %masked_sort3A_1321, %masked_sort3A_1322 = tpu.sort %max3A_1318, %max3A_1318 masked %masked_sort3A_1319 : (vector<16xf32>, vector<16xf32>, vector<16xi1>) -> (vector<16xi1>, vector<16xf32>, vector<16xf32>)
                %iota3A_1323 = tpu.iota {dimensions = array<i32: 0>} : vector<16xi32>
                %eq3A_1324 = arith.constant 6 : i32
                %eq3A_1325 = vector.broadcast %eq3A_1324 : i32 to vector<16xi32>
                %eq3A_1326 = arith.cmpi eq, %iota3A_1323, %eq3A_1325 : vector<16xi32>
                %jit3A_1327 = arith.constant 0xFF800000 : f32
                %broadcast_in_dim3A_1328 = vector.broadcast %jit3A_1327 : f32 to vector<16xf32>
                %select_n3A_1329 = arith.select %eq3A_1326, %masked_sort3A_1321, %broadcast_in_dim3A_1328 : vector<16xi1>, vector<16xf32>
                %reduce_max3A_1330 = arith.constant true
                %reduce_max3A_1331 = vector.broadcast %reduce_max3A_1330 : i1 to vector<16xi1>
                %reduce_max3A_1332 = tpu.scan <max>, %select_n3A_1329 masked %reduce_max3A_1331 : vector<16xf32>, vector<16xi1> -> vector<16xf32>
                %reduce_max3A_1333 = vector.extract %reduce_max3A_1332[15] : f32 from vector<16xf32>
                %broadcast_in_dim3A_1334 = vector.broadcast %reduce_max3A_1333 : f32 to vector<16xf32>
                %max3A_1335 = arith.maximumf %cond3A_1211#1, %broadcast_in_dim3A_1334 : vector<16xf32>
                scf.yield %masked_sort3A_1321, %max3A_1335 : vector<16xf32>, vector<16xf32>
              } else {
                scf.yield %cond3A_1211#0, %cond3A_1211#1 : vector<16xf32>, vector<16xf32>
              }
              %mul3A_1229 = arith.constant 25 : i32
              %mul3A_1230 = arith.muli %scan3A_879, %mul3A_1229 : i32
              %add3A_1231 = arith.addi %mul3A_1230, %scan3A_1117 : i32
              %mul3A_1232 = arith.constant 16 : i32
              %mul3A_1233 = arith.muli %add3A_1231, %mul3A_1232 : i32
              %get3A_1234 = arith.index_cast %mul3A_1233 : i32 to index
              %get3A_1235 = tpu.vector_load %arg9[%get3A_1234] {strides = array<i32>} : memref<2000xf32, #tpu.memory_space<vmem>>, vector<16xf32>,
              %ge3A_1236 = arith.cmpf oge, %get3A_1235, %cond3A_1228#1 : vector<16xf32>
              %all_reduce_population_count3A_1237 = tpu.all_reduce %ge3A_1236 {dim = 0 : i64, kind = #tpu.reduction_kind<sum>} : vector<16xi1> -> vector<16xi32>
              %slice3A_1238 = vector.extract_strided_slice %all_reduce_population_count3A_1237 {offsets = [0], sizes = [1], strides = [1]} : vector<16xi32> to vector<1xi32>
              %squeeze3A_1239 = vector.extract %slice3A_1238[0] : i32 from vector<1xi32>
              %gt3A_1240 = arith.constant 0 : i32
              %gt3A_1241 = arith.cmpi sgt, %squeeze3A_1239, %gt3A_1240 : i32
              %convert_element_type3A_1242 = arith.extui %gt3A_1241 : i1 to i32
              %cond3A_1243 = arith.constant 0 : i32
              %cond3A_1244 = arith.cmpi ne, %convert_element_type3A_1242, %cond3A_1243 : i32
              %cond3A_1245:2 = scf.if %cond3A_1244 -> (vector<16xf32>, vector<16xf32>) {
                %masked_sort3A_1314 = arith.constant dense<true> : vector<16xi1>
                %masked_sort3A_1315, %masked_sort3A_1316, %masked_sort3A_1317 = tpu.sort %get3A_1235, %get3A_1235 masked %masked_sort3A_1314 {descending = true} : (vector<16xf32>, vector<16xf32>, vector<16xi1>) -> (vector<16xi1>, vector<16xf32>, vector<16xf32>)
                %max3A_1318 = arith.maximumf %cond3A_1228#0, %masked_sort3A_1316 : vector<16xf32>
                %masked_sort3A_1319 = arith.constant dense<true> : vector<16xi1>
                %masked_sort3A_1320, %masked_sort3A_1321, %masked_sort3A_1322 = tpu.sort %max3A_1318, %max3A_1318 masked %masked_sort3A_1319 : (vector<16xf32>, vector<16xf32>, vector<16xi1>) -> (vector<16xi1>, vector<16xf32>, vector<16xf32>)
                %iota3A_1323 = tpu.iota {dimensions = array<i32: 0>} : vector<16xi32>
                %eq3A_1324 = arith.constant 6 : i32
                %eq3A_1325 = vector.broadcast %eq3A_1324 : i32 to vector<16xi32>
                %eq3A_1326 = arith.cmpi eq, %iota3A_1323, %eq3A_1325 : vector<16xi32>
                %jit3A_1327 = arith.constant 0xFF800000 : f32
                %broadcast_in_dim3A_1328 = vector.broadcast %jit3A_1327 : f32 to vector<16xf32>
                %select_n3A_1329 = arith.select %eq3A_1326, %masked_sort3A_1321, %broadcast_in_dim3A_1328 : vector<16xi1>, vector<16xf32>
                %reduce_max3A_1330 = arith.constant true
                %reduce_max3A_1331 = vector.broadcast %reduce_max3A_1330 : i1 to vector<16xi1>
                %reduce_max3A_1332 = tpu.scan <max>, %select_n3A_1329 masked %reduce_max3A_1331 : vector<16xf32>, vector<16xi1> -> vector<16xf32>
                %reduce_max3A_1333 = vector.extract %reduce_max3A_1332[15] : f32 from vector<16xf32>
                %broadcast_in_dim3A_1334 = vector.broadcast %reduce_max3A_1333 : f32 to vector<16xf32>
                %max3A_1335 = arith.maximumf %cond3A_1228#1, %broadcast_in_dim3A_1334 : vector<16xf32>
                scf.yield %masked_sort3A_1321, %max3A_1335 : vector<16xf32>, vector<16xf32>
              } else {
                scf.yield %cond3A_1228#0, %cond3A_1228#1 : vector<16xf32>, vector<16xf32>
              }
              %mul3A_1246 = arith.constant 25 : i32
              %mul3A_1247 = arith.muli %scan3A_879, %mul3A_1246 : i32
              %add3A_1248 = arith.addi %mul3A_1247, %scan3A_1117 : i32
              %mul3A_1249 = arith.constant 16 : i32
              %mul3A_1250 = arith.muli %add3A_1248, %mul3A_1249 : i32
              %get3A_1251 = arith.index_cast %mul3A_1250 : i32 to index
              %get3A_1252 = tpu.vector_load %arg9[%get3A_1251] {strides = array<i32>} : memref<2000xf32, #tpu.memory_space<vmem>>, vector<16xf32>,
              %ge3A_1253 = arith.cmpf oge, %get3A_1252, %cond3A_1245#1 : vector<16xf32>
              %all_reduce_population_count3A_1254 = tpu.all_reduce %ge3A_1253 {dim = 0 : i64, kind = #tpu.reduction_kind<sum>} : vector<16xi1> -> vector<16xi32>
              %slice3A_1255 = vector.extract_strided_slice %all_reduce_population_count3A_1254 {offsets = [0], sizes = [1], strides = [1]} : vector<16xi32> to vector<1xi32>
              %squeeze3A_1256 = vector.extract %slice3A_1255[0] : i32 from vector<1xi32>
              %gt3A_1257 = arith.constant 0 : i32
              %gt3A_1258 = arith.cmpi sgt, %squeeze3A_1256, %gt3A_1257 : i32
              %convert_element_type3A_1259 = arith.extui %gt3A_1258 : i1 to i32
              %cond3A_1260 = arith.constant 0 : i32
              %cond3A_1261 = arith.cmpi ne, %convert_element_type3A_1259, %cond3A_1260 : i32
              %cond3A_1262:2 = scf.if %cond3A_1261 -> (vector<16xf32>, vector<16xf32>) {
                %masked_sort3A_1314 = arith.constant dense<true> : vector<16xi1>
                %masked_sort3A_1315, %masked_sort3A_1316, %masked_sort3A_1317 = tpu.sort %get3A_1252, %get3A_1252 masked %masked_sort3A_1314 {descending = true} : (vector<16xf32>, vector<16xf32>, vector<16xi1>) -> (vector<16xi1>, vector<16xf32>, vector<16xf32>)
                %max3A_1318 = arith.maximumf %cond3A_1245#0, %masked_sort3A_1316 : vector<16xf32>
                %masked_sort3A_1319 = arith.constant dense<true> : vector<16xi1>
                %masked_sort3A_1320, %masked_sort3A_1321, %masked_sort3A_1322 = tpu.sort %max3A_1318, %max3A_1318 masked %masked_sort3A_1319 : (vector<16xf32>, vector<16xf32>, vector<16xi1>) -> (vector<16xi1>, vector<16xf32>, vector<16xf32>)
                %iota3A_1323 = tpu.iota {dimensions = array<i32: 0>} : vector<16xi32>
                %eq3A_1324 = arith.constant 6 : i32
                %eq3A_1325 = vector.broadcast %eq3A_1324 : i32 to vector<16xi32>
                %eq3A_1326 = arith.cmpi eq, %iota3A_1323, %eq3A_1325 : vector<16xi32>
                %jit3A_1327 = arith.constant 0xFF800000 : f32
                %broadcast_in_dim3A_1328 = vector.broadcast %jit3A_1327 : f32 to vector<16xf32>
                %select_n3A_1329 = arith.select %eq3A_1326, %masked_sort3A_1321, %broadcast_in_dim3A_1328 : vector<16xi1>, vector<16xf32>
                %reduce_max3A_1330 = arith.constant true
                %reduce_max3A_1331 = vector.broadcast %reduce_max3A_1330 : i1 to vector<16xi1>
                %reduce_max3A_1332 = tpu.scan <max>, %select_n3A_1329 masked %reduce_max3A_1331 : vector<16xf32>, vector<16xi1> -> vector<16xf32>
                %reduce_max3A_1333 = vector.extract %reduce_max3A_1332[15] : f32 from vector<16xf32>
                %broadcast_in_dim3A_1334 = vector.broadcast %reduce_max3A_1333 : f32 to vector<16xf32>
                %max3A_1335 = arith.maximumf %cond3A_1245#1, %broadcast_in_dim3A_1334 : vector<16xf32>
                scf.yield %masked_sort3A_1321, %max3A_1335 : vector<16xf32>, vector<16xf32>
              } else {
                scf.yield %cond3A_1245#0, %cond3A_1245#1 : vector<16xf32>, vector<16xf32>
              }
              %mul3A_1263 = arith.constant 25 : i32
              %mul3A_1264 = arith.muli %scan3A_879, %mul3A_1263 : i32
              %add3A_1265 = arith.addi %mul3A_1264, %scan3A_1117 : i32
              %mul3A_1266 = arith.constant 16 : i32
              %mul3A_1267 = arith.muli %add3A_1265, %mul3A_1266 : i32
              %get3A_1268 = arith.index_cast %mul3A_1267 : i32 to index
              %get3A_1269 = tpu.vector_load %arg9[%get3A_1268] {strides = array<i32>} : memref<2000xf32, #tpu.memory_space<vmem>>, vector<16xf32>,
              %ge3A_1270 = arith.cmpf oge, %get3A_1269, %cond3A_1262#1 : vector<16xf32>
              %all_reduce_population_count3A_1271 = tpu.all_reduce %ge3A_1270 {dim = 0 : i64, kind = #tpu.reduction_kind<sum>} : vector<16xi1> -> vector<16xi32>
              %slice3A_1272 = vector.extract_strided_slice %all_reduce_population_count3A_1271 {offsets = [0], sizes = [1], strides = [1]} : vector<16xi32> to vector<1xi32>
              %squeeze3A_1273 = vector.extract %slice3A_1272[0] : i32 from vector<1xi32>
              %gt3A_1274 = arith.constant 0 : i32
              %gt3A_1275 = arith.cmpi sgt, %squeeze3A_1273, %gt3A_1274 : i32
              %convert_element_type3A_1276 = arith.extui %gt3A_1275 : i1 to i32
              %cond3A_1277 = arith.constant 0 : i32
              %cond3A_1278 = arith.cmpi ne, %convert_element_type3A_1276, %cond3A_1277 : i32
              %cond3A_1279:2 = scf.if %cond3A_1278 -> (vector<16xf32>, vector<16xf32>) {
                %masked_sort3A_1314 = arith.constant dense<true> : vector<16xi1>
                %masked_sort3A_1315, %masked_sort3A_1316, %masked_sort3A_1317 = tpu.sort %get3A_1269, %get3A_1269 masked %masked_sort3A_1314 {descending = true} : (vector<16xf32>, vector<16xf32>, vector<16xi1>) -> (vector<16xi1>, vector<16xf32>, vector<16xf32>)
                %max3A_1318 = arith.maximumf %cond3A_1262#0, %masked_sort3A_1316 : vector<16xf32>
                %masked_sort3A_1319 = arith.constant dense<true> : vector<16xi1>
                %masked_sort3A_1320, %masked_sort3A_1321, %masked_sort3A_1322 = tpu.sort %max3A_1318, %max3A_1318 masked %masked_sort3A_1319 : (vector<16xf32>, vector<16xf32>, vector<16xi1>) -> (vector<16xi1>, vector<16xf32>, vector<16xf32>)
                %iota3A_1323 = tpu.iota {dimensions = array<i32: 0>} : vector<16xi32>
                %eq3A_1324 = arith.constant 6 : i32
                %eq3A_1325 = vector.broadcast %eq3A_1324 : i32 to vector<16xi32>
                %eq3A_1326 = arith.cmpi eq, %iota3A_1323, %eq3A_1325 : vector<16xi32>
                %jit3A_1327 = arith.constant 0xFF800000 : f32
                %broadcast_in_dim3A_1328 = vector.broadcast %jit3A_1327 : f32 to vector<16xf32>
                %select_n3A_1329 = arith.select %eq3A_1326, %masked_sort3A_1321, %broadcast_in_dim3A_1328 : vector<16xi1>, vector<16xf32>
                %reduce_max3A_1330 = arith.constant true
                %reduce_max3A_1331 = vector.broadcast %reduce_max3A_1330 : i1 to vector<16xi1>
                %reduce_max3A_1332 = tpu.scan <max>, %select_n3A_1329 masked %reduce_max3A_1331 : vector<16xf32>, vector<16xi1> -> vector<16xf32>
                %reduce_max3A_1333 = vector.extract %reduce_max3A_1332[15] : f32 from vector<16xf32>
                %broadcast_in_dim3A_1334 = vector.broadcast %reduce_max3A_1333 : f32 to vector<16xf32>
                %max3A_1335 = arith.maximumf %cond3A_1262#1, %broadcast_in_dim3A_1334 : vector<16xf32>
                scf.yield %masked_sort3A_1321, %max3A_1335 : vector<16xf32>, vector<16xf32>
              } else {
                scf.yield %cond3A_1262#0, %cond3A_1262#1 : vector<16xf32>, vector<16xf32>
              }
              %mul3A_1280 = arith.constant 25 : i32
              %mul3A_1281 = arith.muli %scan3A_879, %mul3A_1280 : i32
              %add3A_1282 = arith.addi %mul3A_1281, %scan3A_1117 : i32
              %mul3A_1283 = arith.constant 16 : i32
              %mul3A_1284 = arith.muli %add3A_1282, %mul3A_1283 : i32
              %get3A_1285 = arith.index_cast %mul3A_1284 : i32 to index
              %get3A_1286 = tpu.vector_load %arg9[%get3A_1285] {strides = array<i32>} : memref<2000xf32, #tpu.memory_space<vmem>>, vector<16xf32>,
              %ge3A_1287 = arith.cmpf oge, %get3A_1286, %cond3A_1279#1 : vector<16xf32>
              %all_reduce_population_count3A_1288 = tpu.all_reduce %ge3A_1287 {dim = 0 : i64, kind = #tpu.reduction_kind<sum>} : vector<16xi1> -> vector<16xi32>
              %slice3A_1289 = vector.extract_strided_slice %all_reduce_population_count3A_1288 {offsets = [0], sizes = [1], strides = [1]} : vector<16xi32> to vector<1xi32>
              %squeeze3A_1290 = vector.extract %slice3A_1289[0] : i32 from vector<1xi32>
              %gt3A_1291 = arith.constant 0 : i32
              %gt3A_1292 = arith.cmpi sgt, %squeeze3A_1290, %gt3A_1291 : i32
              %convert_element_type3A_1293 = arith.extui %gt3A_1292 : i1 to i32
              %cond3A_1294 = arith.constant 0 : i32
              %cond3A_1295 = arith.cmpi ne, %convert_element_type3A_1293, %cond3A_1294 : i32
              %cond3A_1296:2 = scf.if %cond3A_1295 -> (vector<16xf32>, vector<16xf32>) {
                %masked_sort3A_1314 = arith.constant dense<true> : vector<16xi1>
                %masked_sort3A_1315, %masked_sort3A_1316, %masked_sort3A_1317 = tpu.sort %get3A_1286, %get3A_1286 masked %masked_sort3A_1314 {descending = true} : (vector<16xf32>, vector<16xf32>, vector<16xi1>) -> (vector<16xi1>, vector<16xf32>, vector<16xf32>)
                %max3A_1318 = arith.maximumf %cond3A_1279#0, %masked_sort3A_1316 : vector<16xf32>
                %masked_sort3A_1319 = arith.constant dense<true> : vector<16xi1>
                %masked_sort3A_1320, %masked_sort3A_1321, %masked_sort3A_1322 = tpu.sort %max3A_1318, %max3A_1318 masked %masked_sort3A_1319 : (vector<16xf32>, vector<16xf32>, vector<16xi1>) -> (vector<16xi1>, vector<16xf32>, vector<16xf32>)
                %iota3A_1323 = tpu.iota {dimensions = array<i32: 0>} : vector<16xi32>
                %eq3A_1324 = arith.constant 6 : i32
                %eq3A_1325 = vector.broadcast %eq3A_1324 : i32 to vector<16xi32>
                %eq3A_1326 = arith.cmpi eq, %iota3A_1323, %eq3A_1325 : vector<16xi32>
                %jit3A_1327 = arith.constant 0xFF800000 : f32
                %broadcast_in_dim3A_1328 = vector.broadcast %jit3A_1327 : f32 to vector<16xf32>
                %select_n3A_1329 = arith.select %eq3A_1326, %masked_sort3A_1321, %broadcast_in_dim3A_1328 : vector<16xi1>, vector<16xf32>
                %reduce_max3A_1330 = arith.constant true
                %reduce_max3A_1331 = vector.broadcast %reduce_max3A_1330 : i1 to vector<16xi1>
                %reduce_max3A_1332 = tpu.scan <max>, %select_n3A_1329 masked %reduce_max3A_1331 : vector<16xf32>, vector<16xi1> -> vector<16xf32>
                %reduce_max3A_1333 = vector.extract %reduce_max3A_1332[15] : f32 from vector<16xf32>
                %broadcast_in_dim3A_1334 = vector.broadcast %reduce_max3A_1333 : f32 to vector<16xf32>
                %max3A_1335 = arith.maximumf %cond3A_1279#1, %broadcast_in_dim3A_1334 : vector<16xf32>
                scf.yield %masked_sort3A_1321, %max3A_1335 : vector<16xf32>, vector<16xf32>
              } else {
                scf.yield %cond3A_1279#0, %cond3A_1279#1 : vector<16xf32>, vector<16xf32>
              }
              %mul3A_1297 = arith.constant 25 : i32
              %mul3A_1298 = arith.muli %scan3A_879, %mul3A_1297 : i32
              %add3A_1299 = arith.addi %mul3A_1298, %scan3A_1117 : i32
              %mul3A_1300 = arith.constant 16 : i32
              %mul3A_1301 = arith.muli %add3A_1299, %mul3A_1300 : i32
              %get3A_1302 = arith.index_cast %mul3A_1301 : i32 to index
              %get3A_1303 = tpu.vector_load %arg9[%get3A_1302] {strides = array<i32>} : memref<2000xf32, #tpu.memory_space<vmem>>, vector<16xf32>,
              %ge3A_1304 = arith.cmpf oge, %get3A_1303, %cond3A_1296#1 : vector<16xf32>
              %all_reduce_population_count3A_1305 = tpu.all_reduce %ge3A_1304 {dim = 0 : i64, kind = #tpu.reduction_kind<sum>} : vector<16xi1> -> vector<16xi32>
              %slice3A_1306 = vector.extract_strided_slice %all_reduce_population_count3A_1305 {offsets = [0], sizes = [1], strides = [1]} : vector<16xi32> to vector<1xi32>
              %squeeze3A_1307 = vector.extract %slice3A_1306[0] : i32 from vector<1xi32>
              %gt3A_1308 = arith.constant 0 : i32
              %gt3A_1309 = arith.cmpi sgt, %squeeze3A_1307, %gt3A_1308 : i32
              %convert_element_type3A_1310 = arith.extui %gt3A_1309 : i1 to i32
              %cond3A_1311 = arith.constant 0 : i32
              %cond3A_1312 = arith.cmpi ne, %convert_element_type3A_1310, %cond3A_1311 : i32
              %cond3A_1313:2 = scf.if %cond3A_1312 -> (vector<16xf32>, vector<16xf32>) {
                %masked_sort3A_1314 = arith.constant dense<true> : vector<16xi1>
                %masked_sort3A_1315, %masked_sort3A_1316, %masked_sort3A_1317 = tpu.sort %get3A_1303, %get3A_1303 masked %masked_sort3A_1314 {descending = true} : (vector<16xf32>, vector<16xf32>, vector<16xi1>) -> (vector<16xi1>, vector<16xf32>, vector<16xf32>)
                %max3A_1318 = arith.maximumf %cond3A_1296#0, %masked_sort3A_1316 : vector<16xf32>
                %masked_sort3A_1319 = arith.constant dense<true> : vector<16xi1>
                %masked_sort3A_1320, %masked_sort3A_1321, %masked_sort3A_1322 = tpu.sort %max3A_1318, %max3A_1318 masked %masked_sort3A_1319 : (vector<16xf32>, vector<16xf32>, vector<16xi1>) -> (vector<16xi1>, vector<16xf32>, vector<16xf32>)
                %iota3A_1323 = tpu.iota {dimensions = array<i32: 0>} : vector<16xi32>
                %eq3A_1324 = arith.constant 6 : i32
                %eq3A_1325 = vector.broadcast %eq3A_1324 : i32 to vector<16xi32>
                %eq3A_1326 = arith.cmpi eq, %iota3A_1323, %eq3A_1325 : vector<16xi32>
                %jit3A_1327 = arith.constant 0xFF800000 : f32
                %broadcast_in_dim3A_1328 = vector.broadcast %jit3A_1327 : f32 to vector<16xf32>
                %select_n3A_1329 = arith.select %eq3A_1326, %masked_sort3A_1321, %broadcast_in_dim3A_1328 : vector<16xi1>, vector<16xf32>
                %reduce_max3A_1330 = arith.constant true
                %reduce_max3A_1331 = vector.broadcast %reduce_max3A_1330 : i1 to vector<16xi1>
                %reduce_max3A_1332 = tpu.scan <max>, %select_n3A_1329 masked %reduce_max3A_1331 : vector<16xf32>, vector<16xi1> -> vector<16xf32>
                %reduce_max3A_1333 = vector.extract %reduce_max3A_1332[15] : f32 from vector<16xf32>
                %broadcast_in_dim3A_1334 = vector.broadcast %reduce_max3A_1333 : f32 to vector<16xf32>
                %max3A_1335 = arith.maximumf %cond3A_1296#1, %broadcast_in_dim3A_1334 : vector<16xf32>
                scf.yield %masked_sort3A_1321, %max3A_1335 : vector<16xf32>, vector<16xf32>
              } else {
                scf.yield %cond3A_1296#0, %cond3A_1296#1 : vector<16xf32>, vector<16xf32>
              }
              scf.yield %cond3A_1313#0, %cond3A_1313#1 : vector<16xf32>, vector<16xf32>
            } else {
              scf.yield %scan3A_1118, %scan3A_1119 : vector<16xf32>, vector<16xf32>
            }
            scf.yield %cond3A_1143#0, %cond3A_1143#1 : vector<16xf32>, vector<16xf32>
          }
          %scan3A_1116 = arith.constant 25 : i32
          scf.yield %scan3A_1115#0, %scan3A_1115#1 : vector<16xf32>, vector<16xf32>
        } else {
          scf.yield %scan3A_880, %scan3A_881 : vector<16xf32>, vector<16xf32>
        }
        scf.yield %cond3A_1110#0, %cond3A_1110#1 : vector<16xf32>, vector<16xf32>
      }
      %scan3A_227 = arith.constant 5 : i32
      %eq3A_228 = arith.constant 4 : i32
      %eq3A_229 = arith.cmpi eq, %select_n3A_100, %eq3A_228 : i32
      %convert_element_type3A_230 = arith.extui %eq3A_229 : i1 to i32
      %cond3A_231 = arith.constant 0 : i32
      %cond3A_232 = arith.cmpi ne, %convert_element_type3A_230, %cond3A_231 : i32
      scf.if %cond3A_232 {
        %swap3A = arith.index_cast %select_n3A_124 : i32 to index
        %swap3A_879 = arith.constant 0 : index
        %swap3A_880 = tpu.vector_load %arg11[%swap3A, %swap3A_879] {strides = array<i32>} : memref<32x16xf32, #tpu.memory_space<vmem>>, vector<16xf32>,
        tpu.vector_store %arg11[%swap3A, %swap3A_879], %scan3A_226#0 {strides = array<i32>} : memref<32x16xf32, #tpu.memory_space<vmem>>, vector<16xf32>,
      } else {
      }
      %add3A_233 = arith.constant 4 : i32
      %add3A_234 = arith.addi %add3A_48, %add3A_233 : i32
      %lt3A_235 = arith.constant 160 : i32
      %lt3A_236 = arith.cmpi slt, %add3A_234, %lt3A_235 : i32
      %convert_element_type3A_237 = arith.extui %lt3A_236 : i1 to i32
      %cond3A_238 = arith.constant 0 : i32
      %cond3A_239 = arith.cmpi ne, %convert_element_type3A_237, %cond3A_238 : i32
      scf.if %cond3A_239 {
        %add3A_879 = arith.constant 4 : i32
        %add3A_880 = arith.addi %add3A_48, %add3A_879 : i32
        %jit3A_881 = arith.constant 5 : i32
        %div3A_882 = arith.divsi %add3A_880, %jit3A_881 : i32
        %sign3A_883 = arith.constant 0 : i32
        %sign3A_884 = arith.cmpi sgt, %add3A_880, %sign3A_883 : i32
        %sign3A_885 = arith.extui %sign3A_884 : i1 to i32
        %sign3A_886 = arith.constant 0 : i32
        %sign3A_887 = arith.cmpi slt, %add3A_880, %sign3A_886 : i32
        %sign3A_888 = arith.extui %sign3A_887 : i1 to i32
        %sign3A_889 = arith.subi %sign3A_885, %sign3A_888 : i32
        %sign3A_890 = arith.constant 0 : i32
        %sign3A_891 = arith.cmpi sgt, %jit3A_881, %sign3A_890 : i32
        %sign3A_892 = arith.extui %sign3A_891 : i1 to i32
        %sign3A_893 = arith.constant 0 : i32
        %sign3A_894 = arith.cmpi slt, %jit3A_881, %sign3A_893 : i32
        %sign3A_895 = arith.extui %sign3A_894 : i1 to i32
        %sign3A_896 = arith.subi %sign3A_892, %sign3A_895 : i32
        %ne3A_897 = arith.cmpi ne, %sign3A_889, %sign3A_896 : i32
        %rem3A_898 = arith.remsi %add3A_880, %jit3A_881 : i32
        %ne3A_899 = arith.constant 0 : i32
        %ne3A_900 = arith.cmpi ne, %rem3A_898, %ne3A_899 : i32
        %and3A_901 = arith.andi %ne3A_897, %ne3A_900 : i1
        %sub3A_902 = arith.constant 1 : i32
        %sub3A_903 = arith.subi %div3A_882, %sub3A_902 : i32
        %select_n3A_904 = arith.select %and3A_901, %sub3A_903, %div3A_882 : i32
        %add3A_905 = arith.addi %mul3A_2, %select_n3A_904 : i32
        %jit3A_906 = arith.constant 5 : i32
        %eq3A_907 = arith.constant 0 : i32
        %eq3A_908 = arith.cmpi eq, %jit3A_906, %eq3A_907 : i32
        %jit3A_909 = arith.constant 1 : i32
        %select_n3A_910 = arith.select %eq3A_908, %jit3A_909, %jit3A_906 : i32
        %rem3A_911 = arith.remsi %add3A_880, %select_n3A_910 : i32
        %ne3A_912 = arith.constant 0 : i32
        %ne3A_913 = arith.cmpi ne, %rem3A_911, %ne3A_912 : i32
        %lt3A_914 = arith.constant 0 : i32
        %lt3A_915 = arith.cmpi slt, %rem3A_911, %lt3A_914 : i32
        %lt3A_916 = arith.constant 0 : i32
        %lt3A_917 = arith.cmpi slt, %select_n3A_910, %lt3A_916 : i32
        %ne3A_918 = arith.xori %lt3A_915, %lt3A_917 : i1
        %and3A_919 = arith.andi %ne3A_918, %ne3A_913 : i1
        %add3A_920 = arith.addi %rem3A_911, %select_n3A_910 : i32
        %select_n3A_921 = arith.select %and3A_919, %add3A_920, %rem3A_911 : i32
        %mul3A_922 = arith.constant 20000 : i32
        %mul3A_923 = arith.muli %select_n3A_921, %mul3A_922 : i32
        %dma_start3A_924 = tpu.memref_slice %arg2[%add3A_905, %mul3A_923] : memref<1024x100000xf32, #tpu.memory_space<hbm>> -> memref<1x20000xf32, #tpu.memory_space<hbm>>
        %dma_start3A_925 = tpu.memref_squeeze %dma_start3A_924 : memref<1x20000xf32, #tpu.memory_space<hbm>> -> memref<20000xf32, #tpu.memory_space<hbm>>
        %dma_start3A_926 = tpu.memref_slice %arg2[%add3A_905, %mul3A_923] : memref<1024x100000xf32, #tpu.memory_space<hbm>> -> memref<1x20000xf32, #tpu.memory_space<hbm>>
        %dma_start3A_927 = tpu.memref_squeeze %dma_start3A_926 : memref<1x20000xf32, #tpu.memory_space<hbm>> -> memref<20000xf32, #tpu.memory_space<hbm>>
        tpu.enqueue_dma source(%dma_start3A_927 : memref<20000xf32, #tpu.memory_space<hbm>>) target(%arg5 : memref<20000xf32, #tpu.memory_space<vmem>>) target_semaphore(%arg12 : memref<!tpu.dma_semaphore, #tpu.memory_space<semaphore_mem>>)
      } else {
      }
      %add3A_240 = arith.constant 1 : i32
      %add3A_241 = arith.addi %mul3A_46, %add3A_240 : i32
      %jit3A_242 = arith.constant 5 : i32
      %div3A_243 = arith.divsi %add3A_241, %jit3A_242 : i32
      %sign3A_244 = arith.constant 0 : i32
      %sign3A_245 = arith.cmpi sgt, %add3A_241, %sign3A_244 : i32
      %sign3A_246 = arith.extui %sign3A_245 : i1 to i32
      %sign3A_247 = arith.constant 0 : i32
      %sign3A_248 = arith.cmpi slt, %add3A_241, %sign3A_247 : i32
      %sign3A_249 = arith.extui %sign3A_248 : i1 to i32
      %sign3A_250 = arith.subi %sign3A_246, %sign3A_249 : i32
      %sign3A_251 = arith.constant 0 : i32
      %sign3A_252 = arith.cmpi sgt, %jit3A_242, %sign3A_251 : i32
      %sign3A_253 = arith.extui %sign3A_252 : i1 to i32
      %sign3A_254 = arith.constant 0 : i32
      %sign3A_255 = arith.cmpi slt, %jit3A_242, %sign3A_254 : i32
      %sign3A_256 = arith.extui %sign3A_255 : i1 to i32
      %sign3A_257 = arith.subi %sign3A_253, %sign3A_256 : i32
      %ne3A_258 = arith.cmpi ne, %sign3A_250, %sign3A_257 : i32
      %rem3A_259 = arith.remsi %add3A_241, %jit3A_242 : i32
      %ne3A_260 = arith.constant 0 : i32
      %ne3A_261 = arith.cmpi ne, %rem3A_259, %ne3A_260 : i32
      %and3A_262 = arith.andi %ne3A_258, %ne3A_261 : i1
      %sub3A_263 = arith.constant 1 : i32
      %sub3A_264 = arith.subi %div3A_243, %sub3A_263 : i32
      %select_n3A_265 = arith.select %and3A_262, %sub3A_264, %div3A_243 : i32
      %add3A_266 = arith.addi %mul3A_2, %select_n3A_265 : i32
      %jit3A_267 = arith.constant 5 : i32
      %eq3A_268 = arith.constant 0 : i32
      %eq3A_269 = arith.cmpi eq, %jit3A_267, %eq3A_268 : i32
      %jit3A_270 = arith.constant 1 : i32
      %select_n3A_271 = arith.select %eq3A_269, %jit3A_270, %jit3A_267 : i32
      %rem3A_272 = arith.remsi %add3A_241, %select_n3A_271 : i32
      %ne3A_273 = arith.constant 0 : i32
      %ne3A_274 = arith.cmpi ne, %rem3A_272, %ne3A_273 : i32
      %lt3A_275 = arith.constant 0 : i32
      %lt3A_276 = arith.cmpi slt, %rem3A_272, %lt3A_275 : i32
      %lt3A_277 = arith.constant 0 : i32
      %lt3A_278 = arith.cmpi slt, %select_n3A_271, %lt3A_277 : i32
      %ne3A_279 = arith.xori %lt3A_276, %lt3A_278 : i1
      %and3A_280 = arith.andi %ne3A_279, %ne3A_274 : i1
      %add3A_281 = arith.addi %rem3A_272, %select_n3A_271 : i32
      %select_n3A_282 = arith.select %and3A_280, %add3A_281, %rem3A_272 : i32
      %mul3A_283 = arith.constant 20000 : i32
      %mul3A_284 = arith.muli %select_n3A_282, %mul3A_283 : i32
      %dma_wait3A_285 = tpu.memref_slice %arg2[%add3A_266, %mul3A_284] : memref<1024x100000xf32, #tpu.memory_space<hbm>> -> memref<1x20000xf32, #tpu.memory_space<hbm>>
      %dma_wait3A_286 = tpu.memref_squeeze %dma_wait3A_285 : memref<1x20000xf32, #tpu.memory_space<hbm>> -> memref<20000xf32, #tpu.memory_space<hbm>>
      %dma_wait3A_287 = tpu.memref_slice %arg2[%add3A_266, %mul3A_284] : memref<1024x100000xf32, #tpu.memory_space<hbm>> -> memref<1x20000xf32, #tpu.memory_space<hbm>>
      %dma_wait3A_288 = tpu.memref_squeeze %dma_wait3A_287 : memref<1x20000xf32, #tpu.memory_space<hbm>> -> memref<20000xf32, #tpu.memory_space<hbm>>
      tpu.wait_dma2 semaphore(%arg13 : memref<!tpu.dma_semaphore, #tpu.memory_space<semaphore_mem>>) src(%dma_wait3A_288 : memref<20000xf32, #tpu.memory_space<hbm>>) dst(%arg6 : memref<20000xf32, #tpu.memory_space<vmem>>)
      %jit3A_289 = arith.constant 5 : i32
      %eq3A_290 = arith.constant 0 : i32
      %eq3A_291 = arith.cmpi eq, %jit3A_289, %eq3A_290 : i32
      %jit3A_292 = arith.constant 1 : i32
      %select_n3A_293 = arith.select %eq3A_291, %jit3A_292, %jit3A_289 : i32
      %rem3A_294 = arith.remsi %add3A_241, %select_n3A_293 : i32
      %ne3A_295 = arith.constant 0 : i32
      %ne3A_296 = arith.cmpi ne, %rem3A_294, %ne3A_295 : i32
      %lt3A_297 = arith.constant 0 : i32
      %lt3A_298 = arith.cmpi slt, %rem3A_294, %lt3A_297 : i32
      %lt3A_299 = arith.constant 0 : i32
      %lt3A_300 = arith.cmpi slt, %select_n3A_293, %lt3A_299 : i32
      %ne3A_301 = arith.xori %lt3A_298, %lt3A_300 : i1
      %and3A_302 = arith.andi %ne3A_301, %ne3A_296 : i1
      %add3A_303 = arith.addi %rem3A_294, %select_n3A_293 : i32
      %select_n3A_304 = arith.select %and3A_302, %add3A_303, %rem3A_294 : i32
      %jit3A_305 = arith.constant 5 : i32
      %div3A_306 = arith.divsi %add3A_241, %jit3A_305 : i32
      %sign3A_307 = arith.constant 0 : i32
      %sign3A_308 = arith.cmpi sgt, %add3A_241, %sign3A_307 : i32
      %sign3A_309 = arith.extui %sign3A_308 : i1 to i32
      %sign3A_310 = arith.constant 0 : i32
      %sign3A_311 = arith.cmpi slt, %add3A_241, %sign3A_310 : i32
      %sign3A_312 = arith.extui %sign3A_311 : i1 to i32
      %sign3A_313 = arith.subi %sign3A_309, %sign3A_312 : i32
      %sign3A_314 = arith.constant 0 : i32
      %sign3A_315 = arith.cmpi sgt, %jit3A_305, %sign3A_314 : i32
      %sign3A_316 = arith.extui %sign3A_315 : i1 to i32
      %sign3A_317 = arith.constant 0 : i32
      %sign3A_318 = arith.cmpi slt, %jit3A_305, %sign3A_317 : i32
      %sign3A_319 = arith.extui %sign3A_318 : i1 to i32
      %sign3A_320 = arith.subi %sign3A_316, %sign3A_319 : i32
      %ne3A_321 = arith.cmpi ne, %sign3A_313, %sign3A_320 : i32
      %rem3A_322 = arith.remsi %add3A_241, %jit3A_305 : i32
      %ne3A_323 = arith.constant 0 : i32
      %ne3A_324 = arith.cmpi ne, %rem3A_322, %ne3A_323 : i32
      %and3A_325 = arith.andi %ne3A_321, %ne3A_324 : i1
      %sub3A_326 = arith.constant 1 : i32
      %sub3A_327 = arith.subi %div3A_306, %sub3A_326 : i32
      %select_n3A_328 = arith.select %and3A_325, %sub3A_327, %div3A_306 : i32
      %eq3A_329 = arith.constant 0 : i32
      %eq3A_330 = arith.cmpi eq, %select_n3A_304, %eq3A_329 : i32
      %broadcast_in_dim3A_331 = arith.constant 0xFF800000 : f32
      %broadcast_in_dim3A_332 = vector.broadcast %broadcast_in_dim3A_331 : f32 to vector<16xf32>
      %select_n3A_333 = arith.select %eq3A_330, %broadcast_in_dim3A_332, %scan3A_226#0 : vector<16xf32>
      %broadcast_in_dim3A_334 = arith.constant 0xFF800000 : f32
      %broadcast_in_dim3A_335 = vector.broadcast %broadcast_in_dim3A_334 : f32 to vector<16xf32>
      %select_n3A_336 = arith.select %eq3A_330, %broadcast_in_dim3A_335, %scan3A_226#1 : vector<16xf32>
      %jit3A_337 = arith.constant 16 : i32
      %div3A_338 = arith.divsi %select_n3A_328, %jit3A_337 : i32
      %sign3A_339 = arith.constant 0 : i32
      %sign3A_340 = arith.cmpi sgt, %select_n3A_328, %sign3A_339 : i32
      %sign3A_341 = arith.extui %sign3A_340 : i1 to i32
      %sign3A_342 = arith.constant 0 : i32
      %sign3A_343 = arith.cmpi slt, %select_n3A_328, %sign3A_342 : i32
      %sign3A_344 = arith.extui %sign3A_343 : i1 to i32
      %sign3A_345 = arith.subi %sign3A_341, %sign3A_344 : i32
      %sign3A_346 = arith.constant 0 : i32
      %sign3A_347 = arith.cmpi sgt, %jit3A_337, %sign3A_346 : i32
      %sign3A_348 = arith.extui %sign3A_347 : i1 to i32
      %sign3A_349 = arith.constant 0 : i32
      %sign3A_350 = arith.cmpi slt, %jit3A_337, %sign3A_349 : i32
      %sign3A_351 = arith.extui %sign3A_350 : i1 to i32
      %sign3A_352 = arith.subi %sign3A_348, %sign3A_351 : i32
      %ne3A_353 = arith.cmpi ne, %sign3A_345, %sign3A_352 : i32
      %rem3A_354 = arith.remsi %select_n3A_328, %jit3A_337 : i32
      %ne3A_355 = arith.constant 0 : i32
      %ne3A_356 = arith.cmpi ne, %rem3A_354, %ne3A_355 : i32
      %and3A_357 = arith.andi %ne3A_353, %ne3A_356 : i1
      %sub3A_358 = arith.constant 1 : i32
      %sub3A_359 = arith.subi %div3A_338, %sub3A_358 : i32
      %select_n3A_360 = arith.select %and3A_357, %sub3A_359, %div3A_338 : i32
      %mul3A_361 = arith.constant 16 : i32
      %mul3A_362 = arith.muli %select_n3A_360, %mul3A_361 : i32
      %multiple_of3A_363 = tpu.assume_multiple %mul3A_362, 16 : i32
      %get3A_364 = arith.index_cast %multiple_of3A_363 : i32 to index
      %get3A_365 = tpu.vector_load %arg10[%get3A_364] {strides = array<i32>} : memref<32xi32, #tpu.memory_space<vmem>>, vector<16xi32>,
      %sub3A_366 = arith.subi %select_n3A_328, %multiple_of3A_363 : i32
      %iota3A_367 = tpu.iota {dimensions = array<i32: 0>} : vector<16xi32>
      %eq3A_368 = vector.broadcast %sub3A_366 : i32 to vector<16xi32>
      %eq3A_369 = arith.cmpi eq, %iota3A_367, %eq3A_368 : vector<16xi32>
      %jit3A_370 = arith.constant 0 : i32
      %broadcast_in_dim3A_371 = vector.broadcast %jit3A_370 : i32 to vector<16xi32>
      %select_n3A_372 = arith.select %eq3A_369, %get3A_365, %broadcast_in_dim3A_371 : vector<16xi1>, vector<16xi32>
      %reduce_max3A_373 = arith.constant true
      %reduce_max3A_374 = vector.broadcast %reduce_max3A_373 : i1 to vector<16xi1>
      %reduce_max3A_375 = arith.constant -2147483648 : i32
      %reduce_max3A_376 = vector.broadcast %reduce_max3A_375 : i32 to vector<16xi32>
      %reduce_max3A_377 = arith.xori %select_n3A_372, %reduce_max3A_376 : vector<16xi32>
      %reduce_max3A_378 = tpu.scan <max>, %reduce_max3A_377 masked %reduce_max3A_374 : vector<16xi32>, vector<16xi1> -> vector<16xi32>
      %reduce_max3A_379 = arith.xori %reduce_max3A_378, %reduce_max3A_376 : vector<16xi32>
      %reduce_max3A_380 = vector.extract %reduce_max3A_379[15] : i32 from vector<16xi32>
      %jit3A_381 = arith.constant 20000 : i32
      %div3A_382 = arith.divsi %reduce_max3A_380, %jit3A_381 : i32
      %sign3A_383 = arith.constant 0 : i32
      %sign3A_384 = arith.cmpi sgt, %reduce_max3A_380, %sign3A_383 : i32
      %sign3A_385 = arith.extui %sign3A_384 : i1 to i32
      %sign3A_386 = arith.constant 0 : i32
      %sign3A_387 = arith.cmpi slt, %reduce_max3A_380, %sign3A_386 : i32
      %sign3A_388 = arith.extui %sign3A_387 : i1 to i32
      %sign3A_389 = arith.subi %sign3A_385, %sign3A_388 : i32
      %sign3A_390 = arith.constant 0 : i32
      %sign3A_391 = arith.cmpi sgt, %jit3A_381, %sign3A_390 : i32
      %sign3A_392 = arith.extui %sign3A_391 : i1 to i32
      %sign3A_393 = arith.constant 0 : i32
      %sign3A_394 = arith.cmpi slt, %jit3A_381, %sign3A_393 : i32
      %sign3A_395 = arith.extui %sign3A_394 : i1 to i32
      %sign3A_396 = arith.subi %sign3A_392, %sign3A_395 : i32
      %ne3A_397 = arith.cmpi ne, %sign3A_389, %sign3A_396 : i32
      %rem3A_398 = arith.remsi %reduce_max3A_380, %jit3A_381 : i32
      %ne3A_399 = arith.constant 0 : i32
      %ne3A_400 = arith.cmpi ne, %rem3A_398, %ne3A_399 : i32
      %and3A_401 = arith.andi %ne3A_397, %ne3A_400 : i1
      %sub3A_402 = arith.constant 1 : i32
      %sub3A_403 = arith.subi %div3A_382, %sub3A_402 : i32
      %select_n3A_404 = arith.select %and3A_401, %sub3A_403, %div3A_382 : i32
      %mul3A_405 = arith.constant 20000 : i32
      %mul3A_406 = arith.muli %select_n3A_404, %mul3A_405 : i32
      %sub3A_407 = arith.subi %reduce_max3A_380, %mul3A_406 : i32
      %eq3A_408 = arith.cmpi eq, %select_n3A_304, %select_n3A_404 : i32
      %convert_element_type3A_409 = arith.extui %eq3A_408 : i1 to i32
      %cond3A_410 = arith.constant 0 : i32
      %cond3A_411 = arith.cmpi ne, %convert_element_type3A_409, %cond3A_410 : i32
      scf.if %cond3A_411 {
        %jit3A_879 = arith.constant 16 : i32
        %div3A_880 = arith.divsi %sub3A_407, %jit3A_879 : i32
        %sign3A_881 = arith.constant 0 : i32
        %sign3A_882 = arith.cmpi sgt, %sub3A_407, %sign3A_881 : i32
        %sign3A_883 = arith.extui %sign3A_882 : i1 to i32
        %sign3A_884 = arith.constant 0 : i32
        %sign3A_885 = arith.cmpi slt, %sub3A_407, %sign3A_884 : i32
        %sign3A_886 = arith.extui %sign3A_885 : i1 to i32
        %sign3A_887 = arith.subi %sign3A_883, %sign3A_886 : i32
        %sign3A_888 = arith.constant 0 : i32
        %sign3A_889 = arith.cmpi sgt, %jit3A_879, %sign3A_888 : i32
        %sign3A_890 = arith.extui %sign3A_889 : i1 to i32
        %sign3A_891 = arith.constant 0 : i32
        %sign3A_892 = arith.cmpi slt, %jit3A_879, %sign3A_891 : i32
        %sign3A_893 = arith.extui %sign3A_892 : i1 to i32
        %sign3A_894 = arith.subi %sign3A_890, %sign3A_893 : i32
        %ne3A_895 = arith.cmpi ne, %sign3A_887, %sign3A_894 : i32
        %rem3A_896 = arith.remsi %sub3A_407, %jit3A_879 : i32
        %ne3A_897 = arith.constant 0 : i32
        %ne3A_898 = arith.cmpi ne, %rem3A_896, %ne3A_897 : i32
        %and3A_899 = arith.andi %ne3A_895, %ne3A_898 : i1
        %sub3A_900 = arith.constant 1 : i32
        %sub3A_901 = arith.subi %div3A_880, %sub3A_900 : i32
        %select_n3A_902 = arith.select %and3A_899, %sub3A_901, %div3A_880 : i32
        %mul3A_903 = arith.constant 16 : i32
        %mul3A_904 = arith.muli %select_n3A_902, %mul3A_903 : i32
        %multiple_of3A_905 = tpu.assume_multiple %mul3A_904, 16 : i32
        %sub3A_906 = arith.subi %sub3A_407, %multiple_of3A_905 : i32
        %get3A_907 = arith.index_cast %multiple_of3A_905 : i32 to index
        %get3A_908 = tpu.vector_load %arg6[%get3A_907] {strides = array<i32>} : memref<20000xf32, #tpu.memory_space<vmem>>, vector<16xf32>,
        %iota3A_909 = tpu.iota {dimensions = array<i32: 0>} : vector<16xi32>
        %eq3A_910 = vector.broadcast %sub3A_906 : i32 to vector<16xi32>
        %eq3A_911 = arith.cmpi eq, %iota3A_909, %eq3A_910 : vector<16xi32>
        %neg3A = arith.constant 0.000000e+00 : f32
        %neg3A_912 = vector.broadcast %neg3A : f32 to vector<16xf32>
        %neg3A_913 = arith.subf %neg3A_912, %get3A_908 : vector<16xf32>
        %select_n3A_914 = arith.select %eq3A_911, %neg3A_913, %get3A_908 : vector<16xi1>, vector<16xf32>
        %swap3A = arith.index_cast %multiple_of3A_905 : i32 to index
        %swap3A_915 = tpu.vector_load %arg6[%swap3A] {strides = array<i32>} : memref<20000xf32, #tpu.memory_space<vmem>>, vector<16xf32>,
        tpu.vector_store %arg6[%swap3A], %select_n3A_914 {strides = array<i32>} : memref<20000xf32, #tpu.memory_space<vmem>>, vector<16xf32>,
      } else {
      }
      %broadcast_in_dim3A_412 = arith.constant 0xFF800000 : f32
      %broadcast_in_dim3A_413 = vector.broadcast %broadcast_in_dim3A_412 : f32 to vector<16xf32>
      %parallel_loop3A_414 = arith.constant 0 : i32
      %parallel_loop3A_415 = arith.constant 125 : i32
      %parallel_loop3A_416 = arith.constant 1 : i32
      %parallel_loop3A_417 = scf.for %parallel_loop3A_879 = %parallel_loop3A_414 to %parallel_loop3A_415 step %parallel_loop3A_416 iter_args(%parallel_loop3A_880 = %broadcast_in_dim3A_413) -> (vector<16xf32>)  : i32 {
        %parallel_loop3A_881 = arith.constant 160 : i32
        %parallel_loop3A_882 = arith.muli %parallel_loop3A_879, %parallel_loop3A_881 : i32
        %parallel_loop3A_883 = arith.constant 0 : i32
        %parallel_loop3A_884 = arith.addi %parallel_loop3A_882, %parallel_loop3A_883 : i32
        %parallel_loop3A_885 = arith.index_cast %parallel_loop3A_884 : i32 to index
        %parallel_loop3A_886 = tpu.vector_load %arg6[%parallel_loop3A_885] {strides = array<i32>} : memref<20000xf32, #tpu.memory_space<vmem>>, vector<16xf32>,
        %parallel_loop3A_887 = arith.constant 160 : i32
        %parallel_loop3A_888 = arith.muli %parallel_loop3A_879, %parallel_loop3A_887 : i32
        %parallel_loop3A_889 = arith.constant 16 : i32
        %parallel_loop3A_890 = arith.addi %parallel_loop3A_888, %parallel_loop3A_889 : i32
        %parallel_loop3A_891 = arith.index_cast %parallel_loop3A_890 : i32 to index
        %parallel_loop3A_892 = tpu.vector_load %arg6[%parallel_loop3A_891] {strides = array<i32>} : memref<20000xf32, #tpu.memory_space<vmem>>, vector<16xf32>,
        %parallel_loop3A_893 = arith.constant 160 : i32
        %parallel_loop3A_894 = arith.muli %parallel_loop3A_879, %parallel_loop3A_893 : i32
        %parallel_loop3A_895 = arith.constant 32 : i32
        %parallel_loop3A_896 = arith.addi %parallel_loop3A_894, %parallel_loop3A_895 : i32
        %parallel_loop3A_897 = arith.index_cast %parallel_loop3A_896 : i32 to index
        %parallel_loop3A_898 = tpu.vector_load %arg6[%parallel_loop3A_897] {strides = array<i32>} : memref<20000xf32, #tpu.memory_space<vmem>>, vector<16xf32>,
        %parallel_loop3A_899 = arith.constant 160 : i32
        %parallel_loop3A_900 = arith.muli %parallel_loop3A_879, %parallel_loop3A_899 : i32
        %parallel_loop3A_901 = arith.constant 48 : i32
        %parallel_loop3A_902 = arith.addi %parallel_loop3A_900, %parallel_loop3A_901 : i32
        %parallel_loop3A_903 = arith.index_cast %parallel_loop3A_902 : i32 to index
        %parallel_loop3A_904 = tpu.vector_load %arg6[%parallel_loop3A_903] {strides = array<i32>} : memref<20000xf32, #tpu.memory_space<vmem>>, vector<16xf32>,
        %parallel_loop3A_905 = arith.constant 160 : i32
        %parallel_loop3A_906 = arith.muli %parallel_loop3A_879, %parallel_loop3A_905 : i32
        %parallel_loop3A_907 = arith.constant 64 : i32
        %parallel_loop3A_908 = arith.addi %parallel_loop3A_906, %parallel_loop3A_907 : i32
        %parallel_loop3A_909 = arith.index_cast %parallel_loop3A_908 : i32 to index
        %parallel_loop3A_910 = tpu.vector_load %arg6[%parallel_loop3A_909] {strides = array<i32>} : memref<20000xf32, #tpu.memory_space<vmem>>, vector<16xf32>,
        %parallel_loop3A_911 = arith.constant 160 : i32
        %parallel_loop3A_912 = arith.muli %parallel_loop3A_879, %parallel_loop3A_911 : i32
        %parallel_loop3A_913 = arith.constant 80 : i32
        %parallel_loop3A_914 = arith.addi %parallel_loop3A_912, %parallel_loop3A_913 : i32
        %parallel_loop3A_915 = arith.index_cast %parallel_loop3A_914 : i32 to index
        %parallel_loop3A_916 = tpu.vector_load %arg6[%parallel_loop3A_915] {strides = array<i32>} : memref<20000xf32, #tpu.memory_space<vmem>>, vector<16xf32>,
        %parallel_loop3A_917 = arith.constant 160 : i32
        %parallel_loop3A_918 = arith.muli %parallel_loop3A_879, %parallel_loop3A_917 : i32
        %parallel_loop3A_919 = arith.constant 96 : i32
        %parallel_loop3A_920 = arith.addi %parallel_loop3A_918, %parallel_loop3A_919 : i32
        %parallel_loop3A_921 = arith.index_cast %parallel_loop3A_920 : i32 to index
        %parallel_loop3A_922 = tpu.vector_load %arg6[%parallel_loop3A_921] {strides = array<i32>} : memref<20000xf32, #tpu.memory_space<vmem>>, vector<16xf32>,
        %parallel_loop3A_923 = arith.constant 160 : i32
        %parallel_loop3A_924 = arith.muli %parallel_loop3A_879, %parallel_loop3A_923 : i32
        %parallel_loop3A_925 = arith.constant 112 : i32
        %parallel_loop3A_926 = arith.addi %parallel_loop3A_924, %parallel_loop3A_925 : i32
        %parallel_loop3A_927 = arith.index_cast %parallel_loop3A_926 : i32 to index
        %parallel_loop3A_928 = tpu.vector_load %arg6[%parallel_loop3A_927] {strides = array<i32>} : memref<20000xf32, #tpu.memory_space<vmem>>, vector<16xf32>,
        %parallel_loop3A_929 = arith.constant 160 : i32
        %parallel_loop3A_930 = arith.muli %parallel_loop3A_879, %parallel_loop3A_929 : i32
        %parallel_loop3A_931 = arith.constant 128 : i32
        %parallel_loop3A_932 = arith.addi %parallel_loop3A_930, %parallel_loop3A_931 : i32
        %parallel_loop3A_933 = arith.index_cast %parallel_loop3A_932 : i32 to index
        %parallel_loop3A_934 = tpu.vector_load %arg6[%parallel_loop3A_933] {strides = array<i32>} : memref<20000xf32, #tpu.memory_space<vmem>>, vector<16xf32>,
        %parallel_loop3A_935 = arith.constant 160 : i32
        %parallel_loop3A_936 = arith.muli %parallel_loop3A_879, %parallel_loop3A_935 : i32
        %parallel_loop3A_937 = arith.constant 144 : i32
        %parallel_loop3A_938 = arith.addi %parallel_loop3A_936, %parallel_loop3A_937 : i32
        %parallel_loop3A_939 = arith.index_cast %parallel_loop3A_938 : i32 to index
        %parallel_loop3A_940 = tpu.vector_load %arg6[%parallel_loop3A_939] {strides = array<i32>} : memref<20000xf32, #tpu.memory_space<vmem>>, vector<16xf32>,
        %parallel_loop3A_941 = arith.maximumf %parallel_loop3A_886, %parallel_loop3A_892 : vector<16xf32>
        %parallel_loop3A_942 = arith.maximumf %parallel_loop3A_898, %parallel_loop3A_904 : vector<16xf32>
        %parallel_loop3A_943 = arith.maximumf %parallel_loop3A_910, %parallel_loop3A_916 : vector<16xf32>
        %parallel_loop3A_944 = arith.maximumf %parallel_loop3A_922, %parallel_loop3A_928 : vector<16xf32>
        %parallel_loop3A_945 = arith.maximumf %parallel_loop3A_934, %parallel_loop3A_940 : vector<16xf32>
        %parallel_loop3A_946 = arith.maximumf %parallel_loop3A_941, %parallel_loop3A_942 : vector<16xf32>
        %parallel_loop3A_947 = arith.maximumf %parallel_loop3A_943, %parallel_loop3A_944 : vector<16xf32>
        %parallel_loop3A_948 = arith.maximumf %parallel_loop3A_946, %parallel_loop3A_947 : vector<16xf32>
        %parallel_loop3A_949 = arith.maximumf %parallel_loop3A_948, %parallel_loop3A_945 : vector<16xf32>
        %parallel_loop3A_950 = arith.constant 16 : i32
        %parallel_loop3A_951 = arith.muli %parallel_loop3A_879, %parallel_loop3A_950 : i32
        %parallel_loop3A_952 = arith.index_cast %parallel_loop3A_951 : i32 to index
        %parallel_loop3A_953 = tpu.vector_load %arg9[%parallel_loop3A_952] {strides = array<i32>} : memref<2000xf32, #tpu.memory_space<vmem>>, vector<16xf32>,
        tpu.vector_store %arg9[%parallel_loop3A_952], %parallel_loop3A_949 {strides = array<i32>} : memref<2000xf32, #tpu.memory_space<vmem>>, vector<16xf32>,
        %parallel_loop3A_954 = arith.maximumf %parallel_loop3A_880, %parallel_loop3A_949 : vector<16xf32>
        scf.yield %parallel_loop3A_954 : vector<16xf32>
      } {sc.loop_unroll_factor = 5 : i64, sc.parallel_access}
      %masked_sort3A_418 = arith.constant dense<true> : vector<16xi1>
      %masked_sort3A_419, %masked_sort3A_420, %masked_sort3A_421 = tpu.sort %parallel_loop3A_417, %parallel_loop3A_417 masked %masked_sort3A_418 : (vector<16xf32>, vector<16xf32>, vector<16xi1>) -> (vector<16xi1>, vector<16xf32>, vector<16xf32>)
      %iota3A_422 = tpu.iota {dimensions = array<i32: 0>} : vector<16xi32>
      %eq3A_423 = arith.constant 6 : i32
      %eq3A_424 = vector.broadcast %eq3A_423 : i32 to vector<16xi32>
      %eq3A_425 = arith.cmpi eq, %iota3A_422, %eq3A_424 : vector<16xi32>
      %jit3A_426 = arith.constant 0xFF800000 : f32
      %broadcast_in_dim3A_427 = vector.broadcast %jit3A_426 : f32 to vector<16xf32>
      %select_n3A_428 = arith.select %eq3A_425, %masked_sort3A_420, %broadcast_in_dim3A_427 : vector<16xi1>, vector<16xf32>
      %reduce_max3A_429 = arith.constant true
      %reduce_max3A_430 = vector.broadcast %reduce_max3A_429 : i1 to vector<16xi1>
      %reduce_max3A_431 = tpu.scan <max>, %select_n3A_428 masked %reduce_max3A_430 : vector<16xf32>, vector<16xi1> -> vector<16xf32>
      %reduce_max3A_432 = vector.extract %reduce_max3A_431[15] : f32 from vector<16xf32>
      %broadcast_in_dim3A_433 = vector.broadcast %reduce_max3A_432 : f32 to vector<16xf32>
      %max3A_434 = arith.maximumf %select_n3A_336, %broadcast_in_dim3A_433 : vector<16xf32>
      %scan3A_435 = arith.constant 0 : i32
      %scan3A_436 = arith.constant 5 : i32
      %scan3A_437 = arith.addi %scan3A_435, %scan3A_436 : i32
      %scan3A_438 = arith.constant 1 : i32
      %scan3A_439:2 = scf.for %scan3A_879 = %scan3A_435 to %scan3A_437 step %scan3A_438 iter_args(%scan3A_880 = %select_n3A_333, %scan3A_881 = %max3A_434) -> (vector<16xf32>, vector<16xf32>)  : i32 {
        %mul3A_882 = arith.constant 25 : i32
        %mul3A_883 = arith.muli %scan3A_879, %mul3A_882 : i32
        %add3A_884 = arith.constant 0 : i32
        %add3A_885 = arith.addi %mul3A_883, %add3A_884 : i32
        %mul3A_886 = arith.constant 16 : i32
        %mul3A_887 = arith.muli %add3A_885, %mul3A_886 : i32
        %get3A_888 = arith.index_cast %mul3A_887 : i32 to index
        %get3A_889 = tpu.vector_load %arg9[%get3A_888] {strides = array<i32>} : memref<2000xf32, #tpu.memory_space<vmem>>, vector<16xf32>,
        %mul3A_890 = arith.constant 25 : i32
        %mul3A_891 = arith.muli %scan3A_879, %mul3A_890 : i32
        %add3A_892 = arith.constant 1 : i32
        %add3A_893 = arith.addi %mul3A_891, %add3A_892 : i32
        %mul3A_894 = arith.constant 16 : i32
        %mul3A_895 = arith.muli %add3A_893, %mul3A_894 : i32
        %get3A_896 = arith.index_cast %mul3A_895 : i32 to index
        %get3A_897 = tpu.vector_load %arg9[%get3A_896] {strides = array<i32>} : memref<2000xf32, #tpu.memory_space<vmem>>, vector<16xf32>,
        %mul3A_898 = arith.constant 25 : i32
        %mul3A_899 = arith.muli %scan3A_879, %mul3A_898 : i32
        %add3A_900 = arith.constant 2 : i32
        %add3A_901 = arith.addi %mul3A_899, %add3A_900 : i32
        %mul3A_902 = arith.constant 16 : i32
        %mul3A_903 = arith.muli %add3A_901, %mul3A_902 : i32
        %get3A_904 = arith.index_cast %mul3A_903 : i32 to index
        %get3A_905 = tpu.vector_load %arg9[%get3A_904] {strides = array<i32>} : memref<2000xf32, #tpu.memory_space<vmem>>, vector<16xf32>,
        %mul3A_906 = arith.constant 25 : i32
        %mul3A_907 = arith.muli %scan3A_879, %mul3A_906 : i32
        %add3A_908 = arith.constant 3 : i32
        %add3A_909 = arith.addi %mul3A_907, %add3A_908 : i32
        %mul3A_910 = arith.constant 16 : i32
        %mul3A_911 = arith.muli %add3A_909, %mul3A_910 : i32
        %get3A_912 = arith.index_cast %mul3A_911 : i32 to index
        %get3A_913 = tpu.vector_load %arg9[%get3A_912] {strides = array<i32>} : memref<2000xf32, #tpu.memory_space<vmem>>, vector<16xf32>,
        %mul3A_914 = arith.constant 25 : i32
        %mul3A_915 = arith.muli %scan3A_879, %mul3A_914 : i32
        %add3A_916 = arith.constant 4 : i32
        %add3A_917 = arith.addi %mul3A_915, %add3A_916 : i32
        %mul3A_918 = arith.constant 16 : i32
        %mul3A_919 = arith.muli %add3A_917, %mul3A_918 : i32
        %get3A_920 = arith.index_cast %mul3A_919 : i32 to index
        %get3A_921 = tpu.vector_load %arg9[%get3A_920] {strides = array<i32>} : memref<2000xf32, #tpu.memory_space<vmem>>, vector<16xf32>,
        %mul3A_922 = arith.constant 25 : i32
        %mul3A_923 = arith.muli %scan3A_879, %mul3A_922 : i32
        %add3A_924 = arith.constant 5 : i32
        %add3A_925 = arith.addi %mul3A_923, %add3A_924 : i32
        %mul3A_926 = arith.constant 16 : i32
        %mul3A_927 = arith.muli %add3A_925, %mul3A_926 : i32
        %get3A_928 = arith.index_cast %mul3A_927 : i32 to index
        %get3A_929 = tpu.vector_load %arg9[%get3A_928] {strides = array<i32>} : memref<2000xf32, #tpu.memory_space<vmem>>, vector<16xf32>,
        %mul3A_930 = arith.constant 25 : i32
        %mul3A_931 = arith.muli %scan3A_879, %mul3A_930 : i32
        %add3A_932 = arith.constant 6 : i32
        %add3A_933 = arith.addi %mul3A_931, %add3A_932 : i32
        %mul3A_934 = arith.constant 16 : i32
        %mul3A_935 = arith.muli %add3A_933, %mul3A_934 : i32
        %get3A_936 = arith.index_cast %mul3A_935 : i32 to index
        %get3A_937 = tpu.vector_load %arg9[%get3A_936] {strides = array<i32>} : memref<2000xf32, #tpu.memory_space<vmem>>, vector<16xf32>,
        %mul3A_938 = arith.constant 25 : i32
        %mul3A_939 = arith.muli %scan3A_879, %mul3A_938 : i32
        %add3A_940 = arith.constant 7 : i32
        %add3A_941 = arith.addi %mul3A_939, %add3A_940 : i32
        %mul3A_942 = arith.constant 16 : i32
        %mul3A_943 = arith.muli %add3A_941, %mul3A_942 : i32
        %get3A_944 = arith.index_cast %mul3A_943 : i32 to index
        %get3A_945 = tpu.vector_load %arg9[%get3A_944] {strides = array<i32>} : memref<2000xf32, #tpu.memory_space<vmem>>, vector<16xf32>,
        %mul3A_946 = arith.constant 25 : i32
        %mul3A_947 = arith.muli %scan3A_879, %mul3A_946 : i32
        %add3A_948 = arith.constant 8 : i32
        %add3A_949 = arith.addi %mul3A_947, %add3A_948 : i32
        %mul3A_950 = arith.constant 16 : i32
        %mul3A_951 = arith.muli %add3A_949, %mul3A_950 : i32
        %get3A_952 = arith.index_cast %mul3A_951 : i32 to index
        %get3A_953 = tpu.vector_load %arg9[%get3A_952] {strides = array<i32>} : memref<2000xf32, #tpu.memory_space<vmem>>, vector<16xf32>,
        %mul3A_954 = arith.constant 25 : i32
        %mul3A_955 = arith.muli %scan3A_879, %mul3A_954 : i32
        %add3A_956 = arith.constant 9 : i32
        %add3A_957 = arith.addi %mul3A_955, %add3A_956 : i32
        %mul3A_958 = arith.constant 16 : i32
        %mul3A_959 = arith.muli %add3A_957, %mul3A_958 : i32
        %get3A_960 = arith.index_cast %mul3A_959 : i32 to index
        %get3A_961 = tpu.vector_load %arg9[%get3A_960] {strides = array<i32>} : memref<2000xf32, #tpu.memory_space<vmem>>, vector<16xf32>,
        %mul3A_962 = arith.constant 25 : i32
        %mul3A_963 = arith.muli %scan3A_879, %mul3A_962 : i32
        %add3A_964 = arith.constant 10 : i32
        %add3A_965 = arith.addi %mul3A_963, %add3A_964 : i32
        %mul3A_966 = arith.constant 16 : i32
        %mul3A_967 = arith.muli %add3A_965, %mul3A_966 : i32
        %get3A_968 = arith.index_cast %mul3A_967 : i32 to index
        %get3A_969 = tpu.vector_load %arg9[%get3A_968] {strides = array<i32>} : memref<2000xf32, #tpu.memory_space<vmem>>, vector<16xf32>,
        %mul3A_970 = arith.constant 25 : i32
        %mul3A_971 = arith.muli %scan3A_879, %mul3A_970 : i32
        %add3A_972 = arith.constant 11 : i32
        %add3A_973 = arith.addi %mul3A_971, %add3A_972 : i32
        %mul3A_974 = arith.constant 16 : i32
        %mul3A_975 = arith.muli %add3A_973, %mul3A_974 : i32
        %get3A_976 = arith.index_cast %mul3A_975 : i32 to index
        %get3A_977 = tpu.vector_load %arg9[%get3A_976] {strides = array<i32>} : memref<2000xf32, #tpu.memory_space<vmem>>, vector<16xf32>,
        %mul3A_978 = arith.constant 25 : i32
        %mul3A_979 = arith.muli %scan3A_879, %mul3A_978 : i32
        %add3A_980 = arith.constant 12 : i32
        %add3A_981 = arith.addi %mul3A_979, %add3A_980 : i32
        %mul3A_982 = arith.constant 16 : i32
        %mul3A_983 = arith.muli %add3A_981, %mul3A_982 : i32
        %get3A_984 = arith.index_cast %mul3A_983 : i32 to index
        %get3A_985 = tpu.vector_load %arg9[%get3A_984] {strides = array<i32>} : memref<2000xf32, #tpu.memory_space<vmem>>, vector<16xf32>,
        %mul3A_986 = arith.constant 25 : i32
        %mul3A_987 = arith.muli %scan3A_879, %mul3A_986 : i32
        %add3A_988 = arith.constant 13 : i32
        %add3A_989 = arith.addi %mul3A_987, %add3A_988 : i32
        %mul3A_990 = arith.constant 16 : i32
        %mul3A_991 = arith.muli %add3A_989, %mul3A_990 : i32
        %get3A_992 = arith.index_cast %mul3A_991 : i32 to index
        %get3A_993 = tpu.vector_load %arg9[%get3A_992] {strides = array<i32>} : memref<2000xf32, #tpu.memory_space<vmem>>, vector<16xf32>,
        %mul3A_994 = arith.constant 25 : i32
        %mul3A_995 = arith.muli %scan3A_879, %mul3A_994 : i32
        %add3A_996 = arith.constant 14 : i32
        %add3A_997 = arith.addi %mul3A_995, %add3A_996 : i32
        %mul3A_998 = arith.constant 16 : i32
        %mul3A_999 = arith.muli %add3A_997, %mul3A_998 : i32
        %get3A_1000 = arith.index_cast %mul3A_999 : i32 to index
        %get3A_1001 = tpu.vector_load %arg9[%get3A_1000] {strides = array<i32>} : memref<2000xf32, #tpu.memory_space<vmem>>, vector<16xf32>,
        %mul3A_1002 = arith.constant 25 : i32
        %mul3A_1003 = arith.muli %scan3A_879, %mul3A_1002 : i32
        %add3A_1004 = arith.constant 15 : i32
        %add3A_1005 = arith.addi %mul3A_1003, %add3A_1004 : i32
        %mul3A_1006 = arith.constant 16 : i32
        %mul3A_1007 = arith.muli %add3A_1005, %mul3A_1006 : i32
        %get3A_1008 = arith.index_cast %mul3A_1007 : i32 to index
        %get3A_1009 = tpu.vector_load %arg9[%get3A_1008] {strides = array<i32>} : memref<2000xf32, #tpu.memory_space<vmem>>, vector<16xf32>,
        %mul3A_1010 = arith.constant 25 : i32
        %mul3A_1011 = arith.muli %scan3A_879, %mul3A_1010 : i32
        %add3A_1012 = arith.constant 16 : i32
        %add3A_1013 = arith.addi %mul3A_1011, %add3A_1012 : i32
        %mul3A_1014 = arith.constant 16 : i32
        %mul3A_1015 = arith.muli %add3A_1013, %mul3A_1014 : i32
        %get3A_1016 = arith.index_cast %mul3A_1015 : i32 to index
        %get3A_1017 = tpu.vector_load %arg9[%get3A_1016] {strides = array<i32>} : memref<2000xf32, #tpu.memory_space<vmem>>, vector<16xf32>,
        %mul3A_1018 = arith.constant 25 : i32
        %mul3A_1019 = arith.muli %scan3A_879, %mul3A_1018 : i32
        %add3A_1020 = arith.constant 17 : i32
        %add3A_1021 = arith.addi %mul3A_1019, %add3A_1020 : i32
        %mul3A_1022 = arith.constant 16 : i32
        %mul3A_1023 = arith.muli %add3A_1021, %mul3A_1022 : i32
        %get3A_1024 = arith.index_cast %mul3A_1023 : i32 to index
        %get3A_1025 = tpu.vector_load %arg9[%get3A_1024] {strides = array<i32>} : memref<2000xf32, #tpu.memory_space<vmem>>, vector<16xf32>,
        %mul3A_1026 = arith.constant 25 : i32
        %mul3A_1027 = arith.muli %scan3A_879, %mul3A_1026 : i32
        %add3A_1028 = arith.constant 18 : i32
        %add3A_1029 = arith.addi %mul3A_1027, %add3A_1028 : i32
        %mul3A_1030 = arith.constant 16 : i32
        %mul3A_1031 = arith.muli %add3A_1029, %mul3A_1030 : i32
        %get3A_1032 = arith.index_cast %mul3A_1031 : i32 to index
        %get3A_1033 = tpu.vector_load %arg9[%get3A_1032] {strides = array<i32>} : memref<2000xf32, #tpu.memory_space<vmem>>, vector<16xf32>,
        %mul3A_1034 = arith.constant 25 : i32
        %mul3A_1035 = arith.muli %scan3A_879, %mul3A_1034 : i32
        %add3A_1036 = arith.constant 19 : i32
        %add3A_1037 = arith.addi %mul3A_1035, %add3A_1036 : i32
        %mul3A_1038 = arith.constant 16 : i32
        %mul3A_1039 = arith.muli %add3A_1037, %mul3A_1038 : i32
        %get3A_1040 = arith.index_cast %mul3A_1039 : i32 to index
        %get3A_1041 = tpu.vector_load %arg9[%get3A_1040] {strides = array<i32>} : memref<2000xf32, #tpu.memory_space<vmem>>, vector<16xf32>,
        %mul3A_1042 = arith.constant 25 : i32
        %mul3A_1043 = arith.muli %scan3A_879, %mul3A_1042 : i32
        %add3A_1044 = arith.constant 20 : i32
        %add3A_1045 = arith.addi %mul3A_1043, %add3A_1044 : i32
        %mul3A_1046 = arith.constant 16 : i32
        %mul3A_1047 = arith.muli %add3A_1045, %mul3A_1046 : i32
        %get3A_1048 = arith.index_cast %mul3A_1047 : i32 to index
        %get3A_1049 = tpu.vector_load %arg9[%get3A_1048] {strides = array<i32>} : memref<2000xf32, #tpu.memory_space<vmem>>, vector<16xf32>,
        %mul3A_1050 = arith.constant 25 : i32
        %mul3A_1051 = arith.muli %scan3A_879, %mul3A_1050 : i32
        %add3A_1052 = arith.constant 21 : i32
        %add3A_1053 = arith.addi %mul3A_1051, %add3A_1052 : i32
        %mul3A_1054 = arith.constant 16 : i32
        %mul3A_1055 = arith.muli %add3A_1053, %mul3A_1054 : i32
        %get3A_1056 = arith.index_cast %mul3A_1055 : i32 to index
        %get3A_1057 = tpu.vector_load %arg9[%get3A_1056] {strides = array<i32>} : memref<2000xf32, #tpu.memory_space<vmem>>, vector<16xf32>,
        %mul3A_1058 = arith.constant 25 : i32
        %mul3A_1059 = arith.muli %scan3A_879, %mul3A_1058 : i32
        %add3A_1060 = arith.constant 22 : i32
        %add3A_1061 = arith.addi %mul3A_1059, %add3A_1060 : i32
        %mul3A_1062 = arith.constant 16 : i32
        %mul3A_1063 = arith.muli %add3A_1061, %mul3A_1062 : i32
        %get3A_1064 = arith.index_cast %mul3A_1063 : i32 to index
        %get3A_1065 = tpu.vector_load %arg9[%get3A_1064] {strides = array<i32>} : memref<2000xf32, #tpu.memory_space<vmem>>, vector<16xf32>,
        %mul3A_1066 = arith.constant 25 : i32
        %mul3A_1067 = arith.muli %scan3A_879, %mul3A_1066 : i32
        %add3A_1068 = arith.constant 23 : i32
        %add3A_1069 = arith.addi %mul3A_1067, %add3A_1068 : i32
        %mul3A_1070 = arith.constant 16 : i32
        %mul3A_1071 = arith.muli %add3A_1069, %mul3A_1070 : i32
        %get3A_1072 = arith.index_cast %mul3A_1071 : i32 to index
        %get3A_1073 = tpu.vector_load %arg9[%get3A_1072] {strides = array<i32>} : memref<2000xf32, #tpu.memory_space<vmem>>, vector<16xf32>,
        %mul3A_1074 = arith.constant 25 : i32
        %mul3A_1075 = arith.muli %scan3A_879, %mul3A_1074 : i32
        %add3A_1076 = arith.constant 24 : i32
        %add3A_1077 = arith.addi %mul3A_1075, %add3A_1076 : i32
        %mul3A_1078 = arith.constant 16 : i32
        %mul3A_1079 = arith.muli %add3A_1077, %mul3A_1078 : i32
        %get3A_1080 = arith.index_cast %mul3A_1079 : i32 to index
        %get3A_1081 = tpu.vector_load %arg9[%get3A_1080] {strides = array<i32>} : memref<2000xf32, #tpu.memory_space<vmem>>, vector<16xf32>,
        %max3A_1082 = arith.maximumf %get3A_889, %get3A_897 : vector<16xf32>
        %max3A_1083 = arith.maximumf %get3A_905, %get3A_913 : vector<16xf32>
        %max3A_1084 = arith.maximumf %get3A_921, %get3A_929 : vector<16xf32>
        %max3A_1085 = arith.maximumf %get3A_937, %get3A_945 : vector<16xf32>
        %max3A_1086 = arith.maximumf %get3A_953, %get3A_961 : vector<16xf32>
        %max3A_1087 = arith.maximumf %get3A_969, %get3A_977 : vector<16xf32>
        %max3A_1088 = arith.maximumf %get3A_985, %get3A_993 : vector<16xf32>
        %max3A_1089 = arith.maximumf %get3A_1001, %get3A_1009 : vector<16xf32>
        %max3A_1090 = arith.maximumf %get3A_1017, %get3A_1025 : vector<16xf32>
        %max3A_1091 = arith.maximumf %get3A_1033, %get3A_1041 : vector<16xf32>
        %max3A_1092 = arith.maximumf %get3A_1049, %get3A_1057 : vector<16xf32>
        %max3A_1093 = arith.maximumf %get3A_1065, %get3A_1073 : vector<16xf32>
        %max3A_1094 = arith.maximumf %max3A_1082, %max3A_1083 : vector<16xf32>
        %max3A_1095 = arith.maximumf %max3A_1084, %max3A_1085 : vector<16xf32>
        %max3A_1096 = arith.maximumf %max3A_1086, %max3A_1087 : vector<16xf32>
        %max3A_1097 = arith.maximumf %max3A_1088, %max3A_1089 : vector<16xf32>
        %max3A_1098 = arith.maximumf %max3A_1090, %max3A_1091 : vector<16xf32>
        %max3A_1099 = arith.maximumf %max3A_1092, %max3A_1093 : vector<16xf32>
        %max3A_1100 = arith.maximumf %max3A_1094, %max3A_1095 : vector<16xf32>
        %max3A_1101 = arith.maximumf %max3A_1096, %max3A_1097 : vector<16xf32>
        %max3A_1102 = arith.maximumf %max3A_1098, %max3A_1099 : vector<16xf32>
        %max3A_1103 = arith.maximumf %max3A_1100, %max3A_1101 : vector<16xf32>
        %max3A_1104 = arith.maximumf %max3A_1102, %get3A_1081 : vector<16xf32>
        %max3A_1105 = arith.maximumf %max3A_1103, %max3A_1104 : vector<16xf32>
        %ge3A = arith.cmpf oge, %max3A_1105, %scan3A_881 : vector<16xf32>
        %all_reduce_population_count3A = tpu.all_reduce %ge3A {dim = 0 : i64, kind = #tpu.reduction_kind<sum>} : vector<16xi1> -> vector<16xi32>
        %slice3A = vector.extract_strided_slice %all_reduce_population_count3A {offsets = [0], sizes = [1], strides = [1]} : vector<16xi32> to vector<1xi32>
        %squeeze3A = vector.extract %slice3A[0] : i32 from vector<1xi32>
        %gt3A = arith.constant 0 : i32
        %gt3A_1106 = arith.cmpi sgt, %squeeze3A, %gt3A : i32
        %convert_element_type3A_1107 = arith.extui %gt3A_1106 : i1 to i32
        %cond3A_1108 = arith.constant 0 : i32
        %cond3A_1109 = arith.cmpi ne, %convert_element_type3A_1107, %cond3A_1108 : i32
        %cond3A_1110:2 = scf.if %cond3A_1109 -> (vector<16xf32>, vector<16xf32>) {
          %scan3A_1111 = arith.constant 0 : i32
          %scan3A_1112 = arith.constant 25 : i32
          %scan3A_1113 = arith.addi %scan3A_1111, %scan3A_1112 : i32
          %scan3A_1114 = arith.constant 1 : i32
          %scan3A_1115:2 = scf.for %scan3A_1117 = %scan3A_1111 to %scan3A_1113 step %scan3A_1114 iter_args(%scan3A_1118 = %scan3A_880, %scan3A_1119 = %scan3A_881) -> (vector<16xf32>, vector<16xf32>)  : i32 {
            %mul3A_1120 = arith.constant 25 : i32
            %mul3A_1121 = arith.muli %scan3A_879, %mul3A_1120 : i32
            %add3A_1122 = arith.addi %mul3A_1121, %scan3A_1117 : i32
            %mul3A_1123 = arith.constant 10 : i32
            %mul3A_1124 = arith.muli %add3A_1122, %mul3A_1123 : i32
            %mul3A_1125 = arith.constant 16 : i32
            %mul3A_1126 = arith.muli %mul3A_1124, %mul3A_1125 : i32
            %mul3A_1127 = arith.constant 25 : i32
            %mul3A_1128 = arith.muli %scan3A_879, %mul3A_1127 : i32
            %add3A_1129 = arith.addi %mul3A_1128, %scan3A_1117 : i32
            %mul3A_1130 = arith.constant 16 : i32
            %mul3A_1131 = arith.muli %add3A_1129, %mul3A_1130 : i32
            %get3A_1132 = arith.index_cast %mul3A_1131 : i32 to index
            %get3A_1133 = tpu.vector_load %arg9[%get3A_1132] {strides = array<i32>} : memref<2000xf32, #tpu.memory_space<vmem>>, vector<16xf32>,
            %ge3A_1134 = arith.cmpf oge, %get3A_1133, %scan3A_1119 : vector<16xf32>
            %all_reduce_population_count3A_1135 = tpu.all_reduce %ge3A_1134 {dim = 0 : i64, kind = #tpu.reduction_kind<sum>} : vector<16xi1> -> vector<16xi32>
            %slice3A_1136 = vector.extract_strided_slice %all_reduce_population_count3A_1135 {offsets = [0], sizes = [1], strides = [1]} : vector<16xi32> to vector<1xi32>
            %squeeze3A_1137 = vector.extract %slice3A_1136[0] : i32 from vector<1xi32>
            %gt3A_1138 = arith.constant 0 : i32
            %gt3A_1139 = arith.cmpi sgt, %squeeze3A_1137, %gt3A_1138 : i32
            %convert_element_type3A_1140 = arith.extui %gt3A_1139 : i1 to i32
            %cond3A_1141 = arith.constant 0 : i32
            %cond3A_1142 = arith.cmpi ne, %convert_element_type3A_1140, %cond3A_1141 : i32
            %cond3A_1143:2 = scf.if %cond3A_1142 -> (vector<16xf32>, vector<16xf32>) {
              %mul3A_1144 = arith.constant 25 : i32
              %mul3A_1145 = arith.muli %scan3A_879, %mul3A_1144 : i32
              %add3A_1146 = arith.addi %mul3A_1145, %scan3A_1117 : i32
              %mul3A_1147 = arith.constant 16 : i32
              %mul3A_1148 = arith.muli %add3A_1146, %mul3A_1147 : i32
              %get3A_1149 = arith.index_cast %mul3A_1148 : i32 to index
              %get3A_1150 = tpu.vector_load %arg9[%get3A_1149] {strides = array<i32>} : memref<2000xf32, #tpu.memory_space<vmem>>, vector<16xf32>,
              %ge3A_1151 = arith.cmpf oge, %get3A_1150, %scan3A_1119 : vector<16xf32>
              %all_reduce_population_count3A_1152 = tpu.all_reduce %ge3A_1151 {dim = 0 : i64, kind = #tpu.reduction_kind<sum>} : vector<16xi1> -> vector<16xi32>
              %slice3A_1153 = vector.extract_strided_slice %all_reduce_population_count3A_1152 {offsets = [0], sizes = [1], strides = [1]} : vector<16xi32> to vector<1xi32>
              %squeeze3A_1154 = vector.extract %slice3A_1153[0] : i32 from vector<1xi32>
              %gt3A_1155 = arith.constant 0 : i32
              %gt3A_1156 = arith.cmpi sgt, %squeeze3A_1154, %gt3A_1155 : i32
              %convert_element_type3A_1157 = arith.extui %gt3A_1156 : i1 to i32
              %cond3A_1158 = arith.constant 0 : i32
              %cond3A_1159 = arith.cmpi ne, %convert_element_type3A_1157, %cond3A_1158 : i32
              %cond3A_1160:2 = scf.if %cond3A_1159 -> (vector<16xf32>, vector<16xf32>) {
                %masked_sort3A_1314 = arith.constant dense<true> : vector<16xi1>
                %masked_sort3A_1315, %masked_sort3A_1316, %masked_sort3A_1317 = tpu.sort %get3A_1150, %get3A_1150 masked %masked_sort3A_1314 {descending = true} : (vector<16xf32>, vector<16xf32>, vector<16xi1>) -> (vector<16xi1>, vector<16xf32>, vector<16xf32>)
                %max3A_1318 = arith.maximumf %scan3A_1118, %masked_sort3A_1316 : vector<16xf32>
                %masked_sort3A_1319 = arith.constant dense<true> : vector<16xi1>
                %masked_sort3A_1320, %masked_sort3A_1321, %masked_sort3A_1322 = tpu.sort %max3A_1318, %max3A_1318 masked %masked_sort3A_1319 : (vector<16xf32>, vector<16xf32>, vector<16xi1>) -> (vector<16xi1>, vector<16xf32>, vector<16xf32>)
                %iota3A_1323 = tpu.iota {dimensions = array<i32: 0>} : vector<16xi32>
                %eq3A_1324 = arith.constant 6 : i32
                %eq3A_1325 = vector.broadcast %eq3A_1324 : i32 to vector<16xi32>
                %eq3A_1326 = arith.cmpi eq, %iota3A_1323, %eq3A_1325 : vector<16xi32>
                %jit3A_1327 = arith.constant 0xFF800000 : f32
                %broadcast_in_dim3A_1328 = vector.broadcast %jit3A_1327 : f32 to vector<16xf32>
                %select_n3A_1329 = arith.select %eq3A_1326, %masked_sort3A_1321, %broadcast_in_dim3A_1328 : vector<16xi1>, vector<16xf32>
                %reduce_max3A_1330 = arith.constant true
                %reduce_max3A_1331 = vector.broadcast %reduce_max3A_1330 : i1 to vector<16xi1>
                %reduce_max3A_1332 = tpu.scan <max>, %select_n3A_1329 masked %reduce_max3A_1331 : vector<16xf32>, vector<16xi1> -> vector<16xf32>
                %reduce_max3A_1333 = vector.extract %reduce_max3A_1332[15] : f32 from vector<16xf32>
                %broadcast_in_dim3A_1334 = vector.broadcast %reduce_max3A_1333 : f32 to vector<16xf32>
                %max3A_1335 = arith.maximumf %scan3A_1119, %broadcast_in_dim3A_1334 : vector<16xf32>
                scf.yield %masked_sort3A_1321, %max3A_1335 : vector<16xf32>, vector<16xf32>
              } else {
                scf.yield %scan3A_1118, %scan3A_1119 : vector<16xf32>, vector<16xf32>
              }
              %mul3A_1161 = arith.constant 25 : i32
              %mul3A_1162 = arith.muli %scan3A_879, %mul3A_1161 : i32
              %add3A_1163 = arith.addi %mul3A_1162, %scan3A_1117 : i32
              %mul3A_1164 = arith.constant 16 : i32
              %mul3A_1165 = arith.muli %add3A_1163, %mul3A_1164 : i32
              %get3A_1166 = arith.index_cast %mul3A_1165 : i32 to index
              %get3A_1167 = tpu.vector_load %arg9[%get3A_1166] {strides = array<i32>} : memref<2000xf32, #tpu.memory_space<vmem>>, vector<16xf32>,
              %ge3A_1168 = arith.cmpf oge, %get3A_1167, %cond3A_1160#1 : vector<16xf32>
              %all_reduce_population_count3A_1169 = tpu.all_reduce %ge3A_1168 {dim = 0 : i64, kind = #tpu.reduction_kind<sum>} : vector<16xi1> -> vector<16xi32>
              %slice3A_1170 = vector.extract_strided_slice %all_reduce_population_count3A_1169 {offsets = [0], sizes = [1], strides = [1]} : vector<16xi32> to vector<1xi32>
              %squeeze3A_1171 = vector.extract %slice3A_1170[0] : i32 from vector<1xi32>
              %gt3A_1172 = arith.constant 0 : i32
              %gt3A_1173 = arith.cmpi sgt, %squeeze3A_1171, %gt3A_1172 : i32
              %convert_element_type3A_1174 = arith.extui %gt3A_1173 : i1 to i32
              %cond3A_1175 = arith.constant 0 : i32
              %cond3A_1176 = arith.cmpi ne, %convert_element_type3A_1174, %cond3A_1175 : i32
              %cond3A_1177:2 = scf.if %cond3A_1176 -> (vector<16xf32>, vector<16xf32>) {
                %masked_sort3A_1314 = arith.constant dense<true> : vector<16xi1>
                %masked_sort3A_1315, %masked_sort3A_1316, %masked_sort3A_1317 = tpu.sort %get3A_1167, %get3A_1167 masked %masked_sort3A_1314 {descending = true} : (vector<16xf32>, vector<16xf32>, vector<16xi1>) -> (vector<16xi1>, vector<16xf32>, vector<16xf32>)
                %max3A_1318 = arith.maximumf %cond3A_1160#0, %masked_sort3A_1316 : vector<16xf32>
                %masked_sort3A_1319 = arith.constant dense<true> : vector<16xi1>
                %masked_sort3A_1320, %masked_sort3A_1321, %masked_sort3A_1322 = tpu.sort %max3A_1318, %max3A_1318 masked %masked_sort3A_1319 : (vector<16xf32>, vector<16xf32>, vector<16xi1>) -> (vector<16xi1>, vector<16xf32>, vector<16xf32>)
                %iota3A_1323 = tpu.iota {dimensions = array<i32: 0>} : vector<16xi32>
                %eq3A_1324 = arith.constant 6 : i32
                %eq3A_1325 = vector.broadcast %eq3A_1324 : i32 to vector<16xi32>
                %eq3A_1326 = arith.cmpi eq, %iota3A_1323, %eq3A_1325 : vector<16xi32>
                %jit3A_1327 = arith.constant 0xFF800000 : f32
                %broadcast_in_dim3A_1328 = vector.broadcast %jit3A_1327 : f32 to vector<16xf32>
                %select_n3A_1329 = arith.select %eq3A_1326, %masked_sort3A_1321, %broadcast_in_dim3A_1328 : vector<16xi1>, vector<16xf32>
                %reduce_max3A_1330 = arith.constant true
                %reduce_max3A_1331 = vector.broadcast %reduce_max3A_1330 : i1 to vector<16xi1>
                %reduce_max3A_1332 = tpu.scan <max>, %select_n3A_1329 masked %reduce_max3A_1331 : vector<16xf32>, vector<16xi1> -> vector<16xf32>
                %reduce_max3A_1333 = vector.extract %reduce_max3A_1332[15] : f32 from vector<16xf32>
                %broadcast_in_dim3A_1334 = vector.broadcast %reduce_max3A_1333 : f32 to vector<16xf32>
                %max3A_1335 = arith.maximumf %cond3A_1160#1, %broadcast_in_dim3A_1334 : vector<16xf32>
                scf.yield %masked_sort3A_1321, %max3A_1335 : vector<16xf32>, vector<16xf32>
              } else {
                scf.yield %cond3A_1160#0, %cond3A_1160#1 : vector<16xf32>, vector<16xf32>
              }
              %mul3A_1178 = arith.constant 25 : i32
              %mul3A_1179 = arith.muli %scan3A_879, %mul3A_1178 : i32
              %add3A_1180 = arith.addi %mul3A_1179, %scan3A_1117 : i32
              %mul3A_1181 = arith.constant 16 : i32
              %mul3A_1182 = arith.muli %add3A_1180, %mul3A_1181 : i32
              %get3A_1183 = arith.index_cast %mul3A_1182 : i32 to index
              %get3A_1184 = tpu.vector_load %arg9[%get3A_1183] {strides = array<i32>} : memref<2000xf32, #tpu.memory_space<vmem>>, vector<16xf32>,
              %ge3A_1185 = arith.cmpf oge, %get3A_1184, %cond3A_1177#1 : vector<16xf32>
              %all_reduce_population_count3A_1186 = tpu.all_reduce %ge3A_1185 {dim = 0 : i64, kind = #tpu.reduction_kind<sum>} : vector<16xi1> -> vector<16xi32>
              %slice3A_1187 = vector.extract_strided_slice %all_reduce_population_count3A_1186 {offsets = [0], sizes = [1], strides = [1]} : vector<16xi32> to vector<1xi32>
              %squeeze3A_1188 = vector.extract %slice3A_1187[0] : i32 from vector<1xi32>
              %gt3A_1189 = arith.constant 0 : i32
              %gt3A_1190 = arith.cmpi sgt, %squeeze3A_1188, %gt3A_1189 : i32
              %convert_element_type3A_1191 = arith.extui %gt3A_1190 : i1 to i32
              %cond3A_1192 = arith.constant 0 : i32
              %cond3A_1193 = arith.cmpi ne, %convert_element_type3A_1191, %cond3A_1192 : i32
              %cond3A_1194:2 = scf.if %cond3A_1193 -> (vector<16xf32>, vector<16xf32>) {
                %masked_sort3A_1314 = arith.constant dense<true> : vector<16xi1>
                %masked_sort3A_1315, %masked_sort3A_1316, %masked_sort3A_1317 = tpu.sort %get3A_1184, %get3A_1184 masked %masked_sort3A_1314 {descending = true} : (vector<16xf32>, vector<16xf32>, vector<16xi1>) -> (vector<16xi1>, vector<16xf32>, vector<16xf32>)
                %max3A_1318 = arith.maximumf %cond3A_1177#0, %masked_sort3A_1316 : vector<16xf32>
                %masked_sort3A_1319 = arith.constant dense<true> : vector<16xi1>
                %masked_sort3A_1320, %masked_sort3A_1321, %masked_sort3A_1322 = tpu.sort %max3A_1318, %max3A_1318 masked %masked_sort3A_1319 : (vector<16xf32>, vector<16xf32>, vector<16xi1>) -> (vector<16xi1>, vector<16xf32>, vector<16xf32>)
                %iota3A_1323 = tpu.iota {dimensions = array<i32: 0>} : vector<16xi32>
                %eq3A_1324 = arith.constant 6 : i32
                %eq3A_1325 = vector.broadcast %eq3A_1324 : i32 to vector<16xi32>
                %eq3A_1326 = arith.cmpi eq, %iota3A_1323, %eq3A_1325 : vector<16xi32>
                %jit3A_1327 = arith.constant 0xFF800000 : f32
                %broadcast_in_dim3A_1328 = vector.broadcast %jit3A_1327 : f32 to vector<16xf32>
                %select_n3A_1329 = arith.select %eq3A_1326, %masked_sort3A_1321, %broadcast_in_dim3A_1328 : vector<16xi1>, vector<16xf32>
                %reduce_max3A_1330 = arith.constant true
                %reduce_max3A_1331 = vector.broadcast %reduce_max3A_1330 : i1 to vector<16xi1>
                %reduce_max3A_1332 = tpu.scan <max>, %select_n3A_1329 masked %reduce_max3A_1331 : vector<16xf32>, vector<16xi1> -> vector<16xf32>
                %reduce_max3A_1333 = vector.extract %reduce_max3A_1332[15] : f32 from vector<16xf32>
                %broadcast_in_dim3A_1334 = vector.broadcast %reduce_max3A_1333 : f32 to vector<16xf32>
                %max3A_1335 = arith.maximumf %cond3A_1177#1, %broadcast_in_dim3A_1334 : vector<16xf32>
                scf.yield %masked_sort3A_1321, %max3A_1335 : vector<16xf32>, vector<16xf32>
              } else {
                scf.yield %cond3A_1177#0, %cond3A_1177#1 : vector<16xf32>, vector<16xf32>
              }
              %mul3A_1195 = arith.constant 25 : i32
              %mul3A_1196 = arith.muli %scan3A_879, %mul3A_1195 : i32
              %add3A_1197 = arith.addi %mul3A_1196, %scan3A_1117 : i32
              %mul3A_1198 = arith.constant 16 : i32
              %mul3A_1199 = arith.muli %add3A_1197, %mul3A_1198 : i32
              %get3A_1200 = arith.index_cast %mul3A_1199 : i32 to index
              %get3A_1201 = tpu.vector_load %arg9[%get3A_1200] {strides = array<i32>} : memref<2000xf32, #tpu.memory_space<vmem>>, vector<16xf32>,
              %ge3A_1202 = arith.cmpf oge, %get3A_1201, %cond3A_1194#1 : vector<16xf32>
              %all_reduce_population_count3A_1203 = tpu.all_reduce %ge3A_1202 {dim = 0 : i64, kind = #tpu.reduction_kind<sum>} : vector<16xi1> -> vector<16xi32>
              %slice3A_1204 = vector.extract_strided_slice %all_reduce_population_count3A_1203 {offsets = [0], sizes = [1], strides = [1]} : vector<16xi32> to vector<1xi32>
              %squeeze3A_1205 = vector.extract %slice3A_1204[0] : i32 from vector<1xi32>
              %gt3A_1206 = arith.constant 0 : i32
              %gt3A_1207 = arith.cmpi sgt, %squeeze3A_1205, %gt3A_1206 : i32
              %convert_element_type3A_1208 = arith.extui %gt3A_1207 : i1 to i32
              %cond3A_1209 = arith.constant 0 : i32
              %cond3A_1210 = arith.cmpi ne, %convert_element_type3A_1208, %cond3A_1209 : i32
              %cond3A_1211:2 = scf.if %cond3A_1210 -> (vector<16xf32>, vector<16xf32>) {
                %masked_sort3A_1314 = arith.constant dense<true> : vector<16xi1>
                %masked_sort3A_1315, %masked_sort3A_1316, %masked_sort3A_1317 = tpu.sort %get3A_1201, %get3A_1201 masked %masked_sort3A_1314 {descending = true} : (vector<16xf32>, vector<16xf32>, vector<16xi1>) -> (vector<16xi1>, vector<16xf32>, vector<16xf32>)
                %max3A_1318 = arith.maximumf %cond3A_1194#0, %masked_sort3A_1316 : vector<16xf32>
                %masked_sort3A_1319 = arith.constant dense<true> : vector<16xi1>
                %masked_sort3A_1320, %masked_sort3A_1321, %masked_sort3A_1322 = tpu.sort %max3A_1318, %max3A_1318 masked %masked_sort3A_1319 : (vector<16xf32>, vector<16xf32>, vector<16xi1>) -> (vector<16xi1>, vector<16xf32>, vector<16xf32>)
                %iota3A_1323 = tpu.iota {dimensions = array<i32: 0>} : vector<16xi32>
                %eq3A_1324 = arith.constant 6 : i32
                %eq3A_1325 = vector.broadcast %eq3A_1324 : i32 to vector<16xi32>
                %eq3A_1326 = arith.cmpi eq, %iota3A_1323, %eq3A_1325 : vector<16xi32>
                %jit3A_1327 = arith.constant 0xFF800000 : f32
                %broadcast_in_dim3A_1328 = vector.broadcast %jit3A_1327 : f32 to vector<16xf32>
                %select_n3A_1329 = arith.select %eq3A_1326, %masked_sort3A_1321, %broadcast_in_dim3A_1328 : vector<16xi1>, vector<16xf32>
                %reduce_max3A_1330 = arith.constant true
                %reduce_max3A_1331 = vector.broadcast %reduce_max3A_1330 : i1 to vector<16xi1>
                %reduce_max3A_1332 = tpu.scan <max>, %select_n3A_1329 masked %reduce_max3A_1331 : vector<16xf32>, vector<16xi1> -> vector<16xf32>
                %reduce_max3A_1333 = vector.extract %reduce_max3A_1332[15] : f32 from vector<16xf32>
                %broadcast_in_dim3A_1334 = vector.broadcast %reduce_max3A_1333 : f32 to vector<16xf32>
                %max3A_1335 = arith.maximumf %cond3A_1194#1, %broadcast_in_dim3A_1334 : vector<16xf32>
                scf.yield %masked_sort3A_1321, %max3A_1335 : vector<16xf32>, vector<16xf32>
              } else {
                scf.yield %cond3A_1194#0, %cond3A_1194#1 : vector<16xf32>, vector<16xf32>
              }
              %mul3A_1212 = arith.constant 25 : i32
              %mul3A_1213 = arith.muli %scan3A_879, %mul3A_1212 : i32
              %add3A_1214 = arith.addi %mul3A_1213, %scan3A_1117 : i32
              %mul3A_1215 = arith.constant 16 : i32
              %mul3A_1216 = arith.muli %add3A_1214, %mul3A_1215 : i32
              %get3A_1217 = arith.index_cast %mul3A_1216 : i32 to index
              %get3A_1218 = tpu.vector_load %arg9[%get3A_1217] {strides = array<i32>} : memref<2000xf32, #tpu.memory_space<vmem>>, vector<16xf32>,
              %ge3A_1219 = arith.cmpf oge, %get3A_1218, %cond3A_1211#1 : vector<16xf32>
              %all_reduce_population_count3A_1220 = tpu.all_reduce %ge3A_1219 {dim = 0 : i64, kind = #tpu.reduction_kind<sum>} : vector<16xi1> -> vector<16xi32>
              %slice3A_1221 = vector.extract_strided_slice %all_reduce_population_count3A_1220 {offsets = [0], sizes = [1], strides = [1]} : vector<16xi32> to vector<1xi32>
              %squeeze3A_1222 = vector.extract %slice3A_1221[0] : i32 from vector<1xi32>
              %gt3A_1223 = arith.constant 0 : i32
              %gt3A_1224 = arith.cmpi sgt, %squeeze3A_1222, %gt3A_1223 : i32
              %convert_element_type3A_1225 = arith.extui %gt3A_1224 : i1 to i32
              %cond3A_1226 = arith.constant 0 : i32
              %cond3A_1227 = arith.cmpi ne, %convert_element_type3A_1225, %cond3A_1226 : i32
              %cond3A_1228:2 = scf.if %cond3A_1227 -> (vector<16xf32>, vector<16xf32>) {
                %masked_sort3A_1314 = arith.constant dense<true> : vector<16xi1>
                %masked_sort3A_1315, %masked_sort3A_1316, %masked_sort3A_1317 = tpu.sort %get3A_1218, %get3A_1218 masked %masked_sort3A_1314 {descending = true} : (vector<16xf32>, vector<16xf32>, vector<16xi1>) -> (vector<16xi1>, vector<16xf32>, vector<16xf32>)
                %max3A_1318 = arith.maximumf %cond3A_1211#0, %masked_sort3A_1316 : vector<16xf32>
                %masked_sort3A_1319 = arith.constant dense<true> : vector<16xi1>
                %masked_sort3A_1320, %masked_sort3A_1321, %masked_sort3A_1322 = tpu.sort %max3A_1318, %max3A_1318 masked %masked_sort3A_1319 : (vector<16xf32>, vector<16xf32>, vector<16xi1>) -> (vector<16xi1>, vector<16xf32>, vector<16xf32>)
                %iota3A_1323 = tpu.iota {dimensions = array<i32: 0>} : vector<16xi32>
                %eq3A_1324 = arith.constant 6 : i32
                %eq3A_1325 = vector.broadcast %eq3A_1324 : i32 to vector<16xi32>
                %eq3A_1326 = arith.cmpi eq, %iota3A_1323, %eq3A_1325 : vector<16xi32>
                %jit3A_1327 = arith.constant 0xFF800000 : f32
                %broadcast_in_dim3A_1328 = vector.broadcast %jit3A_1327 : f32 to vector<16xf32>
                %select_n3A_1329 = arith.select %eq3A_1326, %masked_sort3A_1321, %broadcast_in_dim3A_1328 : vector<16xi1>, vector<16xf32>
                %reduce_max3A_1330 = arith.constant true
                %reduce_max3A_1331 = vector.broadcast %reduce_max3A_1330 : i1 to vector<16xi1>
                %reduce_max3A_1332 = tpu.scan <max>, %select_n3A_1329 masked %reduce_max3A_1331 : vector<16xf32>, vector<16xi1> -> vector<16xf32>
                %reduce_max3A_1333 = vector.extract %reduce_max3A_1332[15] : f32 from vector<16xf32>
                %broadcast_in_dim3A_1334 = vector.broadcast %reduce_max3A_1333 : f32 to vector<16xf32>
                %max3A_1335 = arith.maximumf %cond3A_1211#1, %broadcast_in_dim3A_1334 : vector<16xf32>
                scf.yield %masked_sort3A_1321, %max3A_1335 : vector<16xf32>, vector<16xf32>
              } else {
                scf.yield %cond3A_1211#0, %cond3A_1211#1 : vector<16xf32>, vector<16xf32>
              }
              %mul3A_1229 = arith.constant 25 : i32
              %mul3A_1230 = arith.muli %scan3A_879, %mul3A_1229 : i32
              %add3A_1231 = arith.addi %mul3A_1230, %scan3A_1117 : i32
              %mul3A_1232 = arith.constant 16 : i32
              %mul3A_1233 = arith.muli %add3A_1231, %mul3A_1232 : i32
              %get3A_1234 = arith.index_cast %mul3A_1233 : i32 to index
              %get3A_1235 = tpu.vector_load %arg9[%get3A_1234] {strides = array<i32>} : memref<2000xf32, #tpu.memory_space<vmem>>, vector<16xf32>,
              %ge3A_1236 = arith.cmpf oge, %get3A_1235, %cond3A_1228#1 : vector<16xf32>
              %all_reduce_population_count3A_1237 = tpu.all_reduce %ge3A_1236 {dim = 0 : i64, kind = #tpu.reduction_kind<sum>} : vector<16xi1> -> vector<16xi32>
              %slice3A_1238 = vector.extract_strided_slice %all_reduce_population_count3A_1237 {offsets = [0], sizes = [1], strides = [1]} : vector<16xi32> to vector<1xi32>
              %squeeze3A_1239 = vector.extract %slice3A_1238[0] : i32 from vector<1xi32>
              %gt3A_1240 = arith.constant 0 : i32
              %gt3A_1241 = arith.cmpi sgt, %squeeze3A_1239, %gt3A_1240 : i32
              %convert_element_type3A_1242 = arith.extui %gt3A_1241 : i1 to i32
              %cond3A_1243 = arith.constant 0 : i32
              %cond3A_1244 = arith.cmpi ne, %convert_element_type3A_1242, %cond3A_1243 : i32
              %cond3A_1245:2 = scf.if %cond3A_1244 -> (vector<16xf32>, vector<16xf32>) {
                %masked_sort3A_1314 = arith.constant dense<true> : vector<16xi1>
                %masked_sort3A_1315, %masked_sort3A_1316, %masked_sort3A_1317 = tpu.sort %get3A_1235, %get3A_1235 masked %masked_sort3A_1314 {descending = true} : (vector<16xf32>, vector<16xf32>, vector<16xi1>) -> (vector<16xi1>, vector<16xf32>, vector<16xf32>)
                %max3A_1318 = arith.maximumf %cond3A_1228#0, %masked_sort3A_1316 : vector<16xf32>
                %masked_sort3A_1319 = arith.constant dense<true> : vector<16xi1>
                %masked_sort3A_1320, %masked_sort3A_1321, %masked_sort3A_1322 = tpu.sort %max3A_1318, %max3A_1318 masked %masked_sort3A_1319 : (vector<16xf32>, vector<16xf32>, vector<16xi1>) -> (vector<16xi1>, vector<16xf32>, vector<16xf32>)
                %iota3A_1323 = tpu.iota {dimensions = array<i32: 0>} : vector<16xi32>
                %eq3A_1324 = arith.constant 6 : i32
                %eq3A_1325 = vector.broadcast %eq3A_1324 : i32 to vector<16xi32>
                %eq3A_1326 = arith.cmpi eq, %iota3A_1323, %eq3A_1325 : vector<16xi32>
                %jit3A_1327 = arith.constant 0xFF800000 : f32
                %broadcast_in_dim3A_1328 = vector.broadcast %jit3A_1327 : f32 to vector<16xf32>
                %select_n3A_1329 = arith.select %eq3A_1326, %masked_sort3A_1321, %broadcast_in_dim3A_1328 : vector<16xi1>, vector<16xf32>
                %reduce_max3A_1330 = arith.constant true
                %reduce_max3A_1331 = vector.broadcast %reduce_max3A_1330 : i1 to vector<16xi1>
                %reduce_max3A_1332 = tpu.scan <max>, %select_n3A_1329 masked %reduce_max3A_1331 : vector<16xf32>, vector<16xi1> -> vector<16xf32>
                %reduce_max3A_1333 = vector.extract %reduce_max3A_1332[15] : f32 from vector<16xf32>
                %broadcast_in_dim3A_1334 = vector.broadcast %reduce_max3A_1333 : f32 to vector<16xf32>
                %max3A_1335 = arith.maximumf %cond3A_1228#1, %broadcast_in_dim3A_1334 : vector<16xf32>
                scf.yield %masked_sort3A_1321, %max3A_1335 : vector<16xf32>, vector<16xf32>
              } else {
                scf.yield %cond3A_1228#0, %cond3A_1228#1 : vector<16xf32>, vector<16xf32>
              }
              %mul3A_1246 = arith.constant 25 : i32
              %mul3A_1247 = arith.muli %scan3A_879, %mul3A_1246 : i32
              %add3A_1248 = arith.addi %mul3A_1247, %scan3A_1117 : i32
              %mul3A_1249 = arith.constant 16 : i32
              %mul3A_1250 = arith.muli %add3A_1248, %mul3A_1249 : i32
              %get3A_1251 = arith.index_cast %mul3A_1250 : i32 to index
              %get3A_1252 = tpu.vector_load %arg9[%get3A_1251] {strides = array<i32>} : memref<2000xf32, #tpu.memory_space<vmem>>, vector<16xf32>,
              %ge3A_1253 = arith.cmpf oge, %get3A_1252, %cond3A_1245#1 : vector<16xf32>
              %all_reduce_population_count3A_1254 = tpu.all_reduce %ge3A_1253 {dim = 0 : i64, kind = #tpu.reduction_kind<sum>} : vector<16xi1> -> vector<16xi32>
              %slice3A_1255 = vector.extract_strided_slice %all_reduce_population_count3A_1254 {offsets = [0], sizes = [1], strides = [1]} : vector<16xi32> to vector<1xi32>
              %squeeze3A_1256 = vector.extract %slice3A_1255[0] : i32 from vector<1xi32>
              %gt3A_1257 = arith.constant 0 : i32
              %gt3A_1258 = arith.cmpi sgt, %squeeze3A_1256, %gt3A_1257 : i32
              %convert_element_type3A_1259 = arith.extui %gt3A_1258 : i1 to i32
              %cond3A_1260 = arith.constant 0 : i32
              %cond3A_1261 = arith.cmpi ne, %convert_element_type3A_1259, %cond3A_1260 : i32
              %cond3A_1262:2 = scf.if %cond3A_1261 -> (vector<16xf32>, vector<16xf32>) {
                %masked_sort3A_1314 = arith.constant dense<true> : vector<16xi1>
                %masked_sort3A_1315, %masked_sort3A_1316, %masked_sort3A_1317 = tpu.sort %get3A_1252, %get3A_1252 masked %masked_sort3A_1314 {descending = true} : (vector<16xf32>, vector<16xf32>, vector<16xi1>) -> (vector<16xi1>, vector<16xf32>, vector<16xf32>)
                %max3A_1318 = arith.maximumf %cond3A_1245#0, %masked_sort3A_1316 : vector<16xf32>
                %masked_sort3A_1319 = arith.constant dense<true> : vector<16xi1>
                %masked_sort3A_1320, %masked_sort3A_1321, %masked_sort3A_1322 = tpu.sort %max3A_1318, %max3A_1318 masked %masked_sort3A_1319 : (vector<16xf32>, vector<16xf32>, vector<16xi1>) -> (vector<16xi1>, vector<16xf32>, vector<16xf32>)
                %iota3A_1323 = tpu.iota {dimensions = array<i32: 0>} : vector<16xi32>
                %eq3A_1324 = arith.constant 6 : i32
                %eq3A_1325 = vector.broadcast %eq3A_1324 : i32 to vector<16xi32>
                %eq3A_1326 = arith.cmpi eq, %iota3A_1323, %eq3A_1325 : vector<16xi32>
                %jit3A_1327 = arith.constant 0xFF800000 : f32
                %broadcast_in_dim3A_1328 = vector.broadcast %jit3A_1327 : f32 to vector<16xf32>
                %select_n3A_1329 = arith.select %eq3A_1326, %masked_sort3A_1321, %broadcast_in_dim3A_1328 : vector<16xi1>, vector<16xf32>
                %reduce_max3A_1330 = arith.constant true
                %reduce_max3A_1331 = vector.broadcast %reduce_max3A_1330 : i1 to vector<16xi1>
                %reduce_max3A_1332 = tpu.scan <max>, %select_n3A_1329 masked %reduce_max3A_1331 : vector<16xf32>, vector<16xi1> -> vector<16xf32>
                %reduce_max3A_1333 = vector.extract %reduce_max3A_1332[15] : f32 from vector<16xf32>
                %broadcast_in_dim3A_1334 = vector.broadcast %reduce_max3A_1333 : f32 to vector<16xf32>
                %max3A_1335 = arith.maximumf %cond3A_1245#1, %broadcast_in_dim3A_1334 : vector<16xf32>
                scf.yield %masked_sort3A_1321, %max3A_1335 : vector<16xf32>, vector<16xf32>
              } else {
                scf.yield %cond3A_1245#0, %cond3A_1245#1 : vector<16xf32>, vector<16xf32>
              }
              %mul3A_1263 = arith.constant 25 : i32
              %mul3A_1264 = arith.muli %scan3A_879, %mul3A_1263 : i32
              %add3A_1265 = arith.addi %mul3A_1264, %scan3A_1117 : i32
              %mul3A_1266 = arith.constant 16 : i32
              %mul3A_1267 = arith.muli %add3A_1265, %mul3A_1266 : i32
              %get3A_1268 = arith.index_cast %mul3A_1267 : i32 to index
              %get3A_1269 = tpu.vector_load %arg9[%get3A_1268] {strides = array<i32>} : memref<2000xf32, #tpu.memory_space<vmem>>, vector<16xf32>,
              %ge3A_1270 = arith.cmpf oge, %get3A_1269, %cond3A_1262#1 : vector<16xf32>
              %all_reduce_population_count3A_1271 = tpu.all_reduce %ge3A_1270 {dim = 0 : i64, kind = #tpu.reduction_kind<sum>} : vector<16xi1> -> vector<16xi32>
              %slice3A_1272 = vector.extract_strided_slice %all_reduce_population_count3A_1271 {offsets = [0], sizes = [1], strides = [1]} : vector<16xi32> to vector<1xi32>
              %squeeze3A_1273 = vector.extract %slice3A_1272[0] : i32 from vector<1xi32>
              %gt3A_1274 = arith.constant 0 : i32
              %gt3A_1275 = arith.cmpi sgt, %squeeze3A_1273, %gt3A_1274 : i32
              %convert_element_type3A_1276 = arith.extui %gt3A_1275 : i1 to i32
              %cond3A_1277 = arith.constant 0 : i32
              %cond3A_1278 = arith.cmpi ne, %convert_element_type3A_1276, %cond3A_1277 : i32
              %cond3A_1279:2 = scf.if %cond3A_1278 -> (vector<16xf32>, vector<16xf32>) {
                %masked_sort3A_1314 = arith.constant dense<true> : vector<16xi1>
                %masked_sort3A_1315, %masked_sort3A_1316, %masked_sort3A_1317 = tpu.sort %get3A_1269, %get3A_1269 masked %masked_sort3A_1314 {descending = true} : (vector<16xf32>, vector<16xf32>, vector<16xi1>) -> (vector<16xi1>, vector<16xf32>, vector<16xf32>)
                %max3A_1318 = arith.maximumf %cond3A_1262#0, %masked_sort3A_1316 : vector<16xf32>
                %masked_sort3A_1319 = arith.constant dense<true> : vector<16xi1>
                %masked_sort3A_1320, %masked_sort3A_1321, %masked_sort3A_1322 = tpu.sort %max3A_1318, %max3A_1318 masked %masked_sort3A_1319 : (vector<16xf32>, vector<16xf32>, vector<16xi1>) -> (vector<16xi1>, vector<16xf32>, vector<16xf32>)
                %iota3A_1323 = tpu.iota {dimensions = array<i32: 0>} : vector<16xi32>
                %eq3A_1324 = arith.constant 6 : i32
                %eq3A_1325 = vector.broadcast %eq3A_1324 : i32 to vector<16xi32>
                %eq3A_1326 = arith.cmpi eq, %iota3A_1323, %eq3A_1325 : vector<16xi32>
                %jit3A_1327 = arith.constant 0xFF800000 : f32
                %broadcast_in_dim3A_1328 = vector.broadcast %jit3A_1327 : f32 to vector<16xf32>
                %select_n3A_1329 = arith.select %eq3A_1326, %masked_sort3A_1321, %broadcast_in_dim3A_1328 : vector<16xi1>, vector<16xf32>
                %reduce_max3A_1330 = arith.constant true
                %reduce_max3A_1331 = vector.broadcast %reduce_max3A_1330 : i1 to vector<16xi1>
                %reduce_max3A_1332 = tpu.scan <max>, %select_n3A_1329 masked %reduce_max3A_1331 : vector<16xf32>, vector<16xi1> -> vector<16xf32>
                %reduce_max3A_1333 = vector.extract %reduce_max3A_1332[15] : f32 from vector<16xf32>
                %broadcast_in_dim3A_1334 = vector.broadcast %reduce_max3A_1333 : f32 to vector<16xf32>
                %max3A_1335 = arith.maximumf %cond3A_1262#1, %broadcast_in_dim3A_1334 : vector<16xf32>
                scf.yield %masked_sort3A_1321, %max3A_1335 : vector<16xf32>, vector<16xf32>
              } else {
                scf.yield %cond3A_1262#0, %cond3A_1262#1 : vector<16xf32>, vector<16xf32>
              }
              %mul3A_1280 = arith.constant 25 : i32
              %mul3A_1281 = arith.muli %scan3A_879, %mul3A_1280 : i32
              %add3A_1282 = arith.addi %mul3A_1281, %scan3A_1117 : i32
              %mul3A_1283 = arith.constant 16 : i32
              %mul3A_1284 = arith.muli %add3A_1282, %mul3A_1283 : i32
              %get3A_1285 = arith.index_cast %mul3A_1284 : i32 to index
              %get3A_1286 = tpu.vector_load %arg9[%get3A_1285] {strides = array<i32>} : memref<2000xf32, #tpu.memory_space<vmem>>, vector<16xf32>,
              %ge3A_1287 = arith.cmpf oge, %get3A_1286, %cond3A_1279#1 : vector<16xf32>
              %all_reduce_population_count3A_1288 = tpu.all_reduce %ge3A_1287 {dim = 0 : i64, kind = #tpu.reduction_kind<sum>} : vector<16xi1> -> vector<16xi32>
              %slice3A_1289 = vector.extract_strided_slice %all_reduce_population_count3A_1288 {offsets = [0], sizes = [1], strides = [1]} : vector<16xi32> to vector<1xi32>
              %squeeze3A_1290 = vector.extract %slice3A_1289[0] : i32 from vector<1xi32>
              %gt3A_1291 = arith.constant 0 : i32
              %gt3A_1292 = arith.cmpi sgt, %squeeze3A_1290, %gt3A_1291 : i32
              %convert_element_type3A_1293 = arith.extui %gt3A_1292 : i1 to i32
              %cond3A_1294 = arith.constant 0 : i32
              %cond3A_1295 = arith.cmpi ne, %convert_element_type3A_1293, %cond3A_1294 : i32
              %cond3A_1296:2 = scf.if %cond3A_1295 -> (vector<16xf32>, vector<16xf32>) {
                %masked_sort3A_1314 = arith.constant dense<true> : vector<16xi1>
                %masked_sort3A_1315, %masked_sort3A_1316, %masked_sort3A_1317 = tpu.sort %get3A_1286, %get3A_1286 masked %masked_sort3A_1314 {descending = true} : (vector<16xf32>, vector<16xf32>, vector<16xi1>) -> (vector<16xi1>, vector<16xf32>, vector<16xf32>)
                %max3A_1318 = arith.maximumf %cond3A_1279#0, %masked_sort3A_1316 : vector<16xf32>
                %masked_sort3A_1319 = arith.constant dense<true> : vector<16xi1>
                %masked_sort3A_1320, %masked_sort3A_1321, %masked_sort3A_1322 = tpu.sort %max3A_1318, %max3A_1318 masked %masked_sort3A_1319 : (vector<16xf32>, vector<16xf32>, vector<16xi1>) -> (vector<16xi1>, vector<16xf32>, vector<16xf32>)
                %iota3A_1323 = tpu.iota {dimensions = array<i32: 0>} : vector<16xi32>
                %eq3A_1324 = arith.constant 6 : i32
                %eq3A_1325 = vector.broadcast %eq3A_1324 : i32 to vector<16xi32>
                %eq3A_1326 = arith.cmpi eq, %iota3A_1323, %eq3A_1325 : vector<16xi32>
                %jit3A_1327 = arith.constant 0xFF800000 : f32
                %broadcast_in_dim3A_1328 = vector.broadcast %jit3A_1327 : f32 to vector<16xf32>
                %select_n3A_1329 = arith.select %eq3A_1326, %masked_sort3A_1321, %broadcast_in_dim3A_1328 : vector<16xi1>, vector<16xf32>
                %reduce_max3A_1330 = arith.constant true
                %reduce_max3A_1331 = vector.broadcast %reduce_max3A_1330 : i1 to vector<16xi1>
                %reduce_max3A_1332 = tpu.scan <max>, %select_n3A_1329 masked %reduce_max3A_1331 : vector<16xf32>, vector<16xi1> -> vector<16xf32>
                %reduce_max3A_1333 = vector.extract %reduce_max3A_1332[15] : f32 from vector<16xf32>
                %broadcast_in_dim3A_1334 = vector.broadcast %reduce_max3A_1333 : f32 to vector<16xf32>
                %max3A_1335 = arith.maximumf %cond3A_1279#1, %broadcast_in_dim3A_1334 : vector<16xf32>
                scf.yield %masked_sort3A_1321, %max3A_1335 : vector<16xf32>, vector<16xf32>
              } else {
                scf.yield %cond3A_1279#0, %cond3A_1279#1 : vector<16xf32>, vector<16xf32>
              }
              %mul3A_1297 = arith.constant 25 : i32
              %mul3A_1298 = arith.muli %scan3A_879, %mul3A_1297 : i32
              %add3A_1299 = arith.addi %mul3A_1298, %scan3A_1117 : i32
              %mul3A_1300 = arith.constant 16 : i32
              %mul3A_1301 = arith.muli %add3A_1299, %mul3A_1300 : i32
              %get3A_1302 = arith.index_cast %mul3A_1301 : i32 to index
              %get3A_1303 = tpu.vector_load %arg9[%get3A_1302] {strides = array<i32>} : memref<2000xf32, #tpu.memory_space<vmem>>, vector<16xf32>,
              %ge3A_1304 = arith.cmpf oge, %get3A_1303, %cond3A_1296#1 : vector<16xf32>
              %all_reduce_population_count3A_1305 = tpu.all_reduce %ge3A_1304 {dim = 0 : i64, kind = #tpu.reduction_kind<sum>} : vector<16xi1> -> vector<16xi32>
              %slice3A_1306 = vector.extract_strided_slice %all_reduce_population_count3A_1305 {offsets = [0], sizes = [1], strides = [1]} : vector<16xi32> to vector<1xi32>
              %squeeze3A_1307 = vector.extract %slice3A_1306[0] : i32 from vector<1xi32>
              %gt3A_1308 = arith.constant 0 : i32
              %gt3A_1309 = arith.cmpi sgt, %squeeze3A_1307, %gt3A_1308 : i32
              %convert_element_type3A_1310 = arith.extui %gt3A_1309 : i1 to i32
              %cond3A_1311 = arith.constant 0 : i32
              %cond3A_1312 = arith.cmpi ne, %convert_element_type3A_1310, %cond3A_1311 : i32
              %cond3A_1313:2 = scf.if %cond3A_1312 -> (vector<16xf32>, vector<16xf32>) {
                %masked_sort3A_1314 = arith.constant dense<true> : vector<16xi1>
                %masked_sort3A_1315, %masked_sort3A_1316, %masked_sort3A_1317 = tpu.sort %get3A_1303, %get3A_1303 masked %masked_sort3A_1314 {descending = true} : (vector<16xf32>, vector<16xf32>, vector<16xi1>) -> (vector<16xi1>, vector<16xf32>, vector<16xf32>)
                %max3A_1318 = arith.maximumf %cond3A_1296#0, %masked_sort3A_1316 : vector<16xf32>
                %masked_sort3A_1319 = arith.constant dense<true> : vector<16xi1>
                %masked_sort3A_1320, %masked_sort3A_1321, %masked_sort3A_1322 = tpu.sort %max3A_1318, %max3A_1318 masked %masked_sort3A_1319 : (vector<16xf32>, vector<16xf32>, vector<16xi1>) -> (vector<16xi1>, vector<16xf32>, vector<16xf32>)
                %iota3A_1323 = tpu.iota {dimensions = array<i32: 0>} : vector<16xi32>
                %eq3A_1324 = arith.constant 6 : i32
                %eq3A_1325 = vector.broadcast %eq3A_1324 : i32 to vector<16xi32>
                %eq3A_1326 = arith.cmpi eq, %iota3A_1323, %eq3A_1325 : vector<16xi32>
                %jit3A_1327 = arith.constant 0xFF800000 : f32
                %broadcast_in_dim3A_1328 = vector.broadcast %jit3A_1327 : f32 to vector<16xf32>
                %select_n3A_1329 = arith.select %eq3A_1326, %masked_sort3A_1321, %broadcast_in_dim3A_1328 : vector<16xi1>, vector<16xf32>
                %reduce_max3A_1330 = arith.constant true
                %reduce_max3A_1331 = vector.broadcast %reduce_max3A_1330 : i1 to vector<16xi1>
                %reduce_max3A_1332 = tpu.scan <max>, %select_n3A_1329 masked %reduce_max3A_1331 : vector<16xf32>, vector<16xi1> -> vector<16xf32>
                %reduce_max3A_1333 = vector.extract %reduce_max3A_1332[15] : f32 from vector<16xf32>
                %broadcast_in_dim3A_1334 = vector.broadcast %reduce_max3A_1333 : f32 to vector<16xf32>
                %max3A_1335 = arith.maximumf %cond3A_1296#1, %broadcast_in_dim3A_1334 : vector<16xf32>
                scf.yield %masked_sort3A_1321, %max3A_1335 : vector<16xf32>, vector<16xf32>
              } else {
                scf.yield %cond3A_1296#0, %cond3A_1296#1 : vector<16xf32>, vector<16xf32>
              }
              scf.yield %cond3A_1313#0, %cond3A_1313#1 : vector<16xf32>, vector<16xf32>
            } else {
              scf.yield %scan3A_1118, %scan3A_1119 : vector<16xf32>, vector<16xf32>
            }
            scf.yield %cond3A_1143#0, %cond3A_1143#1 : vector<16xf32>, vector<16xf32>
          }
          %scan3A_1116 = arith.constant 25 : i32
          scf.yield %scan3A_1115#0, %scan3A_1115#1 : vector<16xf32>, vector<16xf32>
        } else {
          scf.yield %scan3A_880, %scan3A_881 : vector<16xf32>, vector<16xf32>
        }
        scf.yield %cond3A_1110#0, %cond3A_1110#1 : vector<16xf32>, vector<16xf32>
      }
      %scan3A_440 = arith.constant 5 : i32
      %eq3A_441 = arith.constant 4 : i32
      %eq3A_442 = arith.cmpi eq, %select_n3A_304, %eq3A_441 : i32
      %convert_element_type3A_443 = arith.extui %eq3A_442 : i1 to i32
      %cond3A_444 = arith.constant 0 : i32
      %cond3A_445 = arith.cmpi ne, %convert_element_type3A_443, %cond3A_444 : i32
      scf.if %cond3A_445 {
        %swap3A = arith.index_cast %select_n3A_328 : i32 to index
        %swap3A_879 = arith.constant 0 : index
        %swap3A_880 = tpu.vector_load %arg11[%swap3A, %swap3A_879] {strides = array<i32>} : memref<32x16xf32, #tpu.memory_space<vmem>>, vector<16xf32>,
        tpu.vector_store %arg11[%swap3A, %swap3A_879], %scan3A_439#0 {strides = array<i32>} : memref<32x16xf32, #tpu.memory_space<vmem>>, vector<16xf32>,
      } else {
      }
      %add3A_446 = arith.constant 4 : i32
      %add3A_447 = arith.addi %add3A_241, %add3A_446 : i32
      %lt3A_448 = arith.constant 160 : i32
      %lt3A_449 = arith.cmpi slt, %add3A_447, %lt3A_448 : i32
      %convert_element_type3A_450 = arith.extui %lt3A_449 : i1 to i32
      %cond3A_451 = arith.constant 0 : i32
      %cond3A_452 = arith.cmpi ne, %convert_element_type3A_450, %cond3A_451 : i32
      scf.if %cond3A_452 {
        %add3A_879 = arith.constant 4 : i32
        %add3A_880 = arith.addi %add3A_241, %add3A_879 : i32
        %jit3A_881 = arith.constant 5 : i32
        %div3A_882 = arith.divsi %add3A_880, %jit3A_881 : i32
        %sign3A_883 = arith.constant 0 : i32
        %sign3A_884 = arith.cmpi sgt, %add3A_880, %sign3A_883 : i32
        %sign3A_885 = arith.extui %sign3A_884 : i1 to i32
        %sign3A_886 = arith.constant 0 : i32
        %sign3A_887 = arith.cmpi slt, %add3A_880, %sign3A_886 : i32
        %sign3A_888 = arith.extui %sign3A_887 : i1 to i32
        %sign3A_889 = arith.subi %sign3A_885, %sign3A_888 : i32
        %sign3A_890 = arith.constant 0 : i32
        %sign3A_891 = arith.cmpi sgt, %jit3A_881, %sign3A_890 : i32
        %sign3A_892 = arith.extui %sign3A_891 : i1 to i32
        %sign3A_893 = arith.constant 0 : i32
        %sign3A_894 = arith.cmpi slt, %jit3A_881, %sign3A_893 : i32
        %sign3A_895 = arith.extui %sign3A_894 : i1 to i32
        %sign3A_896 = arith.subi %sign3A_892, %sign3A_895 : i32
        %ne3A_897 = arith.cmpi ne, %sign3A_889, %sign3A_896 : i32
        %rem3A_898 = arith.remsi %add3A_880, %jit3A_881 : i32
        %ne3A_899 = arith.constant 0 : i32
        %ne3A_900 = arith.cmpi ne, %rem3A_898, %ne3A_899 : i32
        %and3A_901 = arith.andi %ne3A_897, %ne3A_900 : i1
        %sub3A_902 = arith.constant 1 : i32
        %sub3A_903 = arith.subi %div3A_882, %sub3A_902 : i32
        %select_n3A_904 = arith.select %and3A_901, %sub3A_903, %div3A_882 : i32
        %add3A_905 = arith.addi %mul3A_2, %select_n3A_904 : i32
        %jit3A_906 = arith.constant 5 : i32
        %eq3A_907 = arith.constant 0 : i32
        %eq3A_908 = arith.cmpi eq, %jit3A_906, %eq3A_907 : i32
        %jit3A_909 = arith.constant 1 : i32
        %select_n3A_910 = arith.select %eq3A_908, %jit3A_909, %jit3A_906 : i32
        %rem3A_911 = arith.remsi %add3A_880, %select_n3A_910 : i32
        %ne3A_912 = arith.constant 0 : i32
        %ne3A_913 = arith.cmpi ne, %rem3A_911, %ne3A_912 : i32
        %lt3A_914 = arith.constant 0 : i32
        %lt3A_915 = arith.cmpi slt, %rem3A_911, %lt3A_914 : i32
        %lt3A_916 = arith.constant 0 : i32
        %lt3A_917 = arith.cmpi slt, %select_n3A_910, %lt3A_916 : i32
        %ne3A_918 = arith.xori %lt3A_915, %lt3A_917 : i1
        %and3A_919 = arith.andi %ne3A_918, %ne3A_913 : i1
        %add3A_920 = arith.addi %rem3A_911, %select_n3A_910 : i32
        %select_n3A_921 = arith.select %and3A_919, %add3A_920, %rem3A_911 : i32
        %mul3A_922 = arith.constant 20000 : i32
        %mul3A_923 = arith.muli %select_n3A_921, %mul3A_922 : i32
        %dma_start3A_924 = tpu.memref_slice %arg2[%add3A_905, %mul3A_923] : memref<1024x100000xf32, #tpu.memory_space<hbm>> -> memref<1x20000xf32, #tpu.memory_space<hbm>>
        %dma_start3A_925 = tpu.memref_squeeze %dma_start3A_924 : memref<1x20000xf32, #tpu.memory_space<hbm>> -> memref<20000xf32, #tpu.memory_space<hbm>>
        %dma_start3A_926 = tpu.memref_slice %arg2[%add3A_905, %mul3A_923] : memref<1024x100000xf32, #tpu.memory_space<hbm>> -> memref<1x20000xf32, #tpu.memory_space<hbm>>
        %dma_start3A_927 = tpu.memref_squeeze %dma_start3A_926 : memref<1x20000xf32, #tpu.memory_space<hbm>> -> memref<20000xf32, #tpu.memory_space<hbm>>
        tpu.enqueue_dma source(%dma_start3A_927 : memref<20000xf32, #tpu.memory_space<hbm>>) target(%arg6 : memref<20000xf32, #tpu.memory_space<vmem>>) target_semaphore(%arg13 : memref<!tpu.dma_semaphore, #tpu.memory_space<semaphore_mem>>)
      } else {
      }
      %add3A_453 = arith.constant 2 : i32
      %add3A_454 = arith.addi %mul3A_46, %add3A_453 : i32
      %jit3A_455 = arith.constant 5 : i32
      %div3A_456 = arith.divsi %add3A_454, %jit3A_455 : i32
      %sign3A_457 = arith.constant 0 : i32
      %sign3A_458 = arith.cmpi sgt, %add3A_454, %sign3A_457 : i32
      %sign3A_459 = arith.extui %sign3A_458 : i1 to i32
      %sign3A_460 = arith.constant 0 : i32
      %sign3A_461 = arith.cmpi slt, %add3A_454, %sign3A_460 : i32
      %sign3A_462 = arith.extui %sign3A_461 : i1 to i32
      %sign3A_463 = arith.subi %sign3A_459, %sign3A_462 : i32
      %sign3A_464 = arith.constant 0 : i32
      %sign3A_465 = arith.cmpi sgt, %jit3A_455, %sign3A_464 : i32
      %sign3A_466 = arith.extui %sign3A_465 : i1 to i32
      %sign3A_467 = arith.constant 0 : i32
      %sign3A_468 = arith.cmpi slt, %jit3A_455, %sign3A_467 : i32
      %sign3A_469 = arith.extui %sign3A_468 : i1 to i32
      %sign3A_470 = arith.subi %sign3A_466, %sign3A_469 : i32
      %ne3A_471 = arith.cmpi ne, %sign3A_463, %sign3A_470 : i32
      %rem3A_472 = arith.remsi %add3A_454, %jit3A_455 : i32
      %ne3A_473 = arith.constant 0 : i32
      %ne3A_474 = arith.cmpi ne, %rem3A_472, %ne3A_473 : i32
      %and3A_475 = arith.andi %ne3A_471, %ne3A_474 : i1
      %sub3A_476 = arith.constant 1 : i32
      %sub3A_477 = arith.subi %div3A_456, %sub3A_476 : i32
      %select_n3A_478 = arith.select %and3A_475, %sub3A_477, %div3A_456 : i32
      %add3A_479 = arith.addi %mul3A_2, %select_n3A_478 : i32
      %jit3A_480 = arith.constant 5 : i32
      %eq3A_481 = arith.constant 0 : i32
      %eq3A_482 = arith.cmpi eq, %jit3A_480, %eq3A_481 : i32
      %jit3A_483 = arith.constant 1 : i32
      %select_n3A_484 = arith.select %eq3A_482, %jit3A_483, %jit3A_480 : i32
      %rem3A_485 = arith.remsi %add3A_454, %select_n3A_484 : i32
      %ne3A_486 = arith.constant 0 : i32
      %ne3A_487 = arith.cmpi ne, %rem3A_485, %ne3A_486 : i32
      %lt3A_488 = arith.constant 0 : i32
      %lt3A_489 = arith.cmpi slt, %rem3A_485, %lt3A_488 : i32
      %lt3A_490 = arith.constant 0 : i32
      %lt3A_491 = arith.cmpi slt, %select_n3A_484, %lt3A_490 : i32
      %ne3A_492 = arith.xori %lt3A_489, %lt3A_491 : i1
      %and3A_493 = arith.andi %ne3A_492, %ne3A_487 : i1
      %add3A_494 = arith.addi %rem3A_485, %select_n3A_484 : i32
      %select_n3A_495 = arith.select %and3A_493, %add3A_494, %rem3A_485 : i32
      %mul3A_496 = arith.constant 20000 : i32
      %mul3A_497 = arith.muli %select_n3A_495, %mul3A_496 : i32
      %dma_wait3A_498 = tpu.memref_slice %arg2[%add3A_479, %mul3A_497] : memref<1024x100000xf32, #tpu.memory_space<hbm>> -> memref<1x20000xf32, #tpu.memory_space<hbm>>
      %dma_wait3A_499 = tpu.memref_squeeze %dma_wait3A_498 : memref<1x20000xf32, #tpu.memory_space<hbm>> -> memref<20000xf32, #tpu.memory_space<hbm>>
      %dma_wait3A_500 = tpu.memref_slice %arg2[%add3A_479, %mul3A_497] : memref<1024x100000xf32, #tpu.memory_space<hbm>> -> memref<1x20000xf32, #tpu.memory_space<hbm>>
      %dma_wait3A_501 = tpu.memref_squeeze %dma_wait3A_500 : memref<1x20000xf32, #tpu.memory_space<hbm>> -> memref<20000xf32, #tpu.memory_space<hbm>>
      tpu.wait_dma2 semaphore(%arg14 : memref<!tpu.dma_semaphore, #tpu.memory_space<semaphore_mem>>) src(%dma_wait3A_501 : memref<20000xf32, #tpu.memory_space<hbm>>) dst(%arg7 : memref<20000xf32, #tpu.memory_space<vmem>>)
      %jit3A_502 = arith.constant 5 : i32
      %eq3A_503 = arith.constant 0 : i32
      %eq3A_504 = arith.cmpi eq, %jit3A_502, %eq3A_503 : i32
      %jit3A_505 = arith.constant 1 : i32
      %select_n3A_506 = arith.select %eq3A_504, %jit3A_505, %jit3A_502 : i32
      %rem3A_507 = arith.remsi %add3A_454, %select_n3A_506 : i32
      %ne3A_508 = arith.constant 0 : i32
      %ne3A_509 = arith.cmpi ne, %rem3A_507, %ne3A_508 : i32
      %lt3A_510 = arith.constant 0 : i32
      %lt3A_511 = arith.cmpi slt, %rem3A_507, %lt3A_510 : i32
      %lt3A_512 = arith.constant 0 : i32
      %lt3A_513 = arith.cmpi slt, %select_n3A_506, %lt3A_512 : i32
      %ne3A_514 = arith.xori %lt3A_511, %lt3A_513 : i1
      %and3A_515 = arith.andi %ne3A_514, %ne3A_509 : i1
      %add3A_516 = arith.addi %rem3A_507, %select_n3A_506 : i32
      %select_n3A_517 = arith.select %and3A_515, %add3A_516, %rem3A_507 : i32
      %jit3A_518 = arith.constant 5 : i32
      %div3A_519 = arith.divsi %add3A_454, %jit3A_518 : i32
      %sign3A_520 = arith.constant 0 : i32
      %sign3A_521 = arith.cmpi sgt, %add3A_454, %sign3A_520 : i32
      %sign3A_522 = arith.extui %sign3A_521 : i1 to i32
      %sign3A_523 = arith.constant 0 : i32
      %sign3A_524 = arith.cmpi slt, %add3A_454, %sign3A_523 : i32
      %sign3A_525 = arith.extui %sign3A_524 : i1 to i32
      %sign3A_526 = arith.subi %sign3A_522, %sign3A_525 : i32
      %sign3A_527 = arith.constant 0 : i32
      %sign3A_528 = arith.cmpi sgt, %jit3A_518, %sign3A_527 : i32
      %sign3A_529 = arith.extui %sign3A_528 : i1 to i32
      %sign3A_530 = arith.constant 0 : i32
      %sign3A_531 = arith.cmpi slt, %jit3A_518, %sign3A_530 : i32
      %sign3A_532 = arith.extui %sign3A_531 : i1 to i32
      %sign3A_533 = arith.subi %sign3A_529, %sign3A_532 : i32
      %ne3A_534 = arith.cmpi ne, %sign3A_526, %sign3A_533 : i32
      %rem3A_535 = arith.remsi %add3A_454, %jit3A_518 : i32
      %ne3A_536 = arith.constant 0 : i32
      %ne3A_537 = arith.cmpi ne, %rem3A_535, %ne3A_536 : i32
      %and3A_538 = arith.andi %ne3A_534, %ne3A_537 : i1
      %sub3A_539 = arith.constant 1 : i32
      %sub3A_540 = arith.subi %div3A_519, %sub3A_539 : i32
      %select_n3A_541 = arith.select %and3A_538, %sub3A_540, %div3A_519 : i32
      %eq3A_542 = arith.constant 0 : i32
      %eq3A_543 = arith.cmpi eq, %select_n3A_517, %eq3A_542 : i32
      %broadcast_in_dim3A_544 = arith.constant 0xFF800000 : f32
      %broadcast_in_dim3A_545 = vector.broadcast %broadcast_in_dim3A_544 : f32 to vector<16xf32>
      %select_n3A_546 = arith.select %eq3A_543, %broadcast_in_dim3A_545, %scan3A_439#0 : vector<16xf32>
      %broadcast_in_dim3A_547 = arith.constant 0xFF800000 : f32
      %broadcast_in_dim3A_548 = vector.broadcast %broadcast_in_dim3A_547 : f32 to vector<16xf32>
      %select_n3A_549 = arith.select %eq3A_543, %broadcast_in_dim3A_548, %scan3A_439#1 : vector<16xf32>
      %jit3A_550 = arith.constant 16 : i32
      %div3A_551 = arith.divsi %select_n3A_541, %jit3A_550 : i32
      %sign3A_552 = arith.constant 0 : i32
      %sign3A_553 = arith.cmpi sgt, %select_n3A_541, %sign3A_552 : i32
      %sign3A_554 = arith.extui %sign3A_553 : i1 to i32
      %sign3A_555 = arith.constant 0 : i32
      %sign3A_556 = arith.cmpi slt, %select_n3A_541, %sign3A_555 : i32
      %sign3A_557 = arith.extui %sign3A_556 : i1 to i32
      %sign3A_558 = arith.subi %sign3A_554, %sign3A_557 : i32
      %sign3A_559 = arith.constant 0 : i32
      %sign3A_560 = arith.cmpi sgt, %jit3A_550, %sign3A_559 : i32
      %sign3A_561 = arith.extui %sign3A_560 : i1 to i32
      %sign3A_562 = arith.constant 0 : i32
      %sign3A_563 = arith.cmpi slt, %jit3A_550, %sign3A_562 : i32
      %sign3A_564 = arith.extui %sign3A_563 : i1 to i32
      %sign3A_565 = arith.subi %sign3A_561, %sign3A_564 : i32
      %ne3A_566 = arith.cmpi ne, %sign3A_558, %sign3A_565 : i32
      %rem3A_567 = arith.remsi %select_n3A_541, %jit3A_550 : i32
      %ne3A_568 = arith.constant 0 : i32
      %ne3A_569 = arith.cmpi ne, %rem3A_567, %ne3A_568 : i32
      %and3A_570 = arith.andi %ne3A_566, %ne3A_569 : i1
      %sub3A_571 = arith.constant 1 : i32
      %sub3A_572 = arith.subi %div3A_551, %sub3A_571 : i32
      %select_n3A_573 = arith.select %and3A_570, %sub3A_572, %div3A_551 : i32
      %mul3A_574 = arith.constant 16 : i32
      %mul3A_575 = arith.muli %select_n3A_573, %mul3A_574 : i32
      %multiple_of3A_576 = tpu.assume_multiple %mul3A_575, 16 : i32
      %get3A_577 = arith.index_cast %multiple_of3A_576 : i32 to index
      %get3A_578 = tpu.vector_load %arg10[%get3A_577] {strides = array<i32>} : memref<32xi32, #tpu.memory_space<vmem>>, vector<16xi32>,
      %sub3A_579 = arith.subi %select_n3A_541, %multiple_of3A_576 : i32
      %iota3A_580 = tpu.iota {dimensions = array<i32: 0>} : vector<16xi32>
      %eq3A_581 = vector.broadcast %sub3A_579 : i32 to vector<16xi32>
      %eq3A_582 = arith.cmpi eq, %iota3A_580, %eq3A_581 : vector<16xi32>
      %jit3A_583 = arith.constant 0 : i32
      %broadcast_in_dim3A_584 = vector.broadcast %jit3A_583 : i32 to vector<16xi32>
      %select_n3A_585 = arith.select %eq3A_582, %get3A_578, %broadcast_in_dim3A_584 : vector<16xi1>, vector<16xi32>
      %reduce_max3A_586 = arith.constant true
      %reduce_max3A_587 = vector.broadcast %reduce_max3A_586 : i1 to vector<16xi1>
      %reduce_max3A_588 = arith.constant -2147483648 : i32
      %reduce_max3A_589 = vector.broadcast %reduce_max3A_588 : i32 to vector<16xi32>
      %reduce_max3A_590 = arith.xori %select_n3A_585, %reduce_max3A_589 : vector<16xi32>
      %reduce_max3A_591 = tpu.scan <max>, %reduce_max3A_590 masked %reduce_max3A_587 : vector<16xi32>, vector<16xi1> -> vector<16xi32>
      %reduce_max3A_592 = arith.xori %reduce_max3A_591, %reduce_max3A_589 : vector<16xi32>
      %reduce_max3A_593 = vector.extract %reduce_max3A_592[15] : i32 from vector<16xi32>
      %jit3A_594 = arith.constant 20000 : i32
      %div3A_595 = arith.divsi %reduce_max3A_593, %jit3A_594 : i32
      %sign3A_596 = arith.constant 0 : i32
      %sign3A_597 = arith.cmpi sgt, %reduce_max3A_593, %sign3A_596 : i32
      %sign3A_598 = arith.extui %sign3A_597 : i1 to i32
      %sign3A_599 = arith.constant 0 : i32
      %sign3A_600 = arith.cmpi slt, %reduce_max3A_593, %sign3A_599 : i32
      %sign3A_601 = arith.extui %sign3A_600 : i1 to i32
      %sign3A_602 = arith.subi %sign3A_598, %sign3A_601 : i32
      %sign3A_603 = arith.constant 0 : i32
      %sign3A_604 = arith.cmpi sgt, %jit3A_594, %sign3A_603 : i32
      %sign3A_605 = arith.extui %sign3A_604 : i1 to i32
      %sign3A_606 = arith.constant 0 : i32
      %sign3A_607 = arith.cmpi slt, %jit3A_594, %sign3A_606 : i32
      %sign3A_608 = arith.extui %sign3A_607 : i1 to i32
      %sign3A_609 = arith.subi %sign3A_605, %sign3A_608 : i32
      %ne3A_610 = arith.cmpi ne, %sign3A_602, %sign3A_609 : i32
      %rem3A_611 = arith.remsi %reduce_max3A_593, %jit3A_594 : i32
      %ne3A_612 = arith.constant 0 : i32
      %ne3A_613 = arith.cmpi ne, %rem3A_611, %ne3A_612 : i32
      %and3A_614 = arith.andi %ne3A_610, %ne3A_613 : i1
      %sub3A_615 = arith.constant 1 : i32
      %sub3A_616 = arith.subi %div3A_595, %sub3A_615 : i32
      %select_n3A_617 = arith.select %and3A_614, %sub3A_616, %div3A_595 : i32
      %mul3A_618 = arith.constant 20000 : i32
      %mul3A_619 = arith.muli %select_n3A_617, %mul3A_618 : i32
      %sub3A_620 = arith.subi %reduce_max3A_593, %mul3A_619 : i32
      %eq3A_621 = arith.cmpi eq, %select_n3A_517, %select_n3A_617 : i32
      %convert_element_type3A_622 = arith.extui %eq3A_621 : i1 to i32
      %cond3A_623 = arith.constant 0 : i32
      %cond3A_624 = arith.cmpi ne, %convert_element_type3A_622, %cond3A_623 : i32
      scf.if %cond3A_624 {
        %jit3A_879 = arith.constant 16 : i32
        %div3A_880 = arith.divsi %sub3A_620, %jit3A_879 : i32
        %sign3A_881 = arith.constant 0 : i32
        %sign3A_882 = arith.cmpi sgt, %sub3A_620, %sign3A_881 : i32
        %sign3A_883 = arith.extui %sign3A_882 : i1 to i32
        %sign3A_884 = arith.constant 0 : i32
        %sign3A_885 = arith.cmpi slt, %sub3A_620, %sign3A_884 : i32
        %sign3A_886 = arith.extui %sign3A_885 : i1 to i32
        %sign3A_887 = arith.subi %sign3A_883, %sign3A_886 : i32
        %sign3A_888 = arith.constant 0 : i32
        %sign3A_889 = arith.cmpi sgt, %jit3A_879, %sign3A_888 : i32
        %sign3A_890 = arith.extui %sign3A_889 : i1 to i32
        %sign3A_891 = arith.constant 0 : i32
        %sign3A_892 = arith.cmpi slt, %jit3A_879, %sign3A_891 : i32
        %sign3A_893 = arith.extui %sign3A_892 : i1 to i32
        %sign3A_894 = arith.subi %sign3A_890, %sign3A_893 : i32
        %ne3A_895 = arith.cmpi ne, %sign3A_887, %sign3A_894 : i32
        %rem3A_896 = arith.remsi %sub3A_620, %jit3A_879 : i32
        %ne3A_897 = arith.constant 0 : i32
        %ne3A_898 = arith.cmpi ne, %rem3A_896, %ne3A_897 : i32
        %and3A_899 = arith.andi %ne3A_895, %ne3A_898 : i1
        %sub3A_900 = arith.constant 1 : i32
        %sub3A_901 = arith.subi %div3A_880, %sub3A_900 : i32
        %select_n3A_902 = arith.select %and3A_899, %sub3A_901, %div3A_880 : i32
        %mul3A_903 = arith.constant 16 : i32
        %mul3A_904 = arith.muli %select_n3A_902, %mul3A_903 : i32
        %multiple_of3A_905 = tpu.assume_multiple %mul3A_904, 16 : i32
        %sub3A_906 = arith.subi %sub3A_620, %multiple_of3A_905 : i32
        %get3A_907 = arith.index_cast %multiple_of3A_905 : i32 to index
        %get3A_908 = tpu.vector_load %arg7[%get3A_907] {strides = array<i32>} : memref<20000xf32, #tpu.memory_space<vmem>>, vector<16xf32>,
        %iota3A_909 = tpu.iota {dimensions = array<i32: 0>} : vector<16xi32>
        %eq3A_910 = vector.broadcast %sub3A_906 : i32 to vector<16xi32>
        %eq3A_911 = arith.cmpi eq, %iota3A_909, %eq3A_910 : vector<16xi32>
        %neg3A = arith.constant 0.000000e+00 : f32
        %neg3A_912 = vector.broadcast %neg3A : f32 to vector<16xf32>
        %neg3A_913 = arith.subf %neg3A_912, %get3A_908 : vector<16xf32>
        %select_n3A_914 = arith.select %eq3A_911, %neg3A_913, %get3A_908 : vector<16xi1>, vector<16xf32>
        %swap3A = arith.index_cast %multiple_of3A_905 : i32 to index
        %swap3A_915 = tpu.vector_load %arg7[%swap3A] {strides = array<i32>} : memref<20000xf32, #tpu.memory_space<vmem>>, vector<16xf32>,
        tpu.vector_store %arg7[%swap3A], %select_n3A_914 {strides = array<i32>} : memref<20000xf32, #tpu.memory_space<vmem>>, vector<16xf32>,
      } else {
      }
      %broadcast_in_dim3A_625 = arith.constant 0xFF800000 : f32
      %broadcast_in_dim3A_626 = vector.broadcast %broadcast_in_dim3A_625 : f32 to vector<16xf32>
      %parallel_loop3A_627 = arith.constant 0 : i32
      %parallel_loop3A_628 = arith.constant 125 : i32
      %parallel_loop3A_629 = arith.constant 1 : i32
      %parallel_loop3A_630 = scf.for %parallel_loop3A_879 = %parallel_loop3A_627 to %parallel_loop3A_628 step %parallel_loop3A_629 iter_args(%parallel_loop3A_880 = %broadcast_in_dim3A_626) -> (vector<16xf32>)  : i32 {
        %parallel_loop3A_881 = arith.constant 160 : i32
        %parallel_loop3A_882 = arith.muli %parallel_loop3A_879, %parallel_loop3A_881 : i32
        %parallel_loop3A_883 = arith.constant 0 : i32
        %parallel_loop3A_884 = arith.addi %parallel_loop3A_882, %parallel_loop3A_883 : i32
        %parallel_loop3A_885 = arith.index_cast %parallel_loop3A_884 : i32 to index
        %parallel_loop3A_886 = tpu.vector_load %arg7[%parallel_loop3A_885] {strides = array<i32>} : memref<20000xf32, #tpu.memory_space<vmem>>, vector<16xf32>,
        %parallel_loop3A_887 = arith.constant 160 : i32
        %parallel_loop3A_888 = arith.muli %parallel_loop3A_879, %parallel_loop3A_887 : i32
        %parallel_loop3A_889 = arith.constant 16 : i32
        %parallel_loop3A_890 = arith.addi %parallel_loop3A_888, %parallel_loop3A_889 : i32
        %parallel_loop3A_891 = arith.index_cast %parallel_loop3A_890 : i32 to index
        %parallel_loop3A_892 = tpu.vector_load %arg7[%parallel_loop3A_891] {strides = array<i32>} : memref<20000xf32, #tpu.memory_space<vmem>>, vector<16xf32>,
        %parallel_loop3A_893 = arith.constant 160 : i32
        %parallel_loop3A_894 = arith.muli %parallel_loop3A_879, %parallel_loop3A_893 : i32
        %parallel_loop3A_895 = arith.constant 32 : i32
        %parallel_loop3A_896 = arith.addi %parallel_loop3A_894, %parallel_loop3A_895 : i32
        %parallel_loop3A_897 = arith.index_cast %parallel_loop3A_896 : i32 to index
        %parallel_loop3A_898 = tpu.vector_load %arg7[%parallel_loop3A_897] {strides = array<i32>} : memref<20000xf32, #tpu.memory_space<vmem>>, vector<16xf32>,
        %parallel_loop3A_899 = arith.constant 160 : i32
        %parallel_loop3A_900 = arith.muli %parallel_loop3A_879, %parallel_loop3A_899 : i32
        %parallel_loop3A_901 = arith.constant 48 : i32
        %parallel_loop3A_902 = arith.addi %parallel_loop3A_900, %parallel_loop3A_901 : i32
        %parallel_loop3A_903 = arith.index_cast %parallel_loop3A_902 : i32 to index
        %parallel_loop3A_904 = tpu.vector_load %arg7[%parallel_loop3A_903] {strides = array<i32>} : memref<20000xf32, #tpu.memory_space<vmem>>, vector<16xf32>,
        %parallel_loop3A_905 = arith.constant 160 : i32
        %parallel_loop3A_906 = arith.muli %parallel_loop3A_879, %parallel_loop3A_905 : i32
        %parallel_loop3A_907 = arith.constant 64 : i32
        %parallel_loop3A_908 = arith.addi %parallel_loop3A_906, %parallel_loop3A_907 : i32
        %parallel_loop3A_909 = arith.index_cast %parallel_loop3A_908 : i32 to index
        %parallel_loop3A_910 = tpu.vector_load %arg7[%parallel_loop3A_909] {strides = array<i32>} : memref<20000xf32, #tpu.memory_space<vmem>>, vector<16xf32>,
        %parallel_loop3A_911 = arith.constant 160 : i32
        %parallel_loop3A_912 = arith.muli %parallel_loop3A_879, %parallel_loop3A_911 : i32
        %parallel_loop3A_913 = arith.constant 80 : i32
        %parallel_loop3A_914 = arith.addi %parallel_loop3A_912, %parallel_loop3A_913 : i32
        %parallel_loop3A_915 = arith.index_cast %parallel_loop3A_914 : i32 to index
        %parallel_loop3A_916 = tpu.vector_load %arg7[%parallel_loop3A_915] {strides = array<i32>} : memref<20000xf32, #tpu.memory_space<vmem>>, vector<16xf32>,
        %parallel_loop3A_917 = arith.constant 160 : i32
        %parallel_loop3A_918 = arith.muli %parallel_loop3A_879, %parallel_loop3A_917 : i32
        %parallel_loop3A_919 = arith.constant 96 : i32
        %parallel_loop3A_920 = arith.addi %parallel_loop3A_918, %parallel_loop3A_919 : i32
        %parallel_loop3A_921 = arith.index_cast %parallel_loop3A_920 : i32 to index
        %parallel_loop3A_922 = tpu.vector_load %arg7[%parallel_loop3A_921] {strides = array<i32>} : memref<20000xf32, #tpu.memory_space<vmem>>, vector<16xf32>,
        %parallel_loop3A_923 = arith.constant 160 : i32
        %parallel_loop3A_924 = arith.muli %parallel_loop3A_879, %parallel_loop3A_923 : i32
        %parallel_loop3A_925 = arith.constant 112 : i32
        %parallel_loop3A_926 = arith.addi %parallel_loop3A_924, %parallel_loop3A_925 : i32
        %parallel_loop3A_927 = arith.index_cast %parallel_loop3A_926 : i32 to index
        %parallel_loop3A_928 = tpu.vector_load %arg7[%parallel_loop3A_927] {strides = array<i32>} : memref<20000xf32, #tpu.memory_space<vmem>>, vector<16xf32>,
        %parallel_loop3A_929 = arith.constant 160 : i32
        %parallel_loop3A_930 = arith.muli %parallel_loop3A_879, %parallel_loop3A_929 : i32
        %parallel_loop3A_931 = arith.constant 128 : i32
        %parallel_loop3A_932 = arith.addi %parallel_loop3A_930, %parallel_loop3A_931 : i32
        %parallel_loop3A_933 = arith.index_cast %parallel_loop3A_932 : i32 to index
        %parallel_loop3A_934 = tpu.vector_load %arg7[%parallel_loop3A_933] {strides = array<i32>} : memref<20000xf32, #tpu.memory_space<vmem>>, vector<16xf32>,
        %parallel_loop3A_935 = arith.constant 160 : i32
        %parallel_loop3A_936 = arith.muli %parallel_loop3A_879, %parallel_loop3A_935 : i32
        %parallel_loop3A_937 = arith.constant 144 : i32
        %parallel_loop3A_938 = arith.addi %parallel_loop3A_936, %parallel_loop3A_937 : i32
        %parallel_loop3A_939 = arith.index_cast %parallel_loop3A_938 : i32 to index
        %parallel_loop3A_940 = tpu.vector_load %arg7[%parallel_loop3A_939] {strides = array<i32>} : memref<20000xf32, #tpu.memory_space<vmem>>, vector<16xf32>,
        %parallel_loop3A_941 = arith.maximumf %parallel_loop3A_886, %parallel_loop3A_892 : vector<16xf32>
        %parallel_loop3A_942 = arith.maximumf %parallel_loop3A_898, %parallel_loop3A_904 : vector<16xf32>
        %parallel_loop3A_943 = arith.maximumf %parallel_loop3A_910, %parallel_loop3A_916 : vector<16xf32>
        %parallel_loop3A_944 = arith.maximumf %parallel_loop3A_922, %parallel_loop3A_928 : vector<16xf32>
        %parallel_loop3A_945 = arith.maximumf %parallel_loop3A_934, %parallel_loop3A_940 : vector<16xf32>
        %parallel_loop3A_946 = arith.maximumf %parallel_loop3A_941, %parallel_loop3A_942 : vector<16xf32>
        %parallel_loop3A_947 = arith.maximumf %parallel_loop3A_943, %parallel_loop3A_944 : vector<16xf32>
        %parallel_loop3A_948 = arith.maximumf %parallel_loop3A_946, %parallel_loop3A_947 : vector<16xf32>
        %parallel_loop3A_949 = arith.maximumf %parallel_loop3A_948, %parallel_loop3A_945 : vector<16xf32>
        %parallel_loop3A_950 = arith.constant 16 : i32
        %parallel_loop3A_951 = arith.muli %parallel_loop3A_879, %parallel_loop3A_950 : i32
        %parallel_loop3A_952 = arith.index_cast %parallel_loop3A_951 : i32 to index
        %parallel_loop3A_953 = tpu.vector_load %arg9[%parallel_loop3A_952] {strides = array<i32>} : memref<2000xf32, #tpu.memory_space<vmem>>, vector<16xf32>,
        tpu.vector_store %arg9[%parallel_loop3A_952], %parallel_loop3A_949 {strides = array<i32>} : memref<2000xf32, #tpu.memory_space<vmem>>, vector<16xf32>,
        %parallel_loop3A_954 = arith.maximumf %parallel_loop3A_880, %parallel_loop3A_949 : vector<16xf32>
        scf.yield %parallel_loop3A_954 : vector<16xf32>
      } {sc.loop_unroll_factor = 5 : i64, sc.parallel_access}
      %masked_sort3A_631 = arith.constant dense<true> : vector<16xi1>
      %masked_sort3A_632, %masked_sort3A_633, %masked_sort3A_634 = tpu.sort %parallel_loop3A_630, %parallel_loop3A_630 masked %masked_sort3A_631 : (vector<16xf32>, vector<16xf32>, vector<16xi1>) -> (vector<16xi1>, vector<16xf32>, vector<16xf32>)
      %iota3A_635 = tpu.iota {dimensions = array<i32: 0>} : vector<16xi32>
      %eq3A_636 = arith.constant 6 : i32
      %eq3A_637 = vector.broadcast %eq3A_636 : i32 to vector<16xi32>
      %eq3A_638 = arith.cmpi eq, %iota3A_635, %eq3A_637 : vector<16xi32>
      %jit3A_639 = arith.constant 0xFF800000 : f32
      %broadcast_in_dim3A_640 = vector.broadcast %jit3A_639 : f32 to vector<16xf32>
      %select_n3A_641 = arith.select %eq3A_638, %masked_sort3A_633, %broadcast_in_dim3A_640 : vector<16xi1>, vector<16xf32>
      %reduce_max3A_642 = arith.constant true
      %reduce_max3A_643 = vector.broadcast %reduce_max3A_642 : i1 to vector<16xi1>
      %reduce_max3A_644 = tpu.scan <max>, %select_n3A_641 masked %reduce_max3A_643 : vector<16xf32>, vector<16xi1> -> vector<16xf32>
      %reduce_max3A_645 = vector.extract %reduce_max3A_644[15] : f32 from vector<16xf32>
      %broadcast_in_dim3A_646 = vector.broadcast %reduce_max3A_645 : f32 to vector<16xf32>
      %max3A_647 = arith.maximumf %select_n3A_549, %broadcast_in_dim3A_646 : vector<16xf32>
      %scan3A_648 = arith.constant 0 : i32
      %scan3A_649 = arith.constant 5 : i32
      %scan3A_650 = arith.addi %scan3A_648, %scan3A_649 : i32
      %scan3A_651 = arith.constant 1 : i32
      %scan3A_652:2 = scf.for %scan3A_879 = %scan3A_648 to %scan3A_650 step %scan3A_651 iter_args(%scan3A_880 = %select_n3A_546, %scan3A_881 = %max3A_647) -> (vector<16xf32>, vector<16xf32>)  : i32 {
        %mul3A_882 = arith.constant 25 : i32
        %mul3A_883 = arith.muli %scan3A_879, %mul3A_882 : i32
        %add3A_884 = arith.constant 0 : i32
        %add3A_885 = arith.addi %mul3A_883, %add3A_884 : i32
        %mul3A_886 = arith.constant 16 : i32
        %mul3A_887 = arith.muli %add3A_885, %mul3A_886 : i32
        %get3A_888 = arith.index_cast %mul3A_887 : i32 to index
        %get3A_889 = tpu.vector_load %arg9[%get3A_888] {strides = array<i32>} : memref<2000xf32, #tpu.memory_space<vmem>>, vector<16xf32>,
        %mul3A_890 = arith.constant 25 : i32
        %mul3A_891 = arith.muli %scan3A_879, %mul3A_890 : i32
        %add3A_892 = arith.constant 1 : i32
        %add3A_893 = arith.addi %mul3A_891, %add3A_892 : i32
        %mul3A_894 = arith.constant 16 : i32
        %mul3A_895 = arith.muli %add3A_893, %mul3A_894 : i32
        %get3A_896 = arith.index_cast %mul3A_895 : i32 to index
        %get3A_897 = tpu.vector_load %arg9[%get3A_896] {strides = array<i32>} : memref<2000xf32, #tpu.memory_space<vmem>>, vector<16xf32>,
        %mul3A_898 = arith.constant 25 : i32
        %mul3A_899 = arith.muli %scan3A_879, %mul3A_898 : i32
        %add3A_900 = arith.constant 2 : i32
        %add3A_901 = arith.addi %mul3A_899, %add3A_900 : i32
        %mul3A_902 = arith.constant 16 : i32
        %mul3A_903 = arith.muli %add3A_901, %mul3A_902 : i32
        %get3A_904 = arith.index_cast %mul3A_903 : i32 to index
        %get3A_905 = tpu.vector_load %arg9[%get3A_904] {strides = array<i32>} : memref<2000xf32, #tpu.memory_space<vmem>>, vector<16xf32>,
        %mul3A_906 = arith.constant 25 : i32
        %mul3A_907 = arith.muli %scan3A_879, %mul3A_906 : i32
        %add3A_908 = arith.constant 3 : i32
        %add3A_909 = arith.addi %mul3A_907, %add3A_908 : i32
        %mul3A_910 = arith.constant 16 : i32
        %mul3A_911 = arith.muli %add3A_909, %mul3A_910 : i32
        %get3A_912 = arith.index_cast %mul3A_911 : i32 to index
        %get3A_913 = tpu.vector_load %arg9[%get3A_912] {strides = array<i32>} : memref<2000xf32, #tpu.memory_space<vmem>>, vector<16xf32>,
        %mul3A_914 = arith.constant 25 : i32
        %mul3A_915 = arith.muli %scan3A_879, %mul3A_914 : i32
        %add3A_916 = arith.constant 4 : i32
        %add3A_917 = arith.addi %mul3A_915, %add3A_916 : i32
        %mul3A_918 = arith.constant 16 : i32
        %mul3A_919 = arith.muli %add3A_917, %mul3A_918 : i32
        %get3A_920 = arith.index_cast %mul3A_919 : i32 to index
        %get3A_921 = tpu.vector_load %arg9[%get3A_920] {strides = array<i32>} : memref<2000xf32, #tpu.memory_space<vmem>>, vector<16xf32>,
        %mul3A_922 = arith.constant 25 : i32
        %mul3A_923 = arith.muli %scan3A_879, %mul3A_922 : i32
        %add3A_924 = arith.constant 5 : i32
        %add3A_925 = arith.addi %mul3A_923, %add3A_924 : i32
        %mul3A_926 = arith.constant 16 : i32
        %mul3A_927 = arith.muli %add3A_925, %mul3A_926 : i32
        %get3A_928 = arith.index_cast %mul3A_927 : i32 to index
        %get3A_929 = tpu.vector_load %arg9[%get3A_928] {strides = array<i32>} : memref<2000xf32, #tpu.memory_space<vmem>>, vector<16xf32>,
        %mul3A_930 = arith.constant 25 : i32
        %mul3A_931 = arith.muli %scan3A_879, %mul3A_930 : i32
        %add3A_932 = arith.constant 6 : i32
        %add3A_933 = arith.addi %mul3A_931, %add3A_932 : i32
        %mul3A_934 = arith.constant 16 : i32
        %mul3A_935 = arith.muli %add3A_933, %mul3A_934 : i32
        %get3A_936 = arith.index_cast %mul3A_935 : i32 to index
        %get3A_937 = tpu.vector_load %arg9[%get3A_936] {strides = array<i32>} : memref<2000xf32, #tpu.memory_space<vmem>>, vector<16xf32>,
        %mul3A_938 = arith.constant 25 : i32
        %mul3A_939 = arith.muli %scan3A_879, %mul3A_938 : i32
        %add3A_940 = arith.constant 7 : i32
        %add3A_941 = arith.addi %mul3A_939, %add3A_940 : i32
        %mul3A_942 = arith.constant 16 : i32
        %mul3A_943 = arith.muli %add3A_941, %mul3A_942 : i32
        %get3A_944 = arith.index_cast %mul3A_943 : i32 to index
        %get3A_945 = tpu.vector_load %arg9[%get3A_944] {strides = array<i32>} : memref<2000xf32, #tpu.memory_space<vmem>>, vector<16xf32>,
        %mul3A_946 = arith.constant 25 : i32
        %mul3A_947 = arith.muli %scan3A_879, %mul3A_946 : i32
        %add3A_948 = arith.constant 8 : i32
        %add3A_949 = arith.addi %mul3A_947, %add3A_948 : i32
        %mul3A_950 = arith.constant 16 : i32
        %mul3A_951 = arith.muli %add3A_949, %mul3A_950 : i32
        %get3A_952 = arith.index_cast %mul3A_951 : i32 to index
        %get3A_953 = tpu.vector_load %arg9[%get3A_952] {strides = array<i32>} : memref<2000xf32, #tpu.memory_space<vmem>>, vector<16xf32>,
        %mul3A_954 = arith.constant 25 : i32
        %mul3A_955 = arith.muli %scan3A_879, %mul3A_954 : i32
        %add3A_956 = arith.constant 9 : i32
        %add3A_957 = arith.addi %mul3A_955, %add3A_956 : i32
        %mul3A_958 = arith.constant 16 : i32
        %mul3A_959 = arith.muli %add3A_957, %mul3A_958 : i32
        %get3A_960 = arith.index_cast %mul3A_959 : i32 to index
        %get3A_961 = tpu.vector_load %arg9[%get3A_960] {strides = array<i32>} : memref<2000xf32, #tpu.memory_space<vmem>>, vector<16xf32>,
        %mul3A_962 = arith.constant 25 : i32
        %mul3A_963 = arith.muli %scan3A_879, %mul3A_962 : i32
        %add3A_964 = arith.constant 10 : i32
        %add3A_965 = arith.addi %mul3A_963, %add3A_964 : i32
        %mul3A_966 = arith.constant 16 : i32
        %mul3A_967 = arith.muli %add3A_965, %mul3A_966 : i32
        %get3A_968 = arith.index_cast %mul3A_967 : i32 to index
        %get3A_969 = tpu.vector_load %arg9[%get3A_968] {strides = array<i32>} : memref<2000xf32, #tpu.memory_space<vmem>>, vector<16xf32>,
        %mul3A_970 = arith.constant 25 : i32
        %mul3A_971 = arith.muli %scan3A_879, %mul3A_970 : i32
        %add3A_972 = arith.constant 11 : i32
        %add3A_973 = arith.addi %mul3A_971, %add3A_972 : i32
        %mul3A_974 = arith.constant 16 : i32
        %mul3A_975 = arith.muli %add3A_973, %mul3A_974 : i32
        %get3A_976 = arith.index_cast %mul3A_975 : i32 to index
        %get3A_977 = tpu.vector_load %arg9[%get3A_976] {strides = array<i32>} : memref<2000xf32, #tpu.memory_space<vmem>>, vector<16xf32>,
        %mul3A_978 = arith.constant 25 : i32
        %mul3A_979 = arith.muli %scan3A_879, %mul3A_978 : i32
        %add3A_980 = arith.constant 12 : i32
        %add3A_981 = arith.addi %mul3A_979, %add3A_980 : i32
        %mul3A_982 = arith.constant 16 : i32
        %mul3A_983 = arith.muli %add3A_981, %mul3A_982 : i32
        %get3A_984 = arith.index_cast %mul3A_983 : i32 to index
        %get3A_985 = tpu.vector_load %arg9[%get3A_984] {strides = array<i32>} : memref<2000xf32, #tpu.memory_space<vmem>>, vector<16xf32>,
        %mul3A_986 = arith.constant 25 : i32
        %mul3A_987 = arith.muli %scan3A_879, %mul3A_986 : i32
        %add3A_988 = arith.constant 13 : i32
        %add3A_989 = arith.addi %mul3A_987, %add3A_988 : i32
        %mul3A_990 = arith.constant 16 : i32
        %mul3A_991 = arith.muli %add3A_989, %mul3A_990 : i32
        %get3A_992 = arith.index_cast %mul3A_991 : i32 to index
        %get3A_993 = tpu.vector_load %arg9[%get3A_992] {strides = array<i32>} : memref<2000xf32, #tpu.memory_space<vmem>>, vector<16xf32>,
        %mul3A_994 = arith.constant 25 : i32
        %mul3A_995 = arith.muli %scan3A_879, %mul3A_994 : i32
        %add3A_996 = arith.constant 14 : i32
        %add3A_997 = arith.addi %mul3A_995, %add3A_996 : i32
        %mul3A_998 = arith.constant 16 : i32
        %mul3A_999 = arith.muli %add3A_997, %mul3A_998 : i32
        %get3A_1000 = arith.index_cast %mul3A_999 : i32 to index
        %get3A_1001 = tpu.vector_load %arg9[%get3A_1000] {strides = array<i32>} : memref<2000xf32, #tpu.memory_space<vmem>>, vector<16xf32>,
        %mul3A_1002 = arith.constant 25 : i32
        %mul3A_1003 = arith.muli %scan3A_879, %mul3A_1002 : i32
        %add3A_1004 = arith.constant 15 : i32
        %add3A_1005 = arith.addi %mul3A_1003, %add3A_1004 : i32
        %mul3A_1006 = arith.constant 16 : i32
        %mul3A_1007 = arith.muli %add3A_1005, %mul3A_1006 : i32
        %get3A_1008 = arith.index_cast %mul3A_1007 : i32 to index
        %get3A_1009 = tpu.vector_load %arg9[%get3A_1008] {strides = array<i32>} : memref<2000xf32, #tpu.memory_space<vmem>>, vector<16xf32>,
        %mul3A_1010 = arith.constant 25 : i32
        %mul3A_1011 = arith.muli %scan3A_879, %mul3A_1010 : i32
        %add3A_1012 = arith.constant 16 : i32
        %add3A_1013 = arith.addi %mul3A_1011, %add3A_1012 : i32
        %mul3A_1014 = arith.constant 16 : i32
        %mul3A_1015 = arith.muli %add3A_1013, %mul3A_1014 : i32
        %get3A_1016 = arith.index_cast %mul3A_1015 : i32 to index
        %get3A_1017 = tpu.vector_load %arg9[%get3A_1016] {strides = array<i32>} : memref<2000xf32, #tpu.memory_space<vmem>>, vector<16xf32>,
        %mul3A_1018 = arith.constant 25 : i32
        %mul3A_1019 = arith.muli %scan3A_879, %mul3A_1018 : i32
        %add3A_1020 = arith.constant 17 : i32
        %add3A_1021 = arith.addi %mul3A_1019, %add3A_1020 : i32
        %mul3A_1022 = arith.constant 16 : i32
        %mul3A_1023 = arith.muli %add3A_1021, %mul3A_1022 : i32
        %get3A_1024 = arith.index_cast %mul3A_1023 : i32 to index
        %get3A_1025 = tpu.vector_load %arg9[%get3A_1024] {strides = array<i32>} : memref<2000xf32, #tpu.memory_space<vmem>>, vector<16xf32>,
        %mul3A_1026 = arith.constant 25 : i32
        %mul3A_1027 = arith.muli %scan3A_879, %mul3A_1026 : i32
        %add3A_1028 = arith.constant 18 : i32
        %add3A_1029 = arith.addi %mul3A_1027, %add3A_1028 : i32
        %mul3A_1030 = arith.constant 16 : i32
        %mul3A_1031 = arith.muli %add3A_1029, %mul3A_1030 : i32
        %get3A_1032 = arith.index_cast %mul3A_1031 : i32 to index
        %get3A_1033 = tpu.vector_load %arg9[%get3A_1032] {strides = array<i32>} : memref<2000xf32, #tpu.memory_space<vmem>>, vector<16xf32>,
        %mul3A_1034 = arith.constant 25 : i32
        %mul3A_1035 = arith.muli %scan3A_879, %mul3A_1034 : i32
        %add3A_1036 = arith.constant 19 : i32
        %add3A_1037 = arith.addi %mul3A_1035, %add3A_1036 : i32
        %mul3A_1038 = arith.constant 16 : i32
        %mul3A_1039 = arith.muli %add3A_1037, %mul3A_1038 : i32
        %get3A_1040 = arith.index_cast %mul3A_1039 : i32 to index
        %get3A_1041 = tpu.vector_load %arg9[%get3A_1040] {strides = array<i32>} : memref<2000xf32, #tpu.memory_space<vmem>>, vector<16xf32>,
        %mul3A_1042 = arith.constant 25 : i32
        %mul3A_1043 = arith.muli %scan3A_879, %mul3A_1042 : i32
        %add3A_1044 = arith.constant 20 : i32
        %add3A_1045 = arith.addi %mul3A_1043, %add3A_1044 : i32
        %mul3A_1046 = arith.constant 16 : i32
        %mul3A_1047 = arith.muli %add3A_1045, %mul3A_1046 : i32
        %get3A_1048 = arith.index_cast %mul3A_1047 : i32 to index
        %get3A_1049 = tpu.vector_load %arg9[%get3A_1048] {strides = array<i32>} : memref<2000xf32, #tpu.memory_space<vmem>>, vector<16xf32>,
        %mul3A_1050 = arith.constant 25 : i32
        %mul3A_1051 = arith.muli %scan3A_879, %mul3A_1050 : i32
        %add3A_1052 = arith.constant 21 : i32
        %add3A_1053 = arith.addi %mul3A_1051, %add3A_1052 : i32
        %mul3A_1054 = arith.constant 16 : i32
        %mul3A_1055 = arith.muli %add3A_1053, %mul3A_1054 : i32
        %get3A_1056 = arith.index_cast %mul3A_1055 : i32 to index
        %get3A_1057 = tpu.vector_load %arg9[%get3A_1056] {strides = array<i32>} : memref<2000xf32, #tpu.memory_space<vmem>>, vector<16xf32>,
        %mul3A_1058 = arith.constant 25 : i32
        %mul3A_1059 = arith.muli %scan3A_879, %mul3A_1058 : i32
        %add3A_1060 = arith.constant 22 : i32
        %add3A_1061 = arith.addi %mul3A_1059, %add3A_1060 : i32
        %mul3A_1062 = arith.constant 16 : i32
        %mul3A_1063 = arith.muli %add3A_1061, %mul3A_1062 : i32
        %get3A_1064 = arith.index_cast %mul3A_1063 : i32 to index
        %get3A_1065 = tpu.vector_load %arg9[%get3A_1064] {strides = array<i32>} : memref<2000xf32, #tpu.memory_space<vmem>>, vector<16xf32>,
        %mul3A_1066 = arith.constant 25 : i32
        %mul3A_1067 = arith.muli %scan3A_879, %mul3A_1066 : i32
        %add3A_1068 = arith.constant 23 : i32
        %add3A_1069 = arith.addi %mul3A_1067, %add3A_1068 : i32
        %mul3A_1070 = arith.constant 16 : i32
        %mul3A_1071 = arith.muli %add3A_1069, %mul3A_1070 : i32
        %get3A_1072 = arith.index_cast %mul3A_1071 : i32 to index
        %get3A_1073 = tpu.vector_load %arg9[%get3A_1072] {strides = array<i32>} : memref<2000xf32, #tpu.memory_space<vmem>>, vector<16xf32>,
        %mul3A_1074 = arith.constant 25 : i32
        %mul3A_1075 = arith.muli %scan3A_879, %mul3A_1074 : i32
        %add3A_1076 = arith.constant 24 : i32
        %add3A_1077 = arith.addi %mul3A_1075, %add3A_1076 : i32
        %mul3A_1078 = arith.constant 16 : i32
        %mul3A_1079 = arith.muli %add3A_1077, %mul3A_1078 : i32
        %get3A_1080 = arith.index_cast %mul3A_1079 : i32 to index
        %get3A_1081 = tpu.vector_load %arg9[%get3A_1080] {strides = array<i32>} : memref<2000xf32, #tpu.memory_space<vmem>>, vector<16xf32>,
        %max3A_1082 = arith.maximumf %get3A_889, %get3A_897 : vector<16xf32>
        %max3A_1083 = arith.maximumf %get3A_905, %get3A_913 : vector<16xf32>
        %max3A_1084 = arith.maximumf %get3A_921, %get3A_929 : vector<16xf32>
        %max3A_1085 = arith.maximumf %get3A_937, %get3A_945 : vector<16xf32>
        %max3A_1086 = arith.maximumf %get3A_953, %get3A_961 : vector<16xf32>
        %max3A_1087 = arith.maximumf %get3A_969, %get3A_977 : vector<16xf32>
        %max3A_1088 = arith.maximumf %get3A_985, %get3A_993 : vector<16xf32>
        %max3A_1089 = arith.maximumf %get3A_1001, %get3A_1009 : vector<16xf32>
        %max3A_1090 = arith.maximumf %get3A_1017, %get3A_1025 : vector<16xf32>
        %max3A_1091 = arith.maximumf %get3A_1033, %get3A_1041 : vector<16xf32>
        %max3A_1092 = arith.maximumf %get3A_1049, %get3A_1057 : vector<16xf32>
        %max3A_1093 = arith.maximumf %get3A_1065, %get3A_1073 : vector<16xf32>
        %max3A_1094 = arith.maximumf %max3A_1082, %max3A_1083 : vector<16xf32>
        %max3A_1095 = arith.maximumf %max3A_1084, %max3A_1085 : vector<16xf32>
        %max3A_1096 = arith.maximumf %max3A_1086, %max3A_1087 : vector<16xf32>
        %max3A_1097 = arith.maximumf %max3A_1088, %max3A_1089 : vector<16xf32>
        %max3A_1098 = arith.maximumf %max3A_1090, %max3A_1091 : vector<16xf32>
        %max3A_1099 = arith.maximumf %max3A_1092, %max3A_1093 : vector<16xf32>
        %max3A_1100 = arith.maximumf %max3A_1094, %max3A_1095 : vector<16xf32>
        %max3A_1101 = arith.maximumf %max3A_1096, %max3A_1097 : vector<16xf32>
        %max3A_1102 = arith.maximumf %max3A_1098, %max3A_1099 : vector<16xf32>
        %max3A_1103 = arith.maximumf %max3A_1100, %max3A_1101 : vector<16xf32>
        %max3A_1104 = arith.maximumf %max3A_1102, %get3A_1081 : vector<16xf32>
        %max3A_1105 = arith.maximumf %max3A_1103, %max3A_1104 : vector<16xf32>
        %ge3A = arith.cmpf oge, %max3A_1105, %scan3A_881 : vector<16xf32>
        %all_reduce_population_count3A = tpu.all_reduce %ge3A {dim = 0 : i64, kind = #tpu.reduction_kind<sum>} : vector<16xi1> -> vector<16xi32>
        %slice3A = vector.extract_strided_slice %all_reduce_population_count3A {offsets = [0], sizes = [1], strides = [1]} : vector<16xi32> to vector<1xi32>
        %squeeze3A = vector.extract %slice3A[0] : i32 from vector<1xi32>
        %gt3A = arith.constant 0 : i32
        %gt3A_1106 = arith.cmpi sgt, %squeeze3A, %gt3A : i32
        %convert_element_type3A_1107 = arith.extui %gt3A_1106 : i1 to i32
        %cond3A_1108 = arith.constant 0 : i32
        %cond3A_1109 = arith.cmpi ne, %convert_element_type3A_1107, %cond3A_1108 : i32
        %cond3A_1110:2 = scf.if %cond3A_1109 -> (vector<16xf32>, vector<16xf32>) {
          %scan3A_1111 = arith.constant 0 : i32
          %scan3A_1112 = arith.constant 25 : i32
          %scan3A_1113 = arith.addi %scan3A_1111, %scan3A_1112 : i32
          %scan3A_1114 = arith.constant 1 : i32
          %scan3A_1115:2 = scf.for %scan3A_1117 = %scan3A_1111 to %scan3A_1113 step %scan3A_1114 iter_args(%scan3A_1118 = %scan3A_880, %scan3A_1119 = %scan3A_881) -> (vector<16xf32>, vector<16xf32>)  : i32 {
            %mul3A_1120 = arith.constant 25 : i32
            %mul3A_1121 = arith.muli %scan3A_879, %mul3A_1120 : i32
            %add3A_1122 = arith.addi %mul3A_1121, %scan3A_1117 : i32
            %mul3A_1123 = arith.constant 10 : i32
            %mul3A_1124 = arith.muli %add3A_1122, %mul3A_1123 : i32
            %mul3A_1125 = arith.constant 16 : i32
            %mul3A_1126 = arith.muli %mul3A_1124, %mul3A_1125 : i32
            %mul3A_1127 = arith.constant 25 : i32
            %mul3A_1128 = arith.muli %scan3A_879, %mul3A_1127 : i32
            %add3A_1129 = arith.addi %mul3A_1128, %scan3A_1117 : i32
            %mul3A_1130 = arith.constant 16 : i32
            %mul3A_1131 = arith.muli %add3A_1129, %mul3A_1130 : i32
            %get3A_1132 = arith.index_cast %mul3A_1131 : i32 to index
            %get3A_1133 = tpu.vector_load %arg9[%get3A_1132] {strides = array<i32>} : memref<2000xf32, #tpu.memory_space<vmem>>, vector<16xf32>,
            %ge3A_1134 = arith.cmpf oge, %get3A_1133, %scan3A_1119 : vector<16xf32>
            %all_reduce_population_count3A_1135 = tpu.all_reduce %ge3A_1134 {dim = 0 : i64, kind = #tpu.reduction_kind<sum>} : vector<16xi1> -> vector<16xi32>
            %slice3A_1136 = vector.extract_strided_slice %all_reduce_population_count3A_1135 {offsets = [0], sizes = [1], strides = [1]} : vector<16xi32> to vector<1xi32>
            %squeeze3A_1137 = vector.extract %slice3A_1136[0] : i32 from vector<1xi32>
            %gt3A_1138 = arith.constant 0 : i32
            %gt3A_1139 = arith.cmpi sgt, %squeeze3A_1137, %gt3A_1138 : i32
            %convert_element_type3A_1140 = arith.extui %gt3A_1139 : i1 to i32
            %cond3A_1141 = arith.constant 0 : i32
            %cond3A_1142 = arith.cmpi ne, %convert_element_type3A_1140, %cond3A_1141 : i32
            %cond3A_1143:2 = scf.if %cond3A_1142 -> (vector<16xf32>, vector<16xf32>) {
              %mul3A_1144 = arith.constant 25 : i32
              %mul3A_1145 = arith.muli %scan3A_879, %mul3A_1144 : i32
              %add3A_1146 = arith.addi %mul3A_1145, %scan3A_1117 : i32
              %mul3A_1147 = arith.constant 16 : i32
              %mul3A_1148 = arith.muli %add3A_1146, %mul3A_1147 : i32
              %get3A_1149 = arith.index_cast %mul3A_1148 : i32 to index
              %get3A_1150 = tpu.vector_load %arg9[%get3A_1149] {strides = array<i32>} : memref<2000xf32, #tpu.memory_space<vmem>>, vector<16xf32>,
              %ge3A_1151 = arith.cmpf oge, %get3A_1150, %scan3A_1119 : vector<16xf32>
              %all_reduce_population_count3A_1152 = tpu.all_reduce %ge3A_1151 {dim = 0 : i64, kind = #tpu.reduction_kind<sum>} : vector<16xi1> -> vector<16xi32>
              %slice3A_1153 = vector.extract_strided_slice %all_reduce_population_count3A_1152 {offsets = [0], sizes = [1], strides = [1]} : vector<16xi32> to vector<1xi32>
              %squeeze3A_1154 = vector.extract %slice3A_1153[0] : i32 from vector<1xi32>
              %gt3A_1155 = arith.constant 0 : i32
              %gt3A_1156 = arith.cmpi sgt, %squeeze3A_1154, %gt3A_1155 : i32
              %convert_element_type3A_1157 = arith.extui %gt3A_1156 : i1 to i32
              %cond3A_1158 = arith.constant 0 : i32
              %cond3A_1159 = arith.cmpi ne, %convert_element_type3A_1157, %cond3A_1158 : i32
              %cond3A_1160:2 = scf.if %cond3A_1159 -> (vector<16xf32>, vector<16xf32>) {
                %masked_sort3A_1314 = arith.constant dense<true> : vector<16xi1>
                %masked_sort3A_1315, %masked_sort3A_1316, %masked_sort3A_1317 = tpu.sort %get3A_1150, %get3A_1150 masked %masked_sort3A_1314 {descending = true} : (vector<16xf32>, vector<16xf32>, vector<16xi1>) -> (vector<16xi1>, vector<16xf32>, vector<16xf32>)
                %max3A_1318 = arith.maximumf %scan3A_1118, %masked_sort3A_1316 : vector<16xf32>
                %masked_sort3A_1319 = arith.constant dense<true> : vector<16xi1>
                %masked_sort3A_1320, %masked_sort3A_1321, %masked_sort3A_1322 = tpu.sort %max3A_1318, %max3A_1318 masked %masked_sort3A_1319 : (vector<16xf32>, vector<16xf32>, vector<16xi1>) -> (vector<16xi1>, vector<16xf32>, vector<16xf32>)
                %iota3A_1323 = tpu.iota {dimensions = array<i32: 0>} : vector<16xi32>
                %eq3A_1324 = arith.constant 6 : i32
                %eq3A_1325 = vector.broadcast %eq3A_1324 : i32 to vector<16xi32>
                %eq3A_1326 = arith.cmpi eq, %iota3A_1323, %eq3A_1325 : vector<16xi32>
                %jit3A_1327 = arith.constant 0xFF800000 : f32
                %broadcast_in_dim3A_1328 = vector.broadcast %jit3A_1327 : f32 to vector<16xf32>
                %select_n3A_1329 = arith.select %eq3A_1326, %masked_sort3A_1321, %broadcast_in_dim3A_1328 : vector<16xi1>, vector<16xf32>
                %reduce_max3A_1330 = arith.constant true
                %reduce_max3A_1331 = vector.broadcast %reduce_max3A_1330 : i1 to vector<16xi1>
                %reduce_max3A_1332 = tpu.scan <max>, %select_n3A_1329 masked %reduce_max3A_1331 : vector<16xf32>, vector<16xi1> -> vector<16xf32>
                %reduce_max3A_1333 = vector.extract %reduce_max3A_1332[15] : f32 from vector<16xf32>
                %broadcast_in_dim3A_1334 = vector.broadcast %reduce_max3A_1333 : f32 to vector<16xf32>
                %max3A_1335 = arith.maximumf %scan3A_1119, %broadcast_in_dim3A_1334 : vector<16xf32>
                scf.yield %masked_sort3A_1321, %max3A_1335 : vector<16xf32>, vector<16xf32>
              } else {
                scf.yield %scan3A_1118, %scan3A_1119 : vector<16xf32>, vector<16xf32>
              }
              %mul3A_1161 = arith.constant 25 : i32
              %mul3A_1162 = arith.muli %scan3A_879, %mul3A_1161 : i32
              %add3A_1163 = arith.addi %mul3A_1162, %scan3A_1117 : i32
              %mul3A_1164 = arith.constant 16 : i32
              %mul3A_1165 = arith.muli %add3A_1163, %mul3A_1164 : i32
              %get3A_1166 = arith.index_cast %mul3A_1165 : i32 to index
              %get3A_1167 = tpu.vector_load %arg9[%get3A_1166] {strides = array<i32>} : memref<2000xf32, #tpu.memory_space<vmem>>, vector<16xf32>,
              %ge3A_1168 = arith.cmpf oge, %get3A_1167, %cond3A_1160#1 : vector<16xf32>
              %all_reduce_population_count3A_1169 = tpu.all_reduce %ge3A_1168 {dim = 0 : i64, kind = #tpu.reduction_kind<sum>} : vector<16xi1> -> vector<16xi32>
              %slice3A_1170 = vector.extract_strided_slice %all_reduce_population_count3A_1169 {offsets = [0], sizes = [1], strides = [1]} : vector<16xi32> to vector<1xi32>
              %squeeze3A_1171 = vector.extract %slice3A_1170[0] : i32 from vector<1xi32>
              %gt3A_1172 = arith.constant 0 : i32
              %gt3A_1173 = arith.cmpi sgt, %squeeze3A_1171, %gt3A_1172 : i32
              %convert_element_type3A_1174 = arith.extui %gt3A_1173 : i1 to i32
              %cond3A_1175 = arith.constant 0 : i32
              %cond3A_1176 = arith.cmpi ne, %convert_element_type3A_1174, %cond3A_1175 : i32
              %cond3A_1177:2 = scf.if %cond3A_1176 -> (vector<16xf32>, vector<16xf32>) {
                %masked_sort3A_1314 = arith.constant dense<true> : vector<16xi1>
                %masked_sort3A_1315, %masked_sort3A_1316, %masked_sort3A_1317 = tpu.sort %get3A_1167, %get3A_1167 masked %masked_sort3A_1314 {descending = true} : (vector<16xf32>, vector<16xf32>, vector<16xi1>) -> (vector<16xi1>, vector<16xf32>, vector<16xf32>)
                %max3A_1318 = arith.maximumf %cond3A_1160#0, %masked_sort3A_1316 : vector<16xf32>
                %masked_sort3A_1319 = arith.constant dense<true> : vector<16xi1>
                %masked_sort3A_1320, %masked_sort3A_1321, %masked_sort3A_1322 = tpu.sort %max3A_1318, %max3A_1318 masked %masked_sort3A_1319 : (vector<16xf32>, vector<16xf32>, vector<16xi1>) -> (vector<16xi1>, vector<16xf32>, vector<16xf32>)
                %iota3A_1323 = tpu.iota {dimensions = array<i32: 0>} : vector<16xi32>
                %eq3A_1324 = arith.constant 6 : i32
                %eq3A_1325 = vector.broadcast %eq3A_1324 : i32 to vector<16xi32>
                %eq3A_1326 = arith.cmpi eq, %iota3A_1323, %eq3A_1325 : vector<16xi32>
                %jit3A_1327 = arith.constant 0xFF800000 : f32
                %broadcast_in_dim3A_1328 = vector.broadcast %jit3A_1327 : f32 to vector<16xf32>
                %select_n3A_1329 = arith.select %eq3A_1326, %masked_sort3A_1321, %broadcast_in_dim3A_1328 : vector<16xi1>, vector<16xf32>
                %reduce_max3A_1330 = arith.constant true
                %reduce_max3A_1331 = vector.broadcast %reduce_max3A_1330 : i1 to vector<16xi1>
                %reduce_max3A_1332 = tpu.scan <max>, %select_n3A_1329 masked %reduce_max3A_1331 : vector<16xf32>, vector<16xi1> -> vector<16xf32>
                %reduce_max3A_1333 = vector.extract %reduce_max3A_1332[15] : f32 from vector<16xf32>
                %broadcast_in_dim3A_1334 = vector.broadcast %reduce_max3A_1333 : f32 to vector<16xf32>
                %max3A_1335 = arith.maximumf %cond3A_1160#1, %broadcast_in_dim3A_1334 : vector<16xf32>
                scf.yield %masked_sort3A_1321, %max3A_1335 : vector<16xf32>, vector<16xf32>
              } else {
                scf.yield %cond3A_1160#0, %cond3A_1160#1 : vector<16xf32>, vector<16xf32>
              }
              %mul3A_1178 = arith.constant 25 : i32
              %mul3A_1179 = arith.muli %scan3A_879, %mul3A_1178 : i32
              %add3A_1180 = arith.addi %mul3A_1179, %scan3A_1117 : i32
              %mul3A_1181 = arith.constant 16 : i32
              %mul3A_1182 = arith.muli %add3A_1180, %mul3A_1181 : i32
              %get3A_1183 = arith.index_cast %mul3A_1182 : i32 to index
              %get3A_1184 = tpu.vector_load %arg9[%get3A_1183] {strides = array<i32>} : memref<2000xf32, #tpu.memory_space<vmem>>, vector<16xf32>,
              %ge3A_1185 = arith.cmpf oge, %get3A_1184, %cond3A_1177#1 : vector<16xf32>
              %all_reduce_population_count3A_1186 = tpu.all_reduce %ge3A_1185 {dim = 0 : i64, kind = #tpu.reduction_kind<sum>} : vector<16xi1> -> vector<16xi32>
              %slice3A_1187 = vector.extract_strided_slice %all_reduce_population_count3A_1186 {offsets = [0], sizes = [1], strides = [1]} : vector<16xi32> to vector<1xi32>
              %squeeze3A_1188 = vector.extract %slice3A_1187[0] : i32 from vector<1xi32>
              %gt3A_1189 = arith.constant 0 : i32
              %gt3A_1190 = arith.cmpi sgt, %squeeze3A_1188, %gt3A_1189 : i32
              %convert_element_type3A_1191 = arith.extui %gt3A_1190 : i1 to i32
              %cond3A_1192 = arith.constant 0 : i32
              %cond3A_1193 = arith.cmpi ne, %convert_element_type3A_1191, %cond3A_1192 : i32
              %cond3A_1194:2 = scf.if %cond3A_1193 -> (vector<16xf32>, vector<16xf32>) {
                %masked_sort3A_1314 = arith.constant dense<true> : vector<16xi1>
                %masked_sort3A_1315, %masked_sort3A_1316, %masked_sort3A_1317 = tpu.sort %get3A_1184, %get3A_1184 masked %masked_sort3A_1314 {descending = true} : (vector<16xf32>, vector<16xf32>, vector<16xi1>) -> (vector<16xi1>, vector<16xf32>, vector<16xf32>)
                %max3A_1318 = arith.maximumf %cond3A_1177#0, %masked_sort3A_1316 : vector<16xf32>
                %masked_sort3A_1319 = arith.constant dense<true> : vector<16xi1>
                %masked_sort3A_1320, %masked_sort3A_1321, %masked_sort3A_1322 = tpu.sort %max3A_1318, %max3A_1318 masked %masked_sort3A_1319 : (vector<16xf32>, vector<16xf32>, vector<16xi1>) -> (vector<16xi1>, vector<16xf32>, vector<16xf32>)
                %iota3A_1323 = tpu.iota {dimensions = array<i32: 0>} : vector<16xi32>
                %eq3A_1324 = arith.constant 6 : i32
                %eq3A_1325 = vector.broadcast %eq3A_1324 : i32 to vector<16xi32>
                %eq3A_1326 = arith.cmpi eq, %iota3A_1323, %eq3A_1325 : vector<16xi32>
                %jit3A_1327 = arith.constant 0xFF800000 : f32
                %broadcast_in_dim3A_1328 = vector.broadcast %jit3A_1327 : f32 to vector<16xf32>
                %select_n3A_1329 = arith.select %eq3A_1326, %masked_sort3A_1321, %broadcast_in_dim3A_1328 : vector<16xi1>, vector<16xf32>
                %reduce_max3A_1330 = arith.constant true
                %reduce_max3A_1331 = vector.broadcast %reduce_max3A_1330 : i1 to vector<16xi1>
                %reduce_max3A_1332 = tpu.scan <max>, %select_n3A_1329 masked %reduce_max3A_1331 : vector<16xf32>, vector<16xi1> -> vector<16xf32>
                %reduce_max3A_1333 = vector.extract %reduce_max3A_1332[15] : f32 from vector<16xf32>
                %broadcast_in_dim3A_1334 = vector.broadcast %reduce_max3A_1333 : f32 to vector<16xf32>
                %max3A_1335 = arith.maximumf %cond3A_1177#1, %broadcast_in_dim3A_1334 : vector<16xf32>
                scf.yield %masked_sort3A_1321, %max3A_1335 : vector<16xf32>, vector<16xf32>
              } else {
                scf.yield %cond3A_1177#0, %cond3A_1177#1 : vector<16xf32>, vector<16xf32>
              }
              %mul3A_1195 = arith.constant 25 : i32
              %mul3A_1196 = arith.muli %scan3A_879, %mul3A_1195 : i32
              %add3A_1197 = arith.addi %mul3A_1196, %scan3A_1117 : i32
              %mul3A_1198 = arith.constant 16 : i32
              %mul3A_1199 = arith.muli %add3A_1197, %mul3A_1198 : i32
              %get3A_1200 = arith.index_cast %mul3A_1199 : i32 to index
              %get3A_1201 = tpu.vector_load %arg9[%get3A_1200] {strides = array<i32>} : memref<2000xf32, #tpu.memory_space<vmem>>, vector<16xf32>,
              %ge3A_1202 = arith.cmpf oge, %get3A_1201, %cond3A_1194#1 : vector<16xf32>
              %all_reduce_population_count3A_1203 = tpu.all_reduce %ge3A_1202 {dim = 0 : i64, kind = #tpu.reduction_kind<sum>} : vector<16xi1> -> vector<16xi32>
              %slice3A_1204 = vector.extract_strided_slice %all_reduce_population_count3A_1203 {offsets = [0], sizes = [1], strides = [1]} : vector<16xi32> to vector<1xi32>
              %squeeze3A_1205 = vector.extract %slice3A_1204[0] : i32 from vector<1xi32>
              %gt3A_1206 = arith.constant 0 : i32
              %gt3A_1207 = arith.cmpi sgt, %squeeze3A_1205, %gt3A_1206 : i32
              %convert_element_type3A_1208 = arith.extui %gt3A_1207 : i1 to i32
              %cond3A_1209 = arith.constant 0 : i32
              %cond3A_1210 = arith.cmpi ne, %convert_element_type3A_1208, %cond3A_1209 : i32
              %cond3A_1211:2 = scf.if %cond3A_1210 -> (vector<16xf32>, vector<16xf32>) {
                %masked_sort3A_1314 = arith.constant dense<true> : vector<16xi1>
                %masked_sort3A_1315, %masked_sort3A_1316, %masked_sort3A_1317 = tpu.sort %get3A_1201, %get3A_1201 masked %masked_sort3A_1314 {descending = true} : (vector<16xf32>, vector<16xf32>, vector<16xi1>) -> (vector<16xi1>, vector<16xf32>, vector<16xf32>)
                %max3A_1318 = arith.maximumf %cond3A_1194#0, %masked_sort3A_1316 : vector<16xf32>
                %masked_sort3A_1319 = arith.constant dense<true> : vector<16xi1>
                %masked_sort3A_1320, %masked_sort3A_1321, %masked_sort3A_1322 = tpu.sort %max3A_1318, %max3A_1318 masked %masked_sort3A_1319 : (vector<16xf32>, vector<16xf32>, vector<16xi1>) -> (vector<16xi1>, vector<16xf32>, vector<16xf32>)
                %iota3A_1323 = tpu.iota {dimensions = array<i32: 0>} : vector<16xi32>
                %eq3A_1324 = arith.constant 6 : i32
                %eq3A_1325 = vector.broadcast %eq3A_1324 : i32 to vector<16xi32>
                %eq3A_1326 = arith.cmpi eq, %iota3A_1323, %eq3A_1325 : vector<16xi32>
                %jit3A_1327 = arith.constant 0xFF800000 : f32
                %broadcast_in_dim3A_1328 = vector.broadcast %jit3A_1327 : f32 to vector<16xf32>
                %select_n3A_1329 = arith.select %eq3A_1326, %masked_sort3A_1321, %broadcast_in_dim3A_1328 : vector<16xi1>, vector<16xf32>
                %reduce_max3A_1330 = arith.constant true
                %reduce_max3A_1331 = vector.broadcast %reduce_max3A_1330 : i1 to vector<16xi1>
                %reduce_max3A_1332 = tpu.scan <max>, %select_n3A_1329 masked %reduce_max3A_1331 : vector<16xf32>, vector<16xi1> -> vector<16xf32>
                %reduce_max3A_1333 = vector.extract %reduce_max3A_1332[15] : f32 from vector<16xf32>
                %broadcast_in_dim3A_1334 = vector.broadcast %reduce_max3A_1333 : f32 to vector<16xf32>
                %max3A_1335 = arith.maximumf %cond3A_1194#1, %broadcast_in_dim3A_1334 : vector<16xf32>
                scf.yield %masked_sort3A_1321, %max3A_1335 : vector<16xf32>, vector<16xf32>
              } else {
                scf.yield %cond3A_1194#0, %cond3A_1194#1 : vector<16xf32>, vector<16xf32>
              }
              %mul3A_1212 = arith.constant 25 : i32
              %mul3A_1213 = arith.muli %scan3A_879, %mul3A_1212 : i32
              %add3A_1214 = arith.addi %mul3A_1213, %scan3A_1117 : i32
              %mul3A_1215 = arith.constant 16 : i32
              %mul3A_1216 = arith.muli %add3A_1214, %mul3A_1215 : i32
              %get3A_1217 = arith.index_cast %mul3A_1216 : i32 to index
              %get3A_1218 = tpu.vector_load %arg9[%get3A_1217] {strides = array<i32>} : memref<2000xf32, #tpu.memory_space<vmem>>, vector<16xf32>,
              %ge3A_1219 = arith.cmpf oge, %get3A_1218, %cond3A_1211#1 : vector<16xf32>
              %all_reduce_population_count3A_1220 = tpu.all_reduce %ge3A_1219 {dim = 0 : i64, kind = #tpu.reduction_kind<sum>} : vector<16xi1> -> vector<16xi32>
              %slice3A_1221 = vector.extract_strided_slice %all_reduce_population_count3A_1220 {offsets = [0], sizes = [1], strides = [1]} : vector<16xi32> to vector<1xi32>
              %squeeze3A_1222 = vector.extract %slice3A_1221[0] : i32 from vector<1xi32>
              %gt3A_1223 = arith.constant 0 : i32
              %gt3A_1224 = arith.cmpi sgt, %squeeze3A_1222, %gt3A_1223 : i32
              %convert_element_type3A_1225 = arith.extui %gt3A_1224 : i1 to i32
              %cond3A_1226 = arith.constant 0 : i32
              %cond3A_1227 = arith.cmpi ne, %convert_element_type3A_1225, %cond3A_1226 : i32
              %cond3A_1228:2 = scf.if %cond3A_1227 -> (vector<16xf32>, vector<16xf32>) {
                %masked_sort3A_1314 = arith.constant dense<true> : vector<16xi1>
                %masked_sort3A_1315, %masked_sort3A_1316, %masked_sort3A_1317 = tpu.sort %get3A_1218, %get3A_1218 masked %masked_sort3A_1314 {descending = true} : (vector<16xf32>, vector<16xf32>, vector<16xi1>) -> (vector<16xi1>, vector<16xf32>, vector<16xf32>)
                %max3A_1318 = arith.maximumf %cond3A_1211#0, %masked_sort3A_1316 : vector<16xf32>
                %masked_sort3A_1319 = arith.constant dense<true> : vector<16xi1>
                %masked_sort3A_1320, %masked_sort3A_1321, %masked_sort3A_1322 = tpu.sort %max3A_1318, %max3A_1318 masked %masked_sort3A_1319 : (vector<16xf32>, vector<16xf32>, vector<16xi1>) -> (vector<16xi1>, vector<16xf32>, vector<16xf32>)
                %iota3A_1323 = tpu.iota {dimensions = array<i32: 0>} : vector<16xi32>
                %eq3A_1324 = arith.constant 6 : i32
                %eq3A_1325 = vector.broadcast %eq3A_1324 : i32 to vector<16xi32>
                %eq3A_1326 = arith.cmpi eq, %iota3A_1323, %eq3A_1325 : vector<16xi32>
                %jit3A_1327 = arith.constant 0xFF800000 : f32
                %broadcast_in_dim3A_1328 = vector.broadcast %jit3A_1327 : f32 to vector<16xf32>
                %select_n3A_1329 = arith.select %eq3A_1326, %masked_sort3A_1321, %broadcast_in_dim3A_1328 : vector<16xi1>, vector<16xf32>
                %reduce_max3A_1330 = arith.constant true
                %reduce_max3A_1331 = vector.broadcast %reduce_max3A_1330 : i1 to vector<16xi1>
                %reduce_max3A_1332 = tpu.scan <max>, %select_n3A_1329 masked %reduce_max3A_1331 : vector<16xf32>, vector<16xi1> -> vector<16xf32>
                %reduce_max3A_1333 = vector.extract %reduce_max3A_1332[15] : f32 from vector<16xf32>
                %broadcast_in_dim3A_1334 = vector.broadcast %reduce_max3A_1333 : f32 to vector<16xf32>
                %max3A_1335 = arith.maximumf %cond3A_1211#1, %broadcast_in_dim3A_1334 : vector<16xf32>
                scf.yield %masked_sort3A_1321, %max3A_1335 : vector<16xf32>, vector<16xf32>
              } else {
                scf.yield %cond3A_1211#0, %cond3A_1211#1 : vector<16xf32>, vector<16xf32>
              }
              %mul3A_1229 = arith.constant 25 : i32
              %mul3A_1230 = arith.muli %scan3A_879, %mul3A_1229 : i32
              %add3A_1231 = arith.addi %mul3A_1230, %scan3A_1117 : i32
              %mul3A_1232 = arith.constant 16 : i32
              %mul3A_1233 = arith.muli %add3A_1231, %mul3A_1232 : i32
              %get3A_1234 = arith.index_cast %mul3A_1233 : i32 to index
              %get3A_1235 = tpu.vector_load %arg9[%get3A_1234] {strides = array<i32>} : memref<2000xf32, #tpu.memory_space<vmem>>, vector<16xf32>,
              %ge3A_1236 = arith.cmpf oge, %get3A_1235, %cond3A_1228#1 : vector<16xf32>
              %all_reduce_population_count3A_1237 = tpu.all_reduce %ge3A_1236 {dim = 0 : i64, kind = #tpu.reduction_kind<sum>} : vector<16xi1> -> vector<16xi32>
              %slice3A_1238 = vector.extract_strided_slice %all_reduce_population_count3A_1237 {offsets = [0], sizes = [1], strides = [1]} : vector<16xi32> to vector<1xi32>
              %squeeze3A_1239 = vector.extract %slice3A_1238[0] : i32 from vector<1xi32>
              %gt3A_1240 = arith.constant 0 : i32
              %gt3A_1241 = arith.cmpi sgt, %squeeze3A_1239, %gt3A_1240 : i32
              %convert_element_type3A_1242 = arith.extui %gt3A_1241 : i1 to i32
              %cond3A_1243 = arith.constant 0 : i32
              %cond3A_1244 = arith.cmpi ne, %convert_element_type3A_1242, %cond3A_1243 : i32
              %cond3A_1245:2 = scf.if %cond3A_1244 -> (vector<16xf32>, vector<16xf32>) {
                %masked_sort3A_1314 = arith.constant dense<true> : vector<16xi1>
                %masked_sort3A_1315, %masked_sort3A_1316, %masked_sort3A_1317 = tpu.sort %get3A_1235, %get3A_1235 masked %masked_sort3A_1314 {descending = true} : (vector<16xf32>, vector<16xf32>, vector<16xi1>) -> (vector<16xi1>, vector<16xf32>, vector<16xf32>)
                %max3A_1318 = arith.maximumf %cond3A_1228#0, %masked_sort3A_1316 : vector<16xf32>
                %masked_sort3A_1319 = arith.constant dense<true> : vector<16xi1>
                %masked_sort3A_1320, %masked_sort3A_1321, %masked_sort3A_1322 = tpu.sort %max3A_1318, %max3A_1318 masked %masked_sort3A_1319 : (vector<16xf32>, vector<16xf32>, vector<16xi1>) -> (vector<16xi1>, vector<16xf32>, vector<16xf32>)
                %iota3A_1323 = tpu.iota {dimensions = array<i32: 0>} : vector<16xi32>
                %eq3A_1324 = arith.constant 6 : i32
                %eq3A_1325 = vector.broadcast %eq3A_1324 : i32 to vector<16xi32>
                %eq3A_1326 = arith.cmpi eq, %iota3A_1323, %eq3A_1325 : vector<16xi32>
                %jit3A_1327 = arith.constant 0xFF800000 : f32
                %broadcast_in_dim3A_1328 = vector.broadcast %jit3A_1327 : f32 to vector<16xf32>
                %select_n3A_1329 = arith.select %eq3A_1326, %masked_sort3A_1321, %broadcast_in_dim3A_1328 : vector<16xi1>, vector<16xf32>
                %reduce_max3A_1330 = arith.constant true
                %reduce_max3A_1331 = vector.broadcast %reduce_max3A_1330 : i1 to vector<16xi1>
                %reduce_max3A_1332 = tpu.scan <max>, %select_n3A_1329 masked %reduce_max3A_1331 : vector<16xf32>, vector<16xi1> -> vector<16xf32>
                %reduce_max3A_1333 = vector.extract %reduce_max3A_1332[15] : f32 from vector<16xf32>
                %broadcast_in_dim3A_1334 = vector.broadcast %reduce_max3A_1333 : f32 to vector<16xf32>
                %max3A_1335 = arith.maximumf %cond3A_1228#1, %broadcast_in_dim3A_1334 : vector<16xf32>
                scf.yield %masked_sort3A_1321, %max3A_1335 : vector<16xf32>, vector<16xf32>
              } else {
                scf.yield %cond3A_1228#0, %cond3A_1228#1 : vector<16xf32>, vector<16xf32>
              }
              %mul3A_1246 = arith.constant 25 : i32
              %mul3A_1247 = arith.muli %scan3A_879, %mul3A_1246 : i32
              %add3A_1248 = arith.addi %mul3A_1247, %scan3A_1117 : i32
              %mul3A_1249 = arith.constant 16 : i32
              %mul3A_1250 = arith.muli %add3A_1248, %mul3A_1249 : i32
              %get3A_1251 = arith.index_cast %mul3A_1250 : i32 to index
              %get3A_1252 = tpu.vector_load %arg9[%get3A_1251] {strides = array<i32>} : memref<2000xf32, #tpu.memory_space<vmem>>, vector<16xf32>,
              %ge3A_1253 = arith.cmpf oge, %get3A_1252, %cond3A_1245#1 : vector<16xf32>
              %all_reduce_population_count3A_1254 = tpu.all_reduce %ge3A_1253 {dim = 0 : i64, kind = #tpu.reduction_kind<sum>} : vector<16xi1> -> vector<16xi32>
              %slice3A_1255 = vector.extract_strided_slice %all_reduce_population_count3A_1254 {offsets = [0], sizes = [1], strides = [1]} : vector<16xi32> to vector<1xi32>
              %squeeze3A_1256 = vector.extract %slice3A_1255[0] : i32 from vector<1xi32>
              %gt3A_1257 = arith.constant 0 : i32
              %gt3A_1258 = arith.cmpi sgt, %squeeze3A_1256, %gt3A_1257 : i32
              %convert_element_type3A_1259 = arith.extui %gt3A_1258 : i1 to i32
              %cond3A_1260 = arith.constant 0 : i32
              %cond3A_1261 = arith.cmpi ne, %convert_element_type3A_1259, %cond3A_1260 : i32
              %cond3A_1262:2 = scf.if %cond3A_1261 -> (vector<16xf32>, vector<16xf32>) {
                %masked_sort3A_1314 = arith.constant dense<true> : vector<16xi1>
                %masked_sort3A_1315, %masked_sort3A_1316, %masked_sort3A_1317 = tpu.sort %get3A_1252, %get3A_1252 masked %masked_sort3A_1314 {descending = true} : (vector<16xf32>, vector<16xf32>, vector<16xi1>) -> (vector<16xi1>, vector<16xf32>, vector<16xf32>)
                %max3A_1318 = arith.maximumf %cond3A_1245#0, %masked_sort3A_1316 : vector<16xf32>
                %masked_sort3A_1319 = arith.constant dense<true> : vector<16xi1>
                %masked_sort3A_1320, %masked_sort3A_1321, %masked_sort3A_1322 = tpu.sort %max3A_1318, %max3A_1318 masked %masked_sort3A_1319 : (vector<16xf32>, vector<16xf32>, vector<16xi1>) -> (vector<16xi1>, vector<16xf32>, vector<16xf32>)
                %iota3A_1323 = tpu.iota {dimensions = array<i32: 0>} : vector<16xi32>
                %eq3A_1324 = arith.constant 6 : i32
                %eq3A_1325 = vector.broadcast %eq3A_1324 : i32 to vector<16xi32>
                %eq3A_1326 = arith.cmpi eq, %iota3A_1323, %eq3A_1325 : vector<16xi32>
                %jit3A_1327 = arith.constant 0xFF800000 : f32
                %broadcast_in_dim3A_1328 = vector.broadcast %jit3A_1327 : f32 to vector<16xf32>
                %select_n3A_1329 = arith.select %eq3A_1326, %masked_sort3A_1321, %broadcast_in_dim3A_1328 : vector<16xi1>, vector<16xf32>
                %reduce_max3A_1330 = arith.constant true
                %reduce_max3A_1331 = vector.broadcast %reduce_max3A_1330 : i1 to vector<16xi1>
                %reduce_max3A_1332 = tpu.scan <max>, %select_n3A_1329 masked %reduce_max3A_1331 : vector<16xf32>, vector<16xi1> -> vector<16xf32>
                %reduce_max3A_1333 = vector.extract %reduce_max3A_1332[15] : f32 from vector<16xf32>
                %broadcast_in_dim3A_1334 = vector.broadcast %reduce_max3A_1333 : f32 to vector<16xf32>
                %max3A_1335 = arith.maximumf %cond3A_1245#1, %broadcast_in_dim3A_1334 : vector<16xf32>
                scf.yield %masked_sort3A_1321, %max3A_1335 : vector<16xf32>, vector<16xf32>
              } else {
                scf.yield %cond3A_1245#0, %cond3A_1245#1 : vector<16xf32>, vector<16xf32>
              }
              %mul3A_1263 = arith.constant 25 : i32
              %mul3A_1264 = arith.muli %scan3A_879, %mul3A_1263 : i32
              %add3A_1265 = arith.addi %mul3A_1264, %scan3A_1117 : i32
              %mul3A_1266 = arith.constant 16 : i32
              %mul3A_1267 = arith.muli %add3A_1265, %mul3A_1266 : i32
              %get3A_1268 = arith.index_cast %mul3A_1267 : i32 to index
              %get3A_1269 = tpu.vector_load %arg9[%get3A_1268] {strides = array<i32>} : memref<2000xf32, #tpu.memory_space<vmem>>, vector<16xf32>,
              %ge3A_1270 = arith.cmpf oge, %get3A_1269, %cond3A_1262#1 : vector<16xf32>
              %all_reduce_population_count3A_1271 = tpu.all_reduce %ge3A_1270 {dim = 0 : i64, kind = #tpu.reduction_kind<sum>} : vector<16xi1> -> vector<16xi32>
              %slice3A_1272 = vector.extract_strided_slice %all_reduce_population_count3A_1271 {offsets = [0], sizes = [1], strides = [1]} : vector<16xi32> to vector<1xi32>
              %squeeze3A_1273 = vector.extract %slice3A_1272[0] : i32 from vector<1xi32>
              %gt3A_1274 = arith.constant 0 : i32
              %gt3A_1275 = arith.cmpi sgt, %squeeze3A_1273, %gt3A_1274 : i32
              %convert_element_type3A_1276 = arith.extui %gt3A_1275 : i1 to i32
              %cond3A_1277 = arith.constant 0 : i32
              %cond3A_1278 = arith.cmpi ne, %convert_element_type3A_1276, %cond3A_1277 : i32
              %cond3A_1279:2 = scf.if %cond3A_1278 -> (vector<16xf32>, vector<16xf32>) {
                %masked_sort3A_1314 = arith.constant dense<true> : vector<16xi1>
                %masked_sort3A_1315, %masked_sort3A_1316, %masked_sort3A_1317 = tpu.sort %get3A_1269, %get3A_1269 masked %masked_sort3A_1314 {descending = true} : (vector<16xf32>, vector<16xf32>, vector<16xi1>) -> (vector<16xi1>, vector<16xf32>, vector<16xf32>)
                %max3A_1318 = arith.maximumf %cond3A_1262#0, %masked_sort3A_1316 : vector<16xf32>
                %masked_sort3A_1319 = arith.constant dense<true> : vector<16xi1>
                %masked_sort3A_1320, %masked_sort3A_1321, %masked_sort3A_1322 = tpu.sort %max3A_1318, %max3A_1318 masked %masked_sort3A_1319 : (vector<16xf32>, vector<16xf32>, vector<16xi1>) -> (vector<16xi1>, vector<16xf32>, vector<16xf32>)
                %iota3A_1323 = tpu.iota {dimensions = array<i32: 0>} : vector<16xi32>
                %eq3A_1324 = arith.constant 6 : i32
                %eq3A_1325 = vector.broadcast %eq3A_1324 : i32 to vector<16xi32>
                %eq3A_1326 = arith.cmpi eq, %iota3A_1323, %eq3A_1325 : vector<16xi32>
                %jit3A_1327 = arith.constant 0xFF800000 : f32
                %broadcast_in_dim3A_1328 = vector.broadcast %jit3A_1327 : f32 to vector<16xf32>
                %select_n3A_1329 = arith.select %eq3A_1326, %masked_sort3A_1321, %broadcast_in_dim3A_1328 : vector<16xi1>, vector<16xf32>
                %reduce_max3A_1330 = arith.constant true
                %reduce_max3A_1331 = vector.broadcast %reduce_max3A_1330 : i1 to vector<16xi1>
                %reduce_max3A_1332 = tpu.scan <max>, %select_n3A_1329 masked %reduce_max3A_1331 : vector<16xf32>, vector<16xi1> -> vector<16xf32>
                %reduce_max3A_1333 = vector.extract %reduce_max3A_1332[15] : f32 from vector<16xf32>
                %broadcast_in_dim3A_1334 = vector.broadcast %reduce_max3A_1333 : f32 to vector<16xf32>
                %max3A_1335 = arith.maximumf %cond3A_1262#1, %broadcast_in_dim3A_1334 : vector<16xf32>
                scf.yield %masked_sort3A_1321, %max3A_1335 : vector<16xf32>, vector<16xf32>
              } else {
                scf.yield %cond3A_1262#0, %cond3A_1262#1 : vector<16xf32>, vector<16xf32>
              }
              %mul3A_1280 = arith.constant 25 : i32
              %mul3A_1281 = arith.muli %scan3A_879, %mul3A_1280 : i32
              %add3A_1282 = arith.addi %mul3A_1281, %scan3A_1117 : i32
              %mul3A_1283 = arith.constant 16 : i32
              %mul3A_1284 = arith.muli %add3A_1282, %mul3A_1283 : i32
              %get3A_1285 = arith.index_cast %mul3A_1284 : i32 to index
              %get3A_1286 = tpu.vector_load %arg9[%get3A_1285] {strides = array<i32>} : memref<2000xf32, #tpu.memory_space<vmem>>, vector<16xf32>,
              %ge3A_1287 = arith.cmpf oge, %get3A_1286, %cond3A_1279#1 : vector<16xf32>
              %all_reduce_population_count3A_1288 = tpu.all_reduce %ge3A_1287 {dim = 0 : i64, kind = #tpu.reduction_kind<sum>} : vector<16xi1> -> vector<16xi32>
              %slice3A_1289 = vector.extract_strided_slice %all_reduce_population_count3A_1288 {offsets = [0], sizes = [1], strides = [1]} : vector<16xi32> to vector<1xi32>
              %squeeze3A_1290 = vector.extract %slice3A_1289[0] : i32 from vector<1xi32>
              %gt3A_1291 = arith.constant 0 : i32
              %gt3A_1292 = arith.cmpi sgt, %squeeze3A_1290, %gt3A_1291 : i32
              %convert_element_type3A_1293 = arith.extui %gt3A_1292 : i1 to i32
              %cond3A_1294 = arith.constant 0 : i32
              %cond3A_1295 = arith.cmpi ne, %convert_element_type3A_1293, %cond3A_1294 : i32
              %cond3A_1296:2 = scf.if %cond3A_1295 -> (vector<16xf32>, vector<16xf32>) {
                %masked_sort3A_1314 = arith.constant dense<true> : vector<16xi1>
                %masked_sort3A_1315, %masked_sort3A_1316, %masked_sort3A_1317 = tpu.sort %get3A_1286, %get3A_1286 masked %masked_sort3A_1314 {descending = true} : (vector<16xf32>, vector<16xf32>, vector<16xi1>) -> (vector<16xi1>, vector<16xf32>, vector<16xf32>)
                %max3A_1318 = arith.maximumf %cond3A_1279#0, %masked_sort3A_1316 : vector<16xf32>
                %masked_sort3A_1319 = arith.constant dense<true> : vector<16xi1>
                %masked_sort3A_1320, %masked_sort3A_1321, %masked_sort3A_1322 = tpu.sort %max3A_1318, %max3A_1318 masked %masked_sort3A_1319 : (vector<16xf32>, vector<16xf32>, vector<16xi1>) -> (vector<16xi1>, vector<16xf32>, vector<16xf32>)
                %iota3A_1323 = tpu.iota {dimensions = array<i32: 0>} : vector<16xi32>
                %eq3A_1324 = arith.constant 6 : i32
                %eq3A_1325 = vector.broadcast %eq3A_1324 : i32 to vector<16xi32>
                %eq3A_1326 = arith.cmpi eq, %iota3A_1323, %eq3A_1325 : vector<16xi32>
                %jit3A_1327 = arith.constant 0xFF800000 : f32
                %broadcast_in_dim3A_1328 = vector.broadcast %jit3A_1327 : f32 to vector<16xf32>
                %select_n3A_1329 = arith.select %eq3A_1326, %masked_sort3A_1321, %broadcast_in_dim3A_1328 : vector<16xi1>, vector<16xf32>
                %reduce_max3A_1330 = arith.constant true
                %reduce_max3A_1331 = vector.broadcast %reduce_max3A_1330 : i1 to vector<16xi1>
                %reduce_max3A_1332 = tpu.scan <max>, %select_n3A_1329 masked %reduce_max3A_1331 : vector<16xf32>, vector<16xi1> -> vector<16xf32>
                %reduce_max3A_1333 = vector.extract %reduce_max3A_1332[15] : f32 from vector<16xf32>
                %broadcast_in_dim3A_1334 = vector.broadcast %reduce_max3A_1333 : f32 to vector<16xf32>
                %max3A_1335 = arith.maximumf %cond3A_1279#1, %broadcast_in_dim3A_1334 : vector<16xf32>
                scf.yield %masked_sort3A_1321, %max3A_1335 : vector<16xf32>, vector<16xf32>
              } else {
                scf.yield %cond3A_1279#0, %cond3A_1279#1 : vector<16xf32>, vector<16xf32>
              }
              %mul3A_1297 = arith.constant 25 : i32
              %mul3A_1298 = arith.muli %scan3A_879, %mul3A_1297 : i32
              %add3A_1299 = arith.addi %mul3A_1298, %scan3A_1117 : i32
              %mul3A_1300 = arith.constant 16 : i32
              %mul3A_1301 = arith.muli %add3A_1299, %mul3A_1300 : i32
              %get3A_1302 = arith.index_cast %mul3A_1301 : i32 to index
              %get3A_1303 = tpu.vector_load %arg9[%get3A_1302] {strides = array<i32>} : memref<2000xf32, #tpu.memory_space<vmem>>, vector<16xf32>,
              %ge3A_1304 = arith.cmpf oge, %get3A_1303, %cond3A_1296#1 : vector<16xf32>
              %all_reduce_population_count3A_1305 = tpu.all_reduce %ge3A_1304 {dim = 0 : i64, kind = #tpu.reduction_kind<sum>} : vector<16xi1> -> vector<16xi32>
              %slice3A_1306 = vector.extract_strided_slice %all_reduce_population_count3A_1305 {offsets = [0], sizes = [1], strides = [1]} : vector<16xi32> to vector<1xi32>
              %squeeze3A_1307 = vector.extract %slice3A_1306[0] : i32 from vector<1xi32>
              %gt3A_1308 = arith.constant 0 : i32
              %gt3A_1309 = arith.cmpi sgt, %squeeze3A_1307, %gt3A_1308 : i32
              %convert_element_type3A_1310 = arith.extui %gt3A_1309 : i1 to i32
              %cond3A_1311 = arith.constant 0 : i32
              %cond3A_1312 = arith.cmpi ne, %convert_element_type3A_1310, %cond3A_1311 : i32
              %cond3A_1313:2 = scf.if %cond3A_1312 -> (vector<16xf32>, vector<16xf32>) {
                %masked_sort3A_1314 = arith.constant dense<true> : vector<16xi1>
                %masked_sort3A_1315, %masked_sort3A_1316, %masked_sort3A_1317 = tpu.sort %get3A_1303, %get3A_1303 masked %masked_sort3A_1314 {descending = true} : (vector<16xf32>, vector<16xf32>, vector<16xi1>) -> (vector<16xi1>, vector<16xf32>, vector<16xf32>)
                %max3A_1318 = arith.maximumf %cond3A_1296#0, %masked_sort3A_1316 : vector<16xf32>
                %masked_sort3A_1319 = arith.constant dense<true> : vector<16xi1>
                %masked_sort3A_1320, %masked_sort3A_1321, %masked_sort3A_1322 = tpu.sort %max3A_1318, %max3A_1318 masked %masked_sort3A_1319 : (vector<16xf32>, vector<16xf32>, vector<16xi1>) -> (vector<16xi1>, vector<16xf32>, vector<16xf32>)
                %iota3A_1323 = tpu.iota {dimensions = array<i32: 0>} : vector<16xi32>
                %eq3A_1324 = arith.constant 6 : i32
                %eq3A_1325 = vector.broadcast %eq3A_1324 : i32 to vector<16xi32>
                %eq3A_1326 = arith.cmpi eq, %iota3A_1323, %eq3A_1325 : vector<16xi32>
                %jit3A_1327 = arith.constant 0xFF800000 : f32
                %broadcast_in_dim3A_1328 = vector.broadcast %jit3A_1327 : f32 to vector<16xf32>
                %select_n3A_1329 = arith.select %eq3A_1326, %masked_sort3A_1321, %broadcast_in_dim3A_1328 : vector<16xi1>, vector<16xf32>
                %reduce_max3A_1330 = arith.constant true
                %reduce_max3A_1331 = vector.broadcast %reduce_max3A_1330 : i1 to vector<16xi1>
                %reduce_max3A_1332 = tpu.scan <max>, %select_n3A_1329 masked %reduce_max3A_1331 : vector<16xf32>, vector<16xi1> -> vector<16xf32>
                %reduce_max3A_1333 = vector.extract %reduce_max3A_1332[15] : f32 from vector<16xf32>
                %broadcast_in_dim3A_1334 = vector.broadcast %reduce_max3A_1333 : f32 to vector<16xf32>
                %max3A_1335 = arith.maximumf %cond3A_1296#1, %broadcast_in_dim3A_1334 : vector<16xf32>
                scf.yield %masked_sort3A_1321, %max3A_1335 : vector<16xf32>, vector<16xf32>
              } else {
                scf.yield %cond3A_1296#0, %cond3A_1296#1 : vector<16xf32>, vector<16xf32>
              }
              scf.yield %cond3A_1313#0, %cond3A_1313#1 : vector<16xf32>, vector<16xf32>
            } else {
              scf.yield %scan3A_1118, %scan3A_1119 : vector<16xf32>, vector<16xf32>
            }
            scf.yield %cond3A_1143#0, %cond3A_1143#1 : vector<16xf32>, vector<16xf32>
          }
          %scan3A_1116 = arith.constant 25 : i32
          scf.yield %scan3A_1115#0, %scan3A_1115#1 : vector<16xf32>, vector<16xf32>
        } else {
          scf.yield %scan3A_880, %scan3A_881 : vector<16xf32>, vector<16xf32>
        }
        scf.yield %cond3A_1110#0, %cond3A_1110#1 : vector<16xf32>, vector<16xf32>
      }
      %scan3A_653 = arith.constant 5 : i32
      %eq3A_654 = arith.constant 4 : i32
      %eq3A_655 = arith.cmpi eq, %select_n3A_517, %eq3A_654 : i32
      %convert_element_type3A_656 = arith.extui %eq3A_655 : i1 to i32
      %cond3A_657 = arith.constant 0 : i32
      %cond3A_658 = arith.cmpi ne, %convert_element_type3A_656, %cond3A_657 : i32
      scf.if %cond3A_658 {
        %swap3A = arith.index_cast %select_n3A_541 : i32 to index
        %swap3A_879 = arith.constant 0 : index
        %swap3A_880 = tpu.vector_load %arg11[%swap3A, %swap3A_879] {strides = array<i32>} : memref<32x16xf32, #tpu.memory_space<vmem>>, vector<16xf32>,
        tpu.vector_store %arg11[%swap3A, %swap3A_879], %scan3A_652#0 {strides = array<i32>} : memref<32x16xf32, #tpu.memory_space<vmem>>, vector<16xf32>,
      } else {
      }
      %add3A_659 = arith.constant 4 : i32
      %add3A_660 = arith.addi %add3A_454, %add3A_659 : i32
      %lt3A_661 = arith.constant 160 : i32
      %lt3A_662 = arith.cmpi slt, %add3A_660, %lt3A_661 : i32
      %convert_element_type3A_663 = arith.extui %lt3A_662 : i1 to i32
      %cond3A_664 = arith.constant 0 : i32
      %cond3A_665 = arith.cmpi ne, %convert_element_type3A_663, %cond3A_664 : i32
      scf.if %cond3A_665 {
        %add3A_879 = arith.constant 4 : i32
        %add3A_880 = arith.addi %add3A_454, %add3A_879 : i32
        %jit3A_881 = arith.constant 5 : i32
        %div3A_882 = arith.divsi %add3A_880, %jit3A_881 : i32
        %sign3A_883 = arith.constant 0 : i32
        %sign3A_884 = arith.cmpi sgt, %add3A_880, %sign3A_883 : i32
        %sign3A_885 = arith.extui %sign3A_884 : i1 to i32
        %sign3A_886 = arith.constant 0 : i32
        %sign3A_887 = arith.cmpi slt, %add3A_880, %sign3A_886 : i32
        %sign3A_888 = arith.extui %sign3A_887 : i1 to i32
        %sign3A_889 = arith.subi %sign3A_885, %sign3A_888 : i32
        %sign3A_890 = arith.constant 0 : i32
        %sign3A_891 = arith.cmpi sgt, %jit3A_881, %sign3A_890 : i32
        %sign3A_892 = arith.extui %sign3A_891 : i1 to i32
        %sign3A_893 = arith.constant 0 : i32
        %sign3A_894 = arith.cmpi slt, %jit3A_881, %sign3A_893 : i32
        %sign3A_895 = arith.extui %sign3A_894 : i1 to i32
        %sign3A_896 = arith.subi %sign3A_892, %sign3A_895 : i32
        %ne3A_897 = arith.cmpi ne, %sign3A_889, %sign3A_896 : i32
        %rem3A_898 = arith.remsi %add3A_880, %jit3A_881 : i32
        %ne3A_899 = arith.constant 0 : i32
        %ne3A_900 = arith.cmpi ne, %rem3A_898, %ne3A_899 : i32
        %and3A_901 = arith.andi %ne3A_897, %ne3A_900 : i1
        %sub3A_902 = arith.constant 1 : i32
        %sub3A_903 = arith.subi %div3A_882, %sub3A_902 : i32
        %select_n3A_904 = arith.select %and3A_901, %sub3A_903, %div3A_882 : i32
        %add3A_905 = arith.addi %mul3A_2, %select_n3A_904 : i32
        %jit3A_906 = arith.constant 5 : i32
        %eq3A_907 = arith.constant 0 : i32
        %eq3A_908 = arith.cmpi eq, %jit3A_906, %eq3A_907 : i32
        %jit3A_909 = arith.constant 1 : i32
        %select_n3A_910 = arith.select %eq3A_908, %jit3A_909, %jit3A_906 : i32
        %rem3A_911 = arith.remsi %add3A_880, %select_n3A_910 : i32
        %ne3A_912 = arith.constant 0 : i32
        %ne3A_913 = arith.cmpi ne, %rem3A_911, %ne3A_912 : i32
        %lt3A_914 = arith.constant 0 : i32
        %lt3A_915 = arith.cmpi slt, %rem3A_911, %lt3A_914 : i32
        %lt3A_916 = arith.constant 0 : i32
        %lt3A_917 = arith.cmpi slt, %select_n3A_910, %lt3A_916 : i32
        %ne3A_918 = arith.xori %lt3A_915, %lt3A_917 : i1
        %and3A_919 = arith.andi %ne3A_918, %ne3A_913 : i1
        %add3A_920 = arith.addi %rem3A_911, %select_n3A_910 : i32
        %select_n3A_921 = arith.select %and3A_919, %add3A_920, %rem3A_911 : i32
        %mul3A_922 = arith.constant 20000 : i32
        %mul3A_923 = arith.muli %select_n3A_921, %mul3A_922 : i32
        %dma_start3A_924 = tpu.memref_slice %arg2[%add3A_905, %mul3A_923] : memref<1024x100000xf32, #tpu.memory_space<hbm>> -> memref<1x20000xf32, #tpu.memory_space<hbm>>
        %dma_start3A_925 = tpu.memref_squeeze %dma_start3A_924 : memref<1x20000xf32, #tpu.memory_space<hbm>> -> memref<20000xf32, #tpu.memory_space<hbm>>
        %dma_start3A_926 = tpu.memref_slice %arg2[%add3A_905, %mul3A_923] : memref<1024x100000xf32, #tpu.memory_space<hbm>> -> memref<1x20000xf32, #tpu.memory_space<hbm>>
        %dma_start3A_927 = tpu.memref_squeeze %dma_start3A_926 : memref<1x20000xf32, #tpu.memory_space<hbm>> -> memref<20000xf32, #tpu.memory_space<hbm>>
        tpu.enqueue_dma source(%dma_start3A_927 : memref<20000xf32, #tpu.memory_space<hbm>>) target(%arg7 : memref<20000xf32, #tpu.memory_space<vmem>>) target_semaphore(%arg14 : memref<!tpu.dma_semaphore, #tpu.memory_space<semaphore_mem>>)
      } else {
      }
      %add3A_666 = arith.constant 3 : i32
      %add3A_667 = arith.addi %mul3A_46, %add3A_666 : i32
      %jit3A_668 = arith.constant 5 : i32
      %div3A_669 = arith.divsi %add3A_667, %jit3A_668 : i32
      %sign3A_670 = arith.constant 0 : i32
      %sign3A_671 = arith.cmpi sgt, %add3A_667, %sign3A_670 : i32
      %sign3A_672 = arith.extui %sign3A_671 : i1 to i32
      %sign3A_673 = arith.constant 0 : i32
      %sign3A_674 = arith.cmpi slt, %add3A_667, %sign3A_673 : i32
      %sign3A_675 = arith.extui %sign3A_674 : i1 to i32
      %sign3A_676 = arith.subi %sign3A_672, %sign3A_675 : i32
      %sign3A_677 = arith.constant 0 : i32
      %sign3A_678 = arith.cmpi sgt, %jit3A_668, %sign3A_677 : i32
      %sign3A_679 = arith.extui %sign3A_678 : i1 to i32
      %sign3A_680 = arith.constant 0 : i32
      %sign3A_681 = arith.cmpi slt, %jit3A_668, %sign3A_680 : i32
      %sign3A_682 = arith.extui %sign3A_681 : i1 to i32
      %sign3A_683 = arith.subi %sign3A_679, %sign3A_682 : i32
      %ne3A_684 = arith.cmpi ne, %sign3A_676, %sign3A_683 : i32
      %rem3A_685 = arith.remsi %add3A_667, %jit3A_668 : i32
      %ne3A_686 = arith.constant 0 : i32
      %ne3A_687 = arith.cmpi ne, %rem3A_685, %ne3A_686 : i32
      %and3A_688 = arith.andi %ne3A_684, %ne3A_687 : i1
      %sub3A_689 = arith.constant 1 : i32
      %sub3A_690 = arith.subi %div3A_669, %sub3A_689 : i32
      %select_n3A_691 = arith.select %and3A_688, %sub3A_690, %div3A_669 : i32
      %add3A_692 = arith.addi %mul3A_2, %select_n3A_691 : i32
      %jit3A_693 = arith.constant 5 : i32
      %eq3A_694 = arith.constant 0 : i32
      %eq3A_695 = arith.cmpi eq, %jit3A_693, %eq3A_694 : i32
      %jit3A_696 = arith.constant 1 : i32
      %select_n3A_697 = arith.select %eq3A_695, %jit3A_696, %jit3A_693 : i32
      %rem3A_698 = arith.remsi %add3A_667, %select_n3A_697 : i32
      %ne3A_699 = arith.constant 0 : i32
      %ne3A_700 = arith.cmpi ne, %rem3A_698, %ne3A_699 : i32
      %lt3A_701 = arith.constant 0 : i32
      %lt3A_702 = arith.cmpi slt, %rem3A_698, %lt3A_701 : i32
      %lt3A_703 = arith.constant 0 : i32
      %lt3A_704 = arith.cmpi slt, %select_n3A_697, %lt3A_703 : i32
      %ne3A_705 = arith.xori %lt3A_702, %lt3A_704 : i1
      %and3A_706 = arith.andi %ne3A_705, %ne3A_700 : i1
      %add3A_707 = arith.addi %rem3A_698, %select_n3A_697 : i32
      %select_n3A_708 = arith.select %and3A_706, %add3A_707, %rem3A_698 : i32
      %mul3A_709 = arith.constant 20000 : i32
      %mul3A_710 = arith.muli %select_n3A_708, %mul3A_709 : i32
      %dma_wait3A_711 = tpu.memref_slice %arg2[%add3A_692, %mul3A_710] : memref<1024x100000xf32, #tpu.memory_space<hbm>> -> memref<1x20000xf32, #tpu.memory_space<hbm>>
      %dma_wait3A_712 = tpu.memref_squeeze %dma_wait3A_711 : memref<1x20000xf32, #tpu.memory_space<hbm>> -> memref<20000xf32, #tpu.memory_space<hbm>>
      %dma_wait3A_713 = tpu.memref_slice %arg2[%add3A_692, %mul3A_710] : memref<1024x100000xf32, #tpu.memory_space<hbm>> -> memref<1x20000xf32, #tpu.memory_space<hbm>>
      %dma_wait3A_714 = tpu.memref_squeeze %dma_wait3A_713 : memref<1x20000xf32, #tpu.memory_space<hbm>> -> memref<20000xf32, #tpu.memory_space<hbm>>
      tpu.wait_dma2 semaphore(%arg15 : memref<!tpu.dma_semaphore, #tpu.memory_space<semaphore_mem>>) src(%dma_wait3A_714 : memref<20000xf32, #tpu.memory_space<hbm>>) dst(%arg8 : memref<20000xf32, #tpu.memory_space<vmem>>)
      %jit3A_715 = arith.constant 5 : i32
      %eq3A_716 = arith.constant 0 : i32
      %eq3A_717 = arith.cmpi eq, %jit3A_715, %eq3A_716 : i32
      %jit3A_718 = arith.constant 1 : i32
      %select_n3A_719 = arith.select %eq3A_717, %jit3A_718, %jit3A_715 : i32
      %rem3A_720 = arith.remsi %add3A_667, %select_n3A_719 : i32
      %ne3A_721 = arith.constant 0 : i32
      %ne3A_722 = arith.cmpi ne, %rem3A_720, %ne3A_721 : i32
      %lt3A_723 = arith.constant 0 : i32
      %lt3A_724 = arith.cmpi slt, %rem3A_720, %lt3A_723 : i32
      %lt3A_725 = arith.constant 0 : i32
      %lt3A_726 = arith.cmpi slt, %select_n3A_719, %lt3A_725 : i32
      %ne3A_727 = arith.xori %lt3A_724, %lt3A_726 : i1
      %and3A_728 = arith.andi %ne3A_727, %ne3A_722 : i1
      %add3A_729 = arith.addi %rem3A_720, %select_n3A_719 : i32
      %select_n3A_730 = arith.select %and3A_728, %add3A_729, %rem3A_720 : i32
      %jit3A_731 = arith.constant 5 : i32
      %div3A_732 = arith.divsi %add3A_667, %jit3A_731 : i32
      %sign3A_733 = arith.constant 0 : i32
      %sign3A_734 = arith.cmpi sgt, %add3A_667, %sign3A_733 : i32
      %sign3A_735 = arith.extui %sign3A_734 : i1 to i32
      %sign3A_736 = arith.constant 0 : i32
      %sign3A_737 = arith.cmpi slt, %add3A_667, %sign3A_736 : i32
      %sign3A_738 = arith.extui %sign3A_737 : i1 to i32
      %sign3A_739 = arith.subi %sign3A_735, %sign3A_738 : i32
      %sign3A_740 = arith.constant 0 : i32
      %sign3A_741 = arith.cmpi sgt, %jit3A_731, %sign3A_740 : i32
      %sign3A_742 = arith.extui %sign3A_741 : i1 to i32
      %sign3A_743 = arith.constant 0 : i32
      %sign3A_744 = arith.cmpi slt, %jit3A_731, %sign3A_743 : i32
      %sign3A_745 = arith.extui %sign3A_744 : i1 to i32
      %sign3A_746 = arith.subi %sign3A_742, %sign3A_745 : i32
      %ne3A_747 = arith.cmpi ne, %sign3A_739, %sign3A_746 : i32
      %rem3A_748 = arith.remsi %add3A_667, %jit3A_731 : i32
      %ne3A_749 = arith.constant 0 : i32
      %ne3A_750 = arith.cmpi ne, %rem3A_748, %ne3A_749 : i32
      %and3A_751 = arith.andi %ne3A_747, %ne3A_750 : i1
      %sub3A_752 = arith.constant 1 : i32
      %sub3A_753 = arith.subi %div3A_732, %sub3A_752 : i32
      %select_n3A_754 = arith.select %and3A_751, %sub3A_753, %div3A_732 : i32
      %eq3A_755 = arith.constant 0 : i32
      %eq3A_756 = arith.cmpi eq, %select_n3A_730, %eq3A_755 : i32
      %broadcast_in_dim3A_757 = arith.constant 0xFF800000 : f32
      %broadcast_in_dim3A_758 = vector.broadcast %broadcast_in_dim3A_757 : f32 to vector<16xf32>
      %select_n3A_759 = arith.select %eq3A_756, %broadcast_in_dim3A_758, %scan3A_652#0 : vector<16xf32>
      %broadcast_in_dim3A_760 = arith.constant 0xFF800000 : f32
      %broadcast_in_dim3A_761 = vector.broadcast %broadcast_in_dim3A_760 : f32 to vector<16xf32>
      %select_n3A_762 = arith.select %eq3A_756, %broadcast_in_dim3A_761, %scan3A_652#1 : vector<16xf32>
      %jit3A_763 = arith.constant 16 : i32
      %div3A_764 = arith.divsi %select_n3A_754, %jit3A_763 : i32
      %sign3A_765 = arith.constant 0 : i32
      %sign3A_766 = arith.cmpi sgt, %select_n3A_754, %sign3A_765 : i32
      %sign3A_767 = arith.extui %sign3A_766 : i1 to i32
      %sign3A_768 = arith.constant 0 : i32
      %sign3A_769 = arith.cmpi slt, %select_n3A_754, %sign3A_768 : i32
      %sign3A_770 = arith.extui %sign3A_769 : i1 to i32
      %sign3A_771 = arith.subi %sign3A_767, %sign3A_770 : i32
      %sign3A_772 = arith.constant 0 : i32
      %sign3A_773 = arith.cmpi sgt, %jit3A_763, %sign3A_772 : i32
      %sign3A_774 = arith.extui %sign3A_773 : i1 to i32
      %sign3A_775 = arith.constant 0 : i32
      %sign3A_776 = arith.cmpi slt, %jit3A_763, %sign3A_775 : i32
      %sign3A_777 = arith.extui %sign3A_776 : i1 to i32
      %sign3A_778 = arith.subi %sign3A_774, %sign3A_777 : i32
      %ne3A_779 = arith.cmpi ne, %sign3A_771, %sign3A_778 : i32
      %rem3A_780 = arith.remsi %select_n3A_754, %jit3A_763 : i32
      %ne3A_781 = arith.constant 0 : i32
      %ne3A_782 = arith.cmpi ne, %rem3A_780, %ne3A_781 : i32
      %and3A_783 = arith.andi %ne3A_779, %ne3A_782 : i1
      %sub3A_784 = arith.constant 1 : i32
      %sub3A_785 = arith.subi %div3A_764, %sub3A_784 : i32
      %select_n3A_786 = arith.select %and3A_783, %sub3A_785, %div3A_764 : i32
      %mul3A_787 = arith.constant 16 : i32
      %mul3A_788 = arith.muli %select_n3A_786, %mul3A_787 : i32
      %multiple_of3A_789 = tpu.assume_multiple %mul3A_788, 16 : i32
      %get3A_790 = arith.index_cast %multiple_of3A_789 : i32 to index
      %get3A_791 = tpu.vector_load %arg10[%get3A_790] {strides = array<i32>} : memref<32xi32, #tpu.memory_space<vmem>>, vector<16xi32>,
      %sub3A_792 = arith.subi %select_n3A_754, %multiple_of3A_789 : i32
      %iota3A_793 = tpu.iota {dimensions = array<i32: 0>} : vector<16xi32>
      %eq3A_794 = vector.broadcast %sub3A_792 : i32 to vector<16xi32>
      %eq3A_795 = arith.cmpi eq, %iota3A_793, %eq3A_794 : vector<16xi32>
      %jit3A_796 = arith.constant 0 : i32
      %broadcast_in_dim3A_797 = vector.broadcast %jit3A_796 : i32 to vector<16xi32>
      %select_n3A_798 = arith.select %eq3A_795, %get3A_791, %broadcast_in_dim3A_797 : vector<16xi1>, vector<16xi32>
      %reduce_max3A_799 = arith.constant true
      %reduce_max3A_800 = vector.broadcast %reduce_max3A_799 : i1 to vector<16xi1>
      %reduce_max3A_801 = arith.constant -2147483648 : i32
      %reduce_max3A_802 = vector.broadcast %reduce_max3A_801 : i32 to vector<16xi32>
      %reduce_max3A_803 = arith.xori %select_n3A_798, %reduce_max3A_802 : vector<16xi32>
      %reduce_max3A_804 = tpu.scan <max>, %reduce_max3A_803 masked %reduce_max3A_800 : vector<16xi32>, vector<16xi1> -> vector<16xi32>
      %reduce_max3A_805 = arith.xori %reduce_max3A_804, %reduce_max3A_802 : vector<16xi32>
      %reduce_max3A_806 = vector.extract %reduce_max3A_805[15] : i32 from vector<16xi32>
      %jit3A_807 = arith.constant 20000 : i32
      %div3A_808 = arith.divsi %reduce_max3A_806, %jit3A_807 : i32
      %sign3A_809 = arith.constant 0 : i32
      %sign3A_810 = arith.cmpi sgt, %reduce_max3A_806, %sign3A_809 : i32
      %sign3A_811 = arith.extui %sign3A_810 : i1 to i32
      %sign3A_812 = arith.constant 0 : i32
      %sign3A_813 = arith.cmpi slt, %reduce_max3A_806, %sign3A_812 : i32
      %sign3A_814 = arith.extui %sign3A_813 : i1 to i32
      %sign3A_815 = arith.subi %sign3A_811, %sign3A_814 : i32
      %sign3A_816 = arith.constant 0 : i32
      %sign3A_817 = arith.cmpi sgt, %jit3A_807, %sign3A_816 : i32
      %sign3A_818 = arith.extui %sign3A_817 : i1 to i32
      %sign3A_819 = arith.constant 0 : i32
      %sign3A_820 = arith.cmpi slt, %jit3A_807, %sign3A_819 : i32
      %sign3A_821 = arith.extui %sign3A_820 : i1 to i32
      %sign3A_822 = arith.subi %sign3A_818, %sign3A_821 : i32
      %ne3A_823 = arith.cmpi ne, %sign3A_815, %sign3A_822 : i32
      %rem3A_824 = arith.remsi %reduce_max3A_806, %jit3A_807 : i32
      %ne3A_825 = arith.constant 0 : i32
      %ne3A_826 = arith.cmpi ne, %rem3A_824, %ne3A_825 : i32
      %and3A_827 = arith.andi %ne3A_823, %ne3A_826 : i1
      %sub3A_828 = arith.constant 1 : i32
      %sub3A_829 = arith.subi %div3A_808, %sub3A_828 : i32
      %select_n3A_830 = arith.select %and3A_827, %sub3A_829, %div3A_808 : i32
      %mul3A_831 = arith.constant 20000 : i32
      %mul3A_832 = arith.muli %select_n3A_830, %mul3A_831 : i32
      %sub3A_833 = arith.subi %reduce_max3A_806, %mul3A_832 : i32
      %eq3A_834 = arith.cmpi eq, %select_n3A_730, %select_n3A_830 : i32
      %convert_element_type3A_835 = arith.extui %eq3A_834 : i1 to i32
      %cond3A_836 = arith.constant 0 : i32
      %cond3A_837 = arith.cmpi ne, %convert_element_type3A_835, %cond3A_836 : i32
      scf.if %cond3A_837 {
        %jit3A_879 = arith.constant 16 : i32
        %div3A_880 = arith.divsi %sub3A_833, %jit3A_879 : i32
        %sign3A_881 = arith.constant 0 : i32
        %sign3A_882 = arith.cmpi sgt, %sub3A_833, %sign3A_881 : i32
        %sign3A_883 = arith.extui %sign3A_882 : i1 to i32
        %sign3A_884 = arith.constant 0 : i32
        %sign3A_885 = arith.cmpi slt, %sub3A_833, %sign3A_884 : i32
        %sign3A_886 = arith.extui %sign3A_885 : i1 to i32
        %sign3A_887 = arith.subi %sign3A_883, %sign3A_886 : i32
        %sign3A_888 = arith.constant 0 : i32
        %sign3A_889 = arith.cmpi sgt, %jit3A_879, %sign3A_888 : i32
        %sign3A_890 = arith.extui %sign3A_889 : i1 to i32
        %sign3A_891 = arith.constant 0 : i32
        %sign3A_892 = arith.cmpi slt, %jit3A_879, %sign3A_891 : i32
        %sign3A_893 = arith.extui %sign3A_892 : i1 to i32
        %sign3A_894 = arith.subi %sign3A_890, %sign3A_893 : i32
        %ne3A_895 = arith.cmpi ne, %sign3A_887, %sign3A_894 : i32
        %rem3A_896 = arith.remsi %sub3A_833, %jit3A_879 : i32
        %ne3A_897 = arith.constant 0 : i32
        %ne3A_898 = arith.cmpi ne, %rem3A_896, %ne3A_897 : i32
        %and3A_899 = arith.andi %ne3A_895, %ne3A_898 : i1
        %sub3A_900 = arith.constant 1 : i32
        %sub3A_901 = arith.subi %div3A_880, %sub3A_900 : i32
        %select_n3A_902 = arith.select %and3A_899, %sub3A_901, %div3A_880 : i32
        %mul3A_903 = arith.constant 16 : i32
        %mul3A_904 = arith.muli %select_n3A_902, %mul3A_903 : i32
        %multiple_of3A_905 = tpu.assume_multiple %mul3A_904, 16 : i32
        %sub3A_906 = arith.subi %sub3A_833, %multiple_of3A_905 : i32
        %get3A_907 = arith.index_cast %multiple_of3A_905 : i32 to index
        %get3A_908 = tpu.vector_load %arg8[%get3A_907] {strides = array<i32>} : memref<20000xf32, #tpu.memory_space<vmem>>, vector<16xf32>,
        %iota3A_909 = tpu.iota {dimensions = array<i32: 0>} : vector<16xi32>
        %eq3A_910 = vector.broadcast %sub3A_906 : i32 to vector<16xi32>
        %eq3A_911 = arith.cmpi eq, %iota3A_909, %eq3A_910 : vector<16xi32>
        %neg3A = arith.constant 0.000000e+00 : f32
        %neg3A_912 = vector.broadcast %neg3A : f32 to vector<16xf32>
        %neg3A_913 = arith.subf %neg3A_912, %get3A_908 : vector<16xf32>
        %select_n3A_914 = arith.select %eq3A_911, %neg3A_913, %get3A_908 : vector<16xi1>, vector<16xf32>
        %swap3A = arith.index_cast %multiple_of3A_905 : i32 to index
        %swap3A_915 = tpu.vector_load %arg8[%swap3A] {strides = array<i32>} : memref<20000xf32, #tpu.memory_space<vmem>>, vector<16xf32>,
        tpu.vector_store %arg8[%swap3A], %select_n3A_914 {strides = array<i32>} : memref<20000xf32, #tpu.memory_space<vmem>>, vector<16xf32>,
      } else {
      }
      %broadcast_in_dim3A_838 = arith.constant 0xFF800000 : f32
      %broadcast_in_dim3A_839 = vector.broadcast %broadcast_in_dim3A_838 : f32 to vector<16xf32>
      %parallel_loop3A_840 = arith.constant 0 : i32
      %parallel_loop3A_841 = arith.constant 125 : i32
      %parallel_loop3A_842 = arith.constant 1 : i32
      %parallel_loop3A_843 = scf.for %parallel_loop3A_879 = %parallel_loop3A_840 to %parallel_loop3A_841 step %parallel_loop3A_842 iter_args(%parallel_loop3A_880 = %broadcast_in_dim3A_839) -> (vector<16xf32>)  : i32 {
        %parallel_loop3A_881 = arith.constant 160 : i32
        %parallel_loop3A_882 = arith.muli %parallel_loop3A_879, %parallel_loop3A_881 : i32
        %parallel_loop3A_883 = arith.constant 0 : i32
        %parallel_loop3A_884 = arith.addi %parallel_loop3A_882, %parallel_loop3A_883 : i32
        %parallel_loop3A_885 = arith.index_cast %parallel_loop3A_884 : i32 to index
        %parallel_loop3A_886 = tpu.vector_load %arg8[%parallel_loop3A_885] {strides = array<i32>} : memref<20000xf32, #tpu.memory_space<vmem>>, vector<16xf32>,
        %parallel_loop3A_887 = arith.constant 160 : i32
        %parallel_loop3A_888 = arith.muli %parallel_loop3A_879, %parallel_loop3A_887 : i32
        %parallel_loop3A_889 = arith.constant 16 : i32
        %parallel_loop3A_890 = arith.addi %parallel_loop3A_888, %parallel_loop3A_889 : i32
        %parallel_loop3A_891 = arith.index_cast %parallel_loop3A_890 : i32 to index
        %parallel_loop3A_892 = tpu.vector_load %arg8[%parallel_loop3A_891] {strides = array<i32>} : memref<20000xf32, #tpu.memory_space<vmem>>, vector<16xf32>,
        %parallel_loop3A_893 = arith.constant 160 : i32
        %parallel_loop3A_894 = arith.muli %parallel_loop3A_879, %parallel_loop3A_893 : i32
        %parallel_loop3A_895 = arith.constant 32 : i32
        %parallel_loop3A_896 = arith.addi %parallel_loop3A_894, %parallel_loop3A_895 : i32
        %parallel_loop3A_897 = arith.index_cast %parallel_loop3A_896 : i32 to index
        %parallel_loop3A_898 = tpu.vector_load %arg8[%parallel_loop3A_897] {strides = array<i32>} : memref<20000xf32, #tpu.memory_space<vmem>>, vector<16xf32>,
        %parallel_loop3A_899 = arith.constant 160 : i32
        %parallel_loop3A_900 = arith.muli %parallel_loop3A_879, %parallel_loop3A_899 : i32
        %parallel_loop3A_901 = arith.constant 48 : i32
        %parallel_loop3A_902 = arith.addi %parallel_loop3A_900, %parallel_loop3A_901 : i32
        %parallel_loop3A_903 = arith.index_cast %parallel_loop3A_902 : i32 to index
        %parallel_loop3A_904 = tpu.vector_load %arg8[%parallel_loop3A_903] {strides = array<i32>} : memref<20000xf32, #tpu.memory_space<vmem>>, vector<16xf32>,
        %parallel_loop3A_905 = arith.constant 160 : i32
        %parallel_loop3A_906 = arith.muli %parallel_loop3A_879, %parallel_loop3A_905 : i32
        %parallel_loop3A_907 = arith.constant 64 : i32
        %parallel_loop3A_908 = arith.addi %parallel_loop3A_906, %parallel_loop3A_907 : i32
        %parallel_loop3A_909 = arith.index_cast %parallel_loop3A_908 : i32 to index
        %parallel_loop3A_910 = tpu.vector_load %arg8[%parallel_loop3A_909] {strides = array<i32>} : memref<20000xf32, #tpu.memory_space<vmem>>, vector<16xf32>,
        %parallel_loop3A_911 = arith.constant 160 : i32
        %parallel_loop3A_912 = arith.muli %parallel_loop3A_879, %parallel_loop3A_911 : i32
        %parallel_loop3A_913 = arith.constant 80 : i32
        %parallel_loop3A_914 = arith.addi %parallel_loop3A_912, %parallel_loop3A_913 : i32
        %parallel_loop3A_915 = arith.index_cast %parallel_loop3A_914 : i32 to index
        %parallel_loop3A_916 = tpu.vector_load %arg8[%parallel_loop3A_915] {strides = array<i32>} : memref<20000xf32, #tpu.memory_space<vmem>>, vector<16xf32>,
        %parallel_loop3A_917 = arith.constant 160 : i32
        %parallel_loop3A_918 = arith.muli %parallel_loop3A_879, %parallel_loop3A_917 : i32
        %parallel_loop3A_919 = arith.constant 96 : i32
        %parallel_loop3A_920 = arith.addi %parallel_loop3A_918, %parallel_loop3A_919 : i32
        %parallel_loop3A_921 = arith.index_cast %parallel_loop3A_920 : i32 to index
        %parallel_loop3A_922 = tpu.vector_load %arg8[%parallel_loop3A_921] {strides = array<i32>} : memref<20000xf32, #tpu.memory_space<vmem>>, vector<16xf32>,
        %parallel_loop3A_923 = arith.constant 160 : i32
        %parallel_loop3A_924 = arith.muli %parallel_loop3A_879, %parallel_loop3A_923 : i32
        %parallel_loop3A_925 = arith.constant 112 : i32
        %parallel_loop3A_926 = arith.addi %parallel_loop3A_924, %parallel_loop3A_925 : i32
        %parallel_loop3A_927 = arith.index_cast %parallel_loop3A_926 : i32 to index
        %parallel_loop3A_928 = tpu.vector_load %arg8[%parallel_loop3A_927] {strides = array<i32>} : memref<20000xf32, #tpu.memory_space<vmem>>, vector<16xf32>,
        %parallel_loop3A_929 = arith.constant 160 : i32
        %parallel_loop3A_930 = arith.muli %parallel_loop3A_879, %parallel_loop3A_929 : i32
        %parallel_loop3A_931 = arith.constant 128 : i32
        %parallel_loop3A_932 = arith.addi %parallel_loop3A_930, %parallel_loop3A_931 : i32
        %parallel_loop3A_933 = arith.index_cast %parallel_loop3A_932 : i32 to index
        %parallel_loop3A_934 = tpu.vector_load %arg8[%parallel_loop3A_933] {strides = array<i32>} : memref<20000xf32, #tpu.memory_space<vmem>>, vector<16xf32>,
        %parallel_loop3A_935 = arith.constant 160 : i32
        %parallel_loop3A_936 = arith.muli %parallel_loop3A_879, %parallel_loop3A_935 : i32
        %parallel_loop3A_937 = arith.constant 144 : i32
        %parallel_loop3A_938 = arith.addi %parallel_loop3A_936, %parallel_loop3A_937 : i32
        %parallel_loop3A_939 = arith.index_cast %parallel_loop3A_938 : i32 to index
        %parallel_loop3A_940 = tpu.vector_load %arg8[%parallel_loop3A_939] {strides = array<i32>} : memref<20000xf32, #tpu.memory_space<vmem>>, vector<16xf32>,
        %parallel_loop3A_941 = arith.maximumf %parallel_loop3A_886, %parallel_loop3A_892 : vector<16xf32>
        %parallel_loop3A_942 = arith.maximumf %parallel_loop3A_898, %parallel_loop3A_904 : vector<16xf32>
        %parallel_loop3A_943 = arith.maximumf %parallel_loop3A_910, %parallel_loop3A_916 : vector<16xf32>
        %parallel_loop3A_944 = arith.maximumf %parallel_loop3A_922, %parallel_loop3A_928 : vector<16xf32>
        %parallel_loop3A_945 = arith.maximumf %parallel_loop3A_934, %parallel_loop3A_940 : vector<16xf32>
        %parallel_loop3A_946 = arith.maximumf %parallel_loop3A_941, %parallel_loop3A_942 : vector<16xf32>
        %parallel_loop3A_947 = arith.maximumf %parallel_loop3A_943, %parallel_loop3A_944 : vector<16xf32>
        %parallel_loop3A_948 = arith.maximumf %parallel_loop3A_946, %parallel_loop3A_947 : vector<16xf32>
        %parallel_loop3A_949 = arith.maximumf %parallel_loop3A_948, %parallel_loop3A_945 : vector<16xf32>
        %parallel_loop3A_950 = arith.constant 16 : i32
        %parallel_loop3A_951 = arith.muli %parallel_loop3A_879, %parallel_loop3A_950 : i32
        %parallel_loop3A_952 = arith.index_cast %parallel_loop3A_951 : i32 to index
        %parallel_loop3A_953 = tpu.vector_load %arg9[%parallel_loop3A_952] {strides = array<i32>} : memref<2000xf32, #tpu.memory_space<vmem>>, vector<16xf32>,
        tpu.vector_store %arg9[%parallel_loop3A_952], %parallel_loop3A_949 {strides = array<i32>} : memref<2000xf32, #tpu.memory_space<vmem>>, vector<16xf32>,
        %parallel_loop3A_954 = arith.maximumf %parallel_loop3A_880, %parallel_loop3A_949 : vector<16xf32>
        scf.yield %parallel_loop3A_954 : vector<16xf32>
      } {sc.loop_unroll_factor = 5 : i64, sc.parallel_access}
      %masked_sort3A_844 = arith.constant dense<true> : vector<16xi1>
      %masked_sort3A_845, %masked_sort3A_846, %masked_sort3A_847 = tpu.sort %parallel_loop3A_843, %parallel_loop3A_843 masked %masked_sort3A_844 : (vector<16xf32>, vector<16xf32>, vector<16xi1>) -> (vector<16xi1>, vector<16xf32>, vector<16xf32>)
      %iota3A_848 = tpu.iota {dimensions = array<i32: 0>} : vector<16xi32>
      %eq3A_849 = arith.constant 6 : i32
      %eq3A_850 = vector.broadcast %eq3A_849 : i32 to vector<16xi32>
      %eq3A_851 = arith.cmpi eq, %iota3A_848, %eq3A_850 : vector<16xi32>
      %jit3A_852 = arith.constant 0xFF800000 : f32
      %broadcast_in_dim3A_853 = vector.broadcast %jit3A_852 : f32 to vector<16xf32>
      %select_n3A_854 = arith.select %eq3A_851, %masked_sort3A_846, %broadcast_in_dim3A_853 : vector<16xi1>, vector<16xf32>
      %reduce_max3A_855 = arith.constant true
      %reduce_max3A_856 = vector.broadcast %reduce_max3A_855 : i1 to vector<16xi1>
      %reduce_max3A_857 = tpu.scan <max>, %select_n3A_854 masked %reduce_max3A_856 : vector<16xf32>, vector<16xi1> -> vector<16xf32>
      %reduce_max3A_858 = vector.extract %reduce_max3A_857[15] : f32 from vector<16xf32>
      %broadcast_in_dim3A_859 = vector.broadcast %reduce_max3A_858 : f32 to vector<16xf32>
      %max3A_860 = arith.maximumf %select_n3A_762, %broadcast_in_dim3A_859 : vector<16xf32>
      %scan3A_861 = arith.constant 0 : i32
      %scan3A_862 = arith.constant 5 : i32
      %scan3A_863 = arith.addi %scan3A_861, %scan3A_862 : i32
      %scan3A_864 = arith.constant 1 : i32
      %scan3A_865:2 = scf.for %scan3A_879 = %scan3A_861 to %scan3A_863 step %scan3A_864 iter_args(%scan3A_880 = %select_n3A_759, %scan3A_881 = %max3A_860) -> (vector<16xf32>, vector<16xf32>)  : i32 {
        %mul3A_882 = arith.constant 25 : i32
        %mul3A_883 = arith.muli %scan3A_879, %mul3A_882 : i32
        %add3A_884 = arith.constant 0 : i32
        %add3A_885 = arith.addi %mul3A_883, %add3A_884 : i32
        %mul3A_886 = arith.constant 16 : i32
        %mul3A_887 = arith.muli %add3A_885, %mul3A_886 : i32
        %get3A_888 = arith.index_cast %mul3A_887 : i32 to index
        %get3A_889 = tpu.vector_load %arg9[%get3A_888] {strides = array<i32>} : memref<2000xf32, #tpu.memory_space<vmem>>, vector<16xf32>,
        %mul3A_890 = arith.constant 25 : i32
        %mul3A_891 = arith.muli %scan3A_879, %mul3A_890 : i32
        %add3A_892 = arith.constant 1 : i32
        %add3A_893 = arith.addi %mul3A_891, %add3A_892 : i32
        %mul3A_894 = arith.constant 16 : i32
        %mul3A_895 = arith.muli %add3A_893, %mul3A_894 : i32
        %get3A_896 = arith.index_cast %mul3A_895 : i32 to index
        %get3A_897 = tpu.vector_load %arg9[%get3A_896] {strides = array<i32>} : memref<2000xf32, #tpu.memory_space<vmem>>, vector<16xf32>,
        %mul3A_898 = arith.constant 25 : i32
        %mul3A_899 = arith.muli %scan3A_879, %mul3A_898 : i32
        %add3A_900 = arith.constant 2 : i32
        %add3A_901 = arith.addi %mul3A_899, %add3A_900 : i32
        %mul3A_902 = arith.constant 16 : i32
        %mul3A_903 = arith.muli %add3A_901, %mul3A_902 : i32
        %get3A_904 = arith.index_cast %mul3A_903 : i32 to index
        %get3A_905 = tpu.vector_load %arg9[%get3A_904] {strides = array<i32>} : memref<2000xf32, #tpu.memory_space<vmem>>, vector<16xf32>,
        %mul3A_906 = arith.constant 25 : i32
        %mul3A_907 = arith.muli %scan3A_879, %mul3A_906 : i32
        %add3A_908 = arith.constant 3 : i32
        %add3A_909 = arith.addi %mul3A_907, %add3A_908 : i32
        %mul3A_910 = arith.constant 16 : i32
        %mul3A_911 = arith.muli %add3A_909, %mul3A_910 : i32
        %get3A_912 = arith.index_cast %mul3A_911 : i32 to index
        %get3A_913 = tpu.vector_load %arg9[%get3A_912] {strides = array<i32>} : memref<2000xf32, #tpu.memory_space<vmem>>, vector<16xf32>,
        %mul3A_914 = arith.constant 25 : i32
        %mul3A_915 = arith.muli %scan3A_879, %mul3A_914 : i32
        %add3A_916 = arith.constant 4 : i32
        %add3A_917 = arith.addi %mul3A_915, %add3A_916 : i32
        %mul3A_918 = arith.constant 16 : i32
        %mul3A_919 = arith.muli %add3A_917, %mul3A_918 : i32
        %get3A_920 = arith.index_cast %mul3A_919 : i32 to index
        %get3A_921 = tpu.vector_load %arg9[%get3A_920] {strides = array<i32>} : memref<2000xf32, #tpu.memory_space<vmem>>, vector<16xf32>,
        %mul3A_922 = arith.constant 25 : i32
        %mul3A_923 = arith.muli %scan3A_879, %mul3A_922 : i32
        %add3A_924 = arith.constant 5 : i32
        %add3A_925 = arith.addi %mul3A_923, %add3A_924 : i32
        %mul3A_926 = arith.constant 16 : i32
        %mul3A_927 = arith.muli %add3A_925, %mul3A_926 : i32
        %get3A_928 = arith.index_cast %mul3A_927 : i32 to index
        %get3A_929 = tpu.vector_load %arg9[%get3A_928] {strides = array<i32>} : memref<2000xf32, #tpu.memory_space<vmem>>, vector<16xf32>,
        %mul3A_930 = arith.constant 25 : i32
        %mul3A_931 = arith.muli %scan3A_879, %mul3A_930 : i32
        %add3A_932 = arith.constant 6 : i32
        %add3A_933 = arith.addi %mul3A_931, %add3A_932 : i32
        %mul3A_934 = arith.constant 16 : i32
        %mul3A_935 = arith.muli %add3A_933, %mul3A_934 : i32
        %get3A_936 = arith.index_cast %mul3A_935 : i32 to index
        %get3A_937 = tpu.vector_load %arg9[%get3A_936] {strides = array<i32>} : memref<2000xf32, #tpu.memory_space<vmem>>, vector<16xf32>,
        %mul3A_938 = arith.constant 25 : i32
        %mul3A_939 = arith.muli %scan3A_879, %mul3A_938 : i32
        %add3A_940 = arith.constant 7 : i32
        %add3A_941 = arith.addi %mul3A_939, %add3A_940 : i32
        %mul3A_942 = arith.constant 16 : i32
        %mul3A_943 = arith.muli %add3A_941, %mul3A_942 : i32
        %get3A_944 = arith.index_cast %mul3A_943 : i32 to index
        %get3A_945 = tpu.vector_load %arg9[%get3A_944] {strides = array<i32>} : memref<2000xf32, #tpu.memory_space<vmem>>, vector<16xf32>,
        %mul3A_946 = arith.constant 25 : i32
        %mul3A_947 = arith.muli %scan3A_879, %mul3A_946 : i32
        %add3A_948 = arith.constant 8 : i32
        %add3A_949 = arith.addi %mul3A_947, %add3A_948 : i32
        %mul3A_950 = arith.constant 16 : i32
        %mul3A_951 = arith.muli %add3A_949, %mul3A_950 : i32
        %get3A_952 = arith.index_cast %mul3A_951 : i32 to index
        %get3A_953 = tpu.vector_load %arg9[%get3A_952] {strides = array<i32>} : memref<2000xf32, #tpu.memory_space<vmem>>, vector<16xf32>,
        %mul3A_954 = arith.constant 25 : i32
        %mul3A_955 = arith.muli %scan3A_879, %mul3A_954 : i32
        %add3A_956 = arith.constant 9 : i32
        %add3A_957 = arith.addi %mul3A_955, %add3A_956 : i32
        %mul3A_958 = arith.constant 16 : i32
        %mul3A_959 = arith.muli %add3A_957, %mul3A_958 : i32
        %get3A_960 = arith.index_cast %mul3A_959 : i32 to index
        %get3A_961 = tpu.vector_load %arg9[%get3A_960] {strides = array<i32>} : memref<2000xf32, #tpu.memory_space<vmem>>, vector<16xf32>,
        %mul3A_962 = arith.constant 25 : i32
        %mul3A_963 = arith.muli %scan3A_879, %mul3A_962 : i32
        %add3A_964 = arith.constant 10 : i32
        %add3A_965 = arith.addi %mul3A_963, %add3A_964 : i32
        %mul3A_966 = arith.constant 16 : i32
        %mul3A_967 = arith.muli %add3A_965, %mul3A_966 : i32
        %get3A_968 = arith.index_cast %mul3A_967 : i32 to index
        %get3A_969 = tpu.vector_load %arg9[%get3A_968] {strides = array<i32>} : memref<2000xf32, #tpu.memory_space<vmem>>, vector<16xf32>,
        %mul3A_970 = arith.constant 25 : i32
        %mul3A_971 = arith.muli %scan3A_879, %mul3A_970 : i32
        %add3A_972 = arith.constant 11 : i32
        %add3A_973 = arith.addi %mul3A_971, %add3A_972 : i32
        %mul3A_974 = arith.constant 16 : i32
        %mul3A_975 = arith.muli %add3A_973, %mul3A_974 : i32
        %get3A_976 = arith.index_cast %mul3A_975 : i32 to index
        %get3A_977 = tpu.vector_load %arg9[%get3A_976] {strides = array<i32>} : memref<2000xf32, #tpu.memory_space<vmem>>, vector<16xf32>,
        %mul3A_978 = arith.constant 25 : i32
        %mul3A_979 = arith.muli %scan3A_879, %mul3A_978 : i32
        %add3A_980 = arith.constant 12 : i32
        %add3A_981 = arith.addi %mul3A_979, %add3A_980 : i32
        %mul3A_982 = arith.constant 16 : i32
        %mul3A_983 = arith.muli %add3A_981, %mul3A_982 : i32
        %get3A_984 = arith.index_cast %mul3A_983 : i32 to index
        %get3A_985 = tpu.vector_load %arg9[%get3A_984] {strides = array<i32>} : memref<2000xf32, #tpu.memory_space<vmem>>, vector<16xf32>,
        %mul3A_986 = arith.constant 25 : i32
        %mul3A_987 = arith.muli %scan3A_879, %mul3A_986 : i32
        %add3A_988 = arith.constant 13 : i32
        %add3A_989 = arith.addi %mul3A_987, %add3A_988 : i32
        %mul3A_990 = arith.constant 16 : i32
        %mul3A_991 = arith.muli %add3A_989, %mul3A_990 : i32
        %get3A_992 = arith.index_cast %mul3A_991 : i32 to index
        %get3A_993 = tpu.vector_load %arg9[%get3A_992] {strides = array<i32>} : memref<2000xf32, #tpu.memory_space<vmem>>, vector<16xf32>,
        %mul3A_994 = arith.constant 25 : i32
        %mul3A_995 = arith.muli %scan3A_879, %mul3A_994 : i32
        %add3A_996 = arith.constant 14 : i32
        %add3A_997 = arith.addi %mul3A_995, %add3A_996 : i32
        %mul3A_998 = arith.constant 16 : i32
        %mul3A_999 = arith.muli %add3A_997, %mul3A_998 : i32
        %get3A_1000 = arith.index_cast %mul3A_999 : i32 to index
        %get3A_1001 = tpu.vector_load %arg9[%get3A_1000] {strides = array<i32>} : memref<2000xf32, #tpu.memory_space<vmem>>, vector<16xf32>,
        %mul3A_1002 = arith.constant 25 : i32
        %mul3A_1003 = arith.muli %scan3A_879, %mul3A_1002 : i32
        %add3A_1004 = arith.constant 15 : i32
        %add3A_1005 = arith.addi %mul3A_1003, %add3A_1004 : i32
        %mul3A_1006 = arith.constant 16 : i32
        %mul3A_1007 = arith.muli %add3A_1005, %mul3A_1006 : i32
        %get3A_1008 = arith.index_cast %mul3A_1007 : i32 to index
        %get3A_1009 = tpu.vector_load %arg9[%get3A_1008] {strides = array<i32>} : memref<2000xf32, #tpu.memory_space<vmem>>, vector<16xf32>,
        %mul3A_1010 = arith.constant 25 : i32
        %mul3A_1011 = arith.muli %scan3A_879, %mul3A_1010 : i32
        %add3A_1012 = arith.constant 16 : i32
        %add3A_1013 = arith.addi %mul3A_1011, %add3A_1012 : i32
        %mul3A_1014 = arith.constant 16 : i32
        %mul3A_1015 = arith.muli %add3A_1013, %mul3A_1014 : i32
        %get3A_1016 = arith.index_cast %mul3A_1015 : i32 to index
        %get3A_1017 = tpu.vector_load %arg9[%get3A_1016] {strides = array<i32>} : memref<2000xf32, #tpu.memory_space<vmem>>, vector<16xf32>,
        %mul3A_1018 = arith.constant 25 : i32
        %mul3A_1019 = arith.muli %scan3A_879, %mul3A_1018 : i32
        %add3A_1020 = arith.constant 17 : i32
        %add3A_1021 = arith.addi %mul3A_1019, %add3A_1020 : i32
        %mul3A_1022 = arith.constant 16 : i32
        %mul3A_1023 = arith.muli %add3A_1021, %mul3A_1022 : i32
        %get3A_1024 = arith.index_cast %mul3A_1023 : i32 to index
        %get3A_1025 = tpu.vector_load %arg9[%get3A_1024] {strides = array<i32>} : memref<2000xf32, #tpu.memory_space<vmem>>, vector<16xf32>,
        %mul3A_1026 = arith.constant 25 : i32
        %mul3A_1027 = arith.muli %scan3A_879, %mul3A_1026 : i32
        %add3A_1028 = arith.constant 18 : i32
        %add3A_1029 = arith.addi %mul3A_1027, %add3A_1028 : i32
        %mul3A_1030 = arith.constant 16 : i32
        %mul3A_1031 = arith.muli %add3A_1029, %mul3A_1030 : i32
        %get3A_1032 = arith.index_cast %mul3A_1031 : i32 to index
        %get3A_1033 = tpu.vector_load %arg9[%get3A_1032] {strides = array<i32>} : memref<2000xf32, #tpu.memory_space<vmem>>, vector<16xf32>,
        %mul3A_1034 = arith.constant 25 : i32
        %mul3A_1035 = arith.muli %scan3A_879, %mul3A_1034 : i32
        %add3A_1036 = arith.constant 19 : i32
        %add3A_1037 = arith.addi %mul3A_1035, %add3A_1036 : i32
        %mul3A_1038 = arith.constant 16 : i32
        %mul3A_1039 = arith.muli %add3A_1037, %mul3A_1038 : i32
        %get3A_1040 = arith.index_cast %mul3A_1039 : i32 to index
        %get3A_1041 = tpu.vector_load %arg9[%get3A_1040] {strides = array<i32>} : memref<2000xf32, #tpu.memory_space<vmem>>, vector<16xf32>,
        %mul3A_1042 = arith.constant 25 : i32
        %mul3A_1043 = arith.muli %scan3A_879, %mul3A_1042 : i32
        %add3A_1044 = arith.constant 20 : i32
        %add3A_1045 = arith.addi %mul3A_1043, %add3A_1044 : i32
        %mul3A_1046 = arith.constant 16 : i32
        %mul3A_1047 = arith.muli %add3A_1045, %mul3A_1046 : i32
        %get3A_1048 = arith.index_cast %mul3A_1047 : i32 to index
        %get3A_1049 = tpu.vector_load %arg9[%get3A_1048] {strides = array<i32>} : memref<2000xf32, #tpu.memory_space<vmem>>, vector<16xf32>,
        %mul3A_1050 = arith.constant 25 : i32
        %mul3A_1051 = arith.muli %scan3A_879, %mul3A_1050 : i32
        %add3A_1052 = arith.constant 21 : i32
        %add3A_1053 = arith.addi %mul3A_1051, %add3A_1052 : i32
        %mul3A_1054 = arith.constant 16 : i32
        %mul3A_1055 = arith.muli %add3A_1053, %mul3A_1054 : i32
        %get3A_1056 = arith.index_cast %mul3A_1055 : i32 to index
        %get3A_1057 = tpu.vector_load %arg9[%get3A_1056] {strides = array<i32>} : memref<2000xf32, #tpu.memory_space<vmem>>, vector<16xf32>,
        %mul3A_1058 = arith.constant 25 : i32
        %mul3A_1059 = arith.muli %scan3A_879, %mul3A_1058 : i32
        %add3A_1060 = arith.constant 22 : i32
        %add3A_1061 = arith.addi %mul3A_1059, %add3A_1060 : i32
        %mul3A_1062 = arith.constant 16 : i32
        %mul3A_1063 = arith.muli %add3A_1061, %mul3A_1062 : i32
        %get3A_1064 = arith.index_cast %mul3A_1063 : i32 to index
        %get3A_1065 = tpu.vector_load %arg9[%get3A_1064] {strides = array<i32>} : memref<2000xf32, #tpu.memory_space<vmem>>, vector<16xf32>,
        %mul3A_1066 = arith.constant 25 : i32
        %mul3A_1067 = arith.muli %scan3A_879, %mul3A_1066 : i32
        %add3A_1068 = arith.constant 23 : i32
        %add3A_1069 = arith.addi %mul3A_1067, %add3A_1068 : i32
        %mul3A_1070 = arith.constant 16 : i32
        %mul3A_1071 = arith.muli %add3A_1069, %mul3A_1070 : i32
        %get3A_1072 = arith.index_cast %mul3A_1071 : i32 to index
        %get3A_1073 = tpu.vector_load %arg9[%get3A_1072] {strides = array<i32>} : memref<2000xf32, #tpu.memory_space<vmem>>, vector<16xf32>,
        %mul3A_1074 = arith.constant 25 : i32
        %mul3A_1075 = arith.muli %scan3A_879, %mul3A_1074 : i32
        %add3A_1076 = arith.constant 24 : i32
        %add3A_1077 = arith.addi %mul3A_1075, %add3A_1076 : i32
        %mul3A_1078 = arith.constant 16 : i32
        %mul3A_1079 = arith.muli %add3A_1077, %mul3A_1078 : i32
        %get3A_1080 = arith.index_cast %mul3A_1079 : i32 to index
        %get3A_1081 = tpu.vector_load %arg9[%get3A_1080] {strides = array<i32>} : memref<2000xf32, #tpu.memory_space<vmem>>, vector<16xf32>,
        %max3A_1082 = arith.maximumf %get3A_889, %get3A_897 : vector<16xf32>
        %max3A_1083 = arith.maximumf %get3A_905, %get3A_913 : vector<16xf32>
        %max3A_1084 = arith.maximumf %get3A_921, %get3A_929 : vector<16xf32>
        %max3A_1085 = arith.maximumf %get3A_937, %get3A_945 : vector<16xf32>
        %max3A_1086 = arith.maximumf %get3A_953, %get3A_961 : vector<16xf32>
        %max3A_1087 = arith.maximumf %get3A_969, %get3A_977 : vector<16xf32>
        %max3A_1088 = arith.maximumf %get3A_985, %get3A_993 : vector<16xf32>
        %max3A_1089 = arith.maximumf %get3A_1001, %get3A_1009 : vector<16xf32>
        %max3A_1090 = arith.maximumf %get3A_1017, %get3A_1025 : vector<16xf32>
        %max3A_1091 = arith.maximumf %get3A_1033, %get3A_1041 : vector<16xf32>
        %max3A_1092 = arith.maximumf %get3A_1049, %get3A_1057 : vector<16xf32>
        %max3A_1093 = arith.maximumf %get3A_1065, %get3A_1073 : vector<16xf32>
        %max3A_1094 = arith.maximumf %max3A_1082, %max3A_1083 : vector<16xf32>
        %max3A_1095 = arith.maximumf %max3A_1084, %max3A_1085 : vector<16xf32>
        %max3A_1096 = arith.maximumf %max3A_1086, %max3A_1087 : vector<16xf32>
        %max3A_1097 = arith.maximumf %max3A_1088, %max3A_1089 : vector<16xf32>
        %max3A_1098 = arith.maximumf %max3A_1090, %max3A_1091 : vector<16xf32>
        %max3A_1099 = arith.maximumf %max3A_1092, %max3A_1093 : vector<16xf32>
        %max3A_1100 = arith.maximumf %max3A_1094, %max3A_1095 : vector<16xf32>
        %max3A_1101 = arith.maximumf %max3A_1096, %max3A_1097 : vector<16xf32>
        %max3A_1102 = arith.maximumf %max3A_1098, %max3A_1099 : vector<16xf32>
        %max3A_1103 = arith.maximumf %max3A_1100, %max3A_1101 : vector<16xf32>
        %max3A_1104 = arith.maximumf %max3A_1102, %get3A_1081 : vector<16xf32>
        %max3A_1105 = arith.maximumf %max3A_1103, %max3A_1104 : vector<16xf32>
        %ge3A = arith.cmpf oge, %max3A_1105, %scan3A_881 : vector<16xf32>
        %all_reduce_population_count3A = tpu.all_reduce %ge3A {dim = 0 : i64, kind = #tpu.reduction_kind<sum>} : vector<16xi1> -> vector<16xi32>
        %slice3A = vector.extract_strided_slice %all_reduce_population_count3A {offsets = [0], sizes = [1], strides = [1]} : vector<16xi32> to vector<1xi32>
        %squeeze3A = vector.extract %slice3A[0] : i32 from vector<1xi32>
        %gt3A = arith.constant 0 : i32
        %gt3A_1106 = arith.cmpi sgt, %squeeze3A, %gt3A : i32
        %convert_element_type3A_1107 = arith.extui %gt3A_1106 : i1 to i32
        %cond3A_1108 = arith.constant 0 : i32
        %cond3A_1109 = arith.cmpi ne, %convert_element_type3A_1107, %cond3A_1108 : i32
        %cond3A_1110:2 = scf.if %cond3A_1109 -> (vector<16xf32>, vector<16xf32>) {
          %scan3A_1111 = arith.constant 0 : i32
          %scan3A_1112 = arith.constant 25 : i32
          %scan3A_1113 = arith.addi %scan3A_1111, %scan3A_1112 : i32
          %scan3A_1114 = arith.constant 1 : i32
          %scan3A_1115:2 = scf.for %scan3A_1117 = %scan3A_1111 to %scan3A_1113 step %scan3A_1114 iter_args(%scan3A_1118 = %scan3A_880, %scan3A_1119 = %scan3A_881) -> (vector<16xf32>, vector<16xf32>)  : i32 {
            %mul3A_1120 = arith.constant 25 : i32
            %mul3A_1121 = arith.muli %scan3A_879, %mul3A_1120 : i32
            %add3A_1122 = arith.addi %mul3A_1121, %scan3A_1117 : i32
            %mul3A_1123 = arith.constant 10 : i32
            %mul3A_1124 = arith.muli %add3A_1122, %mul3A_1123 : i32
            %mul3A_1125 = arith.constant 16 : i32
            %mul3A_1126 = arith.muli %mul3A_1124, %mul3A_1125 : i32
            %mul3A_1127 = arith.constant 25 : i32
            %mul3A_1128 = arith.muli %scan3A_879, %mul3A_1127 : i32
            %add3A_1129 = arith.addi %mul3A_1128, %scan3A_1117 : i32
            %mul3A_1130 = arith.constant 16 : i32
            %mul3A_1131 = arith.muli %add3A_1129, %mul3A_1130 : i32
            %get3A_1132 = arith.index_cast %mul3A_1131 : i32 to index
            %get3A_1133 = tpu.vector_load %arg9[%get3A_1132] {strides = array<i32>} : memref<2000xf32, #tpu.memory_space<vmem>>, vector<16xf32>,
            %ge3A_1134 = arith.cmpf oge, %get3A_1133, %scan3A_1119 : vector<16xf32>
            %all_reduce_population_count3A_1135 = tpu.all_reduce %ge3A_1134 {dim = 0 : i64, kind = #tpu.reduction_kind<sum>} : vector<16xi1> -> vector<16xi32>
            %slice3A_1136 = vector.extract_strided_slice %all_reduce_population_count3A_1135 {offsets = [0], sizes = [1], strides = [1]} : vector<16xi32> to vector<1xi32>
            %squeeze3A_1137 = vector.extract %slice3A_1136[0] : i32 from vector<1xi32>
            %gt3A_1138 = arith.constant 0 : i32
            %gt3A_1139 = arith.cmpi sgt, %squeeze3A_1137, %gt3A_1138 : i32
            %convert_element_type3A_1140 = arith.extui %gt3A_1139 : i1 to i32
            %cond3A_1141 = arith.constant 0 : i32
            %cond3A_1142 = arith.cmpi ne, %convert_element_type3A_1140, %cond3A_1141 : i32
            %cond3A_1143:2 = scf.if %cond3A_1142 -> (vector<16xf32>, vector<16xf32>) {
              %mul3A_1144 = arith.constant 25 : i32
              %mul3A_1145 = arith.muli %scan3A_879, %mul3A_1144 : i32
              %add3A_1146 = arith.addi %mul3A_1145, %scan3A_1117 : i32
              %mul3A_1147 = arith.constant 16 : i32
              %mul3A_1148 = arith.muli %add3A_1146, %mul3A_1147 : i32
              %get3A_1149 = arith.index_cast %mul3A_1148 : i32 to index
              %get3A_1150 = tpu.vector_load %arg9[%get3A_1149] {strides = array<i32>} : memref<2000xf32, #tpu.memory_space<vmem>>, vector<16xf32>,
              %ge3A_1151 = arith.cmpf oge, %get3A_1150, %scan3A_1119 : vector<16xf32>
              %all_reduce_population_count3A_1152 = tpu.all_reduce %ge3A_1151 {dim = 0 : i64, kind = #tpu.reduction_kind<sum>} : vector<16xi1> -> vector<16xi32>
              %slice3A_1153 = vector.extract_strided_slice %all_reduce_population_count3A_1152 {offsets = [0], sizes = [1], strides = [1]} : vector<16xi32> to vector<1xi32>
              %squeeze3A_1154 = vector.extract %slice3A_1153[0] : i32 from vector<1xi32>
              %gt3A_1155 = arith.constant 0 : i32
              %gt3A_1156 = arith.cmpi sgt, %squeeze3A_1154, %gt3A_1155 : i32
              %convert_element_type3A_1157 = arith.extui %gt3A_1156 : i1 to i32
              %cond3A_1158 = arith.constant 0 : i32
              %cond3A_1159 = arith.cmpi ne, %convert_element_type3A_1157, %cond3A_1158 : i32
              %cond3A_1160:2 = scf.if %cond3A_1159 -> (vector<16xf32>, vector<16xf32>) {
                %masked_sort3A_1314 = arith.constant dense<true> : vector<16xi1>
                %masked_sort3A_1315, %masked_sort3A_1316, %masked_sort3A_1317 = tpu.sort %get3A_1150, %get3A_1150 masked %masked_sort3A_1314 {descending = true} : (vector<16xf32>, vector<16xf32>, vector<16xi1>) -> (vector<16xi1>, vector<16xf32>, vector<16xf32>)
                %max3A_1318 = arith.maximumf %scan3A_1118, %masked_sort3A_1316 : vector<16xf32>
                %masked_sort3A_1319 = arith.constant dense<true> : vector<16xi1>
                %masked_sort3A_1320, %masked_sort3A_1321, %masked_sort3A_1322 = tpu.sort %max3A_1318, %max3A_1318 masked %masked_sort3A_1319 : (vector<16xf32>, vector<16xf32>, vector<16xi1>) -> (vector<16xi1>, vector<16xf32>, vector<16xf32>)
                %iota3A_1323 = tpu.iota {dimensions = array<i32: 0>} : vector<16xi32>
                %eq3A_1324 = arith.constant 6 : i32
                %eq3A_1325 = vector.broadcast %eq3A_1324 : i32 to vector<16xi32>
                %eq3A_1326 = arith.cmpi eq, %iota3A_1323, %eq3A_1325 : vector<16xi32>
                %jit3A_1327 = arith.constant 0xFF800000 : f32
                %broadcast_in_dim3A_1328 = vector.broadcast %jit3A_1327 : f32 to vector<16xf32>
                %select_n3A_1329 = arith.select %eq3A_1326, %masked_sort3A_1321, %broadcast_in_dim3A_1328 : vector<16xi1>, vector<16xf32>
                %reduce_max3A_1330 = arith.constant true
                %reduce_max3A_1331 = vector.broadcast %reduce_max3A_1330 : i1 to vector<16xi1>
                %reduce_max3A_1332 = tpu.scan <max>, %select_n3A_1329 masked %reduce_max3A_1331 : vector<16xf32>, vector<16xi1> -> vector<16xf32>
                %reduce_max3A_1333 = vector.extract %reduce_max3A_1332[15] : f32 from vector<16xf32>
                %broadcast_in_dim3A_1334 = vector.broadcast %reduce_max3A_1333 : f32 to vector<16xf32>
                %max3A_1335 = arith.maximumf %scan3A_1119, %broadcast_in_dim3A_1334 : vector<16xf32>
                scf.yield %masked_sort3A_1321, %max3A_1335 : vector<16xf32>, vector<16xf32>
              } else {
                scf.yield %scan3A_1118, %scan3A_1119 : vector<16xf32>, vector<16xf32>
              }
              %mul3A_1161 = arith.constant 25 : i32
              %mul3A_1162 = arith.muli %scan3A_879, %mul3A_1161 : i32
              %add3A_1163 = arith.addi %mul3A_1162, %scan3A_1117 : i32
              %mul3A_1164 = arith.constant 16 : i32
              %mul3A_1165 = arith.muli %add3A_1163, %mul3A_1164 : i32
              %get3A_1166 = arith.index_cast %mul3A_1165 : i32 to index
              %get3A_1167 = tpu.vector_load %arg9[%get3A_1166] {strides = array<i32>} : memref<2000xf32, #tpu.memory_space<vmem>>, vector<16xf32>,
              %ge3A_1168 = arith.cmpf oge, %get3A_1167, %cond3A_1160#1 : vector<16xf32>
              %all_reduce_population_count3A_1169 = tpu.all_reduce %ge3A_1168 {dim = 0 : i64, kind = #tpu.reduction_kind<sum>} : vector<16xi1> -> vector<16xi32>
              %slice3A_1170 = vector.extract_strided_slice %all_reduce_population_count3A_1169 {offsets = [0], sizes = [1], strides = [1]} : vector<16xi32> to vector<1xi32>
              %squeeze3A_1171 = vector.extract %slice3A_1170[0] : i32 from vector<1xi32>
              %gt3A_1172 = arith.constant 0 : i32
              %gt3A_1173 = arith.cmpi sgt, %squeeze3A_1171, %gt3A_1172 : i32
              %convert_element_type3A_1174 = arith.extui %gt3A_1173 : i1 to i32
              %cond3A_1175 = arith.constant 0 : i32
              %cond3A_1176 = arith.cmpi ne, %convert_element_type3A_1174, %cond3A_1175 : i32
              %cond3A_1177:2 = scf.if %cond3A_1176 -> (vector<16xf32>, vector<16xf32>) {
                %masked_sort3A_1314 = arith.constant dense<true> : vector<16xi1>
                %masked_sort3A_1315, %masked_sort3A_1316, %masked_sort3A_1317 = tpu.sort %get3A_1167, %get3A_1167 masked %masked_sort3A_1314 {descending = true} : (vector<16xf32>, vector<16xf32>, vector<16xi1>) -> (vector<16xi1>, vector<16xf32>, vector<16xf32>)
                %max3A_1318 = arith.maximumf %cond3A_1160#0, %masked_sort3A_1316 : vector<16xf32>
                %masked_sort3A_1319 = arith.constant dense<true> : vector<16xi1>
                %masked_sort3A_1320, %masked_sort3A_1321, %masked_sort3A_1322 = tpu.sort %max3A_1318, %max3A_1318 masked %masked_sort3A_1319 : (vector<16xf32>, vector<16xf32>, vector<16xi1>) -> (vector<16xi1>, vector<16xf32>, vector<16xf32>)
                %iota3A_1323 = tpu.iota {dimensions = array<i32: 0>} : vector<16xi32>
                %eq3A_1324 = arith.constant 6 : i32
                %eq3A_1325 = vector.broadcast %eq3A_1324 : i32 to vector<16xi32>
                %eq3A_1326 = arith.cmpi eq, %iota3A_1323, %eq3A_1325 : vector<16xi32>
                %jit3A_1327 = arith.constant 0xFF800000 : f32
                %broadcast_in_dim3A_1328 = vector.broadcast %jit3A_1327 : f32 to vector<16xf32>
                %select_n3A_1329 = arith.select %eq3A_1326, %masked_sort3A_1321, %broadcast_in_dim3A_1328 : vector<16xi1>, vector<16xf32>
                %reduce_max3A_1330 = arith.constant true
                %reduce_max3A_1331 = vector.broadcast %reduce_max3A_1330 : i1 to vector<16xi1>
                %reduce_max3A_1332 = tpu.scan <max>, %select_n3A_1329 masked %reduce_max3A_1331 : vector<16xf32>, vector<16xi1> -> vector<16xf32>
                %reduce_max3A_1333 = vector.extract %reduce_max3A_1332[15] : f32 from vector<16xf32>
                %broadcast_in_dim3A_1334 = vector.broadcast %reduce_max3A_1333 : f32 to vector<16xf32>
                %max3A_1335 = arith.maximumf %cond3A_1160#1, %broadcast_in_dim3A_1334 : vector<16xf32>
                scf.yield %masked_sort3A_1321, %max3A_1335 : vector<16xf32>, vector<16xf32>
              } else {
                scf.yield %cond3A_1160#0, %cond3A_1160#1 : vector<16xf32>, vector<16xf32>
              }
              %mul3A_1178 = arith.constant 25 : i32
              %mul3A_1179 = arith.muli %scan3A_879, %mul3A_1178 : i32
              %add3A_1180 = arith.addi %mul3A_1179, %scan3A_1117 : i32
              %mul3A_1181 = arith.constant 16 : i32
              %mul3A_1182 = arith.muli %add3A_1180, %mul3A_1181 : i32
              %get3A_1183 = arith.index_cast %mul3A_1182 : i32 to index
              %get3A_1184 = tpu.vector_load %arg9[%get3A_1183] {strides = array<i32>} : memref<2000xf32, #tpu.memory_space<vmem>>, vector<16xf32>,
              %ge3A_1185 = arith.cmpf oge, %get3A_1184, %cond3A_1177#1 : vector<16xf32>
              %all_reduce_population_count3A_1186 = tpu.all_reduce %ge3A_1185 {dim = 0 : i64, kind = #tpu.reduction_kind<sum>} : vector<16xi1> -> vector<16xi32>
              %slice3A_1187 = vector.extract_strided_slice %all_reduce_population_count3A_1186 {offsets = [0], sizes = [1], strides = [1]} : vector<16xi32> to vector<1xi32>
              %squeeze3A_1188 = vector.extract %slice3A_1187[0] : i32 from vector<1xi32>
              %gt3A_1189 = arith.constant 0 : i32
              %gt3A_1190 = arith.cmpi sgt, %squeeze3A_1188, %gt3A_1189 : i32
              %convert_element_type3A_1191 = arith.extui %gt3A_1190 : i1 to i32
              %cond3A_1192 = arith.constant 0 : i32
              %cond3A_1193 = arith.cmpi ne, %convert_element_type3A_1191, %cond3A_1192 : i32
              %cond3A_1194:2 = scf.if %cond3A_1193 -> (vector<16xf32>, vector<16xf32>) {
                %masked_sort3A_1314 = arith.constant dense<true> : vector<16xi1>
                %masked_sort3A_1315, %masked_sort3A_1316, %masked_sort3A_1317 = tpu.sort %get3A_1184, %get3A_1184 masked %masked_sort3A_1314 {descending = true} : (vector<16xf32>, vector<16xf32>, vector<16xi1>) -> (vector<16xi1>, vector<16xf32>, vector<16xf32>)
                %max3A_1318 = arith.maximumf %cond3A_1177#0, %masked_sort3A_1316 : vector<16xf32>
                %masked_sort3A_1319 = arith.constant dense<true> : vector<16xi1>
                %masked_sort3A_1320, %masked_sort3A_1321, %masked_sort3A_1322 = tpu.sort %max3A_1318, %max3A_1318 masked %masked_sort3A_1319 : (vector<16xf32>, vector<16xf32>, vector<16xi1>) -> (vector<16xi1>, vector<16xf32>, vector<16xf32>)
                %iota3A_1323 = tpu.iota {dimensions = array<i32: 0>} : vector<16xi32>
                %eq3A_1324 = arith.constant 6 : i32
                %eq3A_1325 = vector.broadcast %eq3A_1324 : i32 to vector<16xi32>
                %eq3A_1326 = arith.cmpi eq, %iota3A_1323, %eq3A_1325 : vector<16xi32>
                %jit3A_1327 = arith.constant 0xFF800000 : f32
                %broadcast_in_dim3A_1328 = vector.broadcast %jit3A_1327 : f32 to vector<16xf32>
                %select_n3A_1329 = arith.select %eq3A_1326, %masked_sort3A_1321, %broadcast_in_dim3A_1328 : vector<16xi1>, vector<16xf32>
                %reduce_max3A_1330 = arith.constant true
                %reduce_max3A_1331 = vector.broadcast %reduce_max3A_1330 : i1 to vector<16xi1>
                %reduce_max3A_1332 = tpu.scan <max>, %select_n3A_1329 masked %reduce_max3A_1331 : vector<16xf32>, vector<16xi1> -> vector<16xf32>
                %reduce_max3A_1333 = vector.extract %reduce_max3A_1332[15] : f32 from vector<16xf32>
                %broadcast_in_dim3A_1334 = vector.broadcast %reduce_max3A_1333 : f32 to vector<16xf32>
                %max3A_1335 = arith.maximumf %cond3A_1177#1, %broadcast_in_dim3A_1334 : vector<16xf32>
                scf.yield %masked_sort3A_1321, %max3A_1335 : vector<16xf32>, vector<16xf32>
              } else {
                scf.yield %cond3A_1177#0, %cond3A_1177#1 : vector<16xf32>, vector<16xf32>
              }
              %mul3A_1195 = arith.constant 25 : i32
              %mul3A_1196 = arith.muli %scan3A_879, %mul3A_1195 : i32
              %add3A_1197 = arith.addi %mul3A_1196, %scan3A_1117 : i32
              %mul3A_1198 = arith.constant 16 : i32
              %mul3A_1199 = arith.muli %add3A_1197, %mul3A_1198 : i32
              %get3A_1200 = arith.index_cast %mul3A_1199 : i32 to index
              %get3A_1201 = tpu.vector_load %arg9[%get3A_1200] {strides = array<i32>} : memref<2000xf32, #tpu.memory_space<vmem>>, vector<16xf32>,
              %ge3A_1202 = arith.cmpf oge, %get3A_1201, %cond3A_1194#1 : vector<16xf32>
              %all_reduce_population_count3A_1203 = tpu.all_reduce %ge3A_1202 {dim = 0 : i64, kind = #tpu.reduction_kind<sum>} : vector<16xi1> -> vector<16xi32>
              %slice3A_1204 = vector.extract_strided_slice %all_reduce_population_count3A_1203 {offsets = [0], sizes = [1], strides = [1]} : vector<16xi32> to vector<1xi32>
              %squeeze3A_1205 = vector.extract %slice3A_1204[0] : i32 from vector<1xi32>
              %gt3A_1206 = arith.constant 0 : i32
              %gt3A_1207 = arith.cmpi sgt, %squeeze3A_1205, %gt3A_1206 : i32
              %convert_element_type3A_1208 = arith.extui %gt3A_1207 : i1 to i32
              %cond3A_1209 = arith.constant 0 : i32
              %cond3A_1210 = arith.cmpi ne, %convert_element_type3A_1208, %cond3A_1209 : i32
              %cond3A_1211:2 = scf.if %cond3A_1210 -> (vector<16xf32>, vector<16xf32>) {
                %masked_sort3A_1314 = arith.constant dense<true> : vector<16xi1>
                %masked_sort3A_1315, %masked_sort3A_1316, %masked_sort3A_1317 = tpu.sort %get3A_1201, %get3A_1201 masked %masked_sort3A_1314 {descending = true} : (vector<16xf32>, vector<16xf32>, vector<16xi1>) -> (vector<16xi1>, vector<16xf32>, vector<16xf32>)
                %max3A_1318 = arith.maximumf %cond3A_1194#0, %masked_sort3A_1316 : vector<16xf32>
                %masked_sort3A_1319 = arith.constant dense<true> : vector<16xi1>
                %masked_sort3A_1320, %masked_sort3A_1321, %masked_sort3A_1322 = tpu.sort %max3A_1318, %max3A_1318 masked %masked_sort3A_1319 : (vector<16xf32>, vector<16xf32>, vector<16xi1>) -> (vector<16xi1>, vector<16xf32>, vector<16xf32>)
                %iota3A_1323 = tpu.iota {dimensions = array<i32: 0>} : vector<16xi32>
                %eq3A_1324 = arith.constant 6 : i32
                %eq3A_1325 = vector.broadcast %eq3A_1324 : i32 to vector<16xi32>
                %eq3A_1326 = arith.cmpi eq, %iota3A_1323, %eq3A_1325 : vector<16xi32>
                %jit3A_1327 = arith.constant 0xFF800000 : f32
                %broadcast_in_dim3A_1328 = vector.broadcast %jit3A_1327 : f32 to vector<16xf32>
                %select_n3A_1329 = arith.select %eq3A_1326, %masked_sort3A_1321, %broadcast_in_dim3A_1328 : vector<16xi1>, vector<16xf32>
                %reduce_max3A_1330 = arith.constant true
                %reduce_max3A_1331 = vector.broadcast %reduce_max3A_1330 : i1 to vector<16xi1>
                %reduce_max3A_1332 = tpu.scan <max>, %select_n3A_1329 masked %reduce_max3A_1331 : vector<16xf32>, vector<16xi1> -> vector<16xf32>
                %reduce_max3A_1333 = vector.extract %reduce_max3A_1332[15] : f32 from vector<16xf32>
                %broadcast_in_dim3A_1334 = vector.broadcast %reduce_max3A_1333 : f32 to vector<16xf32>
                %max3A_1335 = arith.maximumf %cond3A_1194#1, %broadcast_in_dim3A_1334 : vector<16xf32>
                scf.yield %masked_sort3A_1321, %max3A_1335 : vector<16xf32>, vector<16xf32>
              } else {
                scf.yield %cond3A_1194#0, %cond3A_1194#1 : vector<16xf32>, vector<16xf32>
              }
              %mul3A_1212 = arith.constant 25 : i32
              %mul3A_1213 = arith.muli %scan3A_879, %mul3A_1212 : i32
              %add3A_1214 = arith.addi %mul3A_1213, %scan3A_1117 : i32
              %mul3A_1215 = arith.constant 16 : i32
              %mul3A_1216 = arith.muli %add3A_1214, %mul3A_1215 : i32
              %get3A_1217 = arith.index_cast %mul3A_1216 : i32 to index
              %get3A_1218 = tpu.vector_load %arg9[%get3A_1217] {strides = array<i32>} : memref<2000xf32, #tpu.memory_space<vmem>>, vector<16xf32>,
              %ge3A_1219 = arith.cmpf oge, %get3A_1218, %cond3A_1211#1 : vector<16xf32>
              %all_reduce_population_count3A_1220 = tpu.all_reduce %ge3A_1219 {dim = 0 : i64, kind = #tpu.reduction_kind<sum>} : vector<16xi1> -> vector<16xi32>
              %slice3A_1221 = vector.extract_strided_slice %all_reduce_population_count3A_1220 {offsets = [0], sizes = [1], strides = [1]} : vector<16xi32> to vector<1xi32>
              %squeeze3A_1222 = vector.extract %slice3A_1221[0] : i32 from vector<1xi32>
              %gt3A_1223 = arith.constant 0 : i32
              %gt3A_1224 = arith.cmpi sgt, %squeeze3A_1222, %gt3A_1223 : i32
              %convert_element_type3A_1225 = arith.extui %gt3A_1224 : i1 to i32
              %cond3A_1226 = arith.constant 0 : i32
              %cond3A_1227 = arith.cmpi ne, %convert_element_type3A_1225, %cond3A_1226 : i32
              %cond3A_1228:2 = scf.if %cond3A_1227 -> (vector<16xf32>, vector<16xf32>) {
                %masked_sort3A_1314 = arith.constant dense<true> : vector<16xi1>
                %masked_sort3A_1315, %masked_sort3A_1316, %masked_sort3A_1317 = tpu.sort %get3A_1218, %get3A_1218 masked %masked_sort3A_1314 {descending = true} : (vector<16xf32>, vector<16xf32>, vector<16xi1>) -> (vector<16xi1>, vector<16xf32>, vector<16xf32>)
                %max3A_1318 = arith.maximumf %cond3A_1211#0, %masked_sort3A_1316 : vector<16xf32>
                %masked_sort3A_1319 = arith.constant dense<true> : vector<16xi1>
                %masked_sort3A_1320, %masked_sort3A_1321, %masked_sort3A_1322 = tpu.sort %max3A_1318, %max3A_1318 masked %masked_sort3A_1319 : (vector<16xf32>, vector<16xf32>, vector<16xi1>) -> (vector<16xi1>, vector<16xf32>, vector<16xf32>)
                %iota3A_1323 = tpu.iota {dimensions = array<i32: 0>} : vector<16xi32>
                %eq3A_1324 = arith.constant 6 : i32
                %eq3A_1325 = vector.broadcast %eq3A_1324 : i32 to vector<16xi32>
                %eq3A_1326 = arith.cmpi eq, %iota3A_1323, %eq3A_1325 : vector<16xi32>
                %jit3A_1327 = arith.constant 0xFF800000 : f32
                %broadcast_in_dim3A_1328 = vector.broadcast %jit3A_1327 : f32 to vector<16xf32>
                %select_n3A_1329 = arith.select %eq3A_1326, %masked_sort3A_1321, %broadcast_in_dim3A_1328 : vector<16xi1>, vector<16xf32>
                %reduce_max3A_1330 = arith.constant true
                %reduce_max3A_1331 = vector.broadcast %reduce_max3A_1330 : i1 to vector<16xi1>
                %reduce_max3A_1332 = tpu.scan <max>, %select_n3A_1329 masked %reduce_max3A_1331 : vector<16xf32>, vector<16xi1> -> vector<16xf32>
                %reduce_max3A_1333 = vector.extract %reduce_max3A_1332[15] : f32 from vector<16xf32>
                %broadcast_in_dim3A_1334 = vector.broadcast %reduce_max3A_1333 : f32 to vector<16xf32>
                %max3A_1335 = arith.maximumf %cond3A_1211#1, %broadcast_in_dim3A_1334 : vector<16xf32>
                scf.yield %masked_sort3A_1321, %max3A_1335 : vector<16xf32>, vector<16xf32>
              } else {
                scf.yield %cond3A_1211#0, %cond3A_1211#1 : vector<16xf32>, vector<16xf32>
              }
              %mul3A_1229 = arith.constant 25 : i32
              %mul3A_1230 = arith.muli %scan3A_879, %mul3A_1229 : i32
              %add3A_1231 = arith.addi %mul3A_1230, %scan3A_1117 : i32
              %mul3A_1232 = arith.constant 16 : i32
              %mul3A_1233 = arith.muli %add3A_1231, %mul3A_1232 : i32
              %get3A_1234 = arith.index_cast %mul3A_1233 : i32 to index
              %get3A_1235 = tpu.vector_load %arg9[%get3A_1234] {strides = array<i32>} : memref<2000xf32, #tpu.memory_space<vmem>>, vector<16xf32>,
              %ge3A_1236 = arith.cmpf oge, %get3A_1235, %cond3A_1228#1 : vector<16xf32>
              %all_reduce_population_count3A_1237 = tpu.all_reduce %ge3A_1236 {dim = 0 : i64, kind = #tpu.reduction_kind<sum>} : vector<16xi1> -> vector<16xi32>
              %slice3A_1238 = vector.extract_strided_slice %all_reduce_population_count3A_1237 {offsets = [0], sizes = [1], strides = [1]} : vector<16xi32> to vector<1xi32>
              %squeeze3A_1239 = vector.extract %slice3A_1238[0] : i32 from vector<1xi32>
              %gt3A_1240 = arith.constant 0 : i32
              %gt3A_1241 = arith.cmpi sgt, %squeeze3A_1239, %gt3A_1240 : i32
              %convert_element_type3A_1242 = arith.extui %gt3A_1241 : i1 to i32
              %cond3A_1243 = arith.constant 0 : i32
              %cond3A_1244 = arith.cmpi ne, %convert_element_type3A_1242, %cond3A_1243 : i32
              %cond3A_1245:2 = scf.if %cond3A_1244 -> (vector<16xf32>, vector<16xf32>) {
                %masked_sort3A_1314 = arith.constant dense<true> : vector<16xi1>
                %masked_sort3A_1315, %masked_sort3A_1316, %masked_sort3A_1317 = tpu.sort %get3A_1235, %get3A_1235 masked %masked_sort3A_1314 {descending = true} : (vector<16xf32>, vector<16xf32>, vector<16xi1>) -> (vector<16xi1>, vector<16xf32>, vector<16xf32>)
                %max3A_1318 = arith.maximumf %cond3A_1228#0, %masked_sort3A_1316 : vector<16xf32>
                %masked_sort3A_1319 = arith.constant dense<true> : vector<16xi1>
                %masked_sort3A_1320, %masked_sort3A_1321, %masked_sort3A_1322 = tpu.sort %max3A_1318, %max3A_1318 masked %masked_sort3A_1319 : (vector<16xf32>, vector<16xf32>, vector<16xi1>) -> (vector<16xi1>, vector<16xf32>, vector<16xf32>)
                %iota3A_1323 = tpu.iota {dimensions = array<i32: 0>} : vector<16xi32>
                %eq3A_1324 = arith.constant 6 : i32
                %eq3A_1325 = vector.broadcast %eq3A_1324 : i32 to vector<16xi32>
                %eq3A_1326 = arith.cmpi eq, %iota3A_1323, %eq3A_1325 : vector<16xi32>
                %jit3A_1327 = arith.constant 0xFF800000 : f32
                %broadcast_in_dim3A_1328 = vector.broadcast %jit3A_1327 : f32 to vector<16xf32>
                %select_n3A_1329 = arith.select %eq3A_1326, %masked_sort3A_1321, %broadcast_in_dim3A_1328 : vector<16xi1>, vector<16xf32>
                %reduce_max3A_1330 = arith.constant true
                %reduce_max3A_1331 = vector.broadcast %reduce_max3A_1330 : i1 to vector<16xi1>
                %reduce_max3A_1332 = tpu.scan <max>, %select_n3A_1329 masked %reduce_max3A_1331 : vector<16xf32>, vector<16xi1> -> vector<16xf32>
                %reduce_max3A_1333 = vector.extract %reduce_max3A_1332[15] : f32 from vector<16xf32>
                %broadcast_in_dim3A_1334 = vector.broadcast %reduce_max3A_1333 : f32 to vector<16xf32>
                %max3A_1335 = arith.maximumf %cond3A_1228#1, %broadcast_in_dim3A_1334 : vector<16xf32>
                scf.yield %masked_sort3A_1321, %max3A_1335 : vector<16xf32>, vector<16xf32>
              } else {
                scf.yield %cond3A_1228#0, %cond3A_1228#1 : vector<16xf32>, vector<16xf32>
              }
              %mul3A_1246 = arith.constant 25 : i32
              %mul3A_1247 = arith.muli %scan3A_879, %mul3A_1246 : i32
              %add3A_1248 = arith.addi %mul3A_1247, %scan3A_1117 : i32
              %mul3A_1249 = arith.constant 16 : i32
              %mul3A_1250 = arith.muli %add3A_1248, %mul3A_1249 : i32
              %get3A_1251 = arith.index_cast %mul3A_1250 : i32 to index
              %get3A_1252 = tpu.vector_load %arg9[%get3A_1251] {strides = array<i32>} : memref<2000xf32, #tpu.memory_space<vmem>>, vector<16xf32>,
              %ge3A_1253 = arith.cmpf oge, %get3A_1252, %cond3A_1245#1 : vector<16xf32>
              %all_reduce_population_count3A_1254 = tpu.all_reduce %ge3A_1253 {dim = 0 : i64, kind = #tpu.reduction_kind<sum>} : vector<16xi1> -> vector<16xi32>
              %slice3A_1255 = vector.extract_strided_slice %all_reduce_population_count3A_1254 {offsets = [0], sizes = [1], strides = [1]} : vector<16xi32> to vector<1xi32>
              %squeeze3A_1256 = vector.extract %slice3A_1255[0] : i32 from vector<1xi32>
              %gt3A_1257 = arith.constant 0 : i32
              %gt3A_1258 = arith.cmpi sgt, %squeeze3A_1256, %gt3A_1257 : i32
              %convert_element_type3A_1259 = arith.extui %gt3A_1258 : i1 to i32
              %cond3A_1260 = arith.constant 0 : i32
              %cond3A_1261 = arith.cmpi ne, %convert_element_type3A_1259, %cond3A_1260 : i32
              %cond3A_1262:2 = scf.if %cond3A_1261 -> (vector<16xf32>, vector<16xf32>) {
                %masked_sort3A_1314 = arith.constant dense<true> : vector<16xi1>
                %masked_sort3A_1315, %masked_sort3A_1316, %masked_sort3A_1317 = tpu.sort %get3A_1252, %get3A_1252 masked %masked_sort3A_1314 {descending = true} : (vector<16xf32>, vector<16xf32>, vector<16xi1>) -> (vector<16xi1>, vector<16xf32>, vector<16xf32>)
                %max3A_1318 = arith.maximumf %cond3A_1245#0, %masked_sort3A_1316 : vector<16xf32>
                %masked_sort3A_1319 = arith.constant dense<true> : vector<16xi1>
                %masked_sort3A_1320, %masked_sort3A_1321, %masked_sort3A_1322 = tpu.sort %max3A_1318, %max3A_1318 masked %masked_sort3A_1319 : (vector<16xf32>, vector<16xf32>, vector<16xi1>) -> (vector<16xi1>, vector<16xf32>, vector<16xf32>)
                %iota3A_1323 = tpu.iota {dimensions = array<i32: 0>} : vector<16xi32>
                %eq3A_1324 = arith.constant 6 : i32
                %eq3A_1325 = vector.broadcast %eq3A_1324 : i32 to vector<16xi32>
                %eq3A_1326 = arith.cmpi eq, %iota3A_1323, %eq3A_1325 : vector<16xi32>
                %jit3A_1327 = arith.constant 0xFF800000 : f32
                %broadcast_in_dim3A_1328 = vector.broadcast %jit3A_1327 : f32 to vector<16xf32>
                %select_n3A_1329 = arith.select %eq3A_1326, %masked_sort3A_1321, %broadcast_in_dim3A_1328 : vector<16xi1>, vector<16xf32>
                %reduce_max3A_1330 = arith.constant true
                %reduce_max3A_1331 = vector.broadcast %reduce_max3A_1330 : i1 to vector<16xi1>
                %reduce_max3A_1332 = tpu.scan <max>, %select_n3A_1329 masked %reduce_max3A_1331 : vector<16xf32>, vector<16xi1> -> vector<16xf32>
                %reduce_max3A_1333 = vector.extract %reduce_max3A_1332[15] : f32 from vector<16xf32>
                %broadcast_in_dim3A_1334 = vector.broadcast %reduce_max3A_1333 : f32 to vector<16xf32>
                %max3A_1335 = arith.maximumf %cond3A_1245#1, %broadcast_in_dim3A_1334 : vector<16xf32>
                scf.yield %masked_sort3A_1321, %max3A_1335 : vector<16xf32>, vector<16xf32>
              } else {
                scf.yield %cond3A_1245#0, %cond3A_1245#1 : vector<16xf32>, vector<16xf32>
              }
              %mul3A_1263 = arith.constant 25 : i32
              %mul3A_1264 = arith.muli %scan3A_879, %mul3A_1263 : i32
              %add3A_1265 = arith.addi %mul3A_1264, %scan3A_1117 : i32
              %mul3A_1266 = arith.constant 16 : i32
              %mul3A_1267 = arith.muli %add3A_1265, %mul3A_1266 : i32
              %get3A_1268 = arith.index_cast %mul3A_1267 : i32 to index
              %get3A_1269 = tpu.vector_load %arg9[%get3A_1268] {strides = array<i32>} : memref<2000xf32, #tpu.memory_space<vmem>>, vector<16xf32>,
              %ge3A_1270 = arith.cmpf oge, %get3A_1269, %cond3A_1262#1 : vector<16xf32>
              %all_reduce_population_count3A_1271 = tpu.all_reduce %ge3A_1270 {dim = 0 : i64, kind = #tpu.reduction_kind<sum>} : vector<16xi1> -> vector<16xi32>
              %slice3A_1272 = vector.extract_strided_slice %all_reduce_population_count3A_1271 {offsets = [0], sizes = [1], strides = [1]} : vector<16xi32> to vector<1xi32>
              %squeeze3A_1273 = vector.extract %slice3A_1272[0] : i32 from vector<1xi32>
              %gt3A_1274 = arith.constant 0 : i32
              %gt3A_1275 = arith.cmpi sgt, %squeeze3A_1273, %gt3A_1274 : i32
              %convert_element_type3A_1276 = arith.extui %gt3A_1275 : i1 to i32
              %cond3A_1277 = arith.constant 0 : i32
              %cond3A_1278 = arith.cmpi ne, %convert_element_type3A_1276, %cond3A_1277 : i32
              %cond3A_1279:2 = scf.if %cond3A_1278 -> (vector<16xf32>, vector<16xf32>) {
                %masked_sort3A_1314 = arith.constant dense<true> : vector<16xi1>
                %masked_sort3A_1315, %masked_sort3A_1316, %masked_sort3A_1317 = tpu.sort %get3A_1269, %get3A_1269 masked %masked_sort3A_1314 {descending = true} : (vector<16xf32>, vector<16xf32>, vector<16xi1>) -> (vector<16xi1>, vector<16xf32>, vector<16xf32>)
                %max3A_1318 = arith.maximumf %cond3A_1262#0, %masked_sort3A_1316 : vector<16xf32>
                %masked_sort3A_1319 = arith.constant dense<true> : vector<16xi1>
                %masked_sort3A_1320, %masked_sort3A_1321, %masked_sort3A_1322 = tpu.sort %max3A_1318, %max3A_1318 masked %masked_sort3A_1319 : (vector<16xf32>, vector<16xf32>, vector<16xi1>) -> (vector<16xi1>, vector<16xf32>, vector<16xf32>)
                %iota3A_1323 = tpu.iota {dimensions = array<i32: 0>} : vector<16xi32>
                %eq3A_1324 = arith.constant 6 : i32
                %eq3A_1325 = vector.broadcast %eq3A_1324 : i32 to vector<16xi32>
                %eq3A_1326 = arith.cmpi eq, %iota3A_1323, %eq3A_1325 : vector<16xi32>
                %jit3A_1327 = arith.constant 0xFF800000 : f32
                %broadcast_in_dim3A_1328 = vector.broadcast %jit3A_1327 : f32 to vector<16xf32>
                %select_n3A_1329 = arith.select %eq3A_1326, %masked_sort3A_1321, %broadcast_in_dim3A_1328 : vector<16xi1>, vector<16xf32>
                %reduce_max3A_1330 = arith.constant true
                %reduce_max3A_1331 = vector.broadcast %reduce_max3A_1330 : i1 to vector<16xi1>
                %reduce_max3A_1332 = tpu.scan <max>, %select_n3A_1329 masked %reduce_max3A_1331 : vector<16xf32>, vector<16xi1> -> vector<16xf32>
                %reduce_max3A_1333 = vector.extract %reduce_max3A_1332[15] : f32 from vector<16xf32>
                %broadcast_in_dim3A_1334 = vector.broadcast %reduce_max3A_1333 : f32 to vector<16xf32>
                %max3A_1335 = arith.maximumf %cond3A_1262#1, %broadcast_in_dim3A_1334 : vector<16xf32>
                scf.yield %masked_sort3A_1321, %max3A_1335 : vector<16xf32>, vector<16xf32>
              } else {
                scf.yield %cond3A_1262#0, %cond3A_1262#1 : vector<16xf32>, vector<16xf32>
              }
              %mul3A_1280 = arith.constant 25 : i32
              %mul3A_1281 = arith.muli %scan3A_879, %mul3A_1280 : i32
              %add3A_1282 = arith.addi %mul3A_1281, %scan3A_1117 : i32
              %mul3A_1283 = arith.constant 16 : i32
              %mul3A_1284 = arith.muli %add3A_1282, %mul3A_1283 : i32
              %get3A_1285 = arith.index_cast %mul3A_1284 : i32 to index
              %get3A_1286 = tpu.vector_load %arg9[%get3A_1285] {strides = array<i32>} : memref<2000xf32, #tpu.memory_space<vmem>>, vector<16xf32>,
              %ge3A_1287 = arith.cmpf oge, %get3A_1286, %cond3A_1279#1 : vector<16xf32>
              %all_reduce_population_count3A_1288 = tpu.all_reduce %ge3A_1287 {dim = 0 : i64, kind = #tpu.reduction_kind<sum>} : vector<16xi1> -> vector<16xi32>
              %slice3A_1289 = vector.extract_strided_slice %all_reduce_population_count3A_1288 {offsets = [0], sizes = [1], strides = [1]} : vector<16xi32> to vector<1xi32>
              %squeeze3A_1290 = vector.extract %slice3A_1289[0] : i32 from vector<1xi32>
              %gt3A_1291 = arith.constant 0 : i32
              %gt3A_1292 = arith.cmpi sgt, %squeeze3A_1290, %gt3A_1291 : i32
              %convert_element_type3A_1293 = arith.extui %gt3A_1292 : i1 to i32
              %cond3A_1294 = arith.constant 0 : i32
              %cond3A_1295 = arith.cmpi ne, %convert_element_type3A_1293, %cond3A_1294 : i32
              %cond3A_1296:2 = scf.if %cond3A_1295 -> (vector<16xf32>, vector<16xf32>) {
                %masked_sort3A_1314 = arith.constant dense<true> : vector<16xi1>
                %masked_sort3A_1315, %masked_sort3A_1316, %masked_sort3A_1317 = tpu.sort %get3A_1286, %get3A_1286 masked %masked_sort3A_1314 {descending = true} : (vector<16xf32>, vector<16xf32>, vector<16xi1>) -> (vector<16xi1>, vector<16xf32>, vector<16xf32>)
                %max3A_1318 = arith.maximumf %cond3A_1279#0, %masked_sort3A_1316 : vector<16xf32>
                %masked_sort3A_1319 = arith.constant dense<true> : vector<16xi1>
                %masked_sort3A_1320, %masked_sort3A_1321, %masked_sort3A_1322 = tpu.sort %max3A_1318, %max3A_1318 masked %masked_sort3A_1319 : (vector<16xf32>, vector<16xf32>, vector<16xi1>) -> (vector<16xi1>, vector<16xf32>, vector<16xf32>)
                %iota3A_1323 = tpu.iota {dimensions = array<i32: 0>} : vector<16xi32>
                %eq3A_1324 = arith.constant 6 : i32
                %eq3A_1325 = vector.broadcast %eq3A_1324 : i32 to vector<16xi32>
                %eq3A_1326 = arith.cmpi eq, %iota3A_1323, %eq3A_1325 : vector<16xi32>
                %jit3A_1327 = arith.constant 0xFF800000 : f32
                %broadcast_in_dim3A_1328 = vector.broadcast %jit3A_1327 : f32 to vector<16xf32>
                %select_n3A_1329 = arith.select %eq3A_1326, %masked_sort3A_1321, %broadcast_in_dim3A_1328 : vector<16xi1>, vector<16xf32>
                %reduce_max3A_1330 = arith.constant true
                %reduce_max3A_1331 = vector.broadcast %reduce_max3A_1330 : i1 to vector<16xi1>
                %reduce_max3A_1332 = tpu.scan <max>, %select_n3A_1329 masked %reduce_max3A_1331 : vector<16xf32>, vector<16xi1> -> vector<16xf32>
                %reduce_max3A_1333 = vector.extract %reduce_max3A_1332[15] : f32 from vector<16xf32>
                %broadcast_in_dim3A_1334 = vector.broadcast %reduce_max3A_1333 : f32 to vector<16xf32>
                %max3A_1335 = arith.maximumf %cond3A_1279#1, %broadcast_in_dim3A_1334 : vector<16xf32>
                scf.yield %masked_sort3A_1321, %max3A_1335 : vector<16xf32>, vector<16xf32>
              } else {
                scf.yield %cond3A_1279#0, %cond3A_1279#1 : vector<16xf32>, vector<16xf32>
              }
              %mul3A_1297 = arith.constant 25 : i32
              %mul3A_1298 = arith.muli %scan3A_879, %mul3A_1297 : i32
              %add3A_1299 = arith.addi %mul3A_1298, %scan3A_1117 : i32
              %mul3A_1300 = arith.constant 16 : i32
              %mul3A_1301 = arith.muli %add3A_1299, %mul3A_1300 : i32
              %get3A_1302 = arith.index_cast %mul3A_1301 : i32 to index
              %get3A_1303 = tpu.vector_load %arg9[%get3A_1302] {strides = array<i32>} : memref<2000xf32, #tpu.memory_space<vmem>>, vector<16xf32>,
              %ge3A_1304 = arith.cmpf oge, %get3A_1303, %cond3A_1296#1 : vector<16xf32>
              %all_reduce_population_count3A_1305 = tpu.all_reduce %ge3A_1304 {dim = 0 : i64, kind = #tpu.reduction_kind<sum>} : vector<16xi1> -> vector<16xi32>
              %slice3A_1306 = vector.extract_strided_slice %all_reduce_population_count3A_1305 {offsets = [0], sizes = [1], strides = [1]} : vector<16xi32> to vector<1xi32>
              %squeeze3A_1307 = vector.extract %slice3A_1306[0] : i32 from vector<1xi32>
              %gt3A_1308 = arith.constant 0 : i32
              %gt3A_1309 = arith.cmpi sgt, %squeeze3A_1307, %gt3A_1308 : i32
              %convert_element_type3A_1310 = arith.extui %gt3A_1309 : i1 to i32
              %cond3A_1311 = arith.constant 0 : i32
              %cond3A_1312 = arith.cmpi ne, %convert_element_type3A_1310, %cond3A_1311 : i32
              %cond3A_1313:2 = scf.if %cond3A_1312 -> (vector<16xf32>, vector<16xf32>) {
                %masked_sort3A_1314 = arith.constant dense<true> : vector<16xi1>
                %masked_sort3A_1315, %masked_sort3A_1316, %masked_sort3A_1317 = tpu.sort %get3A_1303, %get3A_1303 masked %masked_sort3A_1314 {descending = true} : (vector<16xf32>, vector<16xf32>, vector<16xi1>) -> (vector<16xi1>, vector<16xf32>, vector<16xf32>)
                %max3A_1318 = arith.maximumf %cond3A_1296#0, %masked_sort3A_1316 : vector<16xf32>
                %masked_sort3A_1319 = arith.constant dense<true> : vector<16xi1>
                %masked_sort3A_1320, %masked_sort3A_1321, %masked_sort3A_1322 = tpu.sort %max3A_1318, %max3A_1318 masked %masked_sort3A_1319 : (vector<16xf32>, vector<16xf32>, vector<16xi1>) -> (vector<16xi1>, vector<16xf32>, vector<16xf32>)
                %iota3A_1323 = tpu.iota {dimensions = array<i32: 0>} : vector<16xi32>
                %eq3A_1324 = arith.constant 6 : i32
                %eq3A_1325 = vector.broadcast %eq3A_1324 : i32 to vector<16xi32>
                %eq3A_1326 = arith.cmpi eq, %iota3A_1323, %eq3A_1325 : vector<16xi32>
                %jit3A_1327 = arith.constant 0xFF800000 : f32
                %broadcast_in_dim3A_1328 = vector.broadcast %jit3A_1327 : f32 to vector<16xf32>
                %select_n3A_1329 = arith.select %eq3A_1326, %masked_sort3A_1321, %broadcast_in_dim3A_1328 : vector<16xi1>, vector<16xf32>
                %reduce_max3A_1330 = arith.constant true
                %reduce_max3A_1331 = vector.broadcast %reduce_max3A_1330 : i1 to vector<16xi1>
                %reduce_max3A_1332 = tpu.scan <max>, %select_n3A_1329 masked %reduce_max3A_1331 : vector<16xf32>, vector<16xi1> -> vector<16xf32>
                %reduce_max3A_1333 = vector.extract %reduce_max3A_1332[15] : f32 from vector<16xf32>
                %broadcast_in_dim3A_1334 = vector.broadcast %reduce_max3A_1333 : f32 to vector<16xf32>
                %max3A_1335 = arith.maximumf %cond3A_1296#1, %broadcast_in_dim3A_1334 : vector<16xf32>
                scf.yield %masked_sort3A_1321, %max3A_1335 : vector<16xf32>, vector<16xf32>
              } else {
                scf.yield %cond3A_1296#0, %cond3A_1296#1 : vector<16xf32>, vector<16xf32>
              }
              scf.yield %cond3A_1313#0, %cond3A_1313#1 : vector<16xf32>, vector<16xf32>
            } else {
              scf.yield %scan3A_1118, %scan3A_1119 : vector<16xf32>, vector<16xf32>
            }
            scf.yield %cond3A_1143#0, %cond3A_1143#1 : vector<16xf32>, vector<16xf32>
          }
          %scan3A_1116 = arith.constant 25 : i32
          scf.yield %scan3A_1115#0, %scan3A_1115#1 : vector<16xf32>, vector<16xf32>
        } else {
          scf.yield %scan3A_880, %scan3A_881 : vector<16xf32>, vector<16xf32>
        }
        scf.yield %cond3A_1110#0, %cond3A_1110#1 : vector<16xf32>, vector<16xf32>
      }
      %scan3A_866 = arith.constant 5 : i32
      %eq3A_867 = arith.constant 4 : i32
      %eq3A_868 = arith.cmpi eq, %select_n3A_730, %eq3A_867 : i32
      %convert_element_type3A_869 = arith.extui %eq3A_868 : i1 to i32
      %cond3A_870 = arith.constant 0 : i32
      %cond3A_871 = arith.cmpi ne, %convert_element_type3A_869, %cond3A_870 : i32
      scf.if %cond3A_871 {
        %swap3A = arith.index_cast %select_n3A_754 : i32 to index
        %swap3A_879 = arith.constant 0 : index
        %swap3A_880 = tpu.vector_load %arg11[%swap3A, %swap3A_879] {strides = array<i32>} : memref<32x16xf32, #tpu.memory_space<vmem>>, vector<16xf32>,
        tpu.vector_store %arg11[%swap3A, %swap3A_879], %scan3A_865#0 {strides = array<i32>} : memref<32x16xf32, #tpu.memory_space<vmem>>, vector<16xf32>,
      } else {
      }
      %add3A_872 = arith.constant 4 : i32
      %add3A_873 = arith.addi %add3A_667, %add3A_872 : i32
      %lt3A_874 = arith.constant 160 : i32
      %lt3A_875 = arith.cmpi slt, %add3A_873, %lt3A_874 : i32
      %convert_element_type3A_876 = arith.extui %lt3A_875 : i1 to i32
      %cond3A_877 = arith.constant 0 : i32
      %cond3A_878 = arith.cmpi ne, %convert_element_type3A_876, %cond3A_877 : i32
      scf.if %cond3A_878 {
        %add3A_879 = arith.constant 4 : i32
        %add3A_880 = arith.addi %add3A_667, %add3A_879 : i32
        %jit3A_881 = arith.constant 5 : i32
        %div3A_882 = arith.divsi %add3A_880, %jit3A_881 : i32
        %sign3A_883 = arith.constant 0 : i32
        %sign3A_884 = arith.cmpi sgt, %add3A_880, %sign3A_883 : i32
        %sign3A_885 = arith.extui %sign3A_884 : i1 to i32
        %sign3A_886 = arith.constant 0 : i32
        %sign3A_887 = arith.cmpi slt, %add3A_880, %sign3A_886 : i32
        %sign3A_888 = arith.extui %sign3A_887 : i1 to i32
        %sign3A_889 = arith.subi %sign3A_885, %sign3A_888 : i32
        %sign3A_890 = arith.constant 0 : i32
        %sign3A_891 = arith.cmpi sgt, %jit3A_881, %sign3A_890 : i32
        %sign3A_892 = arith.extui %sign3A_891 : i1 to i32
        %sign3A_893 = arith.constant 0 : i32
        %sign3A_894 = arith.cmpi slt, %jit3A_881, %sign3A_893 : i32
        %sign3A_895 = arith.extui %sign3A_894 : i1 to i32
        %sign3A_896 = arith.subi %sign3A_892, %sign3A_895 : i32
        %ne3A_897 = arith.cmpi ne, %sign3A_889, %sign3A_896 : i32
        %rem3A_898 = arith.remsi %add3A_880, %jit3A_881 : i32
        %ne3A_899 = arith.constant 0 : i32
        %ne3A_900 = arith.cmpi ne, %rem3A_898, %ne3A_899 : i32
        %and3A_901 = arith.andi %ne3A_897, %ne3A_900 : i1
        %sub3A_902 = arith.constant 1 : i32
        %sub3A_903 = arith.subi %div3A_882, %sub3A_902 : i32
        %select_n3A_904 = arith.select %and3A_901, %sub3A_903, %div3A_882 : i32
        %add3A_905 = arith.addi %mul3A_2, %select_n3A_904 : i32
        %jit3A_906 = arith.constant 5 : i32
        %eq3A_907 = arith.constant 0 : i32
        %eq3A_908 = arith.cmpi eq, %jit3A_906, %eq3A_907 : i32
        %jit3A_909 = arith.constant 1 : i32
        %select_n3A_910 = arith.select %eq3A_908, %jit3A_909, %jit3A_906 : i32
        %rem3A_911 = arith.remsi %add3A_880, %select_n3A_910 : i32
        %ne3A_912 = arith.constant 0 : i32
        %ne3A_913 = arith.cmpi ne, %rem3A_911, %ne3A_912 : i32
        %lt3A_914 = arith.constant 0 : i32
        %lt3A_915 = arith.cmpi slt, %rem3A_911, %lt3A_914 : i32
        %lt3A_916 = arith.constant 0 : i32
        %lt3A_917 = arith.cmpi slt, %select_n3A_910, %lt3A_916 : i32
        %ne3A_918 = arith.xori %lt3A_915, %lt3A_917 : i1
        %and3A_919 = arith.andi %ne3A_918, %ne3A_913 : i1
        %add3A_920 = arith.addi %rem3A_911, %select_n3A_910 : i32
        %select_n3A_921 = arith.select %and3A_919, %add3A_920, %rem3A_911 : i32
        %mul3A_922 = arith.constant 20000 : i32
        %mul3A_923 = arith.muli %select_n3A_921, %mul3A_922 : i32
        %dma_start3A_924 = tpu.memref_slice %arg2[%add3A_905, %mul3A_923] : memref<1024x100000xf32, #tpu.memory_space<hbm>> -> memref<1x20000xf32, #tpu.memory_space<hbm>>
        %dma_start3A_925 = tpu.memref_squeeze %dma_start3A_924 : memref<1x20000xf32, #tpu.memory_space<hbm>> -> memref<20000xf32, #tpu.memory_space<hbm>>
        %dma_start3A_926 = tpu.memref_slice %arg2[%add3A_905, %mul3A_923] : memref<1024x100000xf32, #tpu.memory_space<hbm>> -> memref<1x20000xf32, #tpu.memory_space<hbm>>
        %dma_start3A_927 = tpu.memref_squeeze %dma_start3A_926 : memref<1x20000xf32, #tpu.memory_space<hbm>> -> memref<20000xf32, #tpu.memory_space<hbm>>
        tpu.enqueue_dma source(%dma_start3A_927 : memref<20000xf32, #tpu.memory_space<hbm>>) target(%arg8 : memref<20000xf32, #tpu.memory_space<vmem>>) target_semaphore(%arg15 : memref<!tpu.dma_semaphore, #tpu.memory_space<semaphore_mem>>)
      } else {
      }
      scf.yield %scan3A_865#0, %scan3A_865#1 : vector<16xf32>, vector<16xf32>
    }
    %scan3A_41 = arith.constant 40 : i32
    "tpu.region"() ({
      %run_scoped3A = tpu.sem_alloc : memref<!tpu.dma_semaphore, #tpu.memory_space<semaphore_mem>>
      %dma_start3A_42 = arith.constant 0 : i32
      %dma_start3A_43 = tpu.memref_slice %arg4[%mul3A_2, %dma_start3A_42] : memref<1024x16xf32, #tpu.memory_space<hbm>> -> memref<32x16xf32, #tpu.memory_space<hbm>>
      %dma_start3A_44 = arith.constant 0 : i32
      %dma_start3A_45 = tpu.memref_slice %arg4[%mul3A_2, %dma_start3A_44] : memref<1024x16xf32, #tpu.memory_space<hbm>> -> memref<32x16xf32, #tpu.memory_space<hbm>>
      tpu.enqueue_dma source(%arg11 : memref<32x16xf32, #tpu.memory_space<vmem>>) target(%dma_start3A_45 : memref<32x16xf32, #tpu.memory_space<hbm>>) target_semaphore(%run_scoped3A : memref<!tpu.dma_semaphore, #tpu.memory_space<semaphore_mem>>)
      %dma_wait3A = arith.constant 0 : i32
      %dma_wait3A_46 = tpu.memref_slice %arg4[%mul3A_2, %dma_wait3A] : memref<1024x16xf32, #tpu.memory_space<hbm>> -> memref<32x16xf32, #tpu.memory_space<hbm>>
      %dma_wait3A_47 = arith.constant 0 : i32
      %dma_wait3A_48 = tpu.memref_slice %arg4[%mul3A_2, %dma_wait3A_47] : memref<1024x16xf32, #tpu.memory_space<hbm>> -> memref<32x16xf32, #tpu.memory_space<hbm>>
      tpu.wait_dma2 semaphore(%run_scoped3A : memref<!tpu.dma_semaphore, #tpu.memory_space<semaphore_mem>>) src(%arg11 : memref<32x16xf32, #tpu.memory_space<vmem>>) dst(%dma_wait3A_48 : memref<32x16xf32, #tpu.memory_space<hbm>>)
      tpu.yield
    }) : () -> ()
    return
  }
}

module attributes {stable_mosaic.version = 14 : i64} {
  func.func @_loss_body(%arg0: memref<1024x16xf32, #tpu.memory_space<vmem>>, %arg1: memref<1x1xf32, #tpu.memory_space<vmem>>) attributes {dimension_semantics = [], scalar_prefetch = 0 : i64, scratch_operands = 0 : i64, tpu.core_type = #tpu.core_type<tc>} {
    %get3A = arith.constant 0 : index
    %get3A_0 = arith.constant 0 : index
    %get3A_1 = vector.load %arg0[%get3A, %get3A_0] : memref<1024x16xf32, #tpu.memory_space<vmem>>, vector<1024x16xf32>
    %iota3A = tpu.iota {dimensions = array<i32: 1>} : vector<1024x16xi32>
    %custom_jvp_call3A = arith.constant 0.000000e+00 : f32
    %max3A = vector.broadcast %custom_jvp_call3A : f32 to vector<1024x16xf32>
    %max3A_2 = arith.maximumf %max3A, %get3A_1 : vector<1024x16xf32>
    %sub3A = vector.broadcast %custom_jvp_call3A : f32 to vector<1024x16xf32>
    %sub3A_3 = arith.subf %sub3A, %get3A_1 : vector<1024x16xf32>
    %ne3A = arith.cmpf one, %sub3A_3, %sub3A_3 : vector<1024x16xf32>
    %add3A = vector.broadcast %custom_jvp_call3A : f32 to vector<1024x16xf32>
    %add3A_4 = arith.addf %add3A, %get3A_1 : vector<1024x16xf32>
    %abs3A = math.absf %sub3A_3 : vector<1024x16xf32>
    %neg3A = arith.constant 0.000000e+00 : f32
    %neg3A_5 = vector.broadcast %neg3A : f32 to vector<1024x16xf32>
    %neg3A_6 = arith.subf %neg3A_5, %abs3A : vector<1024x16xf32>
    %exp3A = math.exp %neg3A_6 : vector<1024x16xf32>
    %log1p3A = math.log1p %exp3A : vector<1024x16xf32>
    %add3A_7 = arith.addf %max3A_2, %log1p3A : vector<1024x16xf32>
    %select_n3A = arith.select %ne3A, %add3A_4, %add3A_7 : vector<1024x16xi1>, vector<1024x16xf32>
    %ge3A = arith.constant 6 : i32
    %ge3A_8 = vector.broadcast %ge3A : i32 to vector<1024x16xi32>
    %ge3A_9 = arith.cmpi sge, %iota3A, %ge3A_8 : vector<1024x16xi32>
    %jit3A = arith.constant 0.000000e+00 : f32
    %broadcast_in_dim3A = vector.broadcast %jit3A : f32 to vector<1024x16xf32>
    %select_n3A_10 = arith.select %ge3A_9, %select_n3A, %broadcast_in_dim3A : vector<1024x16xi1>, vector<1024x16xf32>
    %reduce_sum3A = vector.shape_cast %select_n3A_10 : vector<1024x16xf32> to vector<1x1024x16xf32>
    %reduce_sum3A_11 = arith.constant dense<0.000000e+00> : vector<1xf32>
    %reduce_sum3A_12 = vector.multi_reduction <add>, %reduce_sum3A, %reduce_sum3A_11 [1, 2] : vector<1x1024x16xf32> to vector<1xf32>
    %reduce_sum3A_13 = vector.shape_cast %reduce_sum3A_12 : vector<1xf32> to vector<1x1x1xf32>
    %reduce_sum3A_14 = vector.extract %reduce_sum3A_13[0, 0, 0] : f32 from vector<1x1x1xf32>
    %div3A = arith.constant 1.024000e+04 : f32
    %div3A_15 = arith.divf %reduce_sum3A_14, %div3A : f32
    %reshape3A = vector.broadcast %div3A_15 : f32 to vector<1x1xf32>
    %swap3A = arith.constant 0 : index
    %swap3A_16 = arith.constant 0 : index
    %swap3A_17 = vector.load %arg1[%swap3A, %swap3A_16] : memref<1x1xf32, #tpu.memory_space<vmem>>, vector<1x1xf32>
    tpu.vector_store %arg1[%swap3A, %swap3A_16], %reshape3A {strides = array<i32>} : memref<1x1xf32, #tpu.memory_space<vmem>>, vector<1x1xf32>,
    return
  }
}

</mosaic_0001>

<sc_bundles>
// kernel: kernel.4.cloned.1.call-start
scs
__scs_entry_jumppad:
0x0: {  	(pc) =	sbr.rel $0x88, $3  }
0x1: {  	(tag) =	ssettag $0x0;
	lr =	simm.s32 $0x1  }
0x2: {  	[smem:$0x3F9F] =	sst lr;
	_ =	strace $0xD0000000  }
0x3: {  	_ = 	snop  }
0x4: {  	_ = 	snop  }
0x5: {  	_ = 	snop  }
0x6: {  	_ = 	snop  }
0x7: {  	_ = 	snop  }
__scs_overlays_trampoline_lowered:
0x8: {  	[smem:$0x3FAE] =	sst s0  }
0x9: {  	[smem:$0x3FAF] =	sst s1  }
0xa: {  	[smem:$0x3FB0] =	sst s2  }
0xb: {  	[smem:$0x3FB1] =	sst s3  }
0xc: {  	[smem:$0x3FB2] =	sst s4  }
0xd: {  	[smem:$0x3FB3] =	sst s5  }
0xe: {  	[smem:$0x3FB4] =	sst s6  }
0xf: {  	[smem:$0x3FB5] =	sst s7  }
0x10: {  	[smem:$0x3FB6] =	sst s8  }
0x11: {  	[smem:$0x3FB7] =	sst s9;
	s0 =	simm.s32 @!p0 $0x0  }
0x12: {  	s1 =	sld [smem:$0x3F9D];
	s0 =	simm.s32 @p0 $0x1  }
0x13: {  	[smem:$0x3FB8] =	sst s0;
	s0 =	simm.s32 @!p1 $0x0  }
0x14: {  	s2 =	sld [smem:$0x3F9C];
	s0 =	simm.s32 @p1 $0x1  }
0x15: {  	[smem:$0x3FB9] =	sst s0;
	s0 =	simm.s32 @!p2 $0x0  }
0x16: {  	s3 =	sld [smem:$0x3FDB];
	s0 =	simm.s32 @p2 $0x1  }
0x17: {  	s4 =	simm.s32 $0x1BF5;
	[smem:$0x3FBB] =	sst s0  }
0x18: {  	s0 =	sld [smem:$0x3F9E];
	_ =	swait.ge [sflag:s4], $0x0  }
0x19: {  	s7 =	sld [smem:$0x3F9F]  }
0x1a: {  	s8 =	sadd.s32 $0xFFFFE003, lr  }
0x1b: {  	s9 =	sadd.s32 $0xFFFFFEF7, lr;
	s5 =	simm.s32 $0xFFFFFFFF;
	p2 =	slt.u32 s8, $0xFFFFF086  }
0x1c: {  	p1 =	slt.u32 s9, $0xF7A;
	s5 =	simm.s32 @!p2 $0x0  }
0x1d: {  	s5 =	simm.s32 @p1 $0x1;
	p0 =	seq.s32 s7, s2  }
0x1e: {  	s7 =	smul.u32 @!p0 $0xF7A, s2;
	p2 =	seq.s32 @!p0 s5, $0x0  }
0x1f: {  	s9 =	smul.u32 $0xF7A, s1;
	s8 =	simm.s32 @!p0 $0x1BF5;
	p2 =	por !p2, p0  }
0x20: {  	[sflag:s8] =	ssyncset.s32 @!p0 $0xFFFFF086;
	s6 =	sadd.s32 @!p0 s3, s7;
	s7 =	simm.s32 @!p0 $0x108  }
0x21: {  	s3 =	sadd.s32 s3, s9;
	s6 =	sadd.s32 @!p0 $0x88, s6;
	s7 =	simm.s32 @p2 $0x1082  }
0x22: {  	[simem:s7], [sflag:s8] =	dma.local @!p0 [hbm:s6], $0xF7A  }
0x23: {  	s9 =	sor.u32 $0xD0000000, s2;
	s6 =	simm.s32 $0x108;
	_ =	swait.ge @!p0 [sflag:s8], $0x0  }
0x24: {  	s3 =	sadd.s32 $0x88, s3;
	s6 =	simm.s32 @!p1 $0x1082;
	[sflag:s4] =	ssyncset.s32 $0xFFFFF086  }
0x25: {  	[simem:s6], [sflag:s4] =	dma.local [hbm:s3], $0xF7A  }
0x26: {  	[smem:$0x3F9F] =	sst s1;
	(tag) =	ssettag s2;
	_ =	strace s9  }
0x27: {  	s1 =	sld [smem:$0x3FAF]  }
0x28: {  	s2 =	sld [smem:$0x3FB0]  }
0x29: {  	s4 =	sld [smem:$0x3FB2]  }
0x2a: {  	p0 =	seq.s32 s5, $0x0;
	s5 =	sld [smem:$0x3FB3]  }
0x2b: {  	s6 =	sld [smem:$0x3FB4]  }
0x2c: {  	s7 =	sld [smem:$0x3FB5]  }
0x2d: {  	s3 =	simm.s32 $0x108;
	s8 =	sld [smem:$0x3FB6]  }
0x2e: {  	s3 =	simm.s32 @!p0 $0x1082;
	s9 =	sld [smem:$0x3FB7]  }
0x2f: {  	lr =	sadd.s32 s0, s3;
	s0 =	sld [smem:$0x3FAE]  }
0x30: {  	s3 =	sld [smem:$0x3FB1]  }
0x31: {  	[smem:$0x3FBA] =	sst s10  }
0x32: {  	s10 =	sld [smem:$0x3FB8];
	_ =	sdelay $0x3  }
0x33: {  	p0 =	seq.s32 s10, $0x1;
	s10 =	sld [smem:$0x3FBA];
	_ =	sdelay $0x3  }
0x34: {  	[smem:$0x3FBA] =	sst s10  }
0x35: {  	s10 =	sld [smem:$0x3FB9];
	_ =	sdelay $0x3  }
0x36: {  	p1 =	seq.s32 s10, $0x1;
	s10 =	sld [smem:$0x3FBA];
	_ =	sdelay $0x3  }
0x37: {  	[smem:$0x3FBA] =	sst s10  }
0x38: {  	s10 =	sld [smem:$0x3FBB]  }
0x39: {  	_ = 	snop;
	(pc) =	sbr.ind lr, $3  }
0x3a: {  	_ = 	snop  }
0x3b: {  	_ = 	snop  }
0x3c: {  	p2 =	seq.s32 s10, $0x1;
	s10 =	sld [smem:$0x3FBA]  }
0x3d: {  	_ =	shalt  }
0x3e: {  	_ =	shalt  }
0x3f: {  	_ =	shalt  }
0x40: {  	_ =	shalt  }
0x41: {  	_ =	shalt  }
0x42: {  	_ =	shalt  }
0x43: {  	_ =	shalt  }
0x44: {  	_ =	shalt  }
0x45: {  	_ =	shalt  }
0x46: {  	_ =	shalt  }
0x47: {  	_ =	shalt  }
0x48: {  	_ =	shalt  }
0x49: {  	_ =	shalt  }
0x4a: {  	_ =	shalt  }
0x4b: {  	_ =	shalt  }
0x4c: {  	_ =	shalt  }
0x4d: {  	_ =	shalt  }
0x4e: {  	_ =	shalt  }
0x4f: {  	_ =	shalt  }
0x50: {  	_ =	shalt  }
0x51: {  	_ =	shalt  }
0x52: {  	_ =	shalt  }
0x53: {  	_ =	shalt  }
0x54: {  	_ =	shalt  }
0x55: {  	_ =	shalt  }
0x56: {  	_ =	shalt  }
0x57: {  	_ =	shalt  }
0x58: {  	_ =	shalt  }
0x59: {  	_ =	shalt  }
0x5a: {  	_ =	shalt  }
0x5b: {  	_ =	shalt  }
0x5c: {  	_ =	shalt  }
0x5d: {  	_ =	shalt  }
0x5e: {  	_ =	shalt  }
0x5f: {  	_ =	shalt  }
0x60: {  	_ =	shalt  }
0x61: {  	_ =	shalt  }
0x62: {  	_ =	shalt  }
0x63: {  	_ =	shalt  }
0x64: {  	_ =	shalt  }
0x65: {  	_ =	shalt  }
0x66: {  	_ =	shalt  }
0x67: {  	_ =	shalt  }
0x68: {  	_ =	shalt  }
0x69: {  	_ =	shalt  }
0x6a: {  	_ =	shalt  }
0x6b: {  	_ =	shalt  }
0x6c: {  	_ =	shalt  }
0x6d: {  	_ =	shalt  }
0x6e: {  	_ =	shalt  }
0x6f: {  	_ =	shalt  }
0x70: {  	_ =	shalt  }
0x71: {  	_ =	shalt  }
0x72: {  	_ =	shalt  }
0x73: {  	_ =	shalt  }
0x74: {  	_ =	shalt  }
0x75: {  	_ =	shalt  }
0x76: {  	_ =	shalt  }
0x77: {  	_ =	shalt  }
0x78: {  	_ =	shalt  }
0x79: {  	_ =	shalt  }
0x7a: {  	_ =	shalt  }
0x7b: {  	_ =	shalt  }
0x7c: {  	_ =	shalt  }
0x7d: {  	_ =	shalt  }
0x7e: {  	_ =	shalt  }
0x7f: {  	_ =	shalt  }
0x80: {  	_ =	shalt  }
0x81: {  	_ =	shalt  }
0x82: {  	_ =	shalt  }
0x83: {  	_ =	shalt  }
0x84: {  	_ =	shalt  }
0x85: {  	_ =	shalt  }
0x86: {  	_ =	shalt  }
0x87: {  	_ =	shalt  }
.Lfunc_end0:
.L_simem_size_0:
called_computation_lowered:
.L_overlay_start_0:
0x88: {  	s2 =	sld [smem:$0x3FD9]  }
0x89: {  	s3 =	sld [smem:$0x3FFE];
	_ =	sdelay $0x1  }
0x8a: {  	s1 =	srdreg.scid  }
0x8b: {  	s0 =	sand.u32 $0x1, s1  }
0x8c: {  	s17 =	sshll.u32 s0, $0xA;
	s2 =	sadd.s32 s3, s2  }
0x8d: {  	s2 =	sadd.s32 s2, s17  }
0x8e: {  	[smem:$0x3FC6] =	sst s2  }
0x8f: {  	_ = 	snop  }
0x90: {  	s2 =	sld [smem:$0x3FC8];
	(tm) =	ssettm $0x1  }
0x91: {  	s18 =	sld [smem:$0x3FFB];
	_ =	sdelay $0x3  }
0x92: {  	_ =	strace s18  }
0x93: {  	s3 =	sld [smem:$0x3FFC];
	_ =	sdelay $0x3  }
0x94: {  	_ =	strace s3  }
0x95: {  	s3 =	sld [smem:$0x3FFD];
	_ =	sdelay $0x3  }
0x96: {  	_ =	strace s3  }
0x97: {  	_ =	strace $0x8FFFFFFF  }
0x98: {  	s19 =	sld [smem:$0x3FDB];
	_ =	sdelay $0x1  }
0x99: {  	s4 =	simm.s32 $_scs_section_size  }
0x9a: {  	s5 =	simm.s32 $_size__tile_overlayer_lowered;
	s6 =	simm.s32 $_tile_overlayer_lowered  }
0x9b: {  	s22 =	simm.s32 $0x1BFF;
	s21 =	sshll.u32 s6, $0x1;
	s3 =	sadd.s32 s4, s19  }
0x9c: {  	s7 =	simm.s32 $0x0;
	s20 =	sshll.u32 s5, $0x1;
	s5 =	sadd.s32 s21, s3  }
0x9d: {  	[timem:s7], [sflag:s22] =	dma.local [hbm:s5], s20  }
0x9e: {  	_ =	swait.ge [sflag:s22], s20  }
0x9f: {  	s4 =	ssub.s32 $0x0, s20;
	[sflag:s22] =	ssyncset.done $0x0  }
0xa0: {  	[sflag:s22] =	ssyncadd.s32 s4;
	_ =	sdelay $0x1  }
0xa1: {  	s23 =	simm.s32 $0x1B8B  }
0xa2: {  	_ =	swait.ge [sflag:s23], $0x1  }
0xa3: {  	[sflag:s23] =	ssyncset.done $0x0  }
0xa4: {  	s25 =	simm.s32 $0x1B8E;
	s24 =	sld [smem:$0x3FFE];
	[sflag:s23] =	ssyncadd.s32 $0xFFFFFFFF  }
0xa5: {  	s26 =	simm.s32 $execute0_lowered;
	[smem:$0x3FD2] =	sst s25  }
0xa6: {  	s5 =	sshll.u32 s26, $0x1;
	_ =	strace $0x80000046;
	[dreg:$0x1] =	wrdreg $0xFFFFFFFF  }
0xa7: {  	s28 =	simm.s32 $_size_execute0_lowered;
	s3 =	sadd.s32 s3, s5;
	[dreg:$0x0] =	wrdreg $0x0  }
0xa8: {  	s5 =	sshll.u32 s28, $0x1;
	[dreg:$0x2] =	wrdreg s3  }
0xa9: {  	[dreg:$0x3] =	wrdreg s5  }
0xaa: {  	[dreg:$0x4] =	wrdreg $0xC0  }
0xab: {  	_ =	task [dreg:s7], $0x5FFFF  }
0xac: {  	[dreg:$0x1] =	wrdreg $0xFFFFFFFF  }
0xad: {  	[dreg:$0x0] =	wrdreg $0x60  }
0xae: {  	[dreg:$0x2] =	wrdreg s24  }
0xaf: {  	[dreg:$0x3] =	wrdreg s2  }
0xb0: {  	[dreg:$0x4] =	wrdreg $0x9  }
0xb1: {  	_ =	task.clear_ibuf [dreg:s7], $0x5FFFF;
	_ =	strace $0x90000046  }
0xb2: {  	s29 =	simm.s32 $0x9;
	_ =	strace $0x80000048  }
0xb3: {  	_ =	swait.ge [sflag:s29], $0x1  }
0xb4: {  	[sflag:s29] =	ssyncadd.s32 $0xFFFFFFFF  }
0xb5: {  	_ =	strace $0x90000048  }
0xb6: {  	_ =	sfence  }
0xb7: {  	s30 =	sld [smem:$0x0];
	_ =	sdelay $0x2  }
0xb8: {  	s31 =	sshll.u32 s1, $0xD;
	s1 =	sshrl.u32 s1, $0x2  }
0xb9: {  	s3 =	sand.u32 $0x4000, s31;
	s1 =	sadd.s32 s1, s30  }
0xba: {  	s0 =	sor.u32 s3, s0;
	s1 =	sshll.u32 s1, $0x11  }
0xbb: {  	s0 =	sor.u32 s1, s0  }
0xbc: {  	s0 =	sadd.s32 $0x8F2B, s0  }
0xbd: {  	[sflag:s0] =	ssyncadd.remote.s32 $0x1  }
0xbe: {  	_ =	sfence.sel $0xFFFF  }
0xbf: {  	[dreg:$0x0] =	wrdreg $0xFFFFFFFF;
	(pc) =	sbr.abs _section_cstart, $3  }
0xc0: {  	[dreg:$0x1] =	wrdreg $0xFFFFFFFF  }
0xc1: {  	_ =	task.clear_ibuf [dreg:s7], $0x2FFFF;
	_ =	strace $0x9FFFFFFF  }
0xc2: {  	(tm) =	ssettm $0x7FFFFFFF  }
0xc3: {  	_ =	shalt  }
tec
execute0_lowered:
.L_overlay_start_1:
0x0: {  	(tag) =	ssettag $0x1  }
0x1: {  	s1 =	srdreg.scid  }
0x2: {  	s5 =	rddreg [dreg:$0x0];
	s0 =	stileid.u32  }
0x3: {  	s7 =	rddreg [dreg:$0x1];
	s2 =	simm.s32 $0x0;
	s12 =	simm.s32 $0x14050  }
0x4: {  	s13 =	simm.s32 $0x5;
	s14 =	simm.s32 $0x4E20;
	s15 =	simm.s32 $0x9C40  }
0x5: {  	s16 =	simm.s32 $0xEA60;
	s17 =	simm.s32 $0x1;
	s18 =	simm.s32 $0x2  }
0x6: {  	s19 =	simm.s32 $0x3;
	s20 =	simm.s32 $0x4;
	s6 =	sand.u32 $0x1, s1  }
0x7: {  	s21 =	simm.s32 $0x14070;
	s3 =	sshll.u32 s0, $0x6;
	s4 =	sshll.u32 s6, $0x5  }
0x8: {  	s22 =	simm.s32 $0x0;
	[smem:$0x7FF] =	sst s2;
	s3 =	sor.u32 s4, s3  }
0x9: {  	_ =	strace $0x80000047;
	s6 =	ssub.s32 $0x2, s6;
	s8 =	smul.u32 $0x186A0, s3  }
.Ltmp0:
0xa: {  	s4 =	sadd.s32 $0xC38400, s5;
	s30 =	sshrl.u32 s6, $0x1;
	(pc) =	sbr.rel .LBB2_1-.Ltmp0, $4  }
0xb: {  	s9 =	sshll.u32 s3, $0x1;
	s31 =	sshrl.u32 s3, $0x3;
	s11 =	ssub.s32 s6, s30  }
0xc: {  	s10 =	sadd.s32 s9, s5;
	s6 =	sadd.s32 s7, s31;
	s29 =	sshrl.u32 s8, $0x3  }
0xd: {  	s11 =	smax.u32 s11, $0x1;
	s10 =	sadd.s32 $0x400, s10;
	s5 =	sadd.s32 s4, s29  }
0xe: {  	vm0 =	vcmask $0x171C;
	s7 =	sadd.s32 $0x9C4, s5;
	s8 =	sadd.s32 $0x1388, s5;
	s9 =	sadd.s32 $0x1D4C, s5  }
.LBB2_36:
0xf: {  	s22 =	sadd.s32 $0x1, s22  }
0x10: {  	p0 =	sne.s32 s22, s11  }
.Ltmp1:
0x11: {  	_ = 	snop;
	(pc) =	sbr.rel @!p0 .LBB2_37-.Ltmp1, $4  }
0x12: {  	[hbm4b:s10+s2] =	stream.linear.scatter [tilespmem:s21], [sflag:$0x5], $0x200, $0x38;
	[tilespmem:$0x14270] =	vst v63  }
0x13: {  	_ =	swait.ge [sflag:s13], $0x200  }
0x14: {  	[sflag:s13] =	ssyncset.done $0x0  }
0x15: {  	[sflag:s13] =	ssyncadd.s32 $0xFFFFFE00  }
.LBB2_1:
0x16: {  	[tilespmem:s12], [sflag:$0x5] =	stream.linear.gather [hbm4b:s6+s2], $0x20, $0x38;
	[tilespmem:$0x14270] =	vst v63  }
0x17: {  	_ =	swait.ge [sflag:s13], $0x20  }
0x18: {  	[sflag:s13] =	ssyncset.done $0x0  }
0x19: {  	[sflag:s13] =	ssyncadd.s32 $0xFFFFFFE0  }
0x1a: {  	[tilespmem:s2], [sflag:$0x1] =	stream.linear.gather [hbm4b:s5+s2], $0x4E20, $0x38;
	[tilespmem:$0x14270] =	vst v63  }
0x1b: {  	_ = 	snop  }
0x1c: {  	[tilespmem:s14], [sflag:$0x2] =	stream.linear.gather [hbm4b:s7+s2], $0x4E20, $0x38;
	[tilespmem:$0x14270] =	vst v63  }
0x1d: {  	_ = 	snop  }
0x1e: {  	[tilespmem:s15], [sflag:$0x3] =	stream.linear.gather [hbm4b:s8+s2], $0x4E20, $0x38;
	[tilespmem:$0x14270] =	vst v63  }
0x1f: {  	s23 =	simm.s32 $0x0  }
0x20: {  	v2 =	vimm.f32 $-Inf;
	v3 =	vimm.f32 $-Inf;
	[tilespmem:s16], [sflag:$0x4] =	stream.linear.gather [hbm4b:s9+s2], $0x4E20, $0x38;
	[tilespmem:$0x14270] =	vst v63  }
.LBB2_2:
0x21: {  	s24 =	smul.u32 $0x334, s23;
	_ =	sdelay $0x1  }
0x22: {  	s24 =	sshrl.u32 s24, $0xA  }
0x23: {  	s25 =	sand.u32 $0xF, s24  }
0x24: {  	p0 =	slt.u32 s23, $0x2;
	p1 =	sne.s32 s25, $0x0  }
0x25: {  	p2 =	sgt.u32 s23, $0x13;
	p0 =	por !p0, !p1  }
0x26: {  	s26 =	simm.s32 $0x1;
	s25 =	simm.s32 $0x1;
	p0 =	por !p0, !p0  }
0x27: {  	_ =	swait.ge [sflag:s17], $0x4E20;
	s25 =	simm.s32 @!p2 $0x0;
	s26 =	simm.s32 @!p0 $0x0  }
0x28: {  	[sflag:s17] =	ssyncset.done $0x0;
	s26 =	ssub.s32 s25, s26  }
0x29: {  	[sflag:s17] =	ssyncadd.s32 $0xFFFFB1E0;
	s28 =	sshll.u32 s26, $0x4  }
0x2a: {  	v4 =	vld [tilespmem:s28+$0x14050];
	_ =	sdelay $0x1  }
0x2b: {  	s26 =	sand.u32 $0x3F, s24  }
0x2c: {  	s24 =	ssub.s32 s26, s28  }
0x2d: {  	v0 =	vlaneseq.u32;
	v5 =	vmov s24  }
0x2e: {  	vm1 =	veq.s32 v5, v0;
	v4 =	vxor.u32 $0x80000000, v4  }
0x2f: {  	v4 =	vnsel vm1, $0x80000000, v4  }
0x30: {  	(xrf0) =	vmax.scan.msk.u32 $0xffff, v4;
	_ =	sdelay $0x5  }
0x31: {  	v4, _, _ =	vpop (xrf0)  }
0x32: {  	(v2sf) =	vpush v4, $0xF;
	_ =	sdelay $0xe  }
0x33: {  	s29 =	spop (v2sf)  }
0x34: {  	s30 =	sxor.u32 $0x80000000, s29  }
0x35: {  	s1 =	smulhi.u32 $0x68DB8BAD, s30;
	s28 =	sshra.s32 s30, $0x1F  }
0x36: {  	s28 =	smul.u32 $0x68DB8BAD, s28;
	_ =	sdelay $0x1  }
0x37: {  	s24 =	sadd.s32 s28, s1  }
0x38: {  	s28 =	sshrl.u32 s24, $0x1F;
	s24 =	sshra.s32 s24, $0xD  }
0x39: {  	s31 =	sadd.s32 s28, s24  }
0x3a: {  	s24 =	smul.u32 $0xFFFFB1E0, s31  }
0x3b: {  	p5 =	sgt.s32 s29, $0xFFFFFFFF;
	p4 =	slt.s32 s30, $0x1;
	s28 =	ssub.s32 $0x0, s30  }
0x3c: {  	p0 =	por p5, p4;
	p6 =	sne.s32 s24, s28  }
0x3d: {  	s28 =	smul.u32 $0x5, s26;
	p0 =	por !p0, !p6  }
0x3e: {  	s1 =	simm.s32 $0x1;
	s24 =	sshll.u32 s23, $0x2;
	p0 =	por !p0, !p0  }
0x3f: {  	s28 =	ssub.s32 s24, s28;
	s1 =	simm.s32 @!p0 $0x0  }
0x40: {  	s28 =	sand.u32 $0xFF, s28;
	s1 =	ssub.s32 s31, s1  }
0x41: {  	p0 =	sne.s32 s1, s28  }
0x42: {  	s1 =	smul.u32 @!p0 $0xFFFFB1E0, s28;
	_ =	sdelay $0x1  }
0x43: {  	s29 =	sand.u32 @!p0 $0xF, s29;
	s1 =	sadd.s32 @!p0 s30, s1  }
0x44: {  	p2 =	sne.s32 @!p0 s29, $0x0;
	p1 =	slt.s32 @!p0 s1, $0x1  }
0x45: {  	s29 =	sshra.s32 @!p0 s1, $0x1F;
	p1 =	por @!p0 !p2, !p1  }
0x46: {  	s29 =	sshrl.u32 @!p0 s29, $0x1C;
	p1 =	por @!p0 !p1, !p1  }
0x47: {  	s30 =	simm.s32 @!p0 $0x1;
	s29 =	sadd.s32 @!p0 s29, s1;
	p1 =	por !p1, p0  }
0x48: {  	s29 =	sshrl.u32 @!p0 s29, $0x4;
	s30 =	simm.s32 @p1 $0x0  }
0x49: {  	s29 =	ssub.s32 @!p0 s29, s30  }
0x4a: {  	s29 =	sshll.u32 @!p0 s29, $0x4  }
0x4b: {  	v4 =	vld @!p0 [tilespmem:s29+$0x0];
	_ =	sdelay $0x3  }
0x4c: {  	s1 =	ssub.s32 @!p0 s1, s29  }
0x4d: {  	v6 =	vlaneseq.u32 @!p0;
	v5 =	vmov @!p0 s1;
	v7 =	vsub.f32 @!p0 $0.0e+00, v4  }
0x4e: {  	vm1 =	veq.s32 @!p0 v5, v6  }
0x4f: {  	v4 =	vsel @!p0 vm1, v7, v4  }
0x50: {  	s0 =	simm.s32 $0x190;
	[tilespmem:s29+$0x0] =	vst @!p0 v4  }
0x51: {  	v4 =	vld [tilespmem:s0+$0x170]  }
0x52: {  	v5 =	vld [tilespmem:s0+$0x180]  }
0x53: {  	v6 =	vld [tilespmem:s0+$0xD0]  }
0x54: {  	v7 =	vld [tilespmem:s0+$0xE0]  }
0x55: {  	v8 =	vld [tilespmem:s0+$0x30]  }
0x56: {  	v9 =	vld [tilespmem:s0+$0x40]  }
0x57: {  	v10 =	vld [tilespmem:s0+$0xF0]  }
0x58: {  	v11 =	vld [tilespmem:s0+$0x100]  }
0x59: {  	v12 =	vld [tilespmem:s0+$0x110]  }
0x5a: {  	v13 =	vld [tilespmem:s0+$0x120]  }
0x5b: {  	v14 =	vld [tilespmem:s0+$0x130]  }
0x5c: {  	v15 =	vld [tilespmem:s0+$0x140]  }
0x5d: {  	v16 =	vld [tilespmem:s0+$0x150]  }
0x5e: {  	v17 =	vld [tilespmem:s0+$0x160]  }
0x5f: {  	v18 =	vld [tilespmem:s0+$0xFFFFFF90]  }
0x60: {  	v19 =	vld [tilespmem:s0+$0xFFFFFFA0]  }
0x61: {  	v20 =	vld [tilespmem:s0+$0x50]  }
0x62: {  	v21 =	vld [tilespmem:s0+$0x60]  }
0x63: {  	v22 =	vld [tilespmem:s0+$0x70]  }
0x64: {  	v23 =	vld [tilespmem:s0+$0x80]  }
0x65: {  	v24 =	vld [tilespmem:s0+$0x90]  }
0x66: {  	v25 =	vld [tilespmem:s0+$0xA0]  }
0x67: {  	v26 =	vld [tilespmem:s0+$0xB0]  }
0x68: {  	v27 =	vld [tilespmem:s0+$0xC0]  }
0x69: {  	v28 =	vld [tilespmem:s0+$0xFFFFFEF0]  }
0x6a: {  	v29 =	vld [tilespmem:s0+$0xFFFFFF00]  }
0x6b: {  	v30 =	vld [tilespmem:s0+$0xFFFFFFB0]  }
0x6c: {  	v31 =	vld [tilespmem:s0+$0xFFFFFFC0]  }
0x6d: {  	v32 =	vld [tilespmem:s0+$0xFFFFFFD0]  }
0x6e: {  	v33 =	vld [tilespmem:s0+$0xFFFFFFE0]  }
0x6f: {  	v34 =	vld [tilespmem:s0+$0xFFFFFFF0]  }
0x70: {  	v35 =	vld [tilespmem:s0+$0x0]  }
0x71: {  	v36 =	vld [tilespmem:s0+$0x10]  }
0x72: {  	v37 =	vld [tilespmem:s0+$0x20]  }
0x73: {  	v38 =	vld [tilespmem:s0+$0xFFFFFF10]  }
0x74: {  	v39 =	vld [tilespmem:s0+$0xFFFFFF20]  }
0x75: {  	v40 =	vld [tilespmem:s0+$0xFFFFFF30]  }
0x76: {  	v41 =	vld [tilespmem:s0+$0xFFFFFF40]  }
0x77: {  	v42 =	vld [tilespmem:s0+$0xFFFFFF50]  }
0x78: {  	v43 =	vld [tilespmem:s0+$0xFFFFFF60]  }
0x79: {  	v44 =	vld [tilespmem:s0+$0xFFFFFF70]  }
0x7a: {  	v45 =	vld [tilespmem:s0+$0xFFFFFF80]  }
0x7b: {  	v46 =	vld [tilespmem:s0+$0xFFFFFE70]  }
0x7c: {  	v47 =	vld [tilespmem:s0+$0xFFFFFE80]  }
0x7d: {  	s30 =	simm.s32 $0x4B0;
	v48 =	vld [tilespmem:s0+$0xFFFFFE90]  }
0x7e: {  	v0 =	vld [tilespmem:s30+$0x170]  }
0x7f: {  	v49 =	vld [tilespmem:s0+$0xFFFFFEA0]  }
0x80: {  	v50 =	vld [tilespmem:s0+$0xFFFFFEB0]  }
0x81: {  	v51 =	vld [tilespmem:s0+$0xFFFFFEC0]  }
0x82: {  	v52 =	vld [tilespmem:s0+$0xFFFFFED0]  }
0x83: {  	v53 =	vld [tilespmem:s0+$0xFFFFFEE0];
	[tilespmem:$0x1FEE0] =	vst v0  }
0x84: {  	v0 =	vld [tilespmem:s30+$0x180];
	_ =	sdelay $0x4  }
0x85: {  	[tilespmem:$0x1FEF0] =	vst v0  }
0x86: {  	v0 =	vld [tilespmem:s30+$0x30];
	_ =	sdelay $0x3  }
0x87: {  	v56 =	vld [tilespmem:s30+$0xD0]  }
0x88: {  	v57 =	vld [tilespmem:s30+$0xE0];
	[tilespmem:$0x1FF00] =	vst v0  }
0x89: {  	v0 =	vld [tilespmem:s30+$0x40];
	_ =	sdelay $0x4  }
0x8a: {  	[tilespmem:$0x1FF10] =	vst v0  }
0x8b: {  	v0 =	vld [tilespmem:s30+$0xF0];
	_ =	sdelay $0x4  }
0x8c: {  	[tilespmem:$0x1FF20] =	vst v0  }
0x8d: {  	v0 =	vld [tilespmem:s30+$0x100];
	_ =	sdelay $0x4  }
0x8e: {  	[tilespmem:$0x1FF30] =	vst v0  }
0x8f: {  	v0 =	vld [tilespmem:s30+$0x110];
	_ =	sdelay $0x4  }
0x90: {  	[tilespmem:$0x1FF40] =	vst v0  }
0x91: {  	v0 =	vld [tilespmem:s30+$0x120];
	_ =	sdelay $0x4  }
0x92: {  	[tilespmem:$0x1FF50] =	vst v0  }
0x93: {  	v0 =	vld [tilespmem:s30+$0x130];
	_ =	sdelay $0x4  }
0x94: {  	[tilespmem:$0x1FF60] =	vst v0  }
0x95: {  	v0 =	vld [tilespmem:s30+$0x140];
	_ =	sdelay $0x4  }
0x96: {  	[tilespmem:$0x1FF70] =	vst v0  }
0x97: {  	v0 =	vld [tilespmem:s30+$0x150];
	_ =	sdelay $0x4  }
0x98: {  	[tilespmem:$0x1FF80] =	vst v0  }
0x99: {  	v0 =	vld [tilespmem:s30+$0x160];
	_ =	sdelay $0x4  }
0x9a: {  	[tilespmem:$0x1FF90] =	vst v0  }
0x9b: {  	v0 =	vld [tilespmem:s30+$0x50];
	_ =	sdelay $0x3  }
0x9c: {  	v61 =	vld [tilespmem:s30+$0xFFFFFF90]  }
0x9d: {  	v55 =	vld [tilespmem:s30+$0xFFFFFFA0];
	[tilespmem:$0x1FFA0] =	vst v0  }
0x9e: {  	v0 =	vld [tilespmem:s30+$0x60];
	_ =	sdelay $0x4  }
0x9f: {  	[tilespmem:$0x1FFB0] =	vst v0  }
0xa0: {  	v0 =	vld [tilespmem:s30+$0x70];
	_ =	sdelay $0x4  }
0xa1: {  	[tilespmem:$0x1FFC0] =	vst v0  }
0xa2: {  	v0 =	vld [tilespmem:s30+$0x80]  }
0xa3: {  	v6 =	vmax.f32 v6, v7;
	v4 =	vmax.f32 v4, v5;
	v5 =	vmax.f32 v8, v9  }
0xa4: {  	v9 =	vmax.f32 v10, v11;
	v10 =	vmax.f32 v12, v13;
	v18 =	vmax.f32 v18, v19  }
0xa5: {  	v11 =	vmax.f32 v14, v15;
	v12 =	vmax.f32 v16, v17;
	v13 =	vmax.f32 v20, v21  }
0xa6: {  	v14 =	vmax.f32 v22, v23;
	v15 =	vmax.f32 v24, v25;
	v16 =	vmax.f32 v28, v29  }
0xa7: {  	v17 =	vmax.f32 v30, v31;
	v19 =	vmax.f32 v26, v27;
	v20 =	vmax.f32 v32, v33;
	[tilespmem:$0x1FFD0] =	vst v0  }
0xa8: {  	v21 =	vmax.f32 v34, v35;
	v22 =	vmax.f32 v36, v37;
	v23 =	vmax.f32 v38, v39;
	v0 =	vld [tilespmem:s30+$0xB0]  }
0xa9: {  	v24 =	vmax.f32 v40, v41;
	v25 =	vmax.f32 v42, v43;
	v26 =	vmax.f32 v46, v47  }
0xaa: {  	v27 =	vmax.f32 v48, v49;
	v29 =	vmax.f32 v44, v45;
	v31 =	vmax.f32 v50, v51  }
0xab: {  	v51 =	vmax.f32 v52, v53;
	v9 =	vmax.f32 v9, v10;
	v52 =	vmax.f32 v13, v14  }
0xac: {  	v13 =	vmax.f32 v26, v27;
	v14 =	vmax.f32 v31, v51;
	v17 =	vmax.f32 v17, v20;
	v63 =	vld [tilespmem:s30+$0x90]  }
0xad: {  	v20 =	vmax.f32 v23, v24;
	v23 =	vmax.f32 v25, v29;
	v14 =	vmax.f32 v13, v14;
	v62 =	vld [tilespmem:s30+$0xA0];
	[tilespmem:$0x1FFE0] =	vst v0  }
0xae: {  	v15 =	vmax.f32 v15, v19;
	v24 =	vmax.f32 v14, v16;
	v14 =	vmax.f32 v20, v23;
	v0 =	vld [tilespmem:s30+$0xC0]  }
0xaf: {  	v20 =	vmax.f32 v21, v22;
	v21 =	vmax.f32 v14, v18;
	v14 =	vimm.f32 $-Inf  }
0xb0: {  	v19 =	vmax.f32 v11, v12;
	v17 =	vmax.f32 v17, v20;
	v18 =	vmax.f32 v14, v24  }
0xb1: {  	v15 =	vmax.f32 v52, v15;
	v29 =	vmax.f32 v17, v5;
	v5 =	vmax.f32 v18, v21  }
0xb2: {  	v31 =	vmax.f32 v15, v6;
	v6 =	vmax.f32 v9, v19;
	v5 =	vmax.f32 v5, v29;
	v9 =	vld [tilespmem:$0x1FEF0]  }
0xb3: {  	v53 =	vmax.f32 v6, v4;
	v4 =	vmax.f32 v5, v31;
	v5 =	vld [tilespmem:$0x1FEE0];
	[tilespmem:$0x1FFF0] =	vst v0  }
0xb4: {  	v60 =	vld [tilespmem:s30+$0xFFFFFEF0]  }
0xb5: {  	v58 =	vld [tilespmem:s30+$0xFFFFFF00]  }
0xb6: {  	v59 =	vld [tilespmem:s30+$0xFFFFFFB0]  }
0xb7: {  	v7 =	vld [tilespmem:s30+$0xFFFFFFC0]  }
0xb8: {  	v54 =	vld [tilespmem:s30+$0xFFFFFFD0]  }
0xb9: {  	v1 =	vld [tilespmem:s30+$0xFFFFFFE0]  }
0xba: {  	s29 =	simm.s32 $0x138A0;
	v0 =	vld [tilespmem:s30+$0xFFFFFFF0]  }
0xbb: {  	v28 =	vld [tilespmem:s30+$0x0];
	[tilespmem:s29+$0xFFFFFFE0] =	vst v24  }
0xbc: {  	v5 =	vmax.f32 v5, v9;
	v9 =	vld [tilespmem:$0x1FF00]  }
0xbd: {  	v15 =	vld [tilespmem:$0x1FF10]  }
0xbe: {  	v30 =	vld [tilespmem:s30+$0x10]  }
0xbf: {  	v43 =	vld [tilespmem:s30+$0x20]  }
0xc0: {  	v8 =	vld [tilespmem:s30+$0xFFFFFF10]  }
0xc1: {  	v22 =	vld [tilespmem:$0x1FF30]  }
0xc2: {  	v9 =	vmax.f32 v9, v15;
	v15 =	vld [tilespmem:$0x1FF20]  }
0xc3: {  	v10 =	vld [tilespmem:s30+$0xFFFFFF20]  }
0xc4: {  	v11 =	vld [tilespmem:s30+$0xFFFFFF30]  }
0xc5: {  	v12 =	vld [tilespmem:s30+$0xFFFFFF40]  }
0xc6: {  	v24 =	vld [tilespmem:$0x1FF50]  }
0xc7: {  	v22 =	vmax.f32 v15, v22;
	v15 =	vld [tilespmem:$0x1FF40];
	[tilespmem:s29+$0xFFFFFFF0] =	vst v21  }
0xc8: {  	v21 =	vld [tilespmem:$0x1FF60]  }
0xc9: {  	v26 =	vld [tilespmem:$0x1FF70]  }
0xca: {  	v13 =	vld [tilespmem:s30+$0xFFFFFF50]  }
0xcb: {  	v16 =	vld [tilespmem:s30+$0xFFFFFF60]  }
0xcc: {  	v14 =	vld [tilespmem:s30+$0xFFFFFF70]  }
0xcd: {  	v27 =	vld [tilespmem:$0x1FF90]  }
0xce: {  	v26 =	vmax.f32 v21, v26;
	v21 =	vld [tilespmem:$0x1FF80]  }
0xcf: {  	v17 =	vld [tilespmem:s30+$0xFFFFFF80]  }
0xd0: {  	v18 =	vld [tilespmem:s30+$0xFFFFFE70]  }
0xd1: {  	v19 =	vld [tilespmem:s30+$0xFFFFFE80];
	[tilespmem:s29+$0x0] =	vst v29  }
0xd2: {  	v6 =	vmax.f32 v56, v57;
	v57 =	vld [tilespmem:$0x1FFB0]  }
0xd3: {  	v27 =	vmax.f32 v21, v27;
	v21 =	vld [tilespmem:$0x1FFA0]  }
0xd4: {  	v20 =	vld [tilespmem:s30+$0xFFFFFE90]  }
0xd5: {  	v23 =	vld [tilespmem:s30+$0xFFFFFEA0]  }
0xd6: {  	v35 =	vld [tilespmem:s30+$0xFFFFFED0]  }
0xd7: {  	v25 =	vmax.f32 v15, v24;
	v15 =	vmax.f32 v61, v55;
	v61 =	vld [tilespmem:$0x1FFD0]  }
0xd8: {  	v32 =	vmax.f32 v21, v57;
	v21 =	vld [tilespmem:$0x1FFC0];
	[tilespmem:s29+$0x10] =	vst v31  }
0xd9: {  	v31 =	vmax.f32 v59, v7;
	v7 =	vld [tilespmem:$0x1FFE0]  }
0xda: {  	v34 =	vmax.f32 v63, v62;
	v63 =	vld [tilespmem:$0x1FFF0]  }
0xdb: {  	v38 =	vld [tilespmem:s30+$0xFFFFFEE0]  }
0xdc: {  	p0 =	seq.s32 s28, $0x0;
	v24 =	vld [tilespmem:s30+$0xFFFFFEB0]  }
0xdd: {  	v3 =	vpsel p0, $0xFF800000, v3;
	v4 =	vmax.f32 v4, v53;
	v29 =	vld [tilespmem:s30+$0xFFFFFEC0]  }
0xde: {  	v36 =	vmax.f32 v54, v1;
	v28 =	vmax.f32 v0, v28;
	v30 =	vmax.f32 v30, v43  }
0xdf: {  	s31 =	simm.s32 $0x7D0;
	s30 =	simm.s32 $0x5;
	[tilespmem:s29+$0x20] =	vst v53;
	v33 =	vmax.f32 v21, v61;
	v21 =	vmax.f32 v60, v58;
	v37 =	vmax.f32 v7, v63  }
.LBB2_3:
0xe0: {  	v7 =	vld [tilespmem:s31+$0x170];
	v0 =	vmax.f32 v8, v10;
	v1 =	vmax.f32 v11, v12;
	v8 =	vmax.f32 v13, v16  }
0xe1: {  	v10 =	vmax.f32 v18, v19;
	v11 =	vmax.f32 v20, v23;
	v12 =	vmax.f32 v14, v17;
	v39 =	vld [tilespmem:s31+$0x180]  }
0xe2: {  	v13 =	vmax.f32 v24, v29;
	v16 =	vmax.f32 v22, v25;
	v40 =	vld [tilespmem:s31+$0xD0];
	v14 =	vmax.f32 v35, v38  }
0xe3: {  	v17 =	vmax.f32 v32, v33;
	v18 =	vmax.f32 v34, v37;
	v19 =	vmax.f32 v26, v27;
	v22 =	vld [tilespmem:s31+$0xE0]  }
0xe4: {  	v10 =	vmax.f32 v10, v11;
	v11 =	vmax.f32 v13, v14;
	v13 =	vmax.f32 v31, v36;
	v25 =	vld [tilespmem:s31+$0x30]  }
0xe5: {  	v0 =	vmax.f32 v0, v1;
	v1 =	vmax.f32 v8, v12;
	v10 =	vmax.f32 v10, v11;
	v26 =	vld [tilespmem:s31+$0x40]  }
0xe6: {  	s29 =	sadd.s32 $0x50, s29;
	v0 =	vmax.f32 v0, v1;
	v1 =	vmax.f32 v28, v30;
	v8 =	vmax.f32 v10, v21;
	v27 =	vld [tilespmem:s31+$0xF0]  }
0xe7: {  	v0 =	vmax.f32 v0, v15;
	v1 =	vmax.f32 v13, v1;
	v4 =	vmax.f32 v4, v8;
	v21 =	vld [tilespmem:s31+$0x100];
	[tilespmem:s29+$0xFFFFFFE0] =	vst v8  }
0xe8: {  	v1 =	vmax.f32 v1, v9;
	v15 =	vld [tilespmem:s31+$0x110];
	[tilespmem:s29+$0xFFFFFFF0] =	vst v0;
	v0 =	vmax.f32 v4, v0;
	v4 =	vmax.f32 v17, v18  }
0xe9: {  	v28 =	vld [tilespmem:s31+$0x120];
	[tilespmem:s29+$0x0] =	vst v1;
	v0 =	vmax.f32 v0, v1;
	v1 =	vmax.f32 v4, v6;
	v4 =	vmax.f32 v16, v19  }
0xea: {  	v30 =	vld [tilespmem:s31+$0x130];
	[tilespmem:s29+$0x10] =	vst v1;
	v0 =	vmax.f32 v0, v1;
	v1 =	vmax.f32 v4, v5  }
0xeb: {  	v31 =	vld [tilespmem:s31+$0x140];
	[tilespmem:s29+$0x20] =	vst v1;
	v4 =	vmax.f32 v0, v1  }
0xec: {  	v0 =	vld [tilespmem:s31+$0x150]  }
0xed: {  	v1 =	vld [tilespmem:s31+$0x160]  }
0xee: {  	v32 =	vld [tilespmem:s31+$0xFFFFFF90]  }
0xef: {  	v33 =	vld [tilespmem:s31+$0xFFFFFFA0]  }
0xf0: {  	v34 =	vld [tilespmem:s31+$0x50]  }
0xf1: {  	v36 =	vld [tilespmem:s31+$0x60]  }
0xf2: {  	v37 =	vld [tilespmem:s31+$0x70]  }
0xf3: {  	v41 =	vld [tilespmem:s31+$0x80]  }
0xf4: {  	v42 =	vld [tilespmem:s31+$0x90]  }
0xf5: {  	v43 =	vld [tilespmem:s31+$0xA0]  }
0xf6: {  	v44 =	vld [tilespmem:s31+$0xB0]  }
0xf7: {  	v45 =	vld [tilespmem:s31+$0xC0]  }
0xf8: {  	v46 =	vld [tilespmem:s31+$0xFFFFFEF0]  }
0xf9: {  	v47 =	vld [tilespmem:s31+$0xFFFFFF00]  }
0xfa: {  	v48 =	vld [tilespmem:s31+$0xFFFFFFB0]  }
0xfb: {  	v49 =	vld [tilespmem:s31+$0xFFFFFFC0]  }
0xfc: {  	v50 =	vld [tilespmem:s31+$0xFFFFFFD0]  }
0xfd: {  	v51 =	vld [tilespmem:s31+$0xFFFFFFE0]  }
0xfe: {  	v52 =	vld [tilespmem:s31+$0xFFFFFFF0]  }
0xff: {  	v53 =	vld [tilespmem:s31+$0x0]  }
0x100: {  	v54 =	vld [tilespmem:s31+$0x10]  }
0x101: {  	v55 =	vld [tilespmem:s31+$0x20]  }
0x102: {  	v8 =	vld [tilespmem:s31+$0xFFFFFF10]  }
0x103: {  	v10 =	vld [tilespmem:s31+$0xFFFFFF20]  }
0x104: {  	v11 =	vld [tilespmem:s31+$0xFFFFFF30]  }
0x105: {  	v12 =	vld [tilespmem:s31+$0xFFFFFF40]  }
0x106: {  	v13 =	vld [tilespmem:s31+$0xFFFFFF50]  }
0x107: {  	v16 =	vld [tilespmem:s31+$0xFFFFFF60]  }
0x108: {  	v14 =	vld [tilespmem:s31+$0xFFFFFF70]  }
0x109: {  	v17 =	vld [tilespmem:s31+$0xFFFFFF80]  }
0x10a: {  	v18 =	vld [tilespmem:s31+$0xFFFFFE70]  }
0x10b: {  	v19 =	vld [tilespmem:s31+$0xFFFFFE80]  }
0x10c: {  	v20 =	vld [tilespmem:s31+$0xFFFFFE90]  }
0x10d: {  	s30 =	sadd.s32 $0x5, s30;
	v23 =	vld [tilespmem:s31+$0xFFFFFEA0]  }
0x10e: {  	p1 =	slt.u32 s30, $0x78;
	v6 =	vmax.f32 v40, v22;
	v5 =	vmax.f32 v7, v39;
	v24 =	vld [tilespmem:s31+$0xFFFFFEB0]  }
.Ltmp2:
0x10f: {  	v9 =	vmax.f32 v25, v26;
	v22 =	vmax.f32 v27, v21;
	v25 =	vmax.f32 v15, v28;
	v29 =	vld [tilespmem:s31+$0xFFFFFEC0];
	(pc) =	sbr.rel @p1 .LBB2_3-.Ltmp2, $4  }
0x110: {  	v26 =	vmax.f32 v30, v31;
	v27 =	vmax.f32 v0, v1;
	v15 =	vmax.f32 v32, v33;
	v35 =	vld [tilespmem:s31+$0xFFFFFED0]  }
0x111: {  	v32 =	vmax.f32 v34, v36;
	v33 =	vmax.f32 v37, v41;
	v34 =	vmax.f32 v42, v43;
	v38 =	vld [tilespmem:s31+$0xFFFFFEE0]  }
0x112: {  	v37 =	vmax.f32 v44, v45;
	v21 =	vmax.f32 v46, v47;
	v31 =	vmax.f32 v48, v49  }
0x113: {  	v36 =	vmax.f32 v50, v51;
	v28 =	vmax.f32 v52, v53;
	v30 =	vmax.f32 v54, v55;
	s31 =	sadd.s32 $0x320, s31  }
0x114: {  	v0 =	vmax.f32 v8, v10;
	v1 =	vmax.f32 v11, v12;
	v7 =	vmax.f32 v13, v16  }
0x115: {  	v50 =	vmax.f32 v18, v19;
	v51 =	vmax.f32 v20, v23;
	v52 =	vmax.f32 v14, v17  }
0x116: {  	v53 =	vmax.f32 v24, v29;
	v55 =	vmax.f32 v22, v25;
	v56 =	vmax.f32 v32, v33  }
0x117: {  	v57 =	vmax.f32 v34, v37;
	v58 =	vmax.f32 v26, v27;
	v54 =	vmax.f32 v35, v38  }
0x118: {  	v60 =	vmax.f32 v31, v36;
	v8 =	vmax.f32 v50, v51;
	v59 =	vmax.f32 v53, v54  }
0x119: {  	v0 =	vmax.f32 v0, v1;
	v1 =	vmax.f32 v7, v52;
	v8 =	vmax.f32 v8, v59  }
0x11a: {  	v0 =	vmax.f32 v0, v1;
	v1 =	vmax.f32 v28, v30;
	v61 =	vmax.f32 v8, v21  }
0x11b: {  	v0 =	vmax.f32 v0, v15;
	v1 =	vmax.f32 v60, v1;
	v4 =	vmax.f32 v4, v61  }
0x11c: {  	v62 =	vmax.f32 v56, v57;
	v1 =	vmax.f32 v1, v9;
	v4 =	vmax.f32 v4, v0  }
0x11d: {  	v63 =	vmax.f32 v55, v58;
	v6 =	vmax.f32 v62, v6;
	v4 =	vmax.f32 v4, v1  }
0x11e: {  	v5 =	vmax.f32 v63, v5;
	v4 =	vmax.f32 v4, v6  }
0x11f: {  	v4 =	vmax.f32 v4, v5  }
0x120: {  	(xrf1) =	vsort.ascd.msk.f32 $0xffff, v4, v4;
	_ =	sdelay $0xd  }
0x121: {  	v4, _, _ =	vpop (xrf1)  }
0x122: {  	v4 =	vsel vm0, $0xFF800000, v4  }
0x123: {  	(xrf0) =	vmax.scan.msk.f32 $0xffff, v4;
	_ =	sdelay $0x4  }
0x124: {  	s1 =	sadd.s32 $0x50, s29  }
.Ltmp3:
0x125: {  	[tilespmem:s1+$0x10] =	vst v6;
	v4, _, _ =	vpop (xrf0);
	(pc) =	sbr.rel .LBB2_5-.Ltmp3, $4  }
0x126: {  	[tilespmem:s1+$0xFFFFFFF0] =	vst v0;
	v0 =	vbroadcast v4, $0xF  }
0x127: {  	[tilespmem:s1+$0x20] =	vst v5  }
0x128: {  	[tilespmem:s1+$0x0] =	vst v1;
	v1 =	vmax.f32 v2, v0  }
0x129: {  	s29 =	simm.s32 $0x0;
	s30 =	simm.s32 $0x13880;
	[tilespmem:s1+$0xFFFFFFE0] =	vst v61;
	v2 =	vpsel p0, v0, v1  }
.LBB2_9:
0x12a: {  	s29 =	sadd.s32 $0x1, s29  }
0x12b: {  	p0 =	sne.s32 s29, $0x5  }
.Ltmp4:
0x12c: {  	_ = 	snop;
	(pc) =	sbr.rel @!p0 .LBB2_10-.Ltmp4, $2  }
0x12d: {  	_ =	sdelay $0x2  }
0x12e: {  	s30 =	sadd.s32 $0x190, s30  }
.LBB2_5:
0x12f: {  	s1 =	smul.u32 $0x640, s29;
	_ =	sdelay $0x1  }
0x130: {  	s1 =	sshra.s32 s1, $0x2  }
0x131: {  	v0 =	vld [tilespmem:s1+$0x13880]  }
0x132: {  	v1 =	vld [tilespmem:s1+$0x13890]  }
0x133: {  	v4 =	vld [tilespmem:s1+$0x138A0]  }
0x134: {  	v5 =	vld [tilespmem:s1+$0x138B0]  }
0x135: {  	v6 =	vld [tilespmem:s1+$0x138C0]  }
0x136: {  	v7 =	vld [tilespmem:s1+$0x138D0]  }
0x137: {  	v8 =	vld [tilespmem:s1+$0x138E0]  }
0x138: {  	v9 =	vld [tilespmem:s1+$0x138F0]  }
0x139: {  	v10 =	vld [tilespmem:s1+$0x13900]  }
0x13a: {  	v11 =	vld [tilespmem:s1+$0x13910]  }
0x13b: {  	v12 =	vld [tilespmem:s1+$0x13920]  }
0x13c: {  	v13 =	vld [tilespmem:s1+$0x13930]  }
0x13d: {  	v14 =	vld [tilespmem:s1+$0x13940]  }
0x13e: {  	v15 =	vld [tilespmem:s1+$0x13950]  }
0x13f: {  	v16 =	vld [tilespmem:s1+$0x13960]  }
0x140: {  	v17 =	vld [tilespmem:s1+$0x13970]  }
0x141: {  	v18 =	vld [tilespmem:s1+$0x13980]  }
0x142: {  	v19 =	vld [tilespmem:s1+$0x13990]  }
0x143: {  	v20 =	vld [tilespmem:s1+$0x139A0]  }
0x144: {  	v21 =	vld [tilespmem:s1+$0x139B0]  }
0x145: {  	v22 =	vld [tilespmem:s1+$0x139C0]  }
0x146: {  	v23 =	vld [tilespmem:s1+$0x139D0]  }
0x147: {  	v24 =	vld [tilespmem:s1+$0x139E0]  }
0x148: {  	v25 =	vld [tilespmem:s1+$0x139F0];
	_ =	sdelay $0x1  }
0x149: {  	v0 =	vmax.f32 v0, v1;
	v1 =	vmax.f32 v4, v5;
	v4 =	vmax.f32 v6, v7  }
0x14a: {  	v5 =	vmax.f32 v8, v9;
	v53 =	vmax.f32 v10, v11;
	v54 =	vmax.f32 v12, v13  }
0x14b: {  	v55 =	vld [tilespmem:s1+$0x13A00];
	v56 =	vmax.f32 v14, v15;
	v57 =	vmax.f32 v16, v17;
	v58 =	vmax.f32 v18, v19  }
0x14c: {  	v59 =	vmax.f32 v20, v21;
	v60 =	vmax.f32 v22, v23;
	v61 =	vmax.f32 v24, v25  }
0x14d: {  	v0 =	vmax.f32 v0, v1;
	v1 =	vmax.f32 v4, v5;
	v4 =	vmax.f32 v53, v54  }
0x14e: {  	v5 =	vmax.f32 v56, v57;
	v62 =	vmax.f32 v58, v59;
	v63 =	vmax.f32 v60, v61  }
0x14f: {  	v0 =	vmax.f32 v0, v1;
	v1 =	vmax.f32 v4, v5;
	v4 =	vmax.f32 v62, v63  }
0x150: {  	v0 =	vmax.f32 v0, v1;
	v1 =	vmax.f32 v4, v55  }
0x151: {  	v0 =	vmax.f32 v0, v1  }
0x152: {  	vm1 =	vge.f32 v0, v2  }
0x153: {  	v0 =	vmpcnt.ones.xlane vm1;
	_ =	sdelay $0x1  }
0x154: {  	(v2sf) =	vpush v0, $0x0;
	_ =	sdelay $0xe  }
0x155: {  	s0 =	spop (v2sf)  }
0x156: {  	p0 =	slt.s32 s0, $0x1  }
.Ltmp5:
0x157: {  	_ = 	snop;
	(pc) =	sbr.rel @!p0 .LBB2_6-.Ltmp5, $4  }
.Ltmp6:
0x158: {  	_ = 	snop;
	(pc) =	sbr.rel @p0 .LBB2_9-.Ltmp6, $4  }
0x159: {  	_ = 	snop  }
0x15a: {  	_ = 	snop  }
0x15b: {  	s31 =	simm.s32 $0x0  }
0x15c: {  	_ = 	snop  }
.LBB2_8:
0x15d: {  	s31 =	sadd.s32 $0x40, s31  }
0x15e: {  	p0 =	sne.s32 s31, $0x640  }
.Ltmp7:
0x15f: {  	_ = 	snop;
	(pc) =	sbr.rel @!p0 .LBB2_9-.Ltmp7, $1  }
0x160: {  	_ =	sdelay $0x3  }
.LBB2_6:
0x161: {  	s1 =	sshra.s32 s31, $0x2  }
0x162: {  	s1 =	sadd.s32 s1, s30  }
0x163: {  	v4 =	vld [tilespmem:s1+$0x0];
	_ =	sdelay $0x4  }
0x164: {  	vm1 =	vge.f32 v4, v2  }
0x165: {  	v0 =	vmpcnt.ones.xlane vm1;
	_ =	sdelay $0x1  }
0x166: {  	(v2sf) =	vpush v0, $0x0;
	_ =	sdelay $0xe  }
0x167: {  	s0 =	spop (v2sf)  }
0x168: {  	p0 =	slt.s32 s0, $0x1  }
.Ltmp8:
0x169: {  	_ = 	snop;
	(pc) =	sbr.rel @p0 .LBB2_8-.Ltmp8, $1  }
0x16a: {  	_ =	sdelay $0x3  }
0x16b: {  	(xrf1) =	vsort.dscd.msk.f32 $0xffff, v4, v4;
	_ =	sdelay $0xd  }
0x16c: {  	v5, _, _ =	vpop (xrf1)  }
0x16d: {  	v0 =	vmax.f32 v3, v5  }
0x16e: {  	(xrf1) =	vsort.ascd.msk.f32 $0xffff, v0, v0;
	_ =	sdelay $0xd  }
0x16f: {  	v0, _, _ =	vpop (xrf1)  }
0x170: {  	v1 =	vsel vm0, $0xFF800000, v0  }
0x171: {  	(xrf0) =	vmax.scan.msk.f32 $0xffff, v1;
	_ =	sdelay $0x5  }
0x172: {  	v1, _, _ =	vpop (xrf0)  }
0x173: {  	v1 =	vbroadcast v1, $0xF;
	_ =	sdelay $0x1  }
0x174: {  	v1 =	vmax.f32 v2, v1  }
0x175: {  	vm1 =	vge.f32 v4, v1  }
0x176: {  	v2 =	vmpcnt.ones.xlane vm1;
	_ =	sdelay $0x1  }
0x177: {  	(v2sf) =	vpush v2, $0x0;
	_ =	sdelay $0xe  }
0x178: {  	s1 =	spop (v2sf)  }
0x179: {  	p0 =	slt.s32 s1, $0x1  }
0x17a: {  	v2 =	vmax.f32 @!p0 v0, v5  }
0x17b: {  	(xrf1) =	vsort.ascd.msk.f32 @!p0 $0xffff, v2, v2;
	_ =	sdelay $0xd  }
0x17c: {  	vm1 =	vcmask @!p0 $0x171C;
	v2, _, _ =	vpop @!p0 (xrf1)  }
0x17d: {  	v3 =	vsel @!p0 vm1, $0xFF800000, v2  }
0x17e: {  	(xrf0) =	vmax.scan.msk.f32 @!p0 $0xffff, v3;
	_ =	sdelay $0x5  }
0x17f: {  	v3, _, _ =	vpop @!p0 (xrf0)  }
0x180: {  	v3 =	vbroadcast @!p0 v3, $0xF;
	_ =	sdelay $0x1  }
0x181: {  	v3 =	vmax.f32 @!p0 v1, v3  }
0x182: {  	v1 =	vpsel p0, v1, v3  }
0x183: {  	vm1 =	vge.f32 v4, v1  }
0x184: {  	v3 =	vmpcnt.ones.xlane vm1;
	_ =	sdelay $0x1  }
0x185: {  	(v2sf) =	vpush v3, $0x0;
	_ =	sdelay $0xe  }
0x186: {  	s0 =	spop (v2sf)  }
0x187: {  	v0 =	vpsel p0, v0, v2;
	p0 =	slt.s32 s0, $0x1  }
0x188: {  	v2 =	vmax.f32 @!p0 v0, v5  }
0x189: {  	(xrf1) =	vsort.ascd.msk.f32 @!p0 $0xffff, v2, v2;
	_ =	sdelay $0xd  }
0x18a: {  	vm1 =	vcmask @!p0 $0x171C;
	v2, _, _ =	vpop @!p0 (xrf1)  }
0x18b: {  	v3 =	vsel @!p0 vm1, $0xFF800000, v2  }
0x18c: {  	(xrf0) =	vmax.scan.msk.f32 @!p0 $0xffff, v3;
	_ =	sdelay $0x5  }
0x18d: {  	v3, _, _ =	vpop @!p0 (xrf0)  }
0x18e: {  	v3 =	vbroadcast @!p0 v3, $0xF;
	_ =	sdelay $0x1  }
0x18f: {  	v3 =	vmax.f32 @!p0 v1, v3  }
0x190: {  	v1 =	vpsel p0, v1, v3  }
0x191: {  	vm1 =	vge.f32 v4, v1  }
0x192: {  	v3 =	vmpcnt.ones.xlane vm1;
	_ =	sdelay $0x1  }
0x193: {  	(v2sf) =	vpush v3, $0x0;
	_ =	sdelay $0xe  }
0x194: {  	s0 =	spop (v2sf)  }
0x195: {  	v0 =	vpsel p0, v0, v2;
	p0 =	slt.s32 s0, $0x1  }
0x196: {  	v2 =	vmax.f32 @!p0 v0, v5  }
0x197: {  	(xrf1) =	vsort.ascd.msk.f32 @!p0 $0xffff, v2, v2;
	_ =	sdelay $0xd  }
0x198: {  	vm1 =	vcmask @!p0 $0x171C;
	v2, _, _ =	vpop @!p0 (xrf1)  }
0x199: {  	v3 =	vsel @!p0 vm1, $0xFF800000, v2  }
0x19a: {  	(xrf0) =	vmax.scan.msk.f32 @!p0 $0xffff, v3;
	_ =	sdelay $0x5  }
0x19b: {  	v3, _, _ =	vpop @!p0 (xrf0)  }
0x19c: {  	v3 =	vbroadcast @!p0 v3, $0xF;
	_ =	sdelay $0x1  }
0x19d: {  	v3 =	vmax.f32 @!p0 v1, v3  }
0x19e: {  	v1 =	vpsel p0, v1, v3  }
0x19f: {  	vm1 =	vge.f32 v4, v1  }
0x1a0: {  	v3 =	vmpcnt.ones.xlane vm1;
	_ =	sdelay $0x1  }
0x1a1: {  	(v2sf) =	vpush v3, $0x0;
	_ =	sdelay $0xe  }
0x1a2: {  	s0 =	spop (v2sf)  }
0x1a3: {  	v0 =	vpsel p0, v0, v2;
	p0 =	slt.s32 s0, $0x1  }
0x1a4: {  	v2 =	vmax.f32 @!p0 v0, v5  }
0x1a5: {  	(xrf1) =	vsort.ascd.msk.f32 @!p0 $0xffff, v2, v2;
	_ =	sdelay $0xd  }
0x1a6: {  	vm1 =	vcmask @!p0 $0x171C;
	v2, _, _ =	vpop @!p0 (xrf1)  }
0x1a7: {  	v3 =	vsel @!p0 vm1, $0xFF800000, v2  }
0x1a8: {  	(xrf0) =	vmax.scan.msk.f32 @!p0 $0xffff, v3;
	_ =	sdelay $0x5  }
0x1a9: {  	v3, _, _ =	vpop @!p0 (xrf0)  }
0x1aa: {  	v3 =	vbroadcast @!p0 v3, $0xF;
	_ =	sdelay $0x1  }
0x1ab: {  	v3 =	vmax.f32 @!p0 v1, v3  }
0x1ac: {  	v1 =	vpsel p0, v1, v3  }
0x1ad: {  	vm1 =	vge.f32 v4, v1  }
0x1ae: {  	v3 =	vmpcnt.ones.xlane vm1;
	_ =	sdelay $0x1  }
0x1af: {  	(v2sf) =	vpush v3, $0x0;
	_ =	sdelay $0xe  }
0x1b0: {  	s0 =	spop (v2sf)  }
0x1b1: {  	v0 =	vpsel p0, v0, v2;
	p0 =	slt.s32 s0, $0x1  }
0x1b2: {  	v2 =	vmax.f32 @!p0 v0, v5  }
0x1b3: {  	(xrf1) =	vsort.ascd.msk.f32 @!p0 $0xffff, v2, v2;
	_ =	sdelay $0xd  }
0x1b4: {  	vm1 =	vcmask @!p0 $0x171C;
	v2, _, _ =	vpop @!p0 (xrf1)  }
0x1b5: {  	v3 =	vsel @!p0 vm1, $0xFF800000, v2  }
0x1b6: {  	(xrf0) =	vmax.scan.msk.f32 @!p0 $0xffff, v3;
	_ =	sdelay $0x5  }
0x1b7: {  	v3, _, _ =	vpop @!p0 (xrf0)  }
0x1b8: {  	v3 =	vbroadcast @!p0 v3, $0xF;
	_ =	sdelay $0x1  }
0x1b9: {  	v3 =	vmax.f32 @!p0 v1, v3  }
0x1ba: {  	v1 =	vpsel p0, v1, v3  }
0x1bb: {  	vm1 =	vge.f32 v4, v1  }
0x1bc: {  	v3 =	vmpcnt.ones.xlane vm1;
	_ =	sdelay $0x1  }
0x1bd: {  	(v2sf) =	vpush v3, $0x0;
	_ =	sdelay $0xe  }
0x1be: {  	s0 =	spop (v2sf)  }
0x1bf: {  	v0 =	vpsel p0, v0, v2;
	p0 =	slt.s32 s0, $0x1  }
0x1c0: {  	v2 =	vmax.f32 @!p0 v0, v5  }
0x1c1: {  	(xrf1) =	vsort.ascd.msk.f32 @!p0 $0xffff, v2, v2;
	_ =	sdelay $0xd  }
0x1c2: {  	vm1 =	vcmask @!p0 $0x171C;
	v2, _, _ =	vpop @!p0 (xrf1)  }
0x1c3: {  	v3 =	vsel @!p0 vm1, $0xFF800000, v2  }
0x1c4: {  	(xrf0) =	vmax.scan.msk.f32 @!p0 $0xffff, v3;
	_ =	sdelay $0x5  }
0x1c5: {  	v3, _, _ =	vpop @!p0 (xrf0)  }
0x1c6: {  	v3 =	vbroadcast @!p0 v3, $0xF;
	_ =	sdelay $0x1  }
0x1c7: {  	v3 =	vmax.f32 @!p0 v1, v3  }
0x1c8: {  	v1 =	vpsel p0, v1, v3  }
0x1c9: {  	vm1 =	vge.f32 v4, v1  }
0x1ca: {  	v3 =	vmpcnt.ones.xlane vm1;
	_ =	sdelay $0x1  }
0x1cb: {  	(v2sf) =	vpush v3, $0x0;
	_ =	sdelay $0xe  }
0x1cc: {  	s0 =	spop (v2sf)  }
0x1cd: {  	v0 =	vpsel p0, v0, v2;
	p0 =	slt.s32 s0, $0x1  }
0x1ce: {  	v2 =	vmax.f32 @!p0 v0, v5  }
0x1cf: {  	(xrf1) =	vsort.ascd.msk.f32 @!p0 $0xffff, v2, v2;
	_ =	sdelay $0xd  }
0x1d0: {  	vm1 =	vcmask @!p0 $0x171C;
	v2, _, _ =	vpop @!p0 (xrf1)  }
0x1d1: {  	v3 =	vsel @!p0 vm1, $0xFF800000, v2  }
0x1d2: {  	(xrf0) =	vmax.scan.msk.f32 @!p0 $0xffff, v3;
	_ =	sdelay $0x5  }
0x1d3: {  	v3, _, _ =	vpop @!p0 (xrf0)  }
0x1d4: {  	v3 =	vbroadcast @!p0 v3, $0xF;
	_ =	sdelay $0x1  }
0x1d5: {  	v3 =	vmax.f32 @!p0 v1, v3  }
0x1d6: {  	v1 =	vpsel p0, v1, v3  }
0x1d7: {  	vm1 =	vge.f32 v4, v1  }
0x1d8: {  	v3 =	vmpcnt.ones.xlane vm1;
	_ =	sdelay $0x1  }
0x1d9: {  	(v2sf) =	vpush v3, $0x0;
	_ =	sdelay $0xe  }
0x1da: {  	s0 =	spop (v2sf)  }
0x1db: {  	v0 =	vpsel p0, v0, v2;
	p0 =	slt.s32 s0, $0x1  }
0x1dc: {  	v2 =	vmax.f32 @!p0 v0, v5  }
0x1dd: {  	(xrf1) =	vsort.ascd.msk.f32 @!p0 $0xffff, v2, v2;
	_ =	sdelay $0xd  }
0x1de: {  	vm1 =	vcmask @!p0 $0x171C;
	v2, _, _ =	vpop @!p0 (xrf1)  }
0x1df: {  	v3 =	vsel @!p0 vm1, $0xFF800000, v2  }
0x1e0: {  	(xrf0) =	vmax.scan.msk.f32 @!p0 $0xffff, v3;
	_ =	sdelay $0x5  }
0x1e1: {  	v3, _, _ =	vpop @!p0 (xrf0)  }
0x1e2: {  	v3 =	vbroadcast @!p0 v3, $0xF;
	_ =	sdelay $0x1  }
0x1e3: {  	v3 =	vmax.f32 @!p0 v1, v3  }
0x1e4: {  	v1 =	vpsel p0, v1, v3  }
0x1e5: {  	vm1 =	vge.f32 v4, v1  }
0x1e6: {  	v3 =	vmpcnt.ones.xlane vm1;
	_ =	sdelay $0x1  }
0x1e7: {  	(v2sf) =	vpush v3, $0x0;
	_ =	sdelay $0xe  }
0x1e8: {  	s0 =	spop (v2sf)  }
0x1e9: {  	v0 =	vpsel p0, v0, v2;
	p0 =	slt.s32 s0, $0x1  }
0x1ea: {  	v2 =	vmax.f32 @!p0 v0, v5  }
0x1eb: {  	(xrf1) =	vsort.ascd.msk.f32 @!p0 $0xffff, v2, v2;
	_ =	sdelay $0xd  }
0x1ec: {  	vm1 =	vcmask @!p0 $0x171C;
	v2, _, _ =	vpop @!p0 (xrf1)  }
0x1ed: {  	v3 =	vsel @!p0 vm1, $0xFF800000, v2  }
0x1ee: {  	(xrf0) =	vmax.scan.msk.f32 @!p0 $0xffff, v3;
	_ =	sdelay $0x5  }
.Ltmp9:
0x1ef: {  	v3, _, _ =	vpop @!p0 (xrf0);
	(pc) =	sbr.rel .LBB2_8-.Ltmp9, $3  }
0x1f0: {  	v3 =	vbroadcast @!p0 v3, $0xF;
	_ =	sdelay $0x1  }
0x1f1: {  	v4 =	vmax.f32 @!p0 v1, v3  }
0x1f2: {  	v3 =	vpsel p0, v0, v2;
	v2 =	vpsel p0, v1, v4  }
.LBB2_10:
0x1f3: {  	p0 =	seq.s32 s23, $0x27  }
0x1f4: {  	s1 =	sadd.s32 @!p0 $0x4, s24  }
0x1f5: {  	s29 =	smulhi.u32 @!p0 $0x66666667, s1;
	_ =	sdelay $0x1  }
0x1f6: {  	s29 =	sshrl.u32 @!p0 s29, $0x1  }
0x1f7: {  	s30 =	smul.u32 @!p0 $0x5, s29  }
0x1f8: {  	s29 =	sadd.s32 @!p0 s3, s29  }
0x1f9: {  	s29 =	smul.u32 @!p0 $0x186A0, s29;
	s1 =	ssub.s32 @!p0 s1, s30  }
0x1fa: {  	s1 =	smul.u32 @!p0 $0x4E20, s1;
	_ =	sdelay $0x1  }
0x1fb: {  	p1 =	sne.s32 s28, $0x4;
	s1 =	sadd.s32 @!p0 s1, s29  }
0x1fc: {  	s28 =	sor.u32 $0x1, s24;
	s26 =	sshll.u32 @!p1 s26, $0x4;
	s1 =	sshrl.u32 @!p0 s1, $0x3  }
0x1fd: {  	[tilespmem:s26+$0x14070] =	vst @!p1 v3;
	s26 =	simm.s32 @!p0 $0x0;
	s29 =	smulhi.u32 $0x66666667, s28;
	s1 =	sadd.s32 @!p0 s4, s1  }
0x1fe: {  	[tilespmem:s26], [sflag:$0x1] =	stream.linear.gather @!p0 [hbm4b:s1+s26], $0x4E20, $0x38;
	[tilespmem:$0x14270] =	vst v63  }
0x1ff: {  	s26 =	sshrl.u32 s29, $0x1  }
0x200: {  	s0 =	sand.u32 $0xF, s26  }
0x201: {  	p3 =	slt.u32 s28, $0x5;
	p2 =	sne.s32 s0, $0x0  }
0x202: {  	p1 =	por !p3, !p2  }
0x203: {  	s1 =	simm.s32 $0x1;
	p1 =	por !p1, !p1  }
0x204: {  	_ =	swait.ge [sflag:s18], $0x4E20;
	s1 =	simm.s32 @!p1 $0x0  }
0x205: {  	[sflag:s18] =	ssyncset.done $0x0;
	s1 =	ssub.s32 s25, s1  }
0x206: {  	[sflag:s18] =	ssyncadd.s32 $0xFFFFB1E0;
	s1 =	sshll.u32 s1, $0x4  }
0x207: {  	v0 =	vld [tilespmem:s1+$0x14050];
	_ =	sdelay $0x2  }
0x208: {  	s1 =	ssub.s32 s26, s1  }
0x209: {  	v4 =	vlaneseq.u32;
	v1 =	vmov s1  }
0x20a: {  	vm1 =	veq.s32 v1, v4;
	v0 =	vxor.u32 $0x80000000, v0  }
0x20b: {  	v0 =	vnsel vm1, $0x80000000, v0  }
0x20c: {  	(xrf0) =	vmax.scan.msk.u32 $0xffff, v0;
	_ =	sdelay $0x5  }
0x20d: {  	v0, _, _ =	vpop (xrf0)  }
0x20e: {  	(v2sf) =	vpush v0, $0xF;
	_ =	sdelay $0xe  }
0x20f: {  	s1 =	spop (v2sf)  }
0x210: {  	s29 =	sxor.u32 $0x80000000, s1  }
0x211: {  	s30 =	smulhi.u32 $0x68DB8BAD, s29;
	s31 =	sshra.s32 s29, $0x1F  }
0x212: {  	s31 =	smul.u32 $0x68DB8BAD, s31;
	_ =	sdelay $0x1  }
0x213: {  	s30 =	sadd.s32 s31, s30  }
0x214: {  	s31 =	sshrl.u32 s30, $0x1F;
	s30 =	sshra.s32 s30, $0xD  }
0x215: {  	s30 =	sadd.s32 s31, s30  }
0x216: {  	s31 =	smul.u32 $0xFFFFB1E0, s30  }
0x217: {  	p5 =	sgt.s32 s1, $0xFFFFFFFF;
	p4 =	slt.s32 s29, $0x1;
	s0 =	ssub.s32 $0x0, s29  }
0x218: {  	p1 =	por p5, p4;
	p6 =	sne.s32 s31, s0  }
0x219: {  	p1 =	por !p1, !p6  }
0x21a: {  	s0 =	smul.u32 $0x5, s26;
	s31 =	simm.s32 $0x1;
	p1 =	por !p1, !p1  }
0x21b: {  	s31 =	simm.s32 @!p1 $0x0  }
0x21c: {  	s28 =	ssub.s32 s28, s0;
	s0 =	ssub.s32 s30, s31  }
0x21d: {  	p1 =	sne.s32 s28, s0  }
0x21e: {  	s0 =	smul.u32 @!p1 $0xFFFFB1E0, s28;
	_ =	sdelay $0x1  }
0x21f: {  	s1 =	sand.u32 @!p1 $0xF, s1;
	s0 =	sadd.s32 @!p1 s29, s0  }
0x220: {  	p3 =	sne.s32 @!p1 s1, $0x0;
	p2 =	slt.s32 @!p1 s0, $0x1  }
0x221: {  	s1 =	sshra.s32 @!p1 s0, $0x1F;
	p2 =	por @!p1 !p3, !p2  }
0x222: {  	s1 =	sshrl.u32 @!p1 s1, $0x1C;
	p2 =	por @!p1 !p2, !p2  }
0x223: {  	s29 =	simm.s32 @!p1 $0x1;
	s1 =	sadd.s32 @!p1 s1, s0;
	p2 =	por !p2, p1  }
0x224: {  	s1 =	sshrl.u32 @!p1 s1, $0x4;
	s29 =	simm.s32 @p2 $0x0  }
0x225: {  	s1 =	ssub.s32 @!p1 s1, s29  }
0x226: {  	s1 =	sshll.u32 @!p1 s1, $0x4  }
0x227: {  	v0 =	vld @!p1 [tilespmem:s1+$0x4E20];
	_ =	sdelay $0x3  }
0x228: {  	s0 =	ssub.s32 @!p1 s0, s1  }
0x229: {  	v4 =	vlaneseq.u32 @!p1;
	v1 =	vmov @!p1 s0;
	v5 =	vsub.f32 @!p1 $0.0e+00, v0  }
0x22a: {  	vm1 =	veq.s32 @!p1 v1, v4  }
0x22b: {  	v0 =	vsel @!p1 vm1, v5, v0  }
0x22c: {  	[tilespmem:s1+$0x4E20] =	vst @!p1 v0;
	s1 =	simm.s32 $0x4FB0  }
0x22d: {  	v0 =	vld [tilespmem:s1+$0x170]  }
0x22e: {  	v1 =	vld [tilespmem:s1+$0x180]  }
0x22f: {  	v4 =	vld [tilespmem:s1+$0xD0]  }
0x230: {  	v5 =	vld [tilespmem:s1+$0xE0]  }
0x231: {  	v6 =	vld [tilespmem:s1+$0x30]  }
0x232: {  	v7 =	vld [tilespmem:s1+$0x40]  }
0x233: {  	v8 =	vld [tilespmem:s1+$0xF0]  }
0x234: {  	v9 =	vld [tilespmem:s1+$0x100]  }
0x235: {  	v10 =	vld [tilespmem:s1+$0x110]  }
0x236: {  	v11 =	vld [tilespmem:s1+$0x120]  }
0x237: {  	v12 =	vld [tilespmem:s1+$0x130]  }
0x238: {  	v13 =	vld [tilespmem:s1+$0x140]  }
0x239: {  	v14 =	vld [tilespmem:s1+$0x150]  }
0x23a: {  	v15 =	vld [tilespmem:s1+$0x160]  }
0x23b: {  	v16 =	vld [tilespmem:s1+$0xFFFFFF90]  }
0x23c: {  	v17 =	vld [tilespmem:s1+$0xFFFFFFA0]  }
0x23d: {  	v18 =	vld [tilespmem:s1+$0x50]  }
0x23e: {  	v19 =	vld [tilespmem:s1+$0x60]  }
0x23f: {  	v20 =	vld [tilespmem:s1+$0x70]  }
0x240: {  	v21 =	vld [tilespmem:s1+$0x80]  }
0x241: {  	v22 =	vld [tilespmem:s1+$0x90]  }
0x242: {  	v23 =	vld [tilespmem:s1+$0xA0]  }
0x243: {  	v24 =	vld [tilespmem:s1+$0xB0]  }
0x244: {  	v25 =	vld [tilespmem:s1+$0xC0]  }
0x245: {  	v26 =	vld [tilespmem:s1+$0xFFFFFEF0]  }
0x246: {  	v27 =	vld [tilespmem:s1+$0xFFFFFF00]  }
0x247: {  	v28 =	vld [tilespmem:s1+$0xFFFFFFB0]  }
0x248: {  	v29 =	vld [tilespmem:s1+$0xFFFFFFC0]  }
0x249: {  	v30 =	vld [tilespmem:s1+$0xFFFFFFD0]  }
0x24a: {  	v31 =	vld [tilespmem:s1+$0xFFFFFFE0]  }
0x24b: {  	v32 =	vld [tilespmem:s1+$0xFFFFFFF0]  }
0x24c: {  	v33 =	vld [tilespmem:s1+$0x0]  }
0x24d: {  	v34 =	vld [tilespmem:s1+$0x10]  }
0x24e: {  	v35 =	vld [tilespmem:s1+$0x20]  }
0x24f: {  	v36 =	vld [tilespmem:s1+$0xFFFFFF10]  }
0x250: {  	v37 =	vld [tilespmem:s1+$0xFFFFFF20]  }
0x251: {  	v38 =	vld [tilespmem:s1+$0xFFFFFF30]  }
0x252: {  	v39 =	vld [tilespmem:s1+$0xFFFFFF40]  }
0x253: {  	v40 =	vld [tilespmem:s1+$0xFFFFFF50]  }
0x254: {  	v41 =	vld [tilespmem:s1+$0xFFFFFF60]  }
0x255: {  	v42 =	vld [tilespmem:s1+$0xFFFFFF70]  }
0x256: {  	v43 =	vld [tilespmem:s1+$0xFFFFFF80]  }
0x257: {  	v44 =	vld [tilespmem:s1+$0xFFFFFE70]  }
0x258: {  	v45 =	vld [tilespmem:s1+$0xFFFFFE80]  }
0x259: {  	s30 =	simm.s32 $0x52D0;
	v46 =	vld [tilespmem:s1+$0xFFFFFE90]  }
0x25a: {  	v52 =	vld [tilespmem:s30+$0x170]  }
0x25b: {  	v47 =	vld [tilespmem:s1+$0xFFFFFEA0]  }
0x25c: {  	v48 =	vld [tilespmem:s1+$0xFFFFFEB0]  }
0x25d: {  	v49 =	vld [tilespmem:s1+$0xFFFFFEC0]  }
0x25e: {  	v50 =	vld [tilespmem:s1+$0xFFFFFED0]  }
0x25f: {  	v51 =	vld [tilespmem:s1+$0xFFFFFEE0];
	[tilespmem:$0x1FDC0] =	vst v52  }
0x260: {  	v52 =	vld [tilespmem:s30+$0x180];
	_ =	sdelay $0x4  }
0x261: {  	[tilespmem:$0x1FDD0] =	vst v52  }
0x262: {  	v52 =	vld [tilespmem:s30+$0x30];
	_ =	sdelay $0x3  }
0x263: {  	v56 =	vld [tilespmem:s30+$0xD0]  }
0x264: {  	v55 =	vld [tilespmem:s30+$0xE0];
	[tilespmem:$0x1FDE0] =	vst v52  }
0x265: {  	v52 =	vld [tilespmem:s30+$0x40];
	_ =	sdelay $0x4  }
0x266: {  	[tilespmem:$0x1FDF0] =	vst v52  }
0x267: {  	v52 =	vld [tilespmem:s30+$0xF0];
	_ =	sdelay $0x4  }
0x268: {  	[tilespmem:$0x1FE00] =	vst v52  }
0x269: {  	v52 =	vld [tilespmem:s30+$0x100];
	_ =	sdelay $0x4  }
0x26a: {  	[tilespmem:$0x1FE10] =	vst v52  }
0x26b: {  	v52 =	vld [tilespmem:s30+$0x110];
	_ =	sdelay $0x4  }
0x26c: {  	[tilespmem:$0x1FE20] =	vst v52  }
0x26d: {  	v52 =	vld [tilespmem:s30+$0x120];
	_ =	sdelay $0x4  }
0x26e: {  	[tilespmem:$0x1FE30] =	vst v52  }
0x26f: {  	v52 =	vld [tilespmem:s30+$0x130];
	_ =	sdelay $0x4  }
0x270: {  	[tilespmem:$0x1FE40] =	vst v52  }
0x271: {  	v52 =	vld [tilespmem:s30+$0x140];
	_ =	sdelay $0x4  }
0x272: {  	[tilespmem:$0x1FE50] =	vst v52  }
0x273: {  	v52 =	vld [tilespmem:s30+$0x150];
	_ =	sdelay $0x4  }
0x274: {  	[tilespmem:$0x1FE60] =	vst v52  }
0x275: {  	v52 =	vld [tilespmem:s30+$0x160];
	_ =	sdelay $0x4  }
0x276: {  	[tilespmem:$0x1FE70] =	vst v52  }
0x277: {  	v52 =	vld [tilespmem:s30+$0x50];
	_ =	sdelay $0x3  }
0x278: {  	v61 =	vld [tilespmem:s30+$0xFFFFFF90]  }
0x279: {  	v57 =	vld [tilespmem:s30+$0xFFFFFFA0];
	[tilespmem:$0x1FE80] =	vst v52  }
0x27a: {  	v52 =	vld [tilespmem:s30+$0x60];
	_ =	sdelay $0x4  }
0x27b: {  	[tilespmem:$0x1FE90] =	vst v52  }
0x27c: {  	v52 =	vld [tilespmem:s30+$0x70];
	_ =	sdelay $0x4  }
0x27d: {  	[tilespmem:$0x1FEA0] =	vst v52  }
0x27e: {  	v52 =	vld [tilespmem:s30+$0x80]  }
0x27f: {  	v4 =	vmax.f32 v4, v5;
	v0 =	vmax.f32 v0, v1  }
0x280: {  	v1 =	vmax.f32 v6, v7;
	v5 =	vmax.f32 v8, v9;
	v6 =	vmax.f32 v10, v11  }
0x281: {  	v9 =	vmax.f32 v16, v17;
	v12 =	vmax.f32 v12, v13;
	v13 =	vmax.f32 v14, v15  }
0x282: {  	v10 =	vmax.f32 v18, v19;
	v11 =	vmax.f32 v20, v21;
	v14 =	vmax.f32 v22, v23  }
0x283: {  	v15 =	vmax.f32 v26, v27;
	v16 =	vmax.f32 v28, v29;
	v17 =	vmax.f32 v24, v25;
	[tilespmem:$0x1FEB0] =	vst v52  }
0x284: {  	v18 =	vmax.f32 v30, v31;
	v19 =	vmax.f32 v32, v33;
	v20 =	vmax.f32 v34, v35;
	v52 =	vld [tilespmem:s30+$0xB0]  }
0x285: {  	v21 =	vmax.f32 v36, v37;
	v22 =	vmax.f32 v38, v39;
	v23 =	vmax.f32 v40, v41  }
0x286: {  	v24 =	vmax.f32 v44, v45;
	v25 =	vmax.f32 v46, v47;
	v26 =	vmax.f32 v42, v43  }
0x287: {  	v27 =	vmax.f32 v48, v49;
	v29 =	vmax.f32 v50, v51;
	v5 =	vmax.f32 v5, v6  }
0x288: {  	v6 =	vmax.f32 v10, v11;
	v17 =	vmax.f32 v14, v17;
	v14 =	vmax.f32 v24, v25;
	v63 =	vld [tilespmem:s30+$0x90]  }
0x289: {  	v24 =	vmax.f32 v27, v29;
	v25 =	vmax.f32 v12, v13;
	v18 =	vmax.f32 v16, v18;
	v62 =	vld [tilespmem:s30+$0xA0];
	[tilespmem:$0x1FEC0] =	vst v52  }
0x28a: {  	v16 =	vmax.f32 v23, v26;
	v19 =	vmax.f32 v19, v20;
	v13 =	vmax.f32 v14, v24;
	v52 =	vld [tilespmem:s30+$0xC0]  }
0x28b: {  	v14 =	vmax.f32 v21, v22;
	v21 =	vimm.f32 $-Inf;
	v18 =	vmax.f32 v18, v19  }
0x28c: {  	v6 =	vmax.f32 v6, v17;
	v15 =	vmax.f32 v13, v15;
	v14 =	vmax.f32 v14, v16  }
0x28d: {  	v5 =	vmax.f32 v5, v25;
	v24 =	vmax.f32 v14, v9;
	v9 =	vmax.f32 v21, v15  }
0x28e: {  	v1 =	vmax.f32 v18, v1;
	v0 =	vmax.f32 v5, v0;
	v5 =	vld [tilespmem:$0x1FDC0];
	v9 =	vmax.f32 v9, v24  }
0x28f: {  	v21 =	vmax.f32 v6, v4;
	v4 =	vmax.f32 v9, v1;
	v9 =	vld [tilespmem:$0x1FDD0];
	[tilespmem:$0x1FED0] =	vst v52  }
0x290: {  	v60 =	vld [tilespmem:s30+$0xFFFFFEF0]  }
0x291: {  	v58 =	vld [tilespmem:s30+$0xFFFFFF00]  }
0x292: {  	v59 =	vld [tilespmem:s30+$0xFFFFFFB0]  }
0x293: {  	v53 =	vld [tilespmem:s30+$0xFFFFFFC0]  }
0x294: {  	v54 =	vld [tilespmem:s30+$0xFFFFFFD0]  }
0x295: {  	s29 =	simm.s32 $0x138A0;
	v52 =	vld [tilespmem:s30+$0xFFFFFFE0]  }
0x296: {  	v7 =	vld [tilespmem:s30+$0xFFFFFFF0];
	[tilespmem:s29+$0xFFFFFFE0] =	vst v15  }
0x297: {  	v5 =	vmax.f32 v5, v9;
	v9 =	vld [tilespmem:$0x1FDE0]  }
0x298: {  	v15 =	vld [tilespmem:$0x1FDF0]  }
0x299: {  	v28 =	vld [tilespmem:s30+$0x0]  }
0x29a: {  	v30 =	vld [tilespmem:s30+$0x10]  }
0x29b: {  	v45 =	vld [tilespmem:s30+$0x20]  }
0x29c: {  	v22 =	vld [tilespmem:$0x1FE10]  }
0x29d: {  	v9 =	vmax.f32 v9, v15;
	v15 =	vld [tilespmem:$0x1FE00]  }
0x29e: {  	v8 =	vld [tilespmem:s30+$0xFFFFFF10]  }
0x29f: {  	v10 =	vld [tilespmem:s30+$0xFFFFFF20]  }
0x2a0: {  	v11 =	vld [tilespmem:s30+$0xFFFFFF30]  }
0x2a1: {  	v25 =	vld [tilespmem:$0x1FE30]  }
0x2a2: {  	v22 =	vmax.f32 v15, v22;
	v15 =	vld [tilespmem:$0x1FE20];
	[tilespmem:s29+$0xFFFFFFF0] =	vst v24  }
0x2a3: {  	v26 =	vld [tilespmem:$0x1FE40]  }
0x2a4: {  	v27 =	vld [tilespmem:$0x1FE50]  }
0x2a5: {  	v12 =	vld [tilespmem:s30+$0xFFFFFF40]  }
0x2a6: {  	v13 =	vld [tilespmem:s30+$0xFFFFFF50]  }
0x2a7: {  	v16 =	vld [tilespmem:s30+$0xFFFFFF60]  }
0x2a8: {  	v29 =	vld [tilespmem:$0x1FE70]  }
0x2a9: {  	v26 =	vmax.f32 v26, v27;
	v27 =	vld [tilespmem:$0x1FE60];
	[tilespmem:s29+$0x0] =	vst v1  }
0x2aa: {  	v1 =	vld [tilespmem:$0x1FE80]  }
0x2ab: {  	v31 =	vld [tilespmem:$0x1FE90]  }
0x2ac: {  	v14 =	vld [tilespmem:s30+$0xFFFFFF70]  }
0x2ad: {  	v17 =	vld [tilespmem:s30+$0xFFFFFF80]  }
0x2ae: {  	v18 =	vld [tilespmem:s30+$0xFFFFFE70]  }
0x2af: {  	v19 =	vld [tilespmem:s30+$0xFFFFFE80]  }
0x2b0: {  	v32 =	vmax.f32 v1, v31;
	v1 =	vld [tilespmem:$0x1FEA0]  }
0x2b1: {  	v31 =	vld [tilespmem:$0x1FEB0]  }
0x2b2: {  	v20 =	vld [tilespmem:s30+$0xFFFFFE90]  }
0x2b3: {  	v23 =	vld [tilespmem:s30+$0xFFFFFEA0]  }
0x2b4: {  	v35 =	vld [tilespmem:s30+$0xFFFFFED0];
	[tilespmem:s29+$0x10] =	vst v21  }
0x2b5: {  	v34 =	vmax.f32 v63, v62;
	v63 =	vld [tilespmem:$0x1FED0]  }
0x2b6: {  	v33 =	vmax.f32 v1, v31;
	v1 =	vld [tilespmem:$0x1FEC0]  }
0x2b7: {  	p1 =	seq.s32 s28, $0x0;
	v4 =	vmax.f32 v4, v21;
	v38 =	vld [tilespmem:s30+$0xFFFFFEE0]  }
0x2b8: {  	v3 =	vpsel p1, $0xFF800000, v3;
	v4 =	vmax.f32 v4, v0;
	v6 =	vmax.f32 v56, v55;
	v24 =	vld [tilespmem:s30+$0xFFFFFEB0]  }
0x2b9: {  	v36 =	vmax.f32 v54, v52;
	v28 =	vmax.f32 v7, v28;
	v27 =	vmax.f32 v27, v29;
	v29 =	vld [tilespmem:s30+$0xFFFFFEC0]  }
0x2ba: {  	v30 =	vmax.f32 v30, v45;
	v25 =	vmax.f32 v15, v25;
	v15 =	vmax.f32 v61, v57  }
0x2bb: {  	s31 =	simm.s32 $0x55F0;
	s30 =	simm.s32 $0x5;
	v21 =	vmax.f32 v60, v58;
	v31 =	vmax.f32 v59, v53;
	[tilespmem:s29+$0x20] =	vst v0;
	v37 =	vmax.f32 v1, v63  }
.LBB2_11:
0x2bc: {  	v7 =	vld [tilespmem:s31+$0x170];
	v0 =	vmax.f32 v8, v10;
	v1 =	vmax.f32 v11, v12;
	v8 =	vmax.f32 v13, v16  }
0x2bd: {  	v10 =	vmax.f32 v18, v19;
	v11 =	vmax.f32 v20, v23;
	v12 =	vmax.f32 v14, v17;
	v39 =	vld [tilespmem:s31+$0x180]  }
0x2be: {  	v13 =	vmax.f32 v24, v29;
	v16 =	vmax.f32 v22, v25;
	v40 =	vld [tilespmem:s31+$0xD0];
	v14 =	vmax.f32 v35, v38  }
0x2bf: {  	v17 =	vmax.f32 v32, v33;
	v18 =	vmax.f32 v34, v37;
	v19 =	vmax.f32 v26, v27;
	v22 =	vld [tilespmem:s31+$0xE0]  }
0x2c0: {  	v10 =	vmax.f32 v10, v11;
	v11 =	vmax.f32 v13, v14;
	v13 =	vmax.f32 v31, v36;
	v25 =	vld [tilespmem:s31+$0x30]  }
0x2c1: {  	v0 =	vmax.f32 v0, v1;
	v1 =	vmax.f32 v8, v12;
	v10 =	vmax.f32 v10, v11;
	v26 =	vld [tilespmem:s31+$0x40]  }
0x2c2: {  	s29 =	sadd.s32 $0x50, s29;
	v0 =	vmax.f32 v0, v1;
	v1 =	vmax.f32 v28, v30;
	v8 =	vmax.f32 v10, v21;
	v27 =	vld [tilespmem:s31+$0xF0]  }
0x2c3: {  	v0 =	vmax.f32 v0, v15;
	v1 =	vmax.f32 v13, v1;
	v4 =	vmax.f32 v4, v8;
	v21 =	vld [tilespmem:s31+$0x100];
	[tilespmem:s29+$0xFFFFFFE0] =	vst v8  }
0x2c4: {  	v1 =	vmax.f32 v1, v9;
	v15 =	vld [tilespmem:s31+$0x110];
	[tilespmem:s29+$0xFFFFFFF0] =	vst v0;
	v0 =	vmax.f32 v4, v0;
	v4 =	vmax.f32 v17, v18  }
0x2c5: {  	v28 =	vld [tilespmem:s31+$0x120];
	[tilespmem:s29+$0x0] =	vst v1;
	v0 =	vmax.f32 v0, v1;
	v1 =	vmax.f32 v4, v6;
	v4 =	vmax.f32 v16, v19  }
0x2c6: {  	v30 =	vld [tilespmem:s31+$0x130];
	[tilespmem:s29+$0x10] =	vst v1;
	v0 =	vmax.f32 v0, v1;
	v1 =	vmax.f32 v4, v5  }
0x2c7: {  	v31 =	vld [tilespmem:s31+$0x140];
	[tilespmem:s29+$0x20] =	vst v1;
	v4 =	vmax.f32 v0, v1  }
0x2c8: {  	v0 =	vld [tilespmem:s31+$0x150]  }
0x2c9: {  	v1 =	vld [tilespmem:s31+$0x160]  }
0x2ca: {  	v32 =	vld [tilespmem:s31+$0xFFFFFF90]  }
0x2cb: {  	v33 =	vld [tilespmem:s31+$0xFFFFFFA0]  }
0x2cc: {  	v34 =	vld [tilespmem:s31+$0x50]  }
0x2cd: {  	v36 =	vld [tilespmem:s31+$0x60]  }
0x2ce: {  	v37 =	vld [tilespmem:s31+$0x70]  }
0x2cf: {  	v41 =	vld [tilespmem:s31+$0x80]  }
0x2d0: {  	v42 =	vld [tilespmem:s31+$0x90]  }
0x2d1: {  	v43 =	vld [tilespmem:s31+$0xA0]  }
0x2d2: {  	v44 =	vld [tilespmem:s31+$0xB0]  }
0x2d3: {  	v45 =	vld [tilespmem:s31+$0xC0]  }
0x2d4: {  	v46 =	vld [tilespmem:s31+$0xFFFFFEF0]  }
0x2d5: {  	v47 =	vld [tilespmem:s31+$0xFFFFFF00]  }
0x2d6: {  	v48 =	vld [tilespmem:s31+$0xFFFFFFB0]  }
0x2d7: {  	v49 =	vld [tilespmem:s31+$0xFFFFFFC0]  }
0x2d8: {  	v50 =	vld [tilespmem:s31+$0xFFFFFFD0]  }
0x2d9: {  	v51 =	vld [tilespmem:s31+$0xFFFFFFE0]  }
0x2da: {  	v52 =	vld [tilespmem:s31+$0xFFFFFFF0]  }
0x2db: {  	v53 =	vld [tilespmem:s31+$0x0]  }
0x2dc: {  	v54 =	vld [tilespmem:s31+$0x10]  }
0x2dd: {  	v55 =	vld [tilespmem:s31+$0x20]  }
0x2de: {  	v8 =	vld [tilespmem:s31+$0xFFFFFF10]  }
0x2df: {  	v10 =	vld [tilespmem:s31+$0xFFFFFF20]  }
0x2e0: {  	v11 =	vld [tilespmem:s31+$0xFFFFFF30]  }
0x2e1: {  	v12 =	vld [tilespmem:s31+$0xFFFFFF40]  }
0x2e2: {  	v13 =	vld [tilespmem:s31+$0xFFFFFF50]  }
0x2e3: {  	v16 =	vld [tilespmem:s31+$0xFFFFFF60]  }
0x2e4: {  	v14 =	vld [tilespmem:s31+$0xFFFFFF70]  }
0x2e5: {  	v17 =	vld [tilespmem:s31+$0xFFFFFF80]  }
0x2e6: {  	v18 =	vld [tilespmem:s31+$0xFFFFFE70]  }
0x2e7: {  	v19 =	vld [tilespmem:s31+$0xFFFFFE80]  }
0x2e8: {  	v20 =	vld [tilespmem:s31+$0xFFFFFE90]  }
0x2e9: {  	s30 =	sadd.s32 $0x5, s30;
	v23 =	vld [tilespmem:s31+$0xFFFFFEA0]  }
0x2ea: {  	p2 =	slt.u32 s30, $0x78;
	v6 =	vmax.f32 v40, v22;
	v5 =	vmax.f32 v7, v39;
	v24 =	vld [tilespmem:s31+$0xFFFFFEB0]  }
.Ltmp10:
0x2eb: {  	v9 =	vmax.f32 v25, v26;
	v22 =	vmax.f32 v27, v21;
	v25 =	vmax.f32 v15, v28;
	v29 =	vld [tilespmem:s31+$0xFFFFFEC0];
	(pc) =	sbr.rel @p2 .LBB2_11-.Ltmp10, $4  }
0x2ec: {  	v26 =	vmax.f32 v30, v31;
	v27 =	vmax.f32 v0, v1;
	v15 =	vmax.f32 v32, v33;
	v35 =	vld [tilespmem:s31+$0xFFFFFED0]  }
0x2ed: {  	v32 =	vmax.f32 v34, v36;
	v33 =	vmax.f32 v37, v41;
	v34 =	vmax.f32 v42, v43;
	v38 =	vld [tilespmem:s31+$0xFFFFFEE0]  }
0x2ee: {  	v37 =	vmax.f32 v44, v45;
	v21 =	vmax.f32 v46, v47;
	v31 =	vmax.f32 v48, v49  }
0x2ef: {  	v36 =	vmax.f32 v50, v51;
	v28 =	vmax.f32 v52, v53;
	v30 =	vmax.f32 v54, v55;
	s31 =	sadd.s32 $0x320, s31  }
0x2f0: {  	v0 =	vmax.f32 v8, v10;
	v1 =	vmax.f32 v11, v12;
	v7 =	vmax.f32 v13, v16  }
0x2f1: {  	v50 =	vmax.f32 v18, v19;
	v51 =	vmax.f32 v20, v23;
	v52 =	vmax.f32 v14, v17  }
0x2f2: {  	v53 =	vmax.f32 v24, v29;
	v55 =	vmax.f32 v22, v25;
	v56 =	vmax.f32 v32, v33  }
0x2f3: {  	v57 =	vmax.f32 v34, v37;
	v58 =	vmax.f32 v26, v27;
	v54 =	vmax.f32 v35, v38  }
0x2f4: {  	v60 =	vmax.f32 v31, v36;
	v8 =	vmax.f32 v50, v51;
	v59 =	vmax.f32 v53, v54  }
0x2f5: {  	v0 =	vmax.f32 v0, v1;
	v1 =	vmax.f32 v7, v52;
	v8 =	vmax.f32 v8, v59  }
0x2f6: {  	v0 =	vmax.f32 v0, v1;
	v1 =	vmax.f32 v28, v30;
	v61 =	vmax.f32 v8, v21  }
0x2f7: {  	v0 =	vmax.f32 v0, v15;
	v1 =	vmax.f32 v60, v1;
	v4 =	vmax.f32 v4, v61  }
0x2f8: {  	v62 =	vmax.f32 v56, v57;
	v1 =	vmax.f32 v1, v9;
	v4 =	vmax.f32 v4, v0  }
0x2f9: {  	v63 =	vmax.f32 v55, v58;
	v6 =	vmax.f32 v62, v6;
	v4 =	vmax.f32 v4, v1  }
0x2fa: {  	v5 =	vmax.f32 v63, v5;
	v4 =	vmax.f32 v4, v6  }
0x2fb: {  	v4 =	vmax.f32 v4, v5  }
0x2fc: {  	(xrf1) =	vsort.ascd.msk.f32 $0xffff, v4, v4;
	_ =	sdelay $0xd  }
0x2fd: {  	v4, _, _ =	vpop (xrf1)  }
0x2fe: {  	v4 =	vsel vm0, $0xFF800000, v4  }
0x2ff: {  	(xrf0) =	vmax.scan.msk.f32 $0xffff, v4;
	_ =	sdelay $0x4  }
0x300: {  	s0 =	sadd.s32 $0x50, s29  }
.Ltmp11:
0x301: {  	[tilespmem:s0+$0x10] =	vst v6;
	v4, _, _ =	vpop (xrf0);
	(pc) =	sbr.rel .LBB2_13-.Ltmp11, $4  }
0x302: {  	[tilespmem:s0+$0xFFFFFFF0] =	vst v0;
	v0 =	vbroadcast v4, $0xF  }
0x303: {  	[tilespmem:s0+$0x20] =	vst v5  }
0x304: {  	[tilespmem:s0+$0x0] =	vst v1;
	v1 =	vmax.f32 v2, v0  }
0x305: {  	s29 =	simm.s32 $0x0;
	s30 =	simm.s32 $0x13880;
	[tilespmem:s0+$0xFFFFFFE0] =	vst v61;
	v2 =	vpsel p1, v0, v1  }
.LBB2_17:
0x306: {  	s29 =	sadd.s32 $0x1, s29  }
0x307: {  	p1 =	sne.s32 s29, $0x5  }
.Ltmp12:
0x308: {  	_ = 	snop;
	(pc) =	sbr.rel @!p1 .LBB2_18-.Ltmp12, $2  }
0x309: {  	_ =	sdelay $0x2  }
0x30a: {  	s30 =	sadd.s32 $0x190, s30  }
.LBB2_13:
0x30b: {  	s0 =	smul.u32 $0x640, s29;
	_ =	sdelay $0x1  }
0x30c: {  	s0 =	sshra.s32 s0, $0x2  }
0x30d: {  	v0 =	vld [tilespmem:s0+$0x13880]  }
0x30e: {  	v1 =	vld [tilespmem:s0+$0x13890]  }
0x30f: {  	v4 =	vld [tilespmem:s0+$0x138A0]  }
0x310: {  	v5 =	vld [tilespmem:s0+$0x138B0]  }
0x311: {  	v6 =	vld [tilespmem:s0+$0x138C0]  }
0x312: {  	v7 =	vld [tilespmem:s0+$0x138D0]  }
0x313: {  	v8 =	vld [tilespmem:s0+$0x138E0]  }
0x314: {  	v9 =	vld [tilespmem:s0+$0x138F0]  }
0x315: {  	v10 =	vld [tilespmem:s0+$0x13900]  }
0x316: {  	v11 =	vld [tilespmem:s0+$0x13910]  }
0x317: {  	v12 =	vld [tilespmem:s0+$0x13920]  }
0x318: {  	v13 =	vld [tilespmem:s0+$0x13930]  }
0x319: {  	v14 =	vld [tilespmem:s0+$0x13940]  }
0x31a: {  	v15 =	vld [tilespmem:s0+$0x13950]  }
0x31b: {  	v16 =	vld [tilespmem:s0+$0x13960]  }
0x31c: {  	v17 =	vld [tilespmem:s0+$0x13970]  }
0x31d: {  	v18 =	vld [tilespmem:s0+$0x13980]  }
0x31e: {  	v19 =	vld [tilespmem:s0+$0x13990]  }
0x31f: {  	v20 =	vld [tilespmem:s0+$0x139A0]  }
0x320: {  	v21 =	vld [tilespmem:s0+$0x139B0]  }
0x321: {  	v22 =	vld [tilespmem:s0+$0x139C0]  }
0x322: {  	v23 =	vld [tilespmem:s0+$0x139D0]  }
0x323: {  	v24 =	vld [tilespmem:s0+$0x139E0]  }
0x324: {  	v25 =	vld [tilespmem:s0+$0x139F0];
	_ =	sdelay $0x1  }
0x325: {  	v0 =	vmax.f32 v0, v1;
	v1 =	vmax.f32 v4, v5;
	v4 =	vmax.f32 v6, v7  }
0x326: {  	v5 =	vmax.f32 v8, v9;
	v53 =	vmax.f32 v10, v11;
	v54 =	vmax.f32 v12, v13  }
0x327: {  	v55 =	vld [tilespmem:s0+$0x13A00];
	v56 =	vmax.f32 v14, v15;
	v57 =	vmax.f32 v16, v17;
	v58 =	vmax.f32 v18, v19  }
0x328: {  	v59 =	vmax.f32 v20, v21;
	v60 =	vmax.f32 v22, v23;
	v61 =	vmax.f32 v24, v25  }
0x329: {  	v0 =	vmax.f32 v0, v1;
	v1 =	vmax.f32 v4, v5;
	v4 =	vmax.f32 v53, v54  }
0x32a: {  	v5 =	vmax.f32 v56, v57;
	v62 =	vmax.f32 v58, v59;
	v63 =	vmax.f32 v60, v61  }
0x32b: {  	v0 =	vmax.f32 v0, v1;
	v1 =	vmax.f32 v4, v5;
	v4 =	vmax.f32 v62, v63  }
0x32c: {  	v0 =	vmax.f32 v0, v1;
	v1 =	vmax.f32 v4, v55  }
0x32d: {  	v0 =	vmax.f32 v0, v1  }
0x32e: {  	vm1 =	vge.f32 v0, v2  }
0x32f: {  	v0 =	vmpcnt.ones.xlane vm1;
	_ =	sdelay $0x1  }
0x330: {  	(v2sf) =	vpush v0, $0x0;
	_ =	sdelay $0xe  }
0x331: {  	s1 =	spop (v2sf)  }
0x332: {  	p1 =	slt.s32 s1, $0x1  }
.Ltmp13:
0x333: {  	_ = 	snop;
	(pc) =	sbr.rel @!p1 .LBB2_14-.Ltmp13, $4  }
.Ltmp14:
0x334: {  	_ = 	snop;
	(pc) =	sbr.rel @p1 .LBB2_17-.Ltmp14, $4  }
0x335: {  	_ = 	snop  }
0x336: {  	_ = 	snop  }
0x337: {  	s31 =	simm.s32 $0x0  }
0x338: {  	_ = 	snop  }
.LBB2_16:
0x339: {  	s31 =	sadd.s32 $0x40, s31  }
0x33a: {  	p1 =	sne.s32 s31, $0x640  }
.Ltmp15:
0x33b: {  	_ = 	snop;
	(pc) =	sbr.rel @!p1 .LBB2_17-.Ltmp15, $1  }
0x33c: {  	_ =	sdelay $0x3  }
.LBB2_14:
0x33d: {  	s0 =	sshra.s32 s31, $0x2  }
0x33e: {  	s0 =	sadd.s32 s0, s30  }
0x33f: {  	v4 =	vld [tilespmem:s0+$0x0];
	_ =	sdelay $0x4  }
0x340: {  	vm1 =	vge.f32 v4, v2  }
0x341: {  	v0 =	vmpcnt.ones.xlane vm1;
	_ =	sdelay $0x1  }
0x342: {  	(v2sf) =	vpush v0, $0x0;
	_ =	sdelay $0xe  }
0x343: {  	s1 =	spop (v2sf)  }
0x344: {  	p1 =	slt.s32 s1, $0x1  }
.Ltmp16:
0x345: {  	_ = 	snop;
	(pc) =	sbr.rel @p1 .LBB2_16-.Ltmp16, $1  }
0x346: {  	_ =	sdelay $0x3  }
0x347: {  	(xrf1) =	vsort.dscd.msk.f32 $0xffff, v4, v4;
	_ =	sdelay $0xd  }
0x348: {  	v5, _, _ =	vpop (xrf1)  }
0x349: {  	v0 =	vmax.f32 v3, v5  }
0x34a: {  	(xrf1) =	vsort.ascd.msk.f32 $0xffff, v0, v0;
	_ =	sdelay $0xd  }
0x34b: {  	v0, _, _ =	vpop (xrf1)  }
0x34c: {  	v1 =	vsel vm0, $0xFF800000, v0  }
0x34d: {  	(xrf0) =	vmax.scan.msk.f32 $0xffff, v1;
	_ =	sdelay $0x5  }
0x34e: {  	v1, _, _ =	vpop (xrf0)  }
0x34f: {  	v1 =	vbroadcast v1, $0xF;
	_ =	sdelay $0x1  }
0x350: {  	v1 =	vmax.f32 v2, v1  }
0x351: {  	vm1 =	vge.f32 v4, v1  }
0x352: {  	v2 =	vmpcnt.ones.xlane vm1;
	_ =	sdelay $0x1  }
0x353: {  	(v2sf) =	vpush v2, $0x0;
	_ =	sdelay $0xe  }
0x354: {  	s0 =	spop (v2sf)  }
0x355: {  	p1 =	slt.s32 s0, $0x1  }
0x356: {  	v2 =	vmax.f32 @!p1 v0, v5  }
0x357: {  	(xrf1) =	vsort.ascd.msk.f32 @!p1 $0xffff, v2, v2;
	_ =	sdelay $0xd  }
0x358: {  	vm1 =	vcmask @!p1 $0x171C;
	v2, _, _ =	vpop @!p1 (xrf1)  }
0x359: {  	v3 =	vsel @!p1 vm1, $0xFF800000, v2  }
0x35a: {  	(xrf0) =	vmax.scan.msk.f32 @!p1 $0xffff, v3;
	_ =	sdelay $0x5  }
0x35b: {  	v3, _, _ =	vpop @!p1 (xrf0)  }
0x35c: {  	v3 =	vbroadcast @!p1 v3, $0xF;
	_ =	sdelay $0x1  }
0x35d: {  	v3 =	vmax.f32 @!p1 v1, v3  }
0x35e: {  	v1 =	vpsel p1, v1, v3  }
0x35f: {  	vm1 =	vge.f32 v4, v1  }
0x360: {  	v3 =	vmpcnt.ones.xlane vm1;
	_ =	sdelay $0x1  }
0x361: {  	(v2sf) =	vpush v3, $0x0;
	_ =	sdelay $0xe  }
0x362: {  	s1 =	spop (v2sf)  }
0x363: {  	v0 =	vpsel p1, v0, v2;
	p1 =	slt.s32 s1, $0x1  }
0x364: {  	v2 =	vmax.f32 @!p1 v0, v5  }
0x365: {  	(xrf1) =	vsort.ascd.msk.f32 @!p1 $0xffff, v2, v2;
	_ =	sdelay $0xd  }
0x366: {  	vm1 =	vcmask @!p1 $0x171C;
	v2, _, _ =	vpop @!p1 (xrf1)  }
0x367: {  	v3 =	vsel @!p1 vm1, $0xFF800000, v2  }
0x368: {  	(xrf0) =	vmax.scan.msk.f32 @!p1 $0xffff, v3;
	_ =	sdelay $0x5  }
0x369: {  	v3, _, _ =	vpop @!p1 (xrf0)  }
0x36a: {  	v3 =	vbroadcast @!p1 v3, $0xF;
	_ =	sdelay $0x1  }
0x36b: {  	v3 =	vmax.f32 @!p1 v1, v3  }
0x36c: {  	v1 =	vpsel p1, v1, v3  }
0x36d: {  	vm1 =	vge.f32 v4, v1  }
0x36e: {  	v3 =	vmpcnt.ones.xlane vm1;
	_ =	sdelay $0x1  }
0x36f: {  	(v2sf) =	vpush v3, $0x0;
	_ =	sdelay $0xe  }
0x370: {  	s1 =	spop (v2sf)  }
0x371: {  	v0 =	vpsel p1, v0, v2;
	p1 =	slt.s32 s1, $0x1  }
0x372: {  	v2 =	vmax.f32 @!p1 v0, v5  }
0x373: {  	(xrf1) =	vsort.ascd.msk.f32 @!p1 $0xffff, v2, v2;
	_ =	sdelay $0xd  }
0x374: {  	vm1 =	vcmask @!p1 $0x171C;
	v2, _, _ =	vpop @!p1 (xrf1)  }
0x375: {  	v3 =	vsel @!p1 vm1, $0xFF800000, v2  }
0x376: {  	(xrf0) =	vmax.scan.msk.f32 @!p1 $0xffff, v3;
	_ =	sdelay $0x5  }
0x377: {  	v3, _, _ =	vpop @!p1 (xrf0)  }
0x378: {  	v3 =	vbroadcast @!p1 v3, $0xF;
	_ =	sdelay $0x1  }
0x379: {  	v3 =	vmax.f32 @!p1 v1, v3  }
0x37a: {  	v1 =	vpsel p1, v1, v3  }
0x37b: {  	vm1 =	vge.f32 v4, v1  }
0x37c: {  	v3 =	vmpcnt.ones.xlane vm1;
	_ =	sdelay $0x1  }
0x37d: {  	(v2sf) =	vpush v3, $0x0;
	_ =	sdelay $0xe  }
0x37e: {  	s1 =	spop (v2sf)  }
0x37f: {  	v0 =	vpsel p1, v0, v2;
	p1 =	slt.s32 s1, $0x1  }
0x380: {  	v2 =	vmax.f32 @!p1 v0, v5  }
0x381: {  	(xrf1) =	vsort.ascd.msk.f32 @!p1 $0xffff, v2, v2;
	_ =	sdelay $0xd  }
0x382: {  	vm1 =	vcmask @!p1 $0x171C;
	v2, _, _ =	vpop @!p1 (xrf1)  }
0x383: {  	v3 =	vsel @!p1 vm1, $0xFF800000, v2  }
0x384: {  	(xrf0) =	vmax.scan.msk.f32 @!p1 $0xffff, v3;
	_ =	sdelay $0x5  }
0x385: {  	v3, _, _ =	vpop @!p1 (xrf0)  }
0x386: {  	v3 =	vbroadcast @!p1 v3, $0xF;
	_ =	sdelay $0x1  }
0x387: {  	v3 =	vmax.f32 @!p1 v1, v3  }
0x388: {  	v1 =	vpsel p1, v1, v3  }
0x389: {  	vm1 =	vge.f32 v4, v1  }
0x38a: {  	v3 =	vmpcnt.ones.xlane vm1;
	_ =	sdelay $0x1  }
0x38b: {  	(v2sf) =	vpush v3, $0x0;
	_ =	sdelay $0xe  }
0x38c: {  	s1 =	spop (v2sf)  }
0x38d: {  	v0 =	vpsel p1, v0, v2;
	p1 =	slt.s32 s1, $0x1  }
0x38e: {  	v2 =	vmax.f32 @!p1 v0, v5  }
0x38f: {  	(xrf1) =	vsort.ascd.msk.f32 @!p1 $0xffff, v2, v2;
	_ =	sdelay $0xd  }
0x390: {  	vm1 =	vcmask @!p1 $0x171C;
	v2, _, _ =	vpop @!p1 (xrf1)  }
0x391: {  	v3 =	vsel @!p1 vm1, $0xFF800000, v2  }
0x392: {  	(xrf0) =	vmax.scan.msk.f32 @!p1 $0xffff, v3;
	_ =	sdelay $0x5  }
0x393: {  	v3, _, _ =	vpop @!p1 (xrf0)  }
0x394: {  	v3 =	vbroadcast @!p1 v3, $0xF;
	_ =	sdelay $0x1  }
0x395: {  	v3 =	vmax.f32 @!p1 v1, v3  }
0x396: {  	v1 =	vpsel p1, v1, v3  }
0x397: {  	vm1 =	vge.f32 v4, v1  }
0x398: {  	v3 =	vmpcnt.ones.xlane vm1;
	_ =	sdelay $0x1  }
0x399: {  	(v2sf) =	vpush v3, $0x0;
	_ =	sdelay $0xe  }
0x39a: {  	s1 =	spop (v2sf)  }
0x39b: {  	v0 =	vpsel p1, v0, v2;
	p1 =	slt.s32 s1, $0x1  }
0x39c: {  	v2 =	vmax.f32 @!p1 v0, v5  }
0x39d: {  	(xrf1) =	vsort.ascd.msk.f32 @!p1 $0xffff, v2, v2;
	_ =	sdelay $0xd  }
0x39e: {  	vm1 =	vcmask @!p1 $0x171C;
	v2, _, _ =	vpop @!p1 (xrf1)  }
0x39f: {  	v3 =	vsel @!p1 vm1, $0xFF800000, v2  }
0x3a0: {  	(xrf0) =	vmax.scan.msk.f32 @!p1 $0xffff, v3;
	_ =	sdelay $0x5  }
0x3a1: {  	v3, _, _ =	vpop @!p1 (xrf0)  }
0x3a2: {  	v3 =	vbroadcast @!p1 v3, $0xF;
	_ =	sdelay $0x1  }
0x3a3: {  	v3 =	vmax.f32 @!p1 v1, v3  }
0x3a4: {  	v1 =	vpsel p1, v1, v3  }
0x3a5: {  	vm1 =	vge.f32 v4, v1  }
0x3a6: {  	v3 =	vmpcnt.ones.xlane vm1;
	_ =	sdelay $0x1  }
0x3a7: {  	(v2sf) =	vpush v3, $0x0;
	_ =	sdelay $0xe  }
0x3a8: {  	s1 =	spop (v2sf)  }
0x3a9: {  	v0 =	vpsel p1, v0, v2;
	p1 =	slt.s32 s1, $0x1  }
0x3aa: {  	v2 =	vmax.f32 @!p1 v0, v5  }
0x3ab: {  	(xrf1) =	vsort.ascd.msk.f32 @!p1 $0xffff, v2, v2;
	_ =	sdelay $0xd  }
0x3ac: {  	vm1 =	vcmask @!p1 $0x171C;
	v2, _, _ =	vpop @!p1 (xrf1)  }
0x3ad: {  	v3 =	vsel @!p1 vm1, $0xFF800000, v2  }
0x3ae: {  	(xrf0) =	vmax.scan.msk.f32 @!p1 $0xffff, v3;
	_ =	sdelay $0x5  }
0x3af: {  	v3, _, _ =	vpop @!p1 (xrf0)  }
0x3b0: {  	v3 =	vbroadcast @!p1 v3, $0xF;
	_ =	sdelay $0x1  }
0x3b1: {  	v3 =	vmax.f32 @!p1 v1, v3  }
0x3b2: {  	v1 =	vpsel p1, v1, v3  }
0x3b3: {  	vm1 =	vge.f32 v4, v1  }
0x3b4: {  	v3 =	vmpcnt.ones.xlane vm1;
	_ =	sdelay $0x1  }
0x3b5: {  	(v2sf) =	vpush v3, $0x0;
	_ =	sdelay $0xe  }
0x3b6: {  	s1 =	spop (v2sf)  }
0x3b7: {  	v0 =	vpsel p1, v0, v2;
	p1 =	slt.s32 s1, $0x1  }
0x3b8: {  	v2 =	vmax.f32 @!p1 v0, v5  }
0x3b9: {  	(xrf1) =	vsort.ascd.msk.f32 @!p1 $0xffff, v2, v2;
	_ =	sdelay $0xd  }
0x3ba: {  	vm1 =	vcmask @!p1 $0x171C;
	v2, _, _ =	vpop @!p1 (xrf1)  }
0x3bb: {  	v3 =	vsel @!p1 vm1, $0xFF800000, v2  }
0x3bc: {  	(xrf0) =	vmax.scan.msk.f32 @!p1 $0xffff, v3;
	_ =	sdelay $0x5  }
0x3bd: {  	v3, _, _ =	vpop @!p1 (xrf0)  }
0x3be: {  	v3 =	vbroadcast @!p1 v3, $0xF;
	_ =	sdelay $0x1  }
0x3bf: {  	v3 =	vmax.f32 @!p1 v1, v3  }
0x3c0: {  	v1 =	vpsel p1, v1, v3  }
0x3c1: {  	vm1 =	vge.f32 v4, v1  }
0x3c2: {  	v3 =	vmpcnt.ones.xlane vm1;
	_ =	sdelay $0x1  }
0x3c3: {  	(v2sf) =	vpush v3, $0x0;
	_ =	sdelay $0xe  }
0x3c4: {  	s1 =	spop (v2sf)  }
0x3c5: {  	v0 =	vpsel p1, v0, v2;
	p1 =	slt.s32 s1, $0x1  }
0x3c6: {  	v2 =	vmax.f32 @!p1 v0, v5  }
0x3c7: {  	(xrf1) =	vsort.ascd.msk.f32 @!p1 $0xffff, v2, v2;
	_ =	sdelay $0xd  }
0x3c8: {  	vm1 =	vcmask @!p1 $0x171C;
	v2, _, _ =	vpop @!p1 (xrf1)  }
0x3c9: {  	v3 =	vsel @!p1 vm1, $0xFF800000, v2  }
0x3ca: {  	(xrf0) =	vmax.scan.msk.f32 @!p1 $0xffff, v3;
	_ =	sdelay $0x5  }
.Ltmp17:
0x3cb: {  	v3, _, _ =	vpop @!p1 (xrf0);
	(pc) =	sbr.rel .LBB2_16-.Ltmp17, $3  }
0x3cc: {  	v3 =	vbroadcast @!p1 v3, $0xF;
	_ =	sdelay $0x1  }
0x3cd: {  	v4 =	vmax.f32 @!p1 v1, v3  }
0x3ce: {  	v3 =	vpsel p1, v0, v2;
	v2 =	vpsel p1, v1, v4  }
.LBB2_18:
0x3cf: {  	s0 =	sadd.s32 @!p0 $0x5, s24  }
0x3d0: {  	s1 =	smulhi.u32 @!p0 $0x66666667, s0;
	_ =	sdelay $0x1  }
0x3d1: {  	s1 =	sshrl.u32 @!p0 s1, $0x1  }
0x3d2: {  	s29 =	smul.u32 @!p0 $0x5, s1  }
0x3d3: {  	s1 =	sadd.s32 @!p0 s3, s1  }
0x3d4: {  	s1 =	smul.u32 @!p0 $0x186A0, s1;
	s0 =	ssub.s32 @!p0 s0, s29  }
0x3d5: {  	s0 =	smul.u32 @!p0 $0x4E20, s0  }
0x3d6: {  	p1 =	sne.s32 s28, $0x4  }
0x3d7: {  	s28 =	sor.u32 $0x2, s24;
	s0 =	sadd.s32 @!p0 s0, s1;
	s1 =	sshll.u32 @!p1 s26, $0x4  }
0x3d8: {  	s29 =	smulhi.u32 $0x66666667, s28;
	s0 =	sshrl.u32 @!p0 s0, $0x3;
	s1 =	sand.u32 @!p1 $0x3FFFFFF0, s1  }
0x3d9: {  	s26 =	simm.s32 @!p0 $0x4E20;
	s0 =	sadd.s32 @!p0 s4, s0;
	[tilespmem:s1+$0x14070] =	vst @!p1 v3;
	s1 =	simm.s32 @!p0 $0x0  }
0x3da: {  	[tilespmem:s26], [sflag:$0x2] =	stream.linear.gather @!p0 [hbm4b:s0+s1], $0x4E20, $0x38;
	[tilespmem:$0x14270] =	vst v63  }
0x3db: {  	s26 =	sshrl.u32 s29, $0x1  }
0x3dc: {  	s1 =	sand.u32 $0xF, s26  }
0x3dd: {  	p3 =	slt.u32 s28, $0x5;
	p2 =	sne.s32 s1, $0x0  }
0x3de: {  	p1 =	por !p3, !p2  }
0x3df: {  	s0 =	simm.s32 $0x1;
	p1 =	por !p1, !p1  }
0x3e0: {  	_ =	swait.ge [sflag:s19], $0x4E20;
	s0 =	simm.s32 @!p1 $0x0  }
0x3e1: {  	[sflag:s19] =	ssyncset.done $0x0;
	s0 =	ssub.s32 s25, s0  }
0x3e2: {  	[sflag:s19] =	ssyncadd.s32 $0xFFFFB1E0;
	s0 =	sshll.u32 s0, $0x4  }
0x3e3: {  	v0 =	vld [tilespmem:s0+$0x14050];
	_ =	sdelay $0x2  }
0x3e4: {  	s0 =	ssub.s32 s26, s0  }
0x3e5: {  	v4 =	vlaneseq.u32;
	v1 =	vmov s0  }
0x3e6: {  	vm1 =	veq.s32 v1, v4;
	v0 =	vxor.u32 $0x80000000, v0  }
0x3e7: {  	v0 =	vnsel vm1, $0x80000000, v0  }
0x3e8: {  	(xrf0) =	vmax.scan.msk.u32 $0xffff, v0;
	_ =	sdelay $0x5  }
0x3e9: {  	v0, _, _ =	vpop (xrf0)  }
0x3ea: {  	(v2sf) =	vpush v0, $0xF;
	_ =	sdelay $0xe  }
0x3eb: {  	s0 =	spop (v2sf)  }
0x3ec: {  	s1 =	sxor.u32 $0x80000000, s0  }
0x3ed: {  	s29 =	smulhi.u32 $0x68DB8BAD, s1;
	s30 =	sshra.s32 s1, $0x1F  }
0x3ee: {  	s30 =	smul.u32 $0x68DB8BAD, s30;
	_ =	sdelay $0x1  }
0x3ef: {  	s29 =	sadd.s32 s30, s29  }
0x3f0: {  	s30 =	sshrl.u32 s29, $0x1F;
	s29 =	sshra.s32 s29, $0xD  }
0x3f1: {  	s29 =	sadd.s32 s30, s29  }
0x3f2: {  	s30 =	smul.u32 $0xFFFFB1E0, s29  }
0x3f3: {  	p5 =	sgt.s32 s0, $0xFFFFFFFF;
	p4 =	slt.s32 s1, $0x1;
	s31 =	ssub.s32 $0x0, s1  }
0x3f4: {  	p1 =	por p5, p4;
	p6 =	sne.s32 s30, s31  }
0x3f5: {  	p1 =	por !p1, !p6  }
0x3f6: {  	s30 =	smul.u32 $0x5, s26;
	s31 =	simm.s32 $0x1;
	p1 =	por !p1, !p1  }
0x3f7: {  	s31 =	simm.s32 @!p1 $0x0  }
0x3f8: {  	s28 =	ssub.s32 s28, s30;
	s29 =	ssub.s32 s29, s31  }
0x3f9: {  	p1 =	sne.s32 s28, s29  }
0x3fa: {  	s29 =	smul.u32 @!p1 $0xFFFFB1E0, s28;
	_ =	sdelay $0x1  }
0x3fb: {  	s0 =	sand.u32 @!p1 $0xF, s0;
	s1 =	sadd.s32 @!p1 s1, s29  }
0x3fc: {  	p3 =	sne.s32 @!p1 s0, $0x0;
	p2 =	slt.s32 @!p1 s1, $0x1  }
0x3fd: {  	s0 =	sshra.s32 @!p1 s1, $0x1F;
	p2 =	por @!p1 !p3, !p2  }
0x3fe: {  	s0 =	sshrl.u32 @!p1 s0, $0x1C;
	p2 =	por @!p1 !p2, !p2  }
0x3ff: {  	s29 =	simm.s32 @!p1 $0x1;
	s0 =	sadd.s32 @!p1 s0, s1;
	p2 =	por !p2, p1  }
0x400: {  	s0 =	sshrl.u32 @!p1 s0, $0x4;
	s29 =	simm.s32 @p2 $0x0  }
0x401: {  	s0 =	ssub.s32 @!p1 s0, s29  }
0x402: {  	s0 =	sshll.u32 @!p1 s0, $0x4  }
0x403: {  	v0 =	vld @!p1 [tilespmem:s0+$0x9C40];
	_ =	sdelay $0x3  }
0x404: {  	s1 =	ssub.s32 @!p1 s1, s0  }
0x405: {  	v4 =	vlaneseq.u32 @!p1;
	v1 =	vmov @!p1 s1;
	v5 =	vsub.f32 @!p1 $0.0e+00, v0  }
0x406: {  	vm1 =	veq.s32 @!p1 v1, v4  }
0x407: {  	v0 =	vsel @!p1 vm1, v5, v0  }
0x408: {  	s1 =	simm.s32 $0x9DD0;
	[tilespmem:s0+$0x9C40] =	vst @!p1 v0  }
0x409: {  	v0 =	vld [tilespmem:s1+$0x170]  }
0x40a: {  	v1 =	vld [tilespmem:s1+$0x180]  }
0x40b: {  	v4 =	vld [tilespmem:s1+$0xD0]  }
0x40c: {  	v5 =	vld [tilespmem:s1+$0xE0]  }
0x40d: {  	v6 =	vld [tilespmem:s1+$0x30]  }
0x40e: {  	v7 =	vld [tilespmem:s1+$0x40]  }
0x40f: {  	v8 =	vld [tilespmem:s1+$0xF0]  }
0x410: {  	v9 =	vld [tilespmem:s1+$0x100]  }
0x411: {  	v10 =	vld [tilespmem:s1+$0x110]  }
0x412: {  	v11 =	vld [tilespmem:s1+$0x120]  }
0x413: {  	v12 =	vld [tilespmem:s1+$0x130]  }
0x414: {  	v13 =	vld [tilespmem:s1+$0x140]  }
0x415: {  	v14 =	vld [tilespmem:s1+$0x150]  }
0x416: {  	v15 =	vld [tilespmem:s1+$0x160]  }
0x417: {  	v16 =	vld [tilespmem:s1+$0xFFFFFF90]  }
0x418: {  	v17 =	vld [tilespmem:s1+$0xFFFFFFA0]  }
0x419: {  	v18 =	vld [tilespmem:s1+$0x50]  }
0x41a: {  	v19 =	vld [tilespmem:s1+$0x60]  }
0x41b: {  	v20 =	vld [tilespmem:s1+$0x70]  }
0x41c: {  	v21 =	vld [tilespmem:s1+$0x80]  }
0x41d: {  	v22 =	vld [tilespmem:s1+$0x90]  }
0x41e: {  	v23 =	vld [tilespmem:s1+$0xA0]  }
0x41f: {  	v24 =	vld [tilespmem:s1+$0xB0]  }
0x420: {  	v25 =	vld [tilespmem:s1+$0xC0]  }
0x421: {  	v26 =	vld [tilespmem:s1+$0xFFFFFEF0]  }
0x422: {  	v27 =	vld [tilespmem:s1+$0xFFFFFF00]  }
0x423: {  	v28 =	vld [tilespmem:s1+$0xFFFFFFB0]  }
0x424: {  	v29 =	vld [tilespmem:s1+$0xFFFFFFC0]  }
0x425: {  	v30 =	vld [tilespmem:s1+$0xFFFFFFD0]  }
0x426: {  	v31 =	vld [tilespmem:s1+$0xFFFFFFE0]  }
0x427: {  	v32 =	vld [tilespmem:s1+$0xFFFFFFF0]  }
0x428: {  	v33 =	vld [tilespmem:s1+$0x0]  }
0x429: {  	v34 =	vld [tilespmem:s1+$0x10]  }
0x42a: {  	v35 =	vld [tilespmem:s1+$0x20]  }
0x42b: {  	v36 =	vld [tilespmem:s1+$0xFFFFFF10]  }
0x42c: {  	v37 =	vld [tilespmem:s1+$0xFFFFFF20]  }
0x42d: {  	v38 =	vld [tilespmem:s1+$0xFFFFFF30]  }
0x42e: {  	v39 =	vld [tilespmem:s1+$0xFFFFFF40]  }
0x42f: {  	v40 =	vld [tilespmem:s1+$0xFFFFFF50]  }
0x430: {  	v41 =	vld [tilespmem:s1+$0xFFFFFF60]  }
0x431: {  	v42 =	vld [tilespmem:s1+$0xFFFFFF70]  }
0x432: {  	v43 =	vld [tilespmem:s1+$0xFFFFFF80]  }
0x433: {  	v44 =	vld [tilespmem:s1+$0xFFFFFE70]  }
0x434: {  	v45 =	vld [tilespmem:s1+$0xFFFFFE80]  }
0x435: {  	s30 =	simm.s32 $0xA0F0;
	v46 =	vld [tilespmem:s1+$0xFFFFFE90]  }
0x436: {  	v52 =	vld [tilespmem:s30+$0x170]  }
0x437: {  	v47 =	vld [tilespmem:s1+$0xFFFFFEA0]  }
0x438: {  	v48 =	vld [tilespmem:s1+$0xFFFFFEB0]  }
0x439: {  	v49 =	vld [tilespmem:s1+$0xFFFFFEC0]  }
0x43a: {  	v50 =	vld [tilespmem:s1+$0xFFFFFED0]  }
0x43b: {  	v51 =	vld [tilespmem:s1+$0xFFFFFEE0];
	[tilespmem:$0x1FCA0] =	vst v52  }
0x43c: {  	v52 =	vld [tilespmem:s30+$0x180];
	_ =	sdelay $0x4  }
0x43d: {  	[tilespmem:$0x1FCB0] =	vst v52  }
0x43e: {  	v52 =	vld [tilespmem:s30+$0x30];
	_ =	sdelay $0x3  }
0x43f: {  	v56 =	vld [tilespmem:s30+$0xD0]  }
0x440: {  	v55 =	vld [tilespmem:s30+$0xE0];
	[tilespmem:$0x1FCC0] =	vst v52  }
0x441: {  	v52 =	vld [tilespmem:s30+$0x40];
	_ =	sdelay $0x4  }
0x442: {  	[tilespmem:$0x1FCD0] =	vst v52  }
0x443: {  	v52 =	vld [tilespmem:s30+$0xF0];
	_ =	sdelay $0x4  }
0x444: {  	[tilespmem:$0x1FCE0] =	vst v52  }
0x445: {  	v52 =	vld [tilespmem:s30+$0x100];
	_ =	sdelay $0x4  }
0x446: {  	[tilespmem:$0x1FCF0] =	vst v52  }
0x447: {  	v52 =	vld [tilespmem:s30+$0x110];
	_ =	sdelay $0x4  }
0x448: {  	[tilespmem:$0x1FD00] =	vst v52  }
0x449: {  	v52 =	vld [tilespmem:s30+$0x120];
	_ =	sdelay $0x4  }
0x44a: {  	[tilespmem:$0x1FD10] =	vst v52  }
0x44b: {  	v52 =	vld [tilespmem:s30+$0x130];
	_ =	sdelay $0x4  }
0x44c: {  	[tilespmem:$0x1FD20] =	vst v52  }
0x44d: {  	v52 =	vld [tilespmem:s30+$0x140];
	_ =	sdelay $0x4  }
0x44e: {  	[tilespmem:$0x1FD30] =	vst v52  }
0x44f: {  	v52 =	vld [tilespmem:s30+$0x150];
	_ =	sdelay $0x4  }
0x450: {  	[tilespmem:$0x1FD40] =	vst v52  }
0x451: {  	v52 =	vld [tilespmem:s30+$0x160];
	_ =	sdelay $0x4  }
0x452: {  	[tilespmem:$0x1FD50] =	vst v52  }
0x453: {  	v52 =	vld [tilespmem:s30+$0x50];
	_ =	sdelay $0x3  }
0x454: {  	v61 =	vld [tilespmem:s30+$0xFFFFFF90]  }
0x455: {  	v57 =	vld [tilespmem:s30+$0xFFFFFFA0];
	[tilespmem:$0x1FD60] =	vst v52  }
0x456: {  	v52 =	vld [tilespmem:s30+$0x60];
	_ =	sdelay $0x4  }
0x457: {  	[tilespmem:$0x1FD70] =	vst v52  }
0x458: {  	v52 =	vld [tilespmem:s30+$0x70];
	_ =	sdelay $0x4  }
0x459: {  	[tilespmem:$0x1FD80] =	vst v52  }
0x45a: {  	v52 =	vld [tilespmem:s30+$0x80]  }
0x45b: {  	v4 =	vmax.f32 v4, v5;
	v0 =	vmax.f32 v0, v1  }
0x45c: {  	v1 =	vmax.f32 v6, v7;
	v5 =	vmax.f32 v8, v9;
	v6 =	vmax.f32 v10, v11  }
0x45d: {  	v9 =	vmax.f32 v16, v17;
	v12 =	vmax.f32 v12, v13;
	v13 =	vmax.f32 v14, v15  }
0x45e: {  	v10 =	vmax.f32 v18, v19;
	v11 =	vmax.f32 v20, v21;
	v14 =	vmax.f32 v22, v23  }
0x45f: {  	v15 =	vmax.f32 v26, v27;
	v16 =	vmax.f32 v28, v29;
	v17 =	vmax.f32 v24, v25;
	[tilespmem:$0x1FD90] =	vst v52  }
0x460: {  	v18 =	vmax.f32 v30, v31;
	v19 =	vmax.f32 v32, v33;
	v20 =	vmax.f32 v34, v35;
	v52 =	vld [tilespmem:s30+$0xB0]  }
0x461: {  	v21 =	vmax.f32 v36, v37;
	v22 =	vmax.f32 v38, v39;
	v23 =	vmax.f32 v40, v41  }
0x462: {  	v24 =	vmax.f32 v44, v45;
	v25 =	vmax.f32 v46, v47;
	v26 =	vmax.f32 v42, v43  }
0x463: {  	v27 =	vmax.f32 v48, v49;
	v29 =	vmax.f32 v50, v51;
	v5 =	vmax.f32 v5, v6  }
0x464: {  	v6 =	vmax.f32 v10, v11;
	v17 =	vmax.f32 v14, v17;
	v14 =	vmax.f32 v24, v25;
	v63 =	vld [tilespmem:s30+$0x90]  }
0x465: {  	v24 =	vmax.f32 v27, v29;
	v25 =	vmax.f32 v12, v13;
	v18 =	vmax.f32 v16, v18;
	v62 =	vld [tilespmem:s30+$0xA0];
	[tilespmem:$0x1FDA0] =	vst v52  }
0x466: {  	v16 =	vmax.f32 v23, v26;
	v19 =	vmax.f32 v19, v20;
	v13 =	vmax.f32 v14, v24;
	v52 =	vld [tilespmem:s30+$0xC0]  }
0x467: {  	v14 =	vmax.f32 v21, v22;
	v21 =	vimm.f32 $-Inf;
	v18 =	vmax.f32 v18, v19  }
0x468: {  	v6 =	vmax.f32 v6, v17;
	v15 =	vmax.f32 v13, v15;
	v14 =	vmax.f32 v14, v16  }
0x469: {  	v5 =	vmax.f32 v5, v25;
	v24 =	vmax.f32 v14, v9;
	v9 =	vmax.f32 v21, v15  }
0x46a: {  	v1 =	vmax.f32 v18, v1;
	v0 =	vmax.f32 v5, v0;
	v5 =	vld [tilespmem:$0x1FCA0];
	v9 =	vmax.f32 v9, v24  }
0x46b: {  	v21 =	vmax.f32 v6, v4;
	v4 =	vmax.f32 v9, v1;
	v9 =	vld [tilespmem:$0x1FCB0];
	[tilespmem:$0x1FDB0] =	vst v52  }
0x46c: {  	v60 =	vld [tilespmem:s30+$0xFFFFFEF0]  }
0x46d: {  	v58 =	vld [tilespmem:s30+$0xFFFFFF00]  }
0x46e: {  	v59 =	vld [tilespmem:s30+$0xFFFFFFB0]  }
0x46f: {  	v53 =	vld [tilespmem:s30+$0xFFFFFFC0]  }
0x470: {  	v54 =	vld [tilespmem:s30+$0xFFFFFFD0]  }
0x471: {  	s29 =	simm.s32 $0x138A0;
	v52 =	vld [tilespmem:s30+$0xFFFFFFE0]  }
0x472: {  	v7 =	vld [tilespmem:s30+$0xFFFFFFF0];
	[tilespmem:s29+$0xFFFFFFE0] =	vst v15  }
0x473: {  	v5 =	vmax.f32 v5, v9;
	v9 =	vld [tilespmem:$0x1FCC0]  }
0x474: {  	v15 =	vld [tilespmem:$0x1FCD0]  }
0x475: {  	v28 =	vld [tilespmem:s30+$0x0]  }
0x476: {  	v30 =	vld [tilespmem:s30+$0x10]  }
0x477: {  	v45 =	vld [tilespmem:s30+$0x20]  }
0x478: {  	v22 =	vld [tilespmem:$0x1FCF0]  }
0x479: {  	v9 =	vmax.f32 v9, v15;
	v15 =	vld [tilespmem:$0x1FCE0]  }
0x47a: {  	v8 =	vld [tilespmem:s30+$0xFFFFFF10]  }
0x47b: {  	v10 =	vld [tilespmem:s30+$0xFFFFFF20]  }
0x47c: {  	v11 =	vld [tilespmem:s30+$0xFFFFFF30]  }
0x47d: {  	v25 =	vld [tilespmem:$0x1FD10]  }
0x47e: {  	v22 =	vmax.f32 v15, v22;
	v15 =	vld [tilespmem:$0x1FD00];
	[tilespmem:s29+$0xFFFFFFF0] =	vst v24  }
0x47f: {  	v26 =	vld [tilespmem:$0x1FD20]  }
0x480: {  	v27 =	vld [tilespmem:$0x1FD30]  }
0x481: {  	v12 =	vld [tilespmem:s30+$0xFFFFFF40]  }
0x482: {  	v13 =	vld [tilespmem:s30+$0xFFFFFF50]  }
0x483: {  	v16 =	vld [tilespmem:s30+$0xFFFFFF60]  }
0x484: {  	v29 =	vld [tilespmem:$0x1FD50]  }
0x485: {  	v26 =	vmax.f32 v26, v27;
	v27 =	vld [tilespmem:$0x1FD40];
	[tilespmem:s29+$0x0] =	vst v1  }
0x486: {  	v1 =	vld [tilespmem:$0x1FD60]  }
0x487: {  	v31 =	vld [tilespmem:$0x1FD70]  }
0x488: {  	v14 =	vld [tilespmem:s30+$0xFFFFFF70]  }
0x489: {  	v17 =	vld [tilespmem:s30+$0xFFFFFF80]  }
0x48a: {  	v18 =	vld [tilespmem:s30+$0xFFFFFE70]  }
0x48b: {  	v19 =	vld [tilespmem:s30+$0xFFFFFE80]  }
0x48c: {  	v32 =	vmax.f32 v1, v31;
	v1 =	vld [tilespmem:$0x1FD80]  }
0x48d: {  	v31 =	vld [tilespmem:$0x1FD90]  }
0x48e: {  	v20 =	vld [tilespmem:s30+$0xFFFFFE90]  }
0x48f: {  	v23 =	vld [tilespmem:s30+$0xFFFFFEA0]  }
0x490: {  	v35 =	vld [tilespmem:s30+$0xFFFFFED0];
	[tilespmem:s29+$0x10] =	vst v21  }
0x491: {  	v34 =	vmax.f32 v63, v62;
	v63 =	vld [tilespmem:$0x1FDB0]  }
0x492: {  	v33 =	vmax.f32 v1, v31;
	v1 =	vld [tilespmem:$0x1FDA0]  }
0x493: {  	p1 =	seq.s32 s28, $0x0;
	v4 =	vmax.f32 v4, v21;
	v38 =	vld [tilespmem:s30+$0xFFFFFEE0]  }
0x494: {  	v3 =	vpsel p1, $0xFF800000, v3;
	v4 =	vmax.f32 v4, v0;
	v6 =	vmax.f32 v56, v55;
	v24 =	vld [tilespmem:s30+$0xFFFFFEB0]  }
0x495: {  	v36 =	vmax.f32 v54, v52;
	v28 =	vmax.f32 v7, v28;
	v27 =	vmax.f32 v27, v29;
	v29 =	vld [tilespmem:s30+$0xFFFFFEC0]  }
0x496: {  	v30 =	vmax.f32 v30, v45;
	v25 =	vmax.f32 v15, v25;
	v15 =	vmax.f32 v61, v57  }
0x497: {  	s31 =	simm.s32 $0xA410;
	s30 =	simm.s32 $0x5;
	v21 =	vmax.f32 v60, v58;
	v31 =	vmax.f32 v59, v53;
	[tilespmem:s29+$0x20] =	vst v0;
	v37 =	vmax.f32 v1, v63  }
.LBB2_19:
0x498: {  	v7 =	vld [tilespmem:s31+$0x170];
	v0 =	vmax.f32 v8, v10;
	v1 =	vmax.f32 v11, v12;
	v8 =	vmax.f32 v13, v16  }
0x499: {  	v10 =	vmax.f32 v18, v19;
	v11 =	vmax.f32 v20, v23;
	v12 =	vmax.f32 v14, v17;
	v39 =	vld [tilespmem:s31+$0x180]  }
0x49a: {  	v13 =	vmax.f32 v24, v29;
	v16 =	vmax.f32 v22, v25;
	v40 =	vld [tilespmem:s31+$0xD0];
	v14 =	vmax.f32 v35, v38  }
0x49b: {  	v17 =	vmax.f32 v32, v33;
	v18 =	vmax.f32 v34, v37;
	v19 =	vmax.f32 v26, v27;
	v22 =	vld [tilespmem:s31+$0xE0]  }
0x49c: {  	v10 =	vmax.f32 v10, v11;
	v11 =	vmax.f32 v13, v14;
	v13 =	vmax.f32 v31, v36;
	v25 =	vld [tilespmem:s31+$0x30]  }
0x49d: {  	v0 =	vmax.f32 v0, v1;
	v1 =	vmax.f32 v8, v12;
	v10 =	vmax.f32 v10, v11;
	v26 =	vld [tilespmem:s31+$0x40]  }
0x49e: {  	s29 =	sadd.s32 $0x50, s29;
	v0 =	vmax.f32 v0, v1;
	v1 =	vmax.f32 v28, v30;
	v8 =	vmax.f32 v10, v21;
	v27 =	vld [tilespmem:s31+$0xF0]  }
0x49f: {  	v0 =	vmax.f32 v0, v15;
	v1 =	vmax.f32 v13, v1;
	v4 =	vmax.f32 v4, v8;
	v21 =	vld [tilespmem:s31+$0x100];
	[tilespmem:s29+$0xFFFFFFE0] =	vst v8  }
0x4a0: {  	v1 =	vmax.f32 v1, v9;
	v15 =	vld [tilespmem:s31+$0x110];
	[tilespmem:s29+$0xFFFFFFF0] =	vst v0;
	v0 =	vmax.f32 v4, v0;
	v4 =	vmax.f32 v17, v18  }
0x4a1: {  	v28 =	vld [tilespmem:s31+$0x120];
	[tilespmem:s29+$0x0] =	vst v1;
	v0 =	vmax.f32 v0, v1;
	v1 =	vmax.f32 v4, v6;
	v4 =	vmax.f32 v16, v19  }
0x4a2: {  	v30 =	vld [tilespmem:s31+$0x130];
	[tilespmem:s29+$0x10] =	vst v1;
	v0 =	vmax.f32 v0, v1;
	v1 =	vmax.f32 v4, v5  }
0x4a3: {  	v31 =	vld [tilespmem:s31+$0x140];
	[tilespmem:s29+$0x20] =	vst v1;
	v4 =	vmax.f32 v0, v1  }
0x4a4: {  	v0 =	vld [tilespmem:s31+$0x150]  }
0x4a5: {  	v1 =	vld [tilespmem:s31+$0x160]  }
0x4a6: {  	v32 =	vld [tilespmem:s31+$0xFFFFFF90]  }
0x4a7: {  	v33 =	vld [tilespmem:s31+$0xFFFFFFA0]  }
0x4a8: {  	v34 =	vld [tilespmem:s31+$0x50]  }
0x4a9: {  	v36 =	vld [tilespmem:s31+$0x60]  }
0x4aa: {  	v37 =	vld [tilespmem:s31+$0x70]  }
0x4ab: {  	v41 =	vld [tilespmem:s31+$0x80]  }
0x4ac: {  	v42 =	vld [tilespmem:s31+$0x90]  }
0x4ad: {  	v43 =	vld [tilespmem:s31+$0xA0]  }
0x4ae: {  	v44 =	vld [tilespmem:s31+$0xB0]  }
0x4af: {  	v45 =	vld [tilespmem:s31+$0xC0]  }
0x4b0: {  	v46 =	vld [tilespmem:s31+$0xFFFFFEF0]  }
0x4b1: {  	v47 =	vld [tilespmem:s31+$0xFFFFFF00]  }
0x4b2: {  	v48 =	vld [tilespmem:s31+$0xFFFFFFB0]  }
0x4b3: {  	v49 =	vld [tilespmem:s31+$0xFFFFFFC0]  }
0x4b4: {  	v50 =	vld [tilespmem:s31+$0xFFFFFFD0]  }
0x4b5: {  	v51 =	vld [tilespmem:s31+$0xFFFFFFE0]  }
0x4b6: {  	v52 =	vld [tilespmem:s31+$0xFFFFFFF0]  }
0x4b7: {  	v53 =	vld [tilespmem:s31+$0x0]  }
0x4b8: {  	v54 =	vld [tilespmem:s31+$0x10]  }
0x4b9: {  	v55 =	vld [tilespmem:s31+$0x20]  }
0x4ba: {  	v8 =	vld [tilespmem:s31+$0xFFFFFF10]  }
0x4bb: {  	v10 =	vld [tilespmem:s31+$0xFFFFFF20]  }
0x4bc: {  	v11 =	vld [tilespmem:s31+$0xFFFFFF30]  }
0x4bd: {  	v12 =	vld [tilespmem:s31+$0xFFFFFF40]  }
0x4be: {  	v13 =	vld [tilespmem:s31+$0xFFFFFF50]  }
0x4bf: {  	v16 =	vld [tilespmem:s31+$0xFFFFFF60]  }
0x4c0: {  	v14 =	vld [tilespmem:s31+$0xFFFFFF70]  }
0x4c1: {  	v17 =	vld [tilespmem:s31+$0xFFFFFF80]  }
0x4c2: {  	v18 =	vld [tilespmem:s31+$0xFFFFFE70]  }
0x4c3: {  	v19 =	vld [tilespmem:s31+$0xFFFFFE80]  }
0x4c4: {  	v20 =	vld [tilespmem:s31+$0xFFFFFE90]  }
0x4c5: {  	s30 =	sadd.s32 $0x5, s30;
	v23 =	vld [tilespmem:s31+$0xFFFFFEA0]  }
0x4c6: {  	p2 =	slt.u32 s30, $0x78;
	v6 =	vmax.f32 v40, v22;
	v5 =	vmax.f32 v7, v39;
	v24 =	vld [tilespmem:s31+$0xFFFFFEB0]  }
.Ltmp18:
0x4c7: {  	v9 =	vmax.f32 v25, v26;
	v22 =	vmax.f32 v27, v21;
	v25 =	vmax.f32 v15, v28;
	v29 =	vld [tilespmem:s31+$0xFFFFFEC0];
	(pc) =	sbr.rel @p2 .LBB2_19-.Ltmp18, $4  }
0x4c8: {  	v26 =	vmax.f32 v30, v31;
	v27 =	vmax.f32 v0, v1;
	v15 =	vmax.f32 v32, v33;
	v35 =	vld [tilespmem:s31+$0xFFFFFED0]  }
0x4c9: {  	v32 =	vmax.f32 v34, v36;
	v33 =	vmax.f32 v37, v41;
	v34 =	vmax.f32 v42, v43;
	v38 =	vld [tilespmem:s31+$0xFFFFFEE0]  }
0x4ca: {  	v37 =	vmax.f32 v44, v45;
	v21 =	vmax.f32 v46, v47;
	v31 =	vmax.f32 v48, v49  }
0x4cb: {  	v36 =	vmax.f32 v50, v51;
	v28 =	vmax.f32 v52, v53;
	v30 =	vmax.f32 v54, v55;
	s31 =	sadd.s32 $0x320, s31  }
0x4cc: {  	v0 =	vmax.f32 v8, v10;
	v1 =	vmax.f32 v11, v12;
	v7 =	vmax.f32 v13, v16  }
0x4cd: {  	v50 =	vmax.f32 v18, v19;
	v51 =	vmax.f32 v20, v23;
	v52 =	vmax.f32 v14, v17  }
0x4ce: {  	v53 =	vmax.f32 v24, v29;
	v55 =	vmax.f32 v22, v25;
	v56 =	vmax.f32 v32, v33  }
0x4cf: {  	v57 =	vmax.f32 v34, v37;
	v58 =	vmax.f32 v26, v27;
	v54 =	vmax.f32 v35, v38  }
0x4d0: {  	v60 =	vmax.f32 v31, v36;
	v8 =	vmax.f32 v50, v51;
	v59 =	vmax.f32 v53, v54  }
0x4d1: {  	v0 =	vmax.f32 v0, v1;
	v1 =	vmax.f32 v7, v52;
	v8 =	vmax.f32 v8, v59  }
0x4d2: {  	v0 =	vmax.f32 v0, v1;
	v1 =	vmax.f32 v28, v30;
	v61 =	vmax.f32 v8, v21  }
0x4d3: {  	v0 =	vmax.f32 v0, v15;
	v1 =	vmax.f32 v60, v1;
	v4 =	vmax.f32 v4, v61  }
0x4d4: {  	v62 =	vmax.f32 v56, v57;
	v1 =	vmax.f32 v1, v9;
	v4 =	vmax.f32 v4, v0  }
0x4d5: {  	v63 =	vmax.f32 v55, v58;
	v6 =	vmax.f32 v62, v6;
	v4 =	vmax.f32 v4, v1  }
0x4d6: {  	v5 =	vmax.f32 v63, v5;
	v4 =	vmax.f32 v4, v6  }
0x4d7: {  	v4 =	vmax.f32 v4, v5  }
0x4d8: {  	(xrf1) =	vsort.ascd.msk.f32 $0xffff, v4, v4;
	_ =	sdelay $0xd  }
0x4d9: {  	v4, _, _ =	vpop (xrf1)  }
0x4da: {  	v4 =	vsel vm0, $0xFF800000, v4  }
0x4db: {  	(xrf0) =	vmax.scan.msk.f32 $0xffff, v4;
	_ =	sdelay $0x4  }
0x4dc: {  	s0 =	sadd.s32 $0x50, s29  }
.Ltmp19:
0x4dd: {  	[tilespmem:s0+$0x10] =	vst v6;
	v4, _, _ =	vpop (xrf0);
	(pc) =	sbr.rel .LBB2_21-.Ltmp19, $4  }
0x4de: {  	[tilespmem:s0+$0xFFFFFFF0] =	vst v0;
	v0 =	vbroadcast v4, $0xF  }
0x4df: {  	[tilespmem:s0+$0x20] =	vst v5  }
0x4e0: {  	[tilespmem:s0+$0x0] =	vst v1;
	v1 =	vmax.f32 v2, v0  }
0x4e1: {  	s29 =	simm.s32 $0x0;
	s30 =	simm.s32 $0x13880;
	[tilespmem:s0+$0xFFFFFFE0] =	vst v61;
	v2 =	vpsel p1, v0, v1  }
.LBB2_25:
0x4e2: {  	s29 =	sadd.s32 $0x1, s29  }
0x4e3: {  	p1 =	sne.s32 s29, $0x5  }
.Ltmp20:
0x4e4: {  	_ = 	snop;
	(pc) =	sbr.rel @!p1 .LBB2_26-.Ltmp20, $2  }
0x4e5: {  	_ =	sdelay $0x2  }
0x4e6: {  	s30 =	sadd.s32 $0x190, s30  }
.LBB2_21:
0x4e7: {  	s0 =	smul.u32 $0x640, s29;
	_ =	sdelay $0x1  }
0x4e8: {  	s0 =	sshra.s32 s0, $0x2  }
0x4e9: {  	v0 =	vld [tilespmem:s0+$0x13880]  }
0x4ea: {  	v1 =	vld [tilespmem:s0+$0x13890]  }
0x4eb: {  	v4 =	vld [tilespmem:s0+$0x138A0]  }
0x4ec: {  	v5 =	vld [tilespmem:s0+$0x138B0]  }
0x4ed: {  	v6 =	vld [tilespmem:s0+$0x138C0]  }
0x4ee: {  	v7 =	vld [tilespmem:s0+$0x138D0]  }
0x4ef: {  	v8 =	vld [tilespmem:s0+$0x138E0]  }
0x4f0: {  	v9 =	vld [tilespmem:s0+$0x138F0]  }
0x4f1: {  	v10 =	vld [tilespmem:s0+$0x13900]  }
0x4f2: {  	v11 =	vld [tilespmem:s0+$0x13910]  }
0x4f3: {  	v12 =	vld [tilespmem:s0+$0x13920]  }
0x4f4: {  	v13 =	vld [tilespmem:s0+$0x13930]  }
0x4f5: {  	v14 =	vld [tilespmem:s0+$0x13940]  }
0x4f6: {  	v15 =	vld [tilespmem:s0+$0x13950]  }
0x4f7: {  	v16 =	vld [tilespmem:s0+$0x13960]  }
0x4f8: {  	v17 =	vld [tilespmem:s0+$0x13970]  }
0x4f9: {  	v18 =	vld [tilespmem:s0+$0x13980]  }
0x4fa: {  	v19 =	vld [tilespmem:s0+$0x13990]  }
0x4fb: {  	v20 =	vld [tilespmem:s0+$0x139A0]  }
0x4fc: {  	v21 =	vld [tilespmem:s0+$0x139B0]  }
0x4fd: {  	v22 =	vld [tilespmem:s0+$0x139C0]  }
0x4fe: {  	v23 =	vld [tilespmem:s0+$0x139D0]  }
0x4ff: {  	v24 =	vld [tilespmem:s0+$0x139E0]  }
0x500: {  	v25 =	vld [tilespmem:s0+$0x139F0];
	_ =	sdelay $0x1  }
0x501: {  	v0 =	vmax.f32 v0, v1;
	v1 =	vmax.f32 v4, v5;
	v4 =	vmax.f32 v6, v7  }
0x502: {  	v5 =	vmax.f32 v8, v9;
	v53 =	vmax.f32 v10, v11;
	v54 =	vmax.f32 v12, v13  }
0x503: {  	v55 =	vld [tilespmem:s0+$0x13A00];
	v56 =	vmax.f32 v14, v15;
	v57 =	vmax.f32 v16, v17;
	v58 =	vmax.f32 v18, v19  }
0x504: {  	v59 =	vmax.f32 v20, v21;
	v60 =	vmax.f32 v22, v23;
	v61 =	vmax.f32 v24, v25  }
0x505: {  	v0 =	vmax.f32 v0, v1;
	v1 =	vmax.f32 v4, v5;
	v4 =	vmax.f32 v53, v54  }
0x506: {  	v5 =	vmax.f32 v56, v57;
	v62 =	vmax.f32 v58, v59;
	v63 =	vmax.f32 v60, v61  }
0x507: {  	v0 =	vmax.f32 v0, v1;
	v1 =	vmax.f32 v4, v5;
	v4 =	vmax.f32 v62, v63  }
0x508: {  	v0 =	vmax.f32 v0, v1;
	v1 =	vmax.f32 v4, v55  }
0x509: {  	v0 =	vmax.f32 v0, v1  }
0x50a: {  	vm1 =	vge.f32 v0, v2  }
0x50b: {  	v0 =	vmpcnt.ones.xlane vm1;
	_ =	sdelay $0x1  }
0x50c: {  	(v2sf) =	vpush v0, $0x0;
	_ =	sdelay $0xe  }
0x50d: {  	s1 =	spop (v2sf)  }
0x50e: {  	p1 =	slt.s32 s1, $0x1  }
.Ltmp21:
0x50f: {  	_ = 	snop;
	(pc) =	sbr.rel @!p1 .LBB2_22-.Ltmp21, $4  }
.Ltmp22:
0x510: {  	_ = 	snop;
	(pc) =	sbr.rel @p1 .LBB2_25-.Ltmp22, $4  }
0x511: {  	_ = 	snop  }
0x512: {  	_ = 	snop  }
0x513: {  	s31 =	simm.s32 $0x0  }
0x514: {  	_ = 	snop  }
.LBB2_24:
0x515: {  	s31 =	sadd.s32 $0x40, s31  }
0x516: {  	p1 =	sne.s32 s31, $0x640  }
.Ltmp23:
0x517: {  	_ = 	snop;
	(pc) =	sbr.rel @!p1 .LBB2_25-.Ltmp23, $1  }
0x518: {  	_ =	sdelay $0x3  }
.LBB2_22:
0x519: {  	s0 =	sshra.s32 s31, $0x2  }
0x51a: {  	s0 =	sadd.s32 s0, s30  }
0x51b: {  	v4 =	vld [tilespmem:s0+$0x0];
	_ =	sdelay $0x4  }
0x51c: {  	vm1 =	vge.f32 v4, v2  }
0x51d: {  	v0 =	vmpcnt.ones.xlane vm1;
	_ =	sdelay $0x1  }
0x51e: {  	(v2sf) =	vpush v0, $0x0;
	_ =	sdelay $0xe  }
0x51f: {  	s1 =	spop (v2sf)  }
0x520: {  	p1 =	slt.s32 s1, $0x1  }
.Ltmp24:
0x521: {  	_ = 	snop;
	(pc) =	sbr.rel @p1 .LBB2_24-.Ltmp24, $1  }
0x522: {  	_ =	sdelay $0x3  }
0x523: {  	(xrf1) =	vsort.dscd.msk.f32 $0xffff, v4, v4;
	_ =	sdelay $0xd  }
0x524: {  	v5, _, _ =	vpop (xrf1)  }
0x525: {  	v0 =	vmax.f32 v3, v5  }
0x526: {  	(xrf1) =	vsort.ascd.msk.f32 $0xffff, v0, v0;
	_ =	sdelay $0xd  }
0x527: {  	v0, _, _ =	vpop (xrf1)  }
0x528: {  	v1 =	vsel vm0, $0xFF800000, v0  }
0x529: {  	(xrf0) =	vmax.scan.msk.f32 $0xffff, v1;
	_ =	sdelay $0x5  }
0x52a: {  	v1, _, _ =	vpop (xrf0)  }
0x52b: {  	v1 =	vbroadcast v1, $0xF;
	_ =	sdelay $0x1  }
0x52c: {  	v1 =	vmax.f32 v2, v1  }
0x52d: {  	vm1 =	vge.f32 v4, v1  }
0x52e: {  	v2 =	vmpcnt.ones.xlane vm1;
	_ =	sdelay $0x1  }
0x52f: {  	(v2sf) =	vpush v2, $0x0;
	_ =	sdelay $0xe  }
0x530: {  	s0 =	spop (v2sf)  }
0x531: {  	p1 =	slt.s32 s0, $0x1  }
0x532: {  	v2 =	vmax.f32 @!p1 v0, v5  }
0x533: {  	(xrf1) =	vsort.ascd.msk.f32 @!p1 $0xffff, v2, v2;
	_ =	sdelay $0xd  }
0x534: {  	vm1 =	vcmask @!p1 $0x171C;
	v2, _, _ =	vpop @!p1 (xrf1)  }
0x535: {  	v3 =	vsel @!p1 vm1, $0xFF800000, v2  }
0x536: {  	(xrf0) =	vmax.scan.msk.f32 @!p1 $0xffff, v3;
	_ =	sdelay $0x5  }
0x537: {  	v3, _, _ =	vpop @!p1 (xrf0)  }
0x538: {  	v3 =	vbroadcast @!p1 v3, $0xF;
	_ =	sdelay $0x1  }
0x539: {  	v3 =	vmax.f32 @!p1 v1, v3  }
0x53a: {  	v1 =	vpsel p1, v1, v3  }
0x53b: {  	vm1 =	vge.f32 v4, v1  }
0x53c: {  	v3 =	vmpcnt.ones.xlane vm1;
	_ =	sdelay $0x1  }
0x53d: {  	(v2sf) =	vpush v3, $0x0;
	_ =	sdelay $0xe  }
0x53e: {  	s1 =	spop (v2sf)  }
0x53f: {  	v0 =	vpsel p1, v0, v2;
	p1 =	slt.s32 s1, $0x1  }
0x540: {  	v2 =	vmax.f32 @!p1 v0, v5  }
0x541: {  	(xrf1) =	vsort.ascd.msk.f32 @!p1 $0xffff, v2, v2;
	_ =	sdelay $0xd  }
0x542: {  	vm1 =	vcmask @!p1 $0x171C;
	v2, _, _ =	vpop @!p1 (xrf1)  }
0x543: {  	v3 =	vsel @!p1 vm1, $0xFF800000, v2  }
0x544: {  	(xrf0) =	vmax.scan.msk.f32 @!p1 $0xffff, v3;
	_ =	sdelay $0x5  }
0x545: {  	v3, _, _ =	vpop @!p1 (xrf0)  }
0x546: {  	v3 =	vbroadcast @!p1 v3, $0xF;
	_ =	sdelay $0x1  }
0x547: {  	v3 =	vmax.f32 @!p1 v1, v3  }
0x548: {  	v1 =	vpsel p1, v1, v3  }
0x549: {  	vm1 =	vge.f32 v4, v1  }
0x54a: {  	v3 =	vmpcnt.ones.xlane vm1;
	_ =	sdelay $0x1  }
0x54b: {  	(v2sf) =	vpush v3, $0x0;
	_ =	sdelay $0xe  }
0x54c: {  	s1 =	spop (v2sf)  }
0x54d: {  	v0 =	vpsel p1, v0, v2;
	p1 =	slt.s32 s1, $0x1  }
0x54e: {  	v2 =	vmax.f32 @!p1 v0, v5  }
0x54f: {  	(xrf1) =	vsort.ascd.msk.f32 @!p1 $0xffff, v2, v2;
	_ =	sdelay $0xd  }
0x550: {  	vm1 =	vcmask @!p1 $0x171C;
	v2, _, _ =	vpop @!p1 (xrf1)  }
0x551: {  	v3 =	vsel @!p1 vm1, $0xFF800000, v2  }
0x552: {  	(xrf0) =	vmax.scan.msk.f32 @!p1 $0xffff, v3;
	_ =	sdelay $0x5  }
0x553: {  	v3, _, _ =	vpop @!p1 (xrf0)  }
0x554: {  	v3 =	vbroadcast @!p1 v3, $0xF;
	_ =	sdelay $0x1  }
0x555: {  	v3 =	vmax.f32 @!p1 v1, v3  }
0x556: {  	v1 =	vpsel p1, v1, v3  }
0x557: {  	vm1 =	vge.f32 v4, v1  }
0x558: {  	v3 =	vmpcnt.ones.xlane vm1;
	_ =	sdelay $0x1  }
0x559: {  	(v2sf) =	vpush v3, $0x0;
	_ =	sdelay $0xe  }
0x55a: {  	s1 =	spop (v2sf)  }
0x55b: {  	v0 =	vpsel p1, v0, v2;
	p1 =	slt.s32 s1, $0x1  }
0x55c: {  	v2 =	vmax.f32 @!p1 v0, v5  }
0x55d: {  	(xrf1) =	vsort.ascd.msk.f32 @!p1 $0xffff, v2, v2;
	_ =	sdelay $0xd  }
0x55e: {  	vm1 =	vcmask @!p1 $0x171C;
	v2, _, _ =	vpop @!p1 (xrf1)  }
0x55f: {  	v3 =	vsel @!p1 vm1, $0xFF800000, v2  }
0x560: {  	(xrf0) =	vmax.scan.msk.f32 @!p1 $0xffff, v3;
	_ =	sdelay $0x5  }
0x561: {  	v3, _, _ =	vpop @!p1 (xrf0)  }
0x562: {  	v3 =	vbroadcast @!p1 v3, $0xF;
	_ =	sdelay $0x1  }
0x563: {  	v3 =	vmax.f32 @!p1 v1, v3  }
0x564: {  	v1 =	vpsel p1, v1, v3  }
0x565: {  	vm1 =	vge.f32 v4, v1  }
0x566: {  	v3 =	vmpcnt.ones.xlane vm1;
	_ =	sdelay $0x1  }
0x567: {  	(v2sf) =	vpush v3, $0x0;
	_ =	sdelay $0xe  }
0x568: {  	s1 =	spop (v2sf)  }
0x569: {  	v0 =	vpsel p1, v0, v2;
	p1 =	slt.s32 s1, $0x1  }
0x56a: {  	v2 =	vmax.f32 @!p1 v0, v5  }
0x56b: {  	(xrf1) =	vsort.ascd.msk.f32 @!p1 $0xffff, v2, v2;
	_ =	sdelay $0xd  }
0x56c: {  	vm1 =	vcmask @!p1 $0x171C;
	v2, _, _ =	vpop @!p1 (xrf1)  }
0x56d: {  	v3 =	vsel @!p1 vm1, $0xFF800000, v2  }
0x56e: {  	(xrf0) =	vmax.scan.msk.f32 @!p1 $0xffff, v3;
	_ =	sdelay $0x5  }
0x56f: {  	v3, _, _ =	vpop @!p1 (xrf0)  }
0x570: {  	v3 =	vbroadcast @!p1 v3, $0xF;
	_ =	sdelay $0x1  }
0x571: {  	v3 =	vmax.f32 @!p1 v1, v3  }
0x572: {  	v1 =	vpsel p1, v1, v3  }
0x573: {  	vm1 =	vge.f32 v4, v1  }
0x574: {  	v3 =	vmpcnt.ones.xlane vm1;
	_ =	sdelay $0x1  }
0x575: {  	(v2sf) =	vpush v3, $0x0;
	_ =	sdelay $0xe  }
0x576: {  	s1 =	spop (v2sf)  }
0x577: {  	v0 =	vpsel p1, v0, v2;
	p1 =	slt.s32 s1, $0x1  }
0x578: {  	v2 =	vmax.f32 @!p1 v0, v5  }
0x579: {  	(xrf1) =	vsort.ascd.msk.f32 @!p1 $0xffff, v2, v2;
	_ =	sdelay $0xd  }
0x57a: {  	vm1 =	vcmask @!p1 $0x171C;
	v2, _, _ =	vpop @!p1 (xrf1)  }
0x57b: {  	v3 =	vsel @!p1 vm1, $0xFF800000, v2  }
0x57c: {  	(xrf0) =	vmax.scan.msk.f32 @!p1 $0xffff, v3;
	_ =	sdelay $0x5  }
0x57d: {  	v3, _, _ =	vpop @!p1 (xrf0)  }
0x57e: {  	v3 =	vbroadcast @!p1 v3, $0xF;
	_ =	sdelay $0x1  }
0x57f: {  	v3 =	vmax.f32 @!p1 v1, v3  }
0x580: {  	v1 =	vpsel p1, v1, v3  }
0x581: {  	vm1 =	vge.f32 v4, v1  }
0x582: {  	v3 =	vmpcnt.ones.xlane vm1;
	_ =	sdelay $0x1  }
0x583: {  	(v2sf) =	vpush v3, $0x0;
	_ =	sdelay $0xe  }
0x584: {  	s1 =	spop (v2sf)  }
0x585: {  	v0 =	vpsel p1, v0, v2;
	p1 =	slt.s32 s1, $0x1  }
0x586: {  	v2 =	vmax.f32 @!p1 v0, v5  }
0x587: {  	(xrf1) =	vsort.ascd.msk.f32 @!p1 $0xffff, v2, v2;
	_ =	sdelay $0xd  }
0x588: {  	vm1 =	vcmask @!p1 $0x171C;
	v2, _, _ =	vpop @!p1 (xrf1)  }
0x589: {  	v3 =	vsel @!p1 vm1, $0xFF800000, v2  }
0x58a: {  	(xrf0) =	vmax.scan.msk.f32 @!p1 $0xffff, v3;
	_ =	sdelay $0x5  }
0x58b: {  	v3, _, _ =	vpop @!p1 (xrf0)  }
0x58c: {  	v3 =	vbroadcast @!p1 v3, $0xF;
	_ =	sdelay $0x1  }
0x58d: {  	v3 =	vmax.f32 @!p1 v1, v3  }
0x58e: {  	v1 =	vpsel p1, v1, v3  }
0x58f: {  	vm1 =	vge.f32 v4, v1  }
0x590: {  	v3 =	vmpcnt.ones.xlane vm1;
	_ =	sdelay $0x1  }
0x591: {  	(v2sf) =	vpush v3, $0x0;
	_ =	sdelay $0xe  }
0x592: {  	s1 =	spop (v2sf)  }
0x593: {  	v0 =	vpsel p1, v0, v2;
	p1 =	slt.s32 s1, $0x1  }
0x594: {  	v2 =	vmax.f32 @!p1 v0, v5  }
0x595: {  	(xrf1) =	vsort.ascd.msk.f32 @!p1 $0xffff, v2, v2;
	_ =	sdelay $0xd  }
0x596: {  	vm1 =	vcmask @!p1 $0x171C;
	v2, _, _ =	vpop @!p1 (xrf1)  }
0x597: {  	v3 =	vsel @!p1 vm1, $0xFF800000, v2  }
0x598: {  	(xrf0) =	vmax.scan.msk.f32 @!p1 $0xffff, v3;
	_ =	sdelay $0x5  }
0x599: {  	v3, _, _ =	vpop @!p1 (xrf0)  }
0x59a: {  	v3 =	vbroadcast @!p1 v3, $0xF;
	_ =	sdelay $0x1  }
0x59b: {  	v3 =	vmax.f32 @!p1 v1, v3  }
0x59c: {  	v1 =	vpsel p1, v1, v3  }
0x59d: {  	vm1 =	vge.f32 v4, v1  }
0x59e: {  	v3 =	vmpcnt.ones.xlane vm1;
	_ =	sdelay $0x1  }
0x59f: {  	(v2sf) =	vpush v3, $0x0;
	_ =	sdelay $0xe  }
0x5a0: {  	s1 =	spop (v2sf)  }
0x5a1: {  	v0 =	vpsel p1, v0, v2;
	p1 =	slt.s32 s1, $0x1  }
0x5a2: {  	v2 =	vmax.f32 @!p1 v0, v5  }
0x5a3: {  	(xrf1) =	vsort.ascd.msk.f32 @!p1 $0xffff, v2, v2;
	_ =	sdelay $0xd  }
0x5a4: {  	vm1 =	vcmask @!p1 $0x171C;
	v2, _, _ =	vpop @!p1 (xrf1)  }
0x5a5: {  	v3 =	vsel @!p1 vm1, $0xFF800000, v2  }
0x5a6: {  	(xrf0) =	vmax.scan.msk.f32 @!p1 $0xffff, v3;
	_ =	sdelay $0x5  }
.Ltmp25:
0x5a7: {  	v3, _, _ =	vpop @!p1 (xrf0);
	(pc) =	sbr.rel .LBB2_24-.Ltmp25, $3  }
0x5a8: {  	v3 =	vbroadcast @!p1 v3, $0xF;
	_ =	sdelay $0x1  }
0x5a9: {  	v4 =	vmax.f32 @!p1 v1, v3  }
0x5aa: {  	v3 =	vpsel p1, v0, v2;
	v2 =	vpsel p1, v1, v4  }
.LBB2_26:
0x5ab: {  	s0 =	sadd.s32 @!p0 $0x6, s24  }
0x5ac: {  	s1 =	smulhi.u32 @!p0 $0x66666667, s0;
	_ =	sdelay $0x1  }
0x5ad: {  	s1 =	sshrl.u32 @!p0 s1, $0x1  }
0x5ae: {  	s29 =	smul.u32 @!p0 $0x5, s1  }
0x5af: {  	s1 =	sadd.s32 @!p0 s3, s1  }
0x5b0: {  	s1 =	smul.u32 @!p0 $0x186A0, s1;
	s0 =	ssub.s32 @!p0 s0, s29  }
0x5b1: {  	s0 =	smul.u32 @!p0 $0x4E20, s0  }
0x5b2: {  	p1 =	sne.s32 s28, $0x4  }
0x5b3: {  	s28 =	sor.u32 $0x3, s24;
	s0 =	sadd.s32 @!p0 s0, s1;
	s1 =	sshll.u32 @!p1 s26, $0x4  }
0x5b4: {  	s29 =	smulhi.u32 $0x66666667, s28;
	s0 =	sshrl.u32 @!p0 s0, $0x3;
	s1 =	sand.u32 @!p1 $0x3FFFFFF0, s1  }
0x5b5: {  	s26 =	simm.s32 @!p0 $0x9C40;
	s0 =	sadd.s32 @!p0 s4, s0;
	[tilespmem:s1+$0x14070] =	vst @!p1 v3;
	s1 =	simm.s32 @!p0 $0x0  }
0x5b6: {  	[tilespmem:s26], [sflag:$0x3] =	stream.linear.gather @!p0 [hbm4b:s0+s1], $0x4E20, $0x38;
	[tilespmem:$0x14270] =	vst v63  }
0x5b7: {  	s26 =	sshrl.u32 s29, $0x1  }
0x5b8: {  	s1 =	sand.u32 $0xF, s26  }
0x5b9: {  	p3 =	slt.u32 s28, $0x5;
	p2 =	sne.s32 s1, $0x0  }
0x5ba: {  	p1 =	por !p3, !p2  }
0x5bb: {  	s0 =	simm.s32 $0x1;
	p1 =	por !p1, !p1  }
0x5bc: {  	_ =	swait.ge [sflag:s20], $0x4E20;
	s0 =	simm.s32 @!p1 $0x0  }
0x5bd: {  	[sflag:s20] =	ssyncset.done $0x0;
	s0 =	ssub.s32 s25, s0  }
0x5be: {  	[sflag:s20] =	ssyncadd.s32 $0xFFFFB1E0;
	s0 =	sshll.u32 s0, $0x4  }
0x5bf: {  	v0 =	vld [tilespmem:s0+$0x14050];
	_ =	sdelay $0x2  }
0x5c0: {  	s0 =	ssub.s32 s26, s0  }
0x5c1: {  	v4 =	vlaneseq.u32;
	v1 =	vmov s0  }
0x5c2: {  	vm1 =	veq.s32 v1, v4;
	v0 =	vxor.u32 $0x80000000, v0  }
0x5c3: {  	v0 =	vnsel vm1, $0x80000000, v0  }
0x5c4: {  	(xrf0) =	vmax.scan.msk.u32 $0xffff, v0;
	_ =	sdelay $0x5  }
0x5c5: {  	v0, _, _ =	vpop (xrf0)  }
0x5c6: {  	(v2sf) =	vpush v0, $0xF;
	_ =	sdelay $0xe  }
0x5c7: {  	s0 =	spop (v2sf)  }
0x5c8: {  	s1 =	sxor.u32 $0x80000000, s0  }
0x5c9: {  	s31 =	smulhi.u32 $0x68DB8BAD, s1;
	s29 =	sshra.s32 s1, $0x1F  }
0x5ca: {  	s29 =	smul.u32 $0x68DB8BAD, s29;
	_ =	sdelay $0x1  }
0x5cb: {  	s25 =	sadd.s32 s29, s31  }
0x5cc: {  	s29 =	sshrl.u32 s25, $0x1F;
	s25 =	sshra.s32 s25, $0xD  }
0x5cd: {  	s29 =	sadd.s32 s29, s25  }
0x5ce: {  	s25 =	smul.u32 $0xFFFFB1E0, s29  }
0x5cf: {  	p5 =	sgt.s32 s0, $0xFFFFFFFF;
	p4 =	slt.s32 s1, $0x1;
	s30 =	ssub.s32 $0x0, s1  }
0x5d0: {  	p1 =	por p5, p4;
	p6 =	sne.s32 s25, s30  }
0x5d1: {  	p1 =	por !p1, !p6  }
0x5d2: {  	s31 =	smul.u32 $0x5, s26;
	s30 =	simm.s32 $0x1;
	p1 =	por !p1, !p1  }
0x5d3: {  	s30 =	simm.s32 @!p1 $0x0  }
0x5d4: {  	s25 =	ssub.s32 s28, s31;
	s28 =	ssub.s32 s29, s30  }
0x5d5: {  	p1 =	sne.s32 s25, s28  }
0x5d6: {  	s28 =	smul.u32 @!p1 $0xFFFFB1E0, s25;
	_ =	sdelay $0x1  }
0x5d7: {  	s0 =	sand.u32 @!p1 $0xF, s0;
	s1 =	sadd.s32 @!p1 s1, s28  }
0x5d8: {  	p3 =	sne.s32 @!p1 s0, $0x0;
	p2 =	slt.s32 @!p1 s1, $0x1  }
0x5d9: {  	s0 =	sshra.s32 @!p1 s1, $0x1F;
	p2 =	por @!p1 !p3, !p2  }
0x5da: {  	s0 =	sshrl.u32 @!p1 s0, $0x1C;
	p2 =	por @!p1 !p2, !p2  }
0x5db: {  	s28 =	simm.s32 @!p1 $0x1;
	s0 =	sadd.s32 @!p1 s0, s1;
	p2 =	por !p2, p1  }
0x5dc: {  	s0 =	sshrl.u32 @!p1 s0, $0x4;
	s28 =	simm.s32 @p2 $0x0  }
0x5dd: {  	s0 =	ssub.s32 @!p1 s0, s28  }
0x5de: {  	s0 =	sshll.u32 @!p1 s0, $0x4  }
0x5df: {  	v0 =	vld @!p1 [tilespmem:s0+$0xEA60];
	_ =	sdelay $0x3  }
0x5e0: {  	s1 =	ssub.s32 @!p1 s1, s0  }
0x5e1: {  	v4 =	vlaneseq.u32 @!p1;
	v1 =	vmov @!p1 s1;
	v5 =	vsub.f32 @!p1 $0.0e+00, v0  }
0x5e2: {  	vm1 =	veq.s32 @!p1 v1, v4  }
0x5e3: {  	v0 =	vsel @!p1 vm1, v5, v0  }
0x5e4: {  	s31 =	simm.s32 $0xEBF0;
	[tilespmem:s0+$0xEA60] =	vst @!p1 v0  }
0x5e5: {  	v0 =	vld [tilespmem:s31+$0x170]  }
0x5e6: {  	v1 =	vld [tilespmem:s31+$0x180]  }
0x5e7: {  	v4 =	vld [tilespmem:s31+$0xD0]  }
0x5e8: {  	v5 =	vld [tilespmem:s31+$0xE0]  }
0x5e9: {  	v6 =	vld [tilespmem:s31+$0x30]  }
0x5ea: {  	v7 =	vld [tilespmem:s31+$0x40]  }
0x5eb: {  	v8 =	vld [tilespmem:s31+$0xF0]  }
0x5ec: {  	v9 =	vld [tilespmem:s31+$0x100]  }
0x5ed: {  	v10 =	vld [tilespmem:s31+$0x110]  }
0x5ee: {  	v11 =	vld [tilespmem:s31+$0x120]  }
0x5ef: {  	v12 =	vld [tilespmem:s31+$0x130]  }
0x5f0: {  	v13 =	vld [tilespmem:s31+$0x140]  }
0x5f1: {  	v14 =	vld [tilespmem:s31+$0x150]  }
0x5f2: {  	v15 =	vld [tilespmem:s31+$0x160]  }
0x5f3: {  	v16 =	vld [tilespmem:s31+$0xFFFFFF90]  }
0x5f4: {  	v17 =	vld [tilespmem:s31+$0xFFFFFFA0]  }
0x5f5: {  	v18 =	vld [tilespmem:s31+$0x50]  }
0x5f6: {  	v19 =	vld [tilespmem:s31+$0x60]  }
0x5f7: {  	v20 =	vld [tilespmem:s31+$0x70]  }
0x5f8: {  	v21 =	vld [tilespmem:s31+$0x80]  }
0x5f9: {  	v22 =	vld [tilespmem:s31+$0x90]  }
0x5fa: {  	v23 =	vld [tilespmem:s31+$0xA0]  }
0x5fb: {  	v24 =	vld [tilespmem:s31+$0xB0]  }
0x5fc: {  	v25 =	vld [tilespmem:s31+$0xC0]  }
0x5fd: {  	v26 =	vld [tilespmem:s31+$0xFFFFFEF0]  }
0x5fe: {  	v27 =	vld [tilespmem:s31+$0xFFFFFF00]  }
0x5ff: {  	v28 =	vld [tilespmem:s31+$0xFFFFFFB0]  }
0x600: {  	v29 =	vld [tilespmem:s31+$0xFFFFFFC0]  }
0x601: {  	v30 =	vld [tilespmem:s31+$0xFFFFFFD0]  }
0x602: {  	v31 =	vld [tilespmem:s31+$0xFFFFFFE0]  }
0x603: {  	v32 =	vld [tilespmem:s31+$0xFFFFFFF0]  }
0x604: {  	v33 =	vld [tilespmem:s31+$0x0]  }
0x605: {  	v34 =	vld [tilespmem:s31+$0x10]  }
0x606: {  	v35 =	vld [tilespmem:s31+$0x20]  }
0x607: {  	v36 =	vld [tilespmem:s31+$0xFFFFFF10]  }
0x608: {  	v37 =	vld [tilespmem:s31+$0xFFFFFF20]  }
0x609: {  	v38 =	vld [tilespmem:s31+$0xFFFFFF30]  }
0x60a: {  	v39 =	vld [tilespmem:s31+$0xFFFFFF40]  }
0x60b: {  	v40 =	vld [tilespmem:s31+$0xFFFFFF50]  }
0x60c: {  	v41 =	vld [tilespmem:s31+$0xFFFFFF60]  }
0x60d: {  	v42 =	vld [tilespmem:s31+$0xFFFFFF70]  }
0x60e: {  	v43 =	vld [tilespmem:s31+$0xFFFFFF80]  }
0x60f: {  	v44 =	vld [tilespmem:s31+$0xFFFFFE70]  }
0x610: {  	v45 =	vld [tilespmem:s31+$0xFFFFFE80]  }
0x611: {  	s29 =	simm.s32 $0xEF10;
	v46 =	vld [tilespmem:s31+$0xFFFFFE90]  }
0x612: {  	v52 =	vld [tilespmem:s29+$0x170]  }
0x613: {  	v47 =	vld [tilespmem:s31+$0xFFFFFEA0]  }
0x614: {  	v48 =	vld [tilespmem:s31+$0xFFFFFEB0]  }
0x615: {  	v49 =	vld [tilespmem:s31+$0xFFFFFEC0]  }
0x616: {  	v50 =	vld [tilespmem:s31+$0xFFFFFED0]  }
0x617: {  	v51 =	vld [tilespmem:s31+$0xFFFFFEE0];
	[tilespmem:$0x1FB80] =	vst v52  }
0x618: {  	v52 =	vld [tilespmem:s29+$0x180];
	_ =	sdelay $0x4  }
0x619: {  	[tilespmem:$0x1FB90] =	vst v52  }
0x61a: {  	v52 =	vld [tilespmem:s29+$0x30];
	_ =	sdelay $0x3  }
0x61b: {  	v56 =	vld [tilespmem:s29+$0xD0]  }
0x61c: {  	v55 =	vld [tilespmem:s29+$0xE0];
	[tilespmem:$0x1FBA0] =	vst v52  }
0x61d: {  	v52 =	vld [tilespmem:s29+$0x40];
	_ =	sdelay $0x4  }
0x61e: {  	[tilespmem:$0x1FBB0] =	vst v52  }
0x61f: {  	v52 =	vld [tilespmem:s29+$0xF0];
	_ =	sdelay $0x4  }
0x620: {  	[tilespmem:$0x1FBC0] =	vst v52  }
0x621: {  	v52 =	vld [tilespmem:s29+$0x100];
	_ =	sdelay $0x4  }
0x622: {  	[tilespmem:$0x1FBD0] =	vst v52  }
0x623: {  	v52 =	vld [tilespmem:s29+$0x110];
	_ =	sdelay $0x4  }
0x624: {  	[tilespmem:$0x1FBE0] =	vst v52  }
0x625: {  	v52 =	vld [tilespmem:s29+$0x120];
	_ =	sdelay $0x4  }
0x626: {  	[tilespmem:$0x1FBF0] =	vst v52  }
0x627: {  	v52 =	vld [tilespmem:s29+$0x130];
	_ =	sdelay $0x4  }
0x628: {  	[tilespmem:$0x1FC00] =	vst v52  }
0x629: {  	v52 =	vld [tilespmem:s29+$0x140];
	_ =	sdelay $0x4  }
0x62a: {  	[tilespmem:$0x1FC10] =	vst v52  }
0x62b: {  	v52 =	vld [tilespmem:s29+$0x150];
	_ =	sdelay $0x4  }
0x62c: {  	[tilespmem:$0x1FC20] =	vst v52  }
0x62d: {  	v52 =	vld [tilespmem:s29+$0x160];
	_ =	sdelay $0x4  }
0x62e: {  	[tilespmem:$0x1FC30] =	vst v52  }
0x62f: {  	v52 =	vld [tilespmem:s29+$0x50];
	_ =	sdelay $0x3  }
0x630: {  	v61 =	vld [tilespmem:s29+$0xFFFFFF90]  }
0x631: {  	v57 =	vld [tilespmem:s29+$0xFFFFFFA0];
	[tilespmem:$0x1FC40] =	vst v52  }
0x632: {  	v52 =	vld [tilespmem:s29+$0x60];
	_ =	sdelay $0x4  }
0x633: {  	[tilespmem:$0x1FC50] =	vst v52  }
0x634: {  	v52 =	vld [tilespmem:s29+$0x70];
	_ =	sdelay $0x4  }
0x635: {  	[tilespmem:$0x1FC60] =	vst v52  }
0x636: {  	v52 =	vld [tilespmem:s29+$0x80]  }
0x637: {  	v4 =	vmax.f32 v4, v5;
	v0 =	vmax.f32 v0, v1  }
0x638: {  	v1 =	vmax.f32 v6, v7;
	v5 =	vmax.f32 v8, v9;
	v6 =	vmax.f32 v10, v11  }
0x639: {  	v9 =	vmax.f32 v16, v17;
	v12 =	vmax.f32 v12, v13;
	v13 =	vmax.f32 v14, v15  }
0x63a: {  	v10 =	vmax.f32 v18, v19;
	v11 =	vmax.f32 v20, v21;
	v14 =	vmax.f32 v22, v23  }
0x63b: {  	v15 =	vmax.f32 v26, v27;
	v16 =	vmax.f32 v28, v29;
	v17 =	vmax.f32 v24, v25;
	[tilespmem:$0x1FC70] =	vst v52  }
0x63c: {  	v18 =	vmax.f32 v30, v31;
	v19 =	vmax.f32 v32, v33;
	v20 =	vmax.f32 v34, v35;
	v52 =	vld [tilespmem:s29+$0xB0]  }
0x63d: {  	v21 =	vmax.f32 v36, v37;
	v22 =	vmax.f32 v38, v39;
	v23 =	vmax.f32 v40, v41  }
0x63e: {  	v24 =	vmax.f32 v44, v45;
	v25 =	vmax.f32 v46, v47;
	v26 =	vmax.f32 v42, v43  }
0x63f: {  	v27 =	vmax.f32 v48, v49;
	v29 =	vmax.f32 v50, v51;
	v5 =	vmax.f32 v5, v6  }
0x640: {  	v6 =	vmax.f32 v10, v11;
	v17 =	vmax.f32 v14, v17;
	v14 =	vmax.f32 v24, v25;
	v63 =	vld [tilespmem:s29+$0x90]  }
0x641: {  	v24 =	vmax.f32 v27, v29;
	v25 =	vmax.f32 v12, v13;
	v18 =	vmax.f32 v16, v18;
	v62 =	vld [tilespmem:s29+$0xA0];
	[tilespmem:$0x1FC80] =	vst v52  }
0x642: {  	v16 =	vmax.f32 v23, v26;
	v19 =	vmax.f32 v19, v20;
	v13 =	vmax.f32 v14, v24;
	v52 =	vld [tilespmem:s29+$0xC0]  }
0x643: {  	v14 =	vmax.f32 v21, v22;
	v21 =	vimm.f32 $-Inf;
	v18 =	vmax.f32 v18, v19  }
0x644: {  	v6 =	vmax.f32 v6, v17;
	v15 =	vmax.f32 v13, v15;
	v14 =	vmax.f32 v14, v16  }
0x645: {  	v5 =	vmax.f32 v5, v25;
	v24 =	vmax.f32 v14, v9;
	v9 =	vmax.f32 v21, v15  }
0x646: {  	v1 =	vmax.f32 v18, v1;
	v0 =	vmax.f32 v5, v0;
	v5 =	vld [tilespmem:$0x1FB80];
	v9 =	vmax.f32 v9, v24  }
0x647: {  	v21 =	vmax.f32 v6, v4;
	v4 =	vmax.f32 v9, v1;
	v9 =	vld [tilespmem:$0x1FB90];
	[tilespmem:$0x1FC90] =	vst v52  }
0x648: {  	v60 =	vld [tilespmem:s29+$0xFFFFFEF0]  }
0x649: {  	v58 =	vld [tilespmem:s29+$0xFFFFFF00]  }
0x64a: {  	v59 =	vld [tilespmem:s29+$0xFFFFFFB0]  }
0x64b: {  	v53 =	vld [tilespmem:s29+$0xFFFFFFC0]  }
0x64c: {  	v54 =	vld [tilespmem:s29+$0xFFFFFFD0]  }
0x64d: {  	s28 =	simm.s32 $0x138A0;
	v52 =	vld [tilespmem:s29+$0xFFFFFFE0]  }
0x64e: {  	v7 =	vld [tilespmem:s29+$0xFFFFFFF0];
	[tilespmem:s28+$0xFFFFFFE0] =	vst v15  }
0x64f: {  	v5 =	vmax.f32 v5, v9;
	v9 =	vld [tilespmem:$0x1FBA0]  }
0x650: {  	v15 =	vld [tilespmem:$0x1FBB0]  }
0x651: {  	v28 =	vld [tilespmem:s29+$0x0]  }
0x652: {  	v30 =	vld [tilespmem:s29+$0x10]  }
0x653: {  	v45 =	vld [tilespmem:s29+$0x20]  }
0x654: {  	v22 =	vld [tilespmem:$0x1FBD0]  }
0x655: {  	v9 =	vmax.f32 v9, v15;
	v15 =	vld [tilespmem:$0x1FBC0]  }
0x656: {  	v8 =	vld [tilespmem:s29+$0xFFFFFF10]  }
0x657: {  	v10 =	vld [tilespmem:s29+$0xFFFFFF20]  }
0x658: {  	v11 =	vld [tilespmem:s29+$0xFFFFFF30]  }
0x659: {  	v25 =	vld [tilespmem:$0x1FBF0]  }
0x65a: {  	v22 =	vmax.f32 v15, v22;
	v15 =	vld [tilespmem:$0x1FBE0];
	[tilespmem:s28+$0xFFFFFFF0] =	vst v24  }
0x65b: {  	v26 =	vld [tilespmem:$0x1FC00]  }
0x65c: {  	v27 =	vld [tilespmem:$0x1FC10]  }
0x65d: {  	v12 =	vld [tilespmem:s29+$0xFFFFFF40]  }
0x65e: {  	v13 =	vld [tilespmem:s29+$0xFFFFFF50]  }
0x65f: {  	v16 =	vld [tilespmem:s29+$0xFFFFFF60]  }
0x660: {  	v29 =	vld [tilespmem:$0x1FC30]  }
0x661: {  	v26 =	vmax.f32 v26, v27;
	v27 =	vld [tilespmem:$0x1FC20];
	[tilespmem:s28+$0x0] =	vst v1  }
0x662: {  	v1 =	vld [tilespmem:$0x1FC40]  }
0x663: {  	v31 =	vld [tilespmem:$0x1FC50]  }
0x664: {  	v14 =	vld [tilespmem:s29+$0xFFFFFF70]  }
0x665: {  	v17 =	vld [tilespmem:s29+$0xFFFFFF80]  }
0x666: {  	v18 =	vld [tilespmem:s29+$0xFFFFFE70]  }
0x667: {  	v19 =	vld [tilespmem:s29+$0xFFFFFE80]  }
0x668: {  	v32 =	vmax.f32 v1, v31;
	v1 =	vld [tilespmem:$0x1FC60]  }
0x669: {  	v31 =	vld [tilespmem:$0x1FC70]  }
0x66a: {  	v20 =	vld [tilespmem:s29+$0xFFFFFE90]  }
0x66b: {  	v23 =	vld [tilespmem:s29+$0xFFFFFEA0]  }
0x66c: {  	v35 =	vld [tilespmem:s29+$0xFFFFFED0];
	[tilespmem:s28+$0x10] =	vst v21  }
0x66d: {  	v34 =	vmax.f32 v63, v62;
	v63 =	vld [tilespmem:$0x1FC90]  }
0x66e: {  	v33 =	vmax.f32 v1, v31;
	v1 =	vld [tilespmem:$0x1FC80]  }
0x66f: {  	p1 =	seq.s32 s25, $0x0;
	v4 =	vmax.f32 v4, v21;
	v38 =	vld [tilespmem:s29+$0xFFFFFEE0]  }
0x670: {  	v3 =	vpsel p1, $0xFF800000, v3;
	v4 =	vmax.f32 v4, v0;
	v6 =	vmax.f32 v56, v55;
	v24 =	vld [tilespmem:s29+$0xFFFFFEB0]  }
0x671: {  	v36 =	vmax.f32 v54, v52;
	v28 =	vmax.f32 v7, v28;
	v27 =	vmax.f32 v27, v29;
	v29 =	vld [tilespmem:s29+$0xFFFFFEC0]  }
0x672: {  	v30 =	vmax.f32 v30, v45;
	v25 =	vmax.f32 v15, v25;
	v15 =	vmax.f32 v61, v57  }
0x673: {  	s30 =	simm.s32 $0xF230;
	s29 =	simm.s32 $0x5;
	v21 =	vmax.f32 v60, v58;
	v31 =	vmax.f32 v59, v53;
	[tilespmem:s28+$0x20] =	vst v0;
	v37 =	vmax.f32 v1, v63  }
.LBB2_27:
0x674: {  	v7 =	vld [tilespmem:s30+$0x170];
	v0 =	vmax.f32 v8, v10;
	v1 =	vmax.f32 v11, v12;
	v8 =	vmax.f32 v13, v16  }
0x675: {  	v10 =	vmax.f32 v18, v19;
	v11 =	vmax.f32 v20, v23;
	v12 =	vmax.f32 v14, v17;
	v39 =	vld [tilespmem:s30+$0x180]  }
0x676: {  	v13 =	vmax.f32 v24, v29;
	v16 =	vmax.f32 v22, v25;
	v40 =	vld [tilespmem:s30+$0xD0];
	v14 =	vmax.f32 v35, v38  }
0x677: {  	v17 =	vmax.f32 v32, v33;
	v18 =	vmax.f32 v34, v37;
	v19 =	vmax.f32 v26, v27;
	v22 =	vld [tilespmem:s30+$0xE0]  }
0x678: {  	v10 =	vmax.f32 v10, v11;
	v11 =	vmax.f32 v13, v14;
	v13 =	vmax.f32 v31, v36;
	v25 =	vld [tilespmem:s30+$0x30]  }
0x679: {  	v0 =	vmax.f32 v0, v1;
	v1 =	vmax.f32 v8, v12;
	v10 =	vmax.f32 v10, v11;
	v26 =	vld [tilespmem:s30+$0x40]  }
0x67a: {  	s28 =	sadd.s32 $0x50, s28;
	v0 =	vmax.f32 v0, v1;
	v1 =	vmax.f32 v28, v30;
	v8 =	vmax.f32 v10, v21;
	v27 =	vld [tilespmem:s30+$0xF0]  }
0x67b: {  	v0 =	vmax.f32 v0, v15;
	v1 =	vmax.f32 v13, v1;
	v4 =	vmax.f32 v4, v8;
	v21 =	vld [tilespmem:s30+$0x100];
	[tilespmem:s28+$0xFFFFFFE0] =	vst v8  }
0x67c: {  	v1 =	vmax.f32 v1, v9;
	v15 =	vld [tilespmem:s30+$0x110];
	[tilespmem:s28+$0xFFFFFFF0] =	vst v0;
	v0 =	vmax.f32 v4, v0;
	v4 =	vmax.f32 v17, v18  }
0x67d: {  	v28 =	vld [tilespmem:s30+$0x120];
	[tilespmem:s28+$0x0] =	vst v1;
	v0 =	vmax.f32 v0, v1;
	v1 =	vmax.f32 v4, v6;
	v4 =	vmax.f32 v16, v19  }
0x67e: {  	v30 =	vld [tilespmem:s30+$0x130];
	[tilespmem:s28+$0x10] =	vst v1;
	v0 =	vmax.f32 v0, v1;
	v1 =	vmax.f32 v4, v5  }
0x67f: {  	v31 =	vld [tilespmem:s30+$0x140];
	[tilespmem:s28+$0x20] =	vst v1;
	v4 =	vmax.f32 v0, v1  }
0x680: {  	v0 =	vld [tilespmem:s30+$0x150]  }
0x681: {  	v1 =	vld [tilespmem:s30+$0x160]  }
0x682: {  	v32 =	vld [tilespmem:s30+$0xFFFFFF90]  }
0x683: {  	v33 =	vld [tilespmem:s30+$0xFFFFFFA0]  }
0x684: {  	v34 =	vld [tilespmem:s30+$0x50]  }
0x685: {  	v36 =	vld [tilespmem:s30+$0x60]  }
0x686: {  	v37 =	vld [tilespmem:s30+$0x70]  }
0x687: {  	v41 =	vld [tilespmem:s30+$0x80]  }
0x688: {  	v42 =	vld [tilespmem:s30+$0x90]  }
0x689: {  	v43 =	vld [tilespmem:s30+$0xA0]  }
0x68a: {  	v44 =	vld [tilespmem:s30+$0xB0]  }
0x68b: {  	v45 =	vld [tilespmem:s30+$0xC0]  }
0x68c: {  	v46 =	vld [tilespmem:s30+$0xFFFFFEF0]  }
0x68d: {  	v47 =	vld [tilespmem:s30+$0xFFFFFF00]  }
0x68e: {  	v48 =	vld [tilespmem:s30+$0xFFFFFFB0]  }
0x68f: {  	v49 =	vld [tilespmem:s30+$0xFFFFFFC0]  }
0x690: {  	v50 =	vld [tilespmem:s30+$0xFFFFFFD0]  }
0x691: {  	v51 =	vld [tilespmem:s30+$0xFFFFFFE0]  }
0x692: {  	v52 =	vld [tilespmem:s30+$0xFFFFFFF0]  }
0x693: {  	v53 =	vld [tilespmem:s30+$0x0]  }
0x694: {  	v54 =	vld [tilespmem:s30+$0x10]  }
0x695: {  	v55 =	vld [tilespmem:s30+$0x20]  }
0x696: {  	v8 =	vld [tilespmem:s30+$0xFFFFFF10]  }
0x697: {  	v10 =	vld [tilespmem:s30+$0xFFFFFF20]  }
0x698: {  	v11 =	vld [tilespmem:s30+$0xFFFFFF30]  }
0x699: {  	v12 =	vld [tilespmem:s30+$0xFFFFFF40]  }
0x69a: {  	v13 =	vld [tilespmem:s30+$0xFFFFFF50]  }
0x69b: {  	v16 =	vld [tilespmem:s30+$0xFFFFFF60]  }
0x69c: {  	v14 =	vld [tilespmem:s30+$0xFFFFFF70]  }
0x69d: {  	v17 =	vld [tilespmem:s30+$0xFFFFFF80]  }
0x69e: {  	v18 =	vld [tilespmem:s30+$0xFFFFFE70]  }
0x69f: {  	v19 =	vld [tilespmem:s30+$0xFFFFFE80]  }
0x6a0: {  	v20 =	vld [tilespmem:s30+$0xFFFFFE90]  }
0x6a1: {  	s29 =	sadd.s32 $0x5, s29;
	v23 =	vld [tilespmem:s30+$0xFFFFFEA0]  }
0x6a2: {  	p2 =	slt.u32 s29, $0x78;
	v6 =	vmax.f32 v40, v22;
	v5 =	vmax.f32 v7, v39;
	v24 =	vld [tilespmem:s30+$0xFFFFFEB0]  }
.Ltmp26:
0x6a3: {  	v9 =	vmax.f32 v25, v26;
	v22 =	vmax.f32 v27, v21;
	v25 =	vmax.f32 v15, v28;
	v29 =	vld [tilespmem:s30+$0xFFFFFEC0];
	(pc) =	sbr.rel @p2 .LBB2_27-.Ltmp26, $4  }
0x6a4: {  	v26 =	vmax.f32 v30, v31;
	v27 =	vmax.f32 v0, v1;
	v15 =	vmax.f32 v32, v33;
	v35 =	vld [tilespmem:s30+$0xFFFFFED0]  }
0x6a5: {  	v32 =	vmax.f32 v34, v36;
	v33 =	vmax.f32 v37, v41;
	v34 =	vmax.f32 v42, v43;
	v38 =	vld [tilespmem:s30+$0xFFFFFEE0]  }
0x6a6: {  	v37 =	vmax.f32 v44, v45;
	v21 =	vmax.f32 v46, v47;
	v31 =	vmax.f32 v48, v49  }
0x6a7: {  	v36 =	vmax.f32 v50, v51;
	v28 =	vmax.f32 v52, v53;
	v30 =	vmax.f32 v54, v55;
	s30 =	sadd.s32 $0x320, s30  }
0x6a8: {  	v0 =	vmax.f32 v8, v10;
	v1 =	vmax.f32 v11, v12;
	v7 =	vmax.f32 v13, v16  }
0x6a9: {  	v50 =	vmax.f32 v18, v19;
	v51 =	vmax.f32 v20, v23;
	v52 =	vmax.f32 v14, v17  }
0x6aa: {  	v53 =	vmax.f32 v24, v29;
	v55 =	vmax.f32 v22, v25;
	v56 =	vmax.f32 v32, v33  }
0x6ab: {  	v57 =	vmax.f32 v34, v37;
	v58 =	vmax.f32 v26, v27;
	v54 =	vmax.f32 v35, v38  }
0x6ac: {  	v60 =	vmax.f32 v31, v36;
	v8 =	vmax.f32 v50, v51;
	v59 =	vmax.f32 v53, v54  }
0x6ad: {  	v0 =	vmax.f32 v0, v1;
	v1 =	vmax.f32 v7, v52;
	v8 =	vmax.f32 v8, v59  }
0x6ae: {  	v0 =	vmax.f32 v0, v1;
	v1 =	vmax.f32 v28, v30;
	v61 =	vmax.f32 v8, v21  }
0x6af: {  	v0 =	vmax.f32 v0, v15;
	v1 =	vmax.f32 v60, v1;
	v4 =	vmax.f32 v4, v61  }
0x6b0: {  	v62 =	vmax.f32 v56, v57;
	v1 =	vmax.f32 v1, v9;
	v4 =	vmax.f32 v4, v0  }
0x6b1: {  	v63 =	vmax.f32 v55, v58;
	v6 =	vmax.f32 v62, v6;
	v4 =	vmax.f32 v4, v1  }
0x6b2: {  	v5 =	vmax.f32 v63, v5;
	v4 =	vmax.f32 v4, v6  }
0x6b3: {  	v4 =	vmax.f32 v4, v5  }
0x6b4: {  	(xrf1) =	vsort.ascd.msk.f32 $0xffff, v4, v4;
	_ =	sdelay $0xd  }
0x6b5: {  	v4, _, _ =	vpop (xrf1)  }
0x6b6: {  	v4 =	vsel vm0, $0xFF800000, v4  }
0x6b7: {  	(xrf0) =	vmax.scan.msk.f32 $0xffff, v4;
	_ =	sdelay $0x4  }
0x6b8: {  	s0 =	sadd.s32 $0x50, s28  }
.Ltmp27:
0x6b9: {  	[tilespmem:s0+$0x10] =	vst v6;
	v4, _, _ =	vpop (xrf0);
	(pc) =	sbr.rel .LBB2_29-.Ltmp27, $4  }
0x6ba: {  	[tilespmem:s0+$0xFFFFFFF0] =	vst v0;
	v0 =	vbroadcast v4, $0xF  }
0x6bb: {  	[tilespmem:s0+$0x20] =	vst v5  }
0x6bc: {  	[tilespmem:s0+$0x0] =	vst v1;
	v1 =	vmax.f32 v2, v0  }
0x6bd: {  	s28 =	simm.s32 $0x0;
	s29 =	simm.s32 $0x13880;
	[tilespmem:s0+$0xFFFFFFE0] =	vst v61;
	v2 =	vpsel p1, v0, v1  }
.LBB2_33:
0x6be: {  	s28 =	sadd.s32 $0x1, s28  }
0x6bf: {  	p1 =	sne.s32 s28, $0x5  }
.Ltmp28:
0x6c0: {  	_ = 	snop;
	(pc) =	sbr.rel @!p1 .LBB2_34-.Ltmp28, $2  }
0x6c1: {  	_ =	sdelay $0x2  }
0x6c2: {  	s29 =	sadd.s32 $0x190, s29  }
.LBB2_29:
0x6c3: {  	s0 =	smul.u32 $0x640, s28;
	_ =	sdelay $0x1  }
0x6c4: {  	s0 =	sshra.s32 s0, $0x2  }
0x6c5: {  	v0 =	vld [tilespmem:s0+$0x13880]  }
0x6c6: {  	v1 =	vld [tilespmem:s0+$0x13890]  }
0x6c7: {  	v4 =	vld [tilespmem:s0+$0x138A0]  }
0x6c8: {  	v5 =	vld [tilespmem:s0+$0x138B0]  }
0x6c9: {  	v6 =	vld [tilespmem:s0+$0x138C0]  }
0x6ca: {  	v7 =	vld [tilespmem:s0+$0x138D0]  }
0x6cb: {  	v8 =	vld [tilespmem:s0+$0x138E0]  }
0x6cc: {  	v9 =	vld [tilespmem:s0+$0x138F0]  }
0x6cd: {  	v10 =	vld [tilespmem:s0+$0x13900]  }
0x6ce: {  	v11 =	vld [tilespmem:s0+$0x13910]  }
0x6cf: {  	v12 =	vld [tilespmem:s0+$0x13920]  }
0x6d0: {  	v13 =	vld [tilespmem:s0+$0x13930]  }
0x6d1: {  	v14 =	vld [tilespmem:s0+$0x13940]  }
0x6d2: {  	v15 =	vld [tilespmem:s0+$0x13950]  }
0x6d3: {  	v16 =	vld [tilespmem:s0+$0x13960]  }
0x6d4: {  	v17 =	vld [tilespmem:s0+$0x13970]  }
0x6d5: {  	v18 =	vld [tilespmem:s0+$0x13980]  }
0x6d6: {  	v19 =	vld [tilespmem:s0+$0x13990]  }
0x6d7: {  	v20 =	vld [tilespmem:s0+$0x139A0]  }
0x6d8: {  	v21 =	vld [tilespmem:s0+$0x139B0]  }
0x6d9: {  	v22 =	vld [tilespmem:s0+$0x139C0]  }
0x6da: {  	v23 =	vld [tilespmem:s0+$0x139D0]  }
0x6db: {  	v24 =	vld [tilespmem:s0+$0x139E0]  }
0x6dc: {  	v25 =	vld [tilespmem:s0+$0x139F0];
	_ =	sdelay $0x1  }
0x6dd: {  	v0 =	vmax.f32 v0, v1;
	v1 =	vmax.f32 v4, v5;
	v4 =	vmax.f32 v6, v7  }
0x6de: {  	v5 =	vmax.f32 v8, v9;
	v53 =	vmax.f32 v10, v11;
	v54 =	vmax.f32 v12, v13  }
0x6df: {  	v55 =	vld [tilespmem:s0+$0x13A00];
	v56 =	vmax.f32 v14, v15;
	v57 =	vmax.f32 v16, v17;
	v58 =	vmax.f32 v18, v19  }
0x6e0: {  	v59 =	vmax.f32 v20, v21;
	v60 =	vmax.f32 v22, v23;
	v61 =	vmax.f32 v24, v25  }
0x6e1: {  	v0 =	vmax.f32 v0, v1;
	v1 =	vmax.f32 v4, v5;
	v4 =	vmax.f32 v53, v54  }
0x6e2: {  	v5 =	vmax.f32 v56, v57;
	v62 =	vmax.f32 v58, v59;
	v63 =	vmax.f32 v60, v61  }
0x6e3: {  	v0 =	vmax.f32 v0, v1;
	v1 =	vmax.f32 v4, v5;
	v4 =	vmax.f32 v62, v63  }
0x6e4: {  	v0 =	vmax.f32 v0, v1;
	v1 =	vmax.f32 v4, v55  }
0x6e5: {  	v0 =	vmax.f32 v0, v1  }
0x6e6: {  	vm1 =	vge.f32 v0, v2  }
0x6e7: {  	v0 =	vmpcnt.ones.xlane vm1;
	_ =	sdelay $0x1  }
0x6e8: {  	(v2sf) =	vpush v0, $0x0;
	_ =	sdelay $0xe  }
0x6e9: {  	s31 =	spop (v2sf)  }
0x6ea: {  	p1 =	slt.s32 s31, $0x1  }
.Ltmp29:
0x6eb: {  	_ = 	snop;
	(pc) =	sbr.rel @!p1 .LBB2_30-.Ltmp29, $4  }
.Ltmp30:
0x6ec: {  	_ = 	snop;
	(pc) =	sbr.rel @p1 .LBB2_33-.Ltmp30, $4  }
0x6ed: {  	_ = 	snop  }
0x6ee: {  	_ = 	snop  }
0x6ef: {  	s30 =	simm.s32 $0x0  }
0x6f0: {  	_ = 	snop  }
.LBB2_32:
0x6f1: {  	s30 =	sadd.s32 $0x40, s30  }
0x6f2: {  	p1 =	sne.s32 s30, $0x640  }
.Ltmp31:
0x6f3: {  	_ = 	snop;
	(pc) =	sbr.rel @!p1 .LBB2_33-.Ltmp31, $1  }
0x6f4: {  	_ =	sdelay $0x3  }
.LBB2_30:
0x6f5: {  	s0 =	sshra.s32 s30, $0x2  }
0x6f6: {  	s0 =	sadd.s32 s0, s29  }
0x6f7: {  	v4 =	vld [tilespmem:s0+$0x0];
	_ =	sdelay $0x4  }
0x6f8: {  	vm1 =	vge.f32 v4, v2  }
0x6f9: {  	v0 =	vmpcnt.ones.xlane vm1;
	_ =	sdelay $0x1  }
0x6fa: {  	(v2sf) =	vpush v0, $0x0;
	_ =	sdelay $0xe  }
0x6fb: {  	s31 =	spop (v2sf)  }
0x6fc: {  	p1 =	slt.s32 s31, $0x1  }
.Ltmp32:
0x6fd: {  	_ = 	snop;
	(pc) =	sbr.rel @p1 .LBB2_32-.Ltmp32, $1  }
0x6fe: {  	_ =	sdelay $0x3  }
0x6ff: {  	(xrf1) =	vsort.dscd.msk.f32 $0xffff, v4, v4;
	_ =	sdelay $0xd  }
0x700: {  	v5, _, _ =	vpop (xrf1)  }
0x701: {  	v0 =	vmax.f32 v3, v5  }
0x702: {  	(xrf1) =	vsort.ascd.msk.f32 $0xffff, v0, v0;
	_ =	sdelay $0xd  }
0x703: {  	v0, _, _ =	vpop (xrf1)  }
0x704: {  	v1 =	vsel vm0, $0xFF800000, v0  }
0x705: {  	(xrf0) =	vmax.scan.msk.f32 $0xffff, v1;
	_ =	sdelay $0x5  }
0x706: {  	v1, _, _ =	vpop (xrf0)  }
0x707: {  	v1 =	vbroadcast v1, $0xF;
	_ =	sdelay $0x1  }
0x708: {  	v1 =	vmax.f32 v2, v1  }
0x709: {  	vm1 =	vge.f32 v4, v1  }
0x70a: {  	v2 =	vmpcnt.ones.xlane vm1;
	_ =	sdelay $0x1  }
0x70b: {  	(v2sf) =	vpush v2, $0x0;
	_ =	sdelay $0xe  }
0x70c: {  	s0 =	spop (v2sf)  }
0x70d: {  	p1 =	slt.s32 s0, $0x1  }
0x70e: {  	v2 =	vmax.f32 @!p1 v0, v5  }
0x70f: {  	(xrf1) =	vsort.ascd.msk.f32 @!p1 $0xffff, v2, v2;
	_ =	sdelay $0xd  }
0x710: {  	vm1 =	vcmask @!p1 $0x171C;
	v2, _, _ =	vpop @!p1 (xrf1)  }
0x711: {  	v3 =	vsel @!p1 vm1, $0xFF800000, v2  }
0x712: {  	(xrf0) =	vmax.scan.msk.f32 @!p1 $0xffff, v3;
	_ =	sdelay $0x5  }
0x713: {  	v3, _, _ =	vpop @!p1 (xrf0)  }
0x714: {  	v3 =	vbroadcast @!p1 v3, $0xF;
	_ =	sdelay $0x1  }
0x715: {  	v3 =	vmax.f32 @!p1 v1, v3  }
0x716: {  	v1 =	vpsel p1, v1, v3  }
0x717: {  	vm1 =	vge.f32 v4, v1  }
0x718: {  	v3 =	vmpcnt.ones.xlane vm1;
	_ =	sdelay $0x1  }
0x719: {  	(v2sf) =	vpush v3, $0x0;
	_ =	sdelay $0xe  }
0x71a: {  	s1 =	spop (v2sf)  }
0x71b: {  	v0 =	vpsel p1, v0, v2;
	p1 =	slt.s32 s1, $0x1  }
0x71c: {  	v2 =	vmax.f32 @!p1 v0, v5  }
0x71d: {  	(xrf1) =	vsort.ascd.msk.f32 @!p1 $0xffff, v2, v2;
	_ =	sdelay $0xd  }
0x71e: {  	vm1 =	vcmask @!p1 $0x171C;
	v2, _, _ =	vpop @!p1 (xrf1)  }
0x71f: {  	v3 =	vsel @!p1 vm1, $0xFF800000, v2  }
0x720: {  	(xrf0) =	vmax.scan.msk.f32 @!p1 $0xffff, v3;
	_ =	sdelay $0x5  }
0x721: {  	v3, _, _ =	vpop @!p1 (xrf0)  }
0x722: {  	v3 =	vbroadcast @!p1 v3, $0xF;
	_ =	sdelay $0x1  }
0x723: {  	v3 =	vmax.f32 @!p1 v1, v3  }
0x724: {  	v1 =	vpsel p1, v1, v3  }
0x725: {  	vm1 =	vge.f32 v4, v1  }
0x726: {  	v3 =	vmpcnt.ones.xlane vm1;
	_ =	sdelay $0x1  }
0x727: {  	(v2sf) =	vpush v3, $0x0;
	_ =	sdelay $0xe  }
0x728: {  	s31 =	spop (v2sf)  }
0x729: {  	v0 =	vpsel p1, v0, v2;
	p1 =	slt.s32 s31, $0x1  }
0x72a: {  	v2 =	vmax.f32 @!p1 v0, v5  }
0x72b: {  	(xrf1) =	vsort.ascd.msk.f32 @!p1 $0xffff, v2, v2;
	_ =	sdelay $0xd  }
0x72c: {  	vm1 =	vcmask @!p1 $0x171C;
	v2, _, _ =	vpop @!p1 (xrf1)  }
0x72d: {  	v3 =	vsel @!p1 vm1, $0xFF800000, v2  }
0x72e: {  	(xrf0) =	vmax.scan.msk.f32 @!p1 $0xffff, v3;
	_ =	sdelay $0x5  }
0x72f: {  	v3, _, _ =	vpop @!p1 (xrf0)  }
0x730: {  	v3 =	vbroadcast @!p1 v3, $0xF;
	_ =	sdelay $0x1  }
0x731: {  	v3 =	vmax.f32 @!p1 v1, v3  }
0x732: {  	v1 =	vpsel p1, v1, v3  }
0x733: {  	vm1 =	vge.f32 v4, v1  }
0x734: {  	v3 =	vmpcnt.ones.xlane vm1;
	_ =	sdelay $0x1  }
0x735: {  	(v2sf) =	vpush v3, $0x0;
	_ =	sdelay $0xe  }
0x736: {  	s1 =	spop (v2sf)  }
0x737: {  	v0 =	vpsel p1, v0, v2;
	p1 =	slt.s32 s1, $0x1  }
0x738: {  	v2 =	vmax.f32 @!p1 v0, v5  }
0x739: {  	(xrf1) =	vsort.ascd.msk.f32 @!p1 $0xffff, v2, v2;
	_ =	sdelay $0xd  }
0x73a: {  	vm1 =	vcmask @!p1 $0x171C;
	v2, _, _ =	vpop @!p1 (xrf1)  }
0x73b: {  	v3 =	vsel @!p1 vm1, $0xFF800000, v2  }
0x73c: {  	(xrf0) =	vmax.scan.msk.f32 @!p1 $0xffff, v3;
	_ =	sdelay $0x5  }
0x73d: {  	v3, _, _ =	vpop @!p1 (xrf0)  }
0x73e: {  	v3 =	vbroadcast @!p1 v3, $0xF;
	_ =	sdelay $0x1  }
0x73f: {  	v3 =	vmax.f32 @!p1 v1, v3  }
0x740: {  	v1 =	vpsel p1, v1, v3  }
0x741: {  	vm1 =	vge.f32 v4, v1  }
0x742: {  	v3 =	vmpcnt.ones.xlane vm1;
	_ =	sdelay $0x1  }
0x743: {  	(v2sf) =	vpush v3, $0x0;
	_ =	sdelay $0xe  }
0x744: {  	s31 =	spop (v2sf)  }
0x745: {  	v0 =	vpsel p1, v0, v2;
	p1 =	slt.s32 s31, $0x1  }
0x746: {  	v2 =	vmax.f32 @!p1 v0, v5  }
0x747: {  	(xrf1) =	vsort.ascd.msk.f32 @!p1 $0xffff, v2, v2;
	_ =	sdelay $0xd  }
0x748: {  	vm1 =	vcmask @!p1 $0x171C;
	v2, _, _ =	vpop @!p1 (xrf1)  }
0x749: {  	v3 =	vsel @!p1 vm1, $0xFF800000, v2  }
0x74a: {  	(xrf0) =	vmax.scan.msk.f32 @!p1 $0xffff, v3;
	_ =	sdelay $0x5  }
0x74b: {  	v3, _, _ =	vpop @!p1 (xrf0)  }
0x74c: {  	v3 =	vbroadcast @!p1 v3, $0xF;
	_ =	sdelay $0x1  }
0x74d: {  	v3 =	vmax.f32 @!p1 v1, v3  }
0x74e: {  	v1 =	vpsel p1, v1, v3  }
0x74f: {  	vm1 =	vge.f32 v4, v1  }
0x750: {  	v3 =	vmpcnt.ones.xlane vm1;
	_ =	sdelay $0x1  }
0x751: {  	(v2sf) =	vpush v3, $0x0;
	_ =	sdelay $0xe  }
0x752: {  	s1 =	spop (v2sf)  }
0x753: {  	v0 =	vpsel p1, v0, v2;
	p1 =	slt.s32 s1, $0x1  }
0x754: {  	v2 =	vmax.f32 @!p1 v0, v5  }
0x755: {  	(xrf1) =	vsort.ascd.msk.f32 @!p1 $0xffff, v2, v2;
	_ =	sdelay $0xd  }
0x756: {  	vm1 =	vcmask @!p1 $0x171C;
	v2, _, _ =	vpop @!p1 (xrf1)  }
0x757: {  	v3 =	vsel @!p1 vm1, $0xFF800000, v2  }
0x758: {  	(xrf0) =	vmax.scan.msk.f32 @!p1 $0xffff, v3;
	_ =	sdelay $0x5  }
0x759: {  	v3, _, _ =	vpop @!p1 (xrf0)  }
0x75a: {  	v3 =	vbroadcast @!p1 v3, $0xF;
	_ =	sdelay $0x1  }
0x75b: {  	v3 =	vmax.f32 @!p1 v1, v3  }
0x75c: {  	v1 =	vpsel p1, v1, v3  }
0x75d: {  	vm1 =	vge.f32 v4, v1  }
0x75e: {  	v3 =	vmpcnt.ones.xlane vm1;
	_ =	sdelay $0x1  }
0x75f: {  	(v2sf) =	vpush v3, $0x0;
	_ =	sdelay $0xe  }
0x760: {  	s31 =	spop (v2sf)  }
0x761: {  	v0 =	vpsel p1, v0, v2;
	p1 =	slt.s32 s31, $0x1  }
0x762: {  	v2 =	vmax.f32 @!p1 v0, v5  }
0x763: {  	(xrf1) =	vsort.ascd.msk.f32 @!p1 $0xffff, v2, v2;
	_ =	sdelay $0xd  }
0x764: {  	vm1 =	vcmask @!p1 $0x171C;
	v2, _, _ =	vpop @!p1 (xrf1)  }
0x765: {  	v3 =	vsel @!p1 vm1, $0xFF800000, v2  }
0x766: {  	(xrf0) =	vmax.scan.msk.f32 @!p1 $0xffff, v3;
	_ =	sdelay $0x5  }
0x767: {  	v3, _, _ =	vpop @!p1 (xrf0)  }
0x768: {  	v3 =	vbroadcast @!p1 v3, $0xF;
	_ =	sdelay $0x1  }
0x769: {  	v3 =	vmax.f32 @!p1 v1, v3  }
0x76a: {  	v1 =	vpsel p1, v1, v3  }
0x76b: {  	vm1 =	vge.f32 v4, v1  }
0x76c: {  	v3 =	vmpcnt.ones.xlane vm1;
	_ =	sdelay $0x1  }
0x76d: {  	(v2sf) =	vpush v3, $0x0;
	_ =	sdelay $0xe  }
0x76e: {  	s1 =	spop (v2sf)  }
0x76f: {  	v0 =	vpsel p1, v0, v2;
	p1 =	slt.s32 s1, $0x1  }
0x770: {  	v2 =	vmax.f32 @!p1 v0, v5  }
0x771: {  	(xrf1) =	vsort.ascd.msk.f32 @!p1 $0xffff, v2, v2;
	_ =	sdelay $0xd  }
0x772: {  	vm1 =	vcmask @!p1 $0x171C;
	v2, _, _ =	vpop @!p1 (xrf1)  }
0x773: {  	v3 =	vsel @!p1 vm1, $0xFF800000, v2  }
0x774: {  	(xrf0) =	vmax.scan.msk.f32 @!p1 $0xffff, v3;
	_ =	sdelay $0x5  }
0x775: {  	v3, _, _ =	vpop @!p1 (xrf0)  }
0x776: {  	v3 =	vbroadcast @!p1 v3, $0xF;
	_ =	sdelay $0x1  }
0x777: {  	v3 =	vmax.f32 @!p1 v1, v3  }
0x778: {  	v1 =	vpsel p1, v1, v3  }
0x779: {  	vm1 =	vge.f32 v4, v1  }
0x77a: {  	v3 =	vmpcnt.ones.xlane vm1;
	_ =	sdelay $0x1  }
0x77b: {  	(v2sf) =	vpush v3, $0x0;
	_ =	sdelay $0xe  }
0x77c: {  	s31 =	spop (v2sf)  }
0x77d: {  	v0 =	vpsel p1, v0, v2;
	p1 =	slt.s32 s31, $0x1  }
0x77e: {  	v2 =	vmax.f32 @!p1 v0, v5  }
0x77f: {  	(xrf1) =	vsort.ascd.msk.f32 @!p1 $0xffff, v2, v2;
	_ =	sdelay $0xd  }
0x780: {  	vm1 =	vcmask @!p1 $0x171C;
	v2, _, _ =	vpop @!p1 (xrf1)  }
0x781: {  	v3 =	vsel @!p1 vm1, $0xFF800000, v2  }
0x782: {  	(xrf0) =	vmax.scan.msk.f32 @!p1 $0xffff, v3;
	_ =	sdelay $0x5  }
.Ltmp33:
0x783: {  	v3, _, _ =	vpop @!p1 (xrf0);
	(pc) =	sbr.rel .LBB2_32-.Ltmp33, $3  }
0x784: {  	v3 =	vbroadcast @!p1 v3, $0xF;
	_ =	sdelay $0x1  }
0x785: {  	v4 =	vmax.f32 @!p1 v1, v3  }
0x786: {  	v3 =	vpsel p1, v0, v2;
	v2 =	vpsel p1, v1, v4  }
.LBB2_34:
.Ltmp34:
0x787: {  	(pc) =	sbr.rel @p0 .LBB2_36-.Ltmp34, $4  }
0x788: {  	p1 =	sne.s32 s25, $0x4  }
0x789: {  	s0 =	sshll.u32 @!p1 s26, $0x4  }
0x78a: {  	s0 =	sand.u32 @!p1 $0x3FFFFFF0, s0  }
0x78b: {  	[tilespmem:s0+$0x14070] =	vst @!p1 v3  }
0x78c: {  	s0 =	sadd.s32 $0x7, s24  }
0x78d: {  	s1 =	smulhi.u32 $0x66666667, s0;
	_ =	sdelay $0x1  }
0x78e: {  	s1 =	sshrl.u32 s1, $0x1  }
0x78f: {  	s31 =	smul.u32 $0x5, s1  }
0x790: {  	s1 =	sadd.s32 s3, s1  }
0x791: {  	s1 =	smul.u32 $0x186A0, s1;
	s0 =	ssub.s32 s0, s31  }
0x792: {  	s0 =	smul.u32 $0x4E20, s0  }
.Ltmp35:
0x793: {  	_ = 	snop;
	(pc) =	sbr.rel .LBB2_2-.Ltmp35, $4  }
0x794: {  	s0 =	sadd.s32 s0, s1  }
0x795: {  	s0 =	sshrl.u32 s0, $0x3  }
0x796: {  	s23 =	sadd.s32 $0x1, s23;
	s0 =	sadd.s32 s4, s0  }
0x797: {  	[tilespmem:s16], [sflag:$0x4] =	stream.linear.gather [hbm4b:s0+s2], $0x4E20, $0x38;
	[tilespmem:$0x14270] =	vst v63  }
.LBB2_37:
0x798: {  	_ =	sfence.sel $0x180000  }
0x799: {  	[bflag:$0x0] =	sbarrier.arrive $0xFFFF  }
0x79a: {  	_ =	strace $0x90000047  }
0x79b: {  	s0 =	stileid.u32;
	[bflag:$0x2] =	sbarrier.arrive $0xFFFF  }
0x79c: {  	p0 =	sne.s32 s0, $0x0;
	s0 =	rddreg [dreg:$0x2]  }
0x79d: {  	s0 =	sadd.s32 @!p0 $0x100000, s0  }
0x79e: {  	[sflag:s0] =	ssyncadd.tile.s32 @!p0 $0x1;
	_ =	shalt  }
.Lfunc_end2:
_tile_overlayer_lowered:
.L_overlay_start_2:
0x79f: {  	(tag) =	ssettag $0x2  }
0x7a0: {  	s0 =	rddreg [dreg:$0x0];
	s2 =	stileid.u32  }
0x7a1: {  	s1 =	rddreg [dreg:$0x1];
	p0 =	sne.s32 s2, $0x0  }
0x7a2: {  	s3 =	rddreg [dreg:$0x2];
	[bflag:$0x3] =	sbarrier.arrive $0xFFFF;
	s2 =	simm.s32 @!p0 $0x1C05  }
0x7a3: {  	[timem:s3], [sflag:s2] =	dma.local @!p0 [hbm:s0], s1  }
0x7a4: {  	s0 =	simm.s32 @!p0 $0x5  }
0x7a5: {  	_ =	swait.ge @!p0 [sflag:s0], s1  }
0x7a6: {  	s1 =	ssub.s32 @!p0 $0x0, s1;
	[sflag:s0] =	ssyncset.done @!p0 $0x0  }
0x7a7: {  	[sflag:s0] =	ssyncadd.s32 @!p0 s1  }
0x7a8: {  	[bflag:$0x3] =	sbarrier.arrive $0xFFFF  }
0x7a9: {  	_ =	shalt  }

</sc_bundles>
